<compile_context>
chip_gen: v7x
topology: tpu7x:2x2x1
jax: 0.10.2.dev20260603
libtpu: 0.0.44.dev20260713+nightly
codegen_flags: <defaults>
</compile_context>

<pallas_src>
import functools

import jax
import jax.numpy as jnp
from jax import lax
from jax.experimental import pallas as pl
from jax.experimental.pallas import tpu as pltpu
from jax.experimental.pallas import tpu_sc as plsc

_NUM_CLASSES = 100000
_FEAT = 64
_BATCH = 16384
_NC = 2
_NS = 16
_L = 16
_NW = _NC * _NS
_ROWS_W = _BATCH // _NW
_ROWS_S = _BATCH // _NS
_HIST_PAD = 100352
_HCHUNK = _HIST_PAD // _NS


def _hist_body(lbl_hbm, zeros_hbm, ones_hbm, w_hbm,
               lbl_v, lblf_v, ones_v, cnt_v, wv_v, hist, ):
    c = lax.axis_index("c")
    s = lax.axis_index("s")
    base = s * _ROWS_S + c * _ROWS_W
    pltpu.sync_copy(lbl_hbm.at[pl.ds(s * _ROWS_S, _ROWS_S)], lblf_v)
    pltpu.sync_copy(ones_hbm, ones_v)
    pltpu.sync_copy(zeros_hbm.at[pl.ds(s * _HCHUNK, _HCHUNK)],
                    hist.at[pl.ds(s * _HCHUNK, _HCHUNK)])
    for i in range(_ROWS_S // _L):
        lbl_v[i // 8, pl.ds((i % 8) * _L, _L)] = lblf_v[pl.ds(i * _L, _L)]
    plsc.subcore_barrier()
    for j in range(8):
        pltpu.sync_copy(ones_v, hist.at[lbl_v.at[j]], add=True)
    plsc.subcore_barrier()
    for j in range(4):
        pltpu.sync_copy(hist.at[lbl_v.at[c * 4 + j]],
                        cnt_v.at[pl.ds(j * 128, 128)])
    for i in range(_ROWS_W // _L):
        wv_v[pl.ds(i * _L, _L)] = 0.5 / (cnt_v[pl.ds(i * _L, _L)] + 1.0)
    pltpu.sync_copy(wv_v, w_hbm.at[pl.ds(pl.multiple_of(base, 8), _ROWS_W)])


_hist_call = functools.partial(
    pl.kernel,
    mesh=plsc.VectorSubcoreMesh(core_axis_name="c", subcore_axis_name="s"),
    out_type=jax.ShapeDtypeStruct((_BATCH,), jnp.float32),
    compiler_params=pltpu.CompilerParams(use_tc_tiling_on_sc=True),
    scratch_types=[
        pltpu.VMEM((8, 128), jnp.int32),
        pltpu.VMEM((_ROWS_S,), jnp.int32),
        pltpu.VMEM((128,), jnp.float32),
        pltpu.VMEM((_ROWS_W,), jnp.float32),
        pltpu.VMEM((_ROWS_W,), jnp.float32),
        pltpu.VMEM_SHARED((_HIST_PAD,), jnp.float32),
    ],
)(_hist_body)


def _dist_body(xp_hbm, lbl_hbm, cp_hbm, w_hbm, out_hbm,
               lblf_v, tid_v, xv, cv, wv, acc_v, sem_c, sem_x):
    c = lax.axis_index("c")
    s = lax.axis_index("s")
    base = s * _ROWS_S + c * _ROWS_W
    pltpu.sync_copy(lbl_hbm.at[pl.ds(pl.multiple_of(base, 8), _ROWS_W)],
                    lblf_v)
    cp_x = pltpu.async_copy(
        xp_hbm.at[pl.ds(pl.multiple_of(base // 2, 256), _ROWS_W // 2)], xv,
        sem_x)
    for i in range(_ROWS_W // _L):
        tid_v[i // 8, pl.ds((i % 8) * _L, _L)] = lblf_v[pl.ds(i * _L, _L)]
    cps = []
    for j in range(4):
        cps.append(pltpu.async_copy(
            cp_hbm.at[tid_v.at[j]], cv.at[pl.ds(j * 128, 128)], sem_c))
    pltpu.sync_copy(w_hbm.at[pl.ds(pl.multiple_of(base, 8), _ROWS_W)], wv)
    cp_x.wait()

    def dbody(g, acc):
        wblk = wv[pl.ds(g * _L, _L)]
        for j in range(_L):
            r = g * _L + j
            xrow = g * 8 + (j // 2)
            xc = (j % 2) * _FEAT
            ssq = None
            for k in range(_FEAT // _L):
                d = (xv[xrow, pl.ds(xc + k * _L, _L)]
                     - cv[r, pl.ds(k * _L, _L)])
                ssq = d * d if ssq is None else ssq + d * d
            acc = acc + lax.broadcast(wblk[j], (_L,)) * ssq
        return acc

    for cp in cps:
        cp.wait()
    acc = lax.fori_loop(0, _ROWS_W // _L, dbody,
                        jnp.zeros((_L,), jnp.float32))
    acc_v[...] = acc
    pltpu.sync_copy(acc_v, out_hbm.at[s * _NC + c])


_dist_call = functools.partial(
    pl.kernel,
    mesh=plsc.VectorSubcoreMesh(core_axis_name="c", subcore_axis_name="s"),
    out_type=jax.ShapeDtypeStruct((_NW, _L), jnp.float32),
    compiler_params=pltpu.CompilerParams(use_tc_tiling_on_sc=True),
    scratch_types=[
        pltpu.VMEM((_ROWS_W,), jnp.int32),
        pltpu.VMEM((4, 128), jnp.int32),
        pltpu.VMEM((_ROWS_W // 2, 128), jnp.float32),
        pltpu.VMEM((_ROWS_W, 128), jnp.float32),
        pltpu.VMEM((_ROWS_W,), jnp.float32),
        pltpu.VMEM((_L,), jnp.float32),
        pltpu.SemaphoreType.DMA,
        pltpu.SemaphoreType.DMA,
    ],
)(_dist_body)


def kernel(x, labels, center):
    lbl1d = labels.astype(jnp.int32)
    xp = x.reshape(_BATCH // 2, 128)
    cp = jnp.pad(center, ((0, 0), (0, 64)))
    zeros = jnp.zeros((_HIST_PAD,), jnp.float32)
    ones = jnp.ones((128,), jnp.float32)
    w = _hist_call(lbl1d, zeros, ones)
    out = _dist_call(xp, lbl1d, cp, w)
    return jnp.sum(out)

# --- scband reference (transcript-rebuilt; emitter-appended) ---
"""Pipeline reference for scband-center-loss2-73873437491547 (READ-ONLY COPY).

The authoritative reference and input builder live on the scoring server;
editing this copy changes nothing except your own understanding.
"""

import jax, jax.numpy as jnp
import numpy as np

NUM_CLASSES = 100000
FEAT_DIM = 64
BATCH = 16384

def setup_inputs(seed: int = 0) -> dict:
    key = jax.random.key(seed)
    k1, k2, k3 = jax.random.split(key, 3)
    x = jax.random.normal(k1, (BATCH, FEAT_DIM), dtype=jnp.float32)
    labels = jax.random.randint(k2, (BATCH,), 0, NUM_CLASSES, dtype=jnp.int64)
    center = jax.random.normal(k3, (NUM_CLASSES, FEAT_DIM), dtype=jnp.float32)
    return {"x": x, "labels": labels, "center": center}

def reference(x, labels, center):
    # center_exp = center.index_select(0, labels)
    center_exp = jnp.take(center, labels, axis=0)
    # torch.histc(labels.float(), bins=C, min=0, max=C-1) == bincount for integer labels in [0, C)
    count = jnp.bincount(labels, length=NUM_CLASSES).astype(jnp.float32)
    count_exp = jnp.take(count, labels, axis=0) + 1.0
    loss = jnp.sum(jnp.sum(jnp.square(x - center_exp), axis=1) / (2.0 * count_exp))
    return loss

if __name__ == "__main__":
    import jax
    _d = setup_inputs()
    print(jax.jit(kernel)(*tuple(_d.values())))

</pallas_src>

<mosaic_0001>
#map = affine_map<(d0, d1) -> (0)>
module attributes {stable_mosaic.version = 14 : i64} {
  func.func @_hist_body(%arg0: i32, %arg1: i32, %arg2: memref<16384xi32, #tpu.memory_space<hbm>>, %arg3: memref<100352xf32, #tpu.memory_space<hbm>>, %arg4: memref<128xf32, #tpu.memory_space<hbm>>, %arg5: memref<16384xf32, #tpu.memory_space<hbm>>, %arg6: memref<8x128xi32, #tpu.memory_space<vmem>>, %arg7: memref<1024xi32, #tpu.memory_space<vmem>>, %arg8: memref<128xf32, #tpu.memory_space<vmem>>, %arg9: memref<512xf32, #tpu.memory_space<vmem>>, %arg10: memref<512xf32, #tpu.memory_space<vmem>>, %arg11: memref<100352xf32, #tpu.memory_space<vmem_shared>>) attributes {dimension_semantics = [#tpu.dimension_semantics<core_parallel>, #tpu.dimension_semantics<subcore_parallel>], iteration_bounds = array<i64: 2, 16>, scalar_prefetch = 0 : i64, scratch_operands = 6 : i64, tpu.core_type = #tpu.core_type<sc_vector_subcore>, window_params = [{transform_indices = #map}, {transform_indices = #map}, {transform_indices = #map}, {transform_indices = #map}]} {
    %mul3A = arith.constant 1024 : i32
    %mul3A_0 = arith.muli %arg1, %mul3A : i32
    %mul3A_1 = arith.constant 512 : i32
    %mul3A_2 = arith.muli %arg0, %mul3A_1 : i32
    %add3A = arith.addi %mul3A_0, %mul3A_2 : i32
    %mul3A_3 = arith.constant 1024 : i32
    %mul3A_4 = arith.muli %arg1, %mul3A_3 : i32
    "tpu.region"() ({
      %run_scoped3A_1022 = tpu.sem_alloc : memref<!tpu.dma_semaphore, #tpu.memory_space<semaphore_mem>>
      %dma_start3A = tpu.memref_slice %arg2[%mul3A_4] : memref<16384xi32, #tpu.memory_space<hbm>> -> memref<1024xi32, #tpu.memory_space<hbm>>
      %dma_start3A_1023 = tpu.memref_slice %arg2[%mul3A_4] : memref<16384xi32, #tpu.memory_space<hbm>> -> memref<1024xi32, #tpu.memory_space<hbm>>
      tpu.enqueue_dma source(%dma_start3A_1023 : memref<1024xi32, #tpu.memory_space<hbm>>) target(%arg7 : memref<1024xi32, #tpu.memory_space<vmem>>) target_semaphore(%run_scoped3A_1022 : memref<!tpu.dma_semaphore, #tpu.memory_space<semaphore_mem>>)
      %dma_wait3A = tpu.memref_slice %arg2[%mul3A_4] : memref<16384xi32, #tpu.memory_space<hbm>> -> memref<1024xi32, #tpu.memory_space<hbm>>
      %dma_wait3A_1024 = tpu.memref_slice %arg2[%mul3A_4] : memref<16384xi32, #tpu.memory_space<hbm>> -> memref<1024xi32, #tpu.memory_space<hbm>>
      tpu.wait_dma2 semaphore(%run_scoped3A_1022 : memref<!tpu.dma_semaphore, #tpu.memory_space<semaphore_mem>>) src(%dma_wait3A_1024 : memref<1024xi32, #tpu.memory_space<hbm>>) dst(%arg7 : memref<1024xi32, #tpu.memory_space<vmem>>)
      tpu.yield
    }) : () -> ()
    "tpu.region"() ({
      %run_scoped3A_1022 = tpu.sem_alloc : memref<!tpu.dma_semaphore, #tpu.memory_space<semaphore_mem>>
      tpu.enqueue_dma source(%arg4 : memref<128xf32, #tpu.memory_space<hbm>>) target(%arg8 : memref<128xf32, #tpu.memory_space<vmem>>) target_semaphore(%run_scoped3A_1022 : memref<!tpu.dma_semaphore, #tpu.memory_space<semaphore_mem>>)
      tpu.wait_dma2 semaphore(%run_scoped3A_1022 : memref<!tpu.dma_semaphore, #tpu.memory_space<semaphore_mem>>) src(%arg4 : memref<128xf32, #tpu.memory_space<hbm>>) dst(%arg8 : memref<128xf32, #tpu.memory_space<vmem>>)
      tpu.yield
    }) : () -> ()
    %mul3A_5 = arith.constant 6272 : i32
    %mul3A_6 = arith.muli %arg1, %mul3A_5 : i32
    %mul3A_7 = arith.constant 6272 : i32
    %mul3A_8 = arith.muli %arg1, %mul3A_7 : i32
    "tpu.region"() ({
      %run_scoped3A_1022 = tpu.sem_alloc : memref<!tpu.dma_semaphore, #tpu.memory_space<semaphore_mem>>
      %dma_start3A = tpu.memref_slice %arg11[%mul3A_8] : memref<100352xf32, #tpu.memory_space<vmem_shared>> -> memref<6272xf32, #tpu.memory_space<vmem_shared>>
      %dma_start3A_1023 = tpu.memref_slice %arg3[%mul3A_6] : memref<100352xf32, #tpu.memory_space<hbm>> -> memref<6272xf32, #tpu.memory_space<hbm>>
      tpu.enqueue_dma source(%dma_start3A_1023 : memref<6272xf32, #tpu.memory_space<hbm>>) target(%dma_start3A : memref<6272xf32, #tpu.memory_space<vmem_shared>>) target_semaphore(%run_scoped3A_1022 : memref<!tpu.dma_semaphore, #tpu.memory_space<semaphore_mem>>)
      %dma_wait3A = tpu.memref_slice %arg11[%mul3A_8] : memref<100352xf32, #tpu.memory_space<vmem_shared>> -> memref<6272xf32, #tpu.memory_space<vmem_shared>>
      %dma_wait3A_1024 = tpu.memref_slice %arg3[%mul3A_6] : memref<100352xf32, #tpu.memory_space<hbm>> -> memref<6272xf32, #tpu.memory_space<hbm>>
      tpu.wait_dma2 semaphore(%run_scoped3A_1022 : memref<!tpu.dma_semaphore, #tpu.memory_space<semaphore_mem>>) src(%dma_wait3A_1024 : memref<6272xf32, #tpu.memory_space<hbm>>) dst(%dma_wait3A : memref<6272xf32, #tpu.memory_space<vmem_shared>>)
      tpu.yield
    }) : () -> ()
    %get3A = arith.constant 0 : index
    %get3A_9 = tpu.vector_load %arg7[%get3A] {strides = array<i32>} : memref<1024xi32, #tpu.memory_space<vmem>>, vector<16xi32>,
    %get3A_10 = vector.shape_cast %get3A_9 : vector<16xi32> to vector<16xi32>
    %swap3A = arith.constant 0 : i32
    %swap3A_11 = arith.index_cast %swap3A : i32 to index
    %swap3A_12 = arith.constant 0 : index
    %swap3A_13 = tpu.vector_load %arg6[%swap3A_11, %swap3A_12] {strides = array<i32>} : memref<8x128xi32, #tpu.memory_space<vmem>>, vector<1x16xi32>,
    %swap3A_14 = vector.shape_cast %swap3A_13 : vector<1x16xi32> to vector<16xi32>
    %swap3A_15 = vector.shape_cast %get3A_10 : vector<16xi32> to vector<1x16xi32>
    tpu.vector_store %arg6[%swap3A_11, %swap3A_12], %swap3A_15 {strides = array<i32>} : memref<8x128xi32, #tpu.memory_space<vmem>>, vector<1x16xi32>,
    %get3A_16 = arith.constant 16 : index
    %get3A_17 = tpu.vector_load %arg7[%get3A_16] {strides = array<i32>} : memref<1024xi32, #tpu.memory_space<vmem>>, vector<16xi32>,
    %get3A_18 = vector.shape_cast %get3A_17 : vector<16xi32> to vector<16xi32>
    %swap3A_19 = arith.constant 0 : i32
    %swap3A_20 = arith.index_cast %swap3A_19 : i32 to index
    %swap3A_21 = arith.constant 16 : index
    %swap3A_22 = tpu.vector_load %arg6[%swap3A_20, %swap3A_21] {strides = array<i32>} : memref<8x128xi32, #tpu.memory_space<vmem>>, vector<1x16xi32>,
    %swap3A_23 = vector.shape_cast %swap3A_22 : vector<1x16xi32> to vector<16xi32>
    %swap3A_24 = vector.shape_cast %get3A_18 : vector<16xi32> to vector<1x16xi32>
    tpu.vector_store %arg6[%swap3A_20, %swap3A_21], %swap3A_24 {strides = array<i32>} : memref<8x128xi32, #tpu.memory_space<vmem>>, vector<1x16xi32>,
    %get3A_25 = arith.constant 32 : index
    %get3A_26 = tpu.vector_load %arg7[%get3A_25] {strides = array<i32>} : memref<1024xi32, #tpu.memory_space<vmem>>, vector<16xi32>,
    %get3A_27 = vector.shape_cast %get3A_26 : vector<16xi32> to vector<16xi32>
    %swap3A_28 = arith.constant 0 : i32
    %swap3A_29 = arith.index_cast %swap3A_28 : i32 to index
    %swap3A_30 = arith.constant 32 : index
    %swap3A_31 = tpu.vector_load %arg6[%swap3A_29, %swap3A_30] {strides = array<i32>} : memref<8x128xi32, #tpu.memory_space<vmem>>, vector<1x16xi32>,
    %swap3A_32 = vector.shape_cast %swap3A_31 : vector<1x16xi32> to vector<16xi32>
    %swap3A_33 = vector.shape_cast %get3A_27 : vector<16xi32> to vector<1x16xi32>
    tpu.vector_store %arg6[%swap3A_29, %swap3A_30], %swap3A_33 {strides = array<i32>} : memref<8x128xi32, #tpu.memory_space<vmem>>, vector<1x16xi32>,
    %get3A_34 = arith.constant 48 : index
    %get3A_35 = tpu.vector_load %arg7[%get3A_34] {strides = array<i32>} : memref<1024xi32, #tpu.memory_space<vmem>>, vector<16xi32>,
    %get3A_36 = vector.shape_cast %get3A_35 : vector<16xi32> to vector<16xi32>
    %swap3A_37 = arith.constant 0 : i32
    %swap3A_38 = arith.index_cast %swap3A_37 : i32 to index
    %swap3A_39 = arith.constant 48 : index
    %swap3A_40 = tpu.vector_load %arg6[%swap3A_38, %swap3A_39] {strides = array<i32>} : memref<8x128xi32, #tpu.memory_space<vmem>>, vector<1x16xi32>,
    %swap3A_41 = vector.shape_cast %swap3A_40 : vector<1x16xi32> to vector<16xi32>
    %swap3A_42 = vector.shape_cast %get3A_36 : vector<16xi32> to vector<1x16xi32>
    tpu.vector_store %arg6[%swap3A_38, %swap3A_39], %swap3A_42 {strides = array<i32>} : memref<8x128xi32, #tpu.memory_space<vmem>>, vector<1x16xi32>,
    %get3A_43 = arith.constant 64 : index
    %get3A_44 = tpu.vector_load %arg7[%get3A_43] {strides = array<i32>} : memref<1024xi32, #tpu.memory_space<vmem>>, vector<16xi32>,
    %get3A_45 = vector.shape_cast %get3A_44 : vector<16xi32> to vector<16xi32>
    %swap3A_46 = arith.constant 0 : i32
    %swap3A_47 = arith.index_cast %swap3A_46 : i32 to index
    %swap3A_48 = arith.constant 64 : index
    %swap3A_49 = tpu.vector_load %arg6[%swap3A_47, %swap3A_48] {strides = array<i32>} : memref<8x128xi32, #tpu.memory_space<vmem>>, vector<1x16xi32>,
    %swap3A_50 = vector.shape_cast %swap3A_49 : vector<1x16xi32> to vector<16xi32>
    %swap3A_51 = vector.shape_cast %get3A_45 : vector<16xi32> to vector<1x16xi32>
    tpu.vector_store %arg6[%swap3A_47, %swap3A_48], %swap3A_51 {strides = array<i32>} : memref<8x128xi32, #tpu.memory_space<vmem>>, vector<1x16xi32>,
    %get3A_52 = arith.constant 80 : index
    %get3A_53 = tpu.vector_load %arg7[%get3A_52] {strides = array<i32>} : memref<1024xi32, #tpu.memory_space<vmem>>, vector<16xi32>,
    %get3A_54 = vector.shape_cast %get3A_53 : vector<16xi32> to vector<16xi32>
    %swap3A_55 = arith.constant 0 : i32
    %swap3A_56 = arith.index_cast %swap3A_55 : i32 to index
    %swap3A_57 = arith.constant 80 : index
    %swap3A_58 = tpu.vector_load %arg6[%swap3A_56, %swap3A_57] {strides = array<i32>} : memref<8x128xi32, #tpu.memory_space<vmem>>, vector<1x16xi32>,
    %swap3A_59 = vector.shape_cast %swap3A_58 : vector<1x16xi32> to vector<16xi32>
    %swap3A_60 = vector.shape_cast %get3A_54 : vector<16xi32> to vector<1x16xi32>
    tpu.vector_store %arg6[%swap3A_56, %swap3A_57], %swap3A_60 {strides = array<i32>} : memref<8x128xi32, #tpu.memory_space<vmem>>, vector<1x16xi32>,
    %get3A_61 = arith.constant 96 : index
    %get3A_62 = tpu.vector_load %arg7[%get3A_61] {strides = array<i32>} : memref<1024xi32, #tpu.memory_space<vmem>>, vector<16xi32>,
    %get3A_63 = vector.shape_cast %get3A_62 : vector<16xi32> to vector<16xi32>
    %swap3A_64 = arith.constant 0 : i32
    %swap3A_65 = arith.index_cast %swap3A_64 : i32 to index
    %swap3A_66 = arith.constant 96 : index
    %swap3A_67 = tpu.vector_load %arg6[%swap3A_65, %swap3A_66] {strides = array<i32>} : memref<8x128xi32, #tpu.memory_space<vmem>>, vector<1x16xi32>,
    %swap3A_68 = vector.shape_cast %swap3A_67 : vector<1x16xi32> to vector<16xi32>
    %swap3A_69 = vector.shape_cast %get3A_63 : vector<16xi32> to vector<1x16xi32>
    tpu.vector_store %arg6[%swap3A_65, %swap3A_66], %swap3A_69 {strides = array<i32>} : memref<8x128xi32, #tpu.memory_space<vmem>>, vector<1x16xi32>,
    %get3A_70 = arith.constant 112 : index
    %get3A_71 = tpu.vector_load %arg7[%get3A_70] {strides = array<i32>} : memref<1024xi32, #tpu.memory_space<vmem>>, vector<16xi32>,
    %get3A_72 = vector.shape_cast %get3A_71 : vector<16xi32> to vector<16xi32>
    %swap3A_73 = arith.constant 0 : i32
    %swap3A_74 = arith.index_cast %swap3A_73 : i32 to index
    %swap3A_75 = arith.constant 112 : index
    %swap3A_76 = tpu.vector_load %arg6[%swap3A_74, %swap3A_75] {strides = array<i32>} : memref<8x128xi32, #tpu.memory_space<vmem>>, vector<1x16xi32>,
    %swap3A_77 = vector.shape_cast %swap3A_76 : vector<1x16xi32> to vector<16xi32>
    %swap3A_78 = vector.shape_cast %get3A_72 : vector<16xi32> to vector<1x16xi32>
    tpu.vector_store %arg6[%swap3A_74, %swap3A_75], %swap3A_78 {strides = array<i32>} : memref<8x128xi32, #tpu.memory_space<vmem>>, vector<1x16xi32>,
    %get3A_79 = arith.constant 128 : index
    %get3A_80 = tpu.vector_load %arg7[%get3A_79] {strides = array<i32>} : memref<1024xi32, #tpu.memory_space<vmem>>, vector<16xi32>,
    %get3A_81 = vector.shape_cast %get3A_80 : vector<16xi32> to vector<16xi32>
    %swap3A_82 = arith.constant 1 : i32
    %swap3A_83 = arith.index_cast %swap3A_82 : i32 to index
    %swap3A_84 = arith.constant 0 : index
    %swap3A_85 = tpu.vector_load %arg6[%swap3A_83, %swap3A_84] {strides = array<i32>} : memref<8x128xi32, #tpu.memory_space<vmem>>, vector<1x16xi32>,
    %swap3A_86 = vector.shape_cast %swap3A_85 : vector<1x16xi32> to vector<16xi32>
    %swap3A_87 = vector.shape_cast %get3A_81 : vector<16xi32> to vector<1x16xi32>
    tpu.vector_store %arg6[%swap3A_83, %swap3A_84], %swap3A_87 {strides = array<i32>} : memref<8x128xi32, #tpu.memory_space<vmem>>, vector<1x16xi32>,
    %get3A_88 = arith.constant 144 : index
    %get3A_89 = tpu.vector_load %arg7[%get3A_88] {strides = array<i32>} : memref<1024xi32, #tpu.memory_space<vmem>>, vector<16xi32>,
    %get3A_90 = vector.shape_cast %get3A_89 : vector<16xi32> to vector<16xi32>
    %swap3A_91 = arith.constant 1 : i32
    %swap3A_92 = arith.index_cast %swap3A_91 : i32 to index
    %swap3A_93 = arith.constant 16 : index
    %swap3A_94 = tpu.vector_load %arg6[%swap3A_92, %swap3A_93] {strides = array<i32>} : memref<8x128xi32, #tpu.memory_space<vmem>>, vector<1x16xi32>,
    %swap3A_95 = vector.shape_cast %swap3A_94 : vector<1x16xi32> to vector<16xi32>
    %swap3A_96 = vector.shape_cast %get3A_90 : vector<16xi32> to vector<1x16xi32>
    tpu.vector_store %arg6[%swap3A_92, %swap3A_93], %swap3A_96 {strides = array<i32>} : memref<8x128xi32, #tpu.memory_space<vmem>>, vector<1x16xi32>,
    %get3A_97 = arith.constant 160 : index
    %get3A_98 = tpu.vector_load %arg7[%get3A_97] {strides = array<i32>} : memref<1024xi32, #tpu.memory_space<vmem>>, vector<16xi32>,
    %get3A_99 = vector.shape_cast %get3A_98 : vector<16xi32> to vector<16xi32>
    %swap3A_100 = arith.constant 1 : i32
    %swap3A_101 = arith.index_cast %swap3A_100 : i32 to index
    %swap3A_102 = arith.constant 32 : index
    %swap3A_103 = tpu.vector_load %arg6[%swap3A_101, %swap3A_102] {strides = array<i32>} : memref<8x128xi32, #tpu.memory_space<vmem>>, vector<1x16xi32>,
    %swap3A_104 = vector.shape_cast %swap3A_103 : vector<1x16xi32> to vector<16xi32>
    %swap3A_105 = vector.shape_cast %get3A_99 : vector<16xi32> to vector<1x16xi32>
    tpu.vector_store %arg6[%swap3A_101, %swap3A_102], %swap3A_105 {strides = array<i32>} : memref<8x128xi32, #tpu.memory_space<vmem>>, vector<1x16xi32>,
    %get3A_106 = arith.constant 176 : index
    %get3A_107 = tpu.vector_load %arg7[%get3A_106] {strides = array<i32>} : memref<1024xi32, #tpu.memory_space<vmem>>, vector<16xi32>,
    %get3A_108 = vector.shape_cast %get3A_107 : vector<16xi32> to vector<16xi32>
    %swap3A_109 = arith.constant 1 : i32
    %swap3A_110 = arith.index_cast %swap3A_109 : i32 to index
    %swap3A_111 = arith.constant 48 : index
    %swap3A_112 = tpu.vector_load %arg6[%swap3A_110, %swap3A_111] {strides = array<i32>} : memref<8x128xi32, #tpu.memory_space<vmem>>, vector<1x16xi32>,
    %swap3A_113 = vector.shape_cast %swap3A_112 : vector<1x16xi32> to vector<16xi32>
    %swap3A_114 = vector.shape_cast %get3A_108 : vector<16xi32> to vector<1x16xi32>
    tpu.vector_store %arg6[%swap3A_110, %swap3A_111], %swap3A_114 {strides = array<i32>} : memref<8x128xi32, #tpu.memory_space<vmem>>, vector<1x16xi32>,
    %get3A_115 = arith.constant 192 : index
    %get3A_116 = tpu.vector_load %arg7[%get3A_115] {strides = array<i32>} : memref<1024xi32, #tpu.memory_space<vmem>>, vector<16xi32>,
    %get3A_117 = vector.shape_cast %get3A_116 : vector<16xi32> to vector<16xi32>
    %swap3A_118 = arith.constant 1 : i32
    %swap3A_119 = arith.index_cast %swap3A_118 : i32 to index
    %swap3A_120 = arith.constant 64 : index
    %swap3A_121 = tpu.vector_load %arg6[%swap3A_119, %swap3A_120] {strides = array<i32>} : memref<8x128xi32, #tpu.memory_space<vmem>>, vector<1x16xi32>,
    %swap3A_122 = vector.shape_cast %swap3A_121 : vector<1x16xi32> to vector<16xi32>
    %swap3A_123 = vector.shape_cast %get3A_117 : vector<16xi32> to vector<1x16xi32>
    tpu.vector_store %arg6[%swap3A_119, %swap3A_120], %swap3A_123 {strides = array<i32>} : memref<8x128xi32, #tpu.memory_space<vmem>>, vector<1x16xi32>,
    %get3A_124 = arith.constant 208 : index
    %get3A_125 = tpu.vector_load %arg7[%get3A_124] {strides = array<i32>} : memref<1024xi32, #tpu.memory_space<vmem>>, vector<16xi32>,
    %get3A_126 = vector.shape_cast %get3A_125 : vector<16xi32> to vector<16xi32>
    %swap3A_127 = arith.constant 1 : i32
    %swap3A_128 = arith.index_cast %swap3A_127 : i32 to index
    %swap3A_129 = arith.constant 80 : index
    %swap3A_130 = tpu.vector_load %arg6[%swap3A_128, %swap3A_129] {strides = array<i32>} : memref<8x128xi32, #tpu.memory_space<vmem>>, vector<1x16xi32>,
    %swap3A_131 = vector.shape_cast %swap3A_130 : vector<1x16xi32> to vector<16xi32>
    %swap3A_132 = vector.shape_cast %get3A_126 : vector<16xi32> to vector<1x16xi32>
    tpu.vector_store %arg6[%swap3A_128, %swap3A_129], %swap3A_132 {strides = array<i32>} : memref<8x128xi32, #tpu.memory_space<vmem>>, vector<1x16xi32>,
    %get3A_133 = arith.constant 224 : index
    %get3A_134 = tpu.vector_load %arg7[%get3A_133] {strides = array<i32>} : memref<1024xi32, #tpu.memory_space<vmem>>, vector<16xi32>,
    %get3A_135 = vector.shape_cast %get3A_134 : vector<16xi32> to vector<16xi32>
    %swap3A_136 = arith.constant 1 : i32
    %swap3A_137 = arith.index_cast %swap3A_136 : i32 to index
    %swap3A_138 = arith.constant 96 : index
    %swap3A_139 = tpu.vector_load %arg6[%swap3A_137, %swap3A_138] {strides = array<i32>} : memref<8x128xi32, #tpu.memory_space<vmem>>, vector<1x16xi32>,
    %swap3A_140 = vector.shape_cast %swap3A_139 : vector<1x16xi32> to vector<16xi32>
    %swap3A_141 = vector.shape_cast %get3A_135 : vector<16xi32> to vector<1x16xi32>
    tpu.vector_store %arg6[%swap3A_137, %swap3A_138], %swap3A_141 {strides = array<i32>} : memref<8x128xi32, #tpu.memory_space<vmem>>, vector<1x16xi32>,
    %get3A_142 = arith.constant 240 : index
    %get3A_143 = tpu.vector_load %arg7[%get3A_142] {strides = array<i32>} : memref<1024xi32, #tpu.memory_space<vmem>>, vector<16xi32>,
    %get3A_144 = vector.shape_cast %get3A_143 : vector<16xi32> to vector<16xi32>
    %swap3A_145 = arith.constant 1 : i32
    %swap3A_146 = arith.index_cast %swap3A_145 : i32 to index
    %swap3A_147 = arith.constant 112 : index
    %swap3A_148 = tpu.vector_load %arg6[%swap3A_146, %swap3A_147] {strides = array<i32>} : memref<8x128xi32, #tpu.memory_space<vmem>>, vector<1x16xi32>,
    %swap3A_149 = vector.shape_cast %swap3A_148 : vector<1x16xi32> to vector<16xi32>
    %swap3A_150 = vector.shape_cast %get3A_144 : vector<16xi32> to vector<1x16xi32>
    tpu.vector_store %arg6[%swap3A_146, %swap3A_147], %swap3A_150 {strides = array<i32>} : memref<8x128xi32, #tpu.memory_space<vmem>>, vector<1x16xi32>,
    %get3A_151 = arith.constant 256 : index
    %get3A_152 = tpu.vector_load %arg7[%get3A_151] {strides = array<i32>} : memref<1024xi32, #tpu.memory_space<vmem>>, vector<16xi32>,
    %get3A_153 = vector.shape_cast %get3A_152 : vector<16xi32> to vector<16xi32>
    %swap3A_154 = arith.constant 2 : i32
    %swap3A_155 = arith.index_cast %swap3A_154 : i32 to index
    %swap3A_156 = arith.constant 0 : index
    %swap3A_157 = tpu.vector_load %arg6[%swap3A_155, %swap3A_156] {strides = array<i32>} : memref<8x128xi32, #tpu.memory_space<vmem>>, vector<1x16xi32>,
    %swap3A_158 = vector.shape_cast %swap3A_157 : vector<1x16xi32> to vector<16xi32>
    %swap3A_159 = vector.shape_cast %get3A_153 : vector<16xi32> to vector<1x16xi32>
    tpu.vector_store %arg6[%swap3A_155, %swap3A_156], %swap3A_159 {strides = array<i32>} : memref<8x128xi32, #tpu.memory_space<vmem>>, vector<1x16xi32>,
    %get3A_160 = arith.constant 272 : index
    %get3A_161 = tpu.vector_load %arg7[%get3A_160] {strides = array<i32>} : memref<1024xi32, #tpu.memory_space<vmem>>, vector<16xi32>,
    %get3A_162 = vector.shape_cast %get3A_161 : vector<16xi32> to vector<16xi32>
    %swap3A_163 = arith.constant 2 : i32
    %swap3A_164 = arith.index_cast %swap3A_163 : i32 to index
    %swap3A_165 = arith.constant 16 : index
    %swap3A_166 = tpu.vector_load %arg6[%swap3A_164, %swap3A_165] {strides = array<i32>} : memref<8x128xi32, #tpu.memory_space<vmem>>, vector<1x16xi32>,
    %swap3A_167 = vector.shape_cast %swap3A_166 : vector<1x16xi32> to vector<16xi32>
    %swap3A_168 = vector.shape_cast %get3A_162 : vector<16xi32> to vector<1x16xi32>
    tpu.vector_store %arg6[%swap3A_164, %swap3A_165], %swap3A_168 {strides = array<i32>} : memref<8x128xi32, #tpu.memory_space<vmem>>, vector<1x16xi32>,
    %get3A_169 = arith.constant 288 : index
    %get3A_170 = tpu.vector_load %arg7[%get3A_169] {strides = array<i32>} : memref<1024xi32, #tpu.memory_space<vmem>>, vector<16xi32>,
    %get3A_171 = vector.shape_cast %get3A_170 : vector<16xi32> to vector<16xi32>
    %swap3A_172 = arith.constant 2 : i32
    %swap3A_173 = arith.index_cast %swap3A_172 : i32 to index
    %swap3A_174 = arith.constant 32 : index
    %swap3A_175 = tpu.vector_load %arg6[%swap3A_173, %swap3A_174] {strides = array<i32>} : memref<8x128xi32, #tpu.memory_space<vmem>>, vector<1x16xi32>,
    %swap3A_176 = vector.shape_cast %swap3A_175 : vector<1x16xi32> to vector<16xi32>
    %swap3A_177 = vector.shape_cast %get3A_171 : vector<16xi32> to vector<1x16xi32>
    tpu.vector_store %arg6[%swap3A_173, %swap3A_174], %swap3A_177 {strides = array<i32>} : memref<8x128xi32, #tpu.memory_space<vmem>>, vector<1x16xi32>,
    %get3A_178 = arith.constant 304 : index
    %get3A_179 = tpu.vector_load %arg7[%get3A_178] {strides = array<i32>} : memref<1024xi32, #tpu.memory_space<vmem>>, vector<16xi32>,
    %get3A_180 = vector.shape_cast %get3A_179 : vector<16xi32> to vector<16xi32>
    %swap3A_181 = arith.constant 2 : i32
    %swap3A_182 = arith.index_cast %swap3A_181 : i32 to index
    %swap3A_183 = arith.constant 48 : index
    %swap3A_184 = tpu.vector_load %arg6[%swap3A_182, %swap3A_183] {strides = array<i32>} : memref<8x128xi32, #tpu.memory_space<vmem>>, vector<1x16xi32>,
    %swap3A_185 = vector.shape_cast %swap3A_184 : vector<1x16xi32> to vector<16xi32>
    %swap3A_186 = vector.shape_cast %get3A_180 : vector<16xi32> to vector<1x16xi32>
    tpu.vector_store %arg6[%swap3A_182, %swap3A_183], %swap3A_186 {strides = array<i32>} : memref<8x128xi32, #tpu.memory_space<vmem>>, vector<1x16xi32>,
    %get3A_187 = arith.constant 320 : index
    %get3A_188 = tpu.vector_load %arg7[%get3A_187] {strides = array<i32>} : memref<1024xi32, #tpu.memory_space<vmem>>, vector<16xi32>,
    %get3A_189 = vector.shape_cast %get3A_188 : vector<16xi32> to vector<16xi32>
    %swap3A_190 = arith.constant 2 : i32
    %swap3A_191 = arith.index_cast %swap3A_190 : i32 to index
    %swap3A_192 = arith.constant 64 : index
    %swap3A_193 = tpu.vector_load %arg6[%swap3A_191, %swap3A_192] {strides = array<i32>} : memref<8x128xi32, #tpu.memory_space<vmem>>, vector<1x16xi32>,
    %swap3A_194 = vector.shape_cast %swap3A_193 : vector<1x16xi32> to vector<16xi32>
    %swap3A_195 = vector.shape_cast %get3A_189 : vector<16xi32> to vector<1x16xi32>
    tpu.vector_store %arg6[%swap3A_191, %swap3A_192], %swap3A_195 {strides = array<i32>} : memref<8x128xi32, #tpu.memory_space<vmem>>, vector<1x16xi32>,
    %get3A_196 = arith.constant 336 : index
    %get3A_197 = tpu.vector_load %arg7[%get3A_196] {strides = array<i32>} : memref<1024xi32, #tpu.memory_space<vmem>>, vector<16xi32>,
    %get3A_198 = vector.shape_cast %get3A_197 : vector<16xi32> to vector<16xi32>
    %swap3A_199 = arith.constant 2 : i32
    %swap3A_200 = arith.index_cast %swap3A_199 : i32 to index
    %swap3A_201 = arith.constant 80 : index
    %swap3A_202 = tpu.vector_load %arg6[%swap3A_200, %swap3A_201] {strides = array<i32>} : memref<8x128xi32, #tpu.memory_space<vmem>>, vector<1x16xi32>,
    %swap3A_203 = vector.shape_cast %swap3A_202 : vector<1x16xi32> to vector<16xi32>
    %swap3A_204 = vector.shape_cast %get3A_198 : vector<16xi32> to vector<1x16xi32>
    tpu.vector_store %arg6[%swap3A_200, %swap3A_201], %swap3A_204 {strides = array<i32>} : memref<8x128xi32, #tpu.memory_space<vmem>>, vector<1x16xi32>,
    %get3A_205 = arith.constant 352 : index
    %get3A_206 = tpu.vector_load %arg7[%get3A_205] {strides = array<i32>} : memref<1024xi32, #tpu.memory_space<vmem>>, vector<16xi32>,
    %get3A_207 = vector.shape_cast %get3A_206 : vector<16xi32> to vector<16xi32>
    %swap3A_208 = arith.constant 2 : i32
    %swap3A_209 = arith.index_cast %swap3A_208 : i32 to index
    %swap3A_210 = arith.constant 96 : index
    %swap3A_211 = tpu.vector_load %arg6[%swap3A_209, %swap3A_210] {strides = array<i32>} : memref<8x128xi32, #tpu.memory_space<vmem>>, vector<1x16xi32>,
    %swap3A_212 = vector.shape_cast %swap3A_211 : vector<1x16xi32> to vector<16xi32>
    %swap3A_213 = vector.shape_cast %get3A_207 : vector<16xi32> to vector<1x16xi32>
    tpu.vector_store %arg6[%swap3A_209, %swap3A_210], %swap3A_213 {strides = array<i32>} : memref<8x128xi32, #tpu.memory_space<vmem>>, vector<1x16xi32>,
    %get3A_214 = arith.constant 368 : index
    %get3A_215 = tpu.vector_load %arg7[%get3A_214] {strides = array<i32>} : memref<1024xi32, #tpu.memory_space<vmem>>, vector<16xi32>,
    %get3A_216 = vector.shape_cast %get3A_215 : vector<16xi32> to vector<16xi32>
    %swap3A_217 = arith.constant 2 : i32
    %swap3A_218 = arith.index_cast %swap3A_217 : i32 to index
    %swap3A_219 = arith.constant 112 : index
    %swap3A_220 = tpu.vector_load %arg6[%swap3A_218, %swap3A_219] {strides = array<i32>} : memref<8x128xi32, #tpu.memory_space<vmem>>, vector<1x16xi32>,
    %swap3A_221 = vector.shape_cast %swap3A_220 : vector<1x16xi32> to vector<16xi32>
    %swap3A_222 = vector.shape_cast %get3A_216 : vector<16xi32> to vector<1x16xi32>
    tpu.vector_store %arg6[%swap3A_218, %swap3A_219], %swap3A_222 {strides = array<i32>} : memref<8x128xi32, #tpu.memory_space<vmem>>, vector<1x16xi32>,
    %get3A_223 = arith.constant 384 : index
    %get3A_224 = tpu.vector_load %arg7[%get3A_223] {strides = array<i32>} : memref<1024xi32, #tpu.memory_space<vmem>>, vector<16xi32>,
    %get3A_225 = vector.shape_cast %get3A_224 : vector<16xi32> to vector<16xi32>
    %swap3A_226 = arith.constant 3 : i32
    %swap3A_227 = arith.index_cast %swap3A_226 : i32 to index
    %swap3A_228 = arith.constant 0 : index
    %swap3A_229 = tpu.vector_load %arg6[%swap3A_227, %swap3A_228] {strides = array<i32>} : memref<8x128xi32, #tpu.memory_space<vmem>>, vector<1x16xi32>,
    %swap3A_230 = vector.shape_cast %swap3A_229 : vector<1x16xi32> to vector<16xi32>
    %swap3A_231 = vector.shape_cast %get3A_225 : vector<16xi32> to vector<1x16xi32>
    tpu.vector_store %arg6[%swap3A_227, %swap3A_228], %swap3A_231 {strides = array<i32>} : memref<8x128xi32, #tpu.memory_space<vmem>>, vector<1x16xi32>,
    %get3A_232 = arith.constant 400 : index
    %get3A_233 = tpu.vector_load %arg7[%get3A_232] {strides = array<i32>} : memref<1024xi32, #tpu.memory_space<vmem>>, vector<16xi32>,
    %get3A_234 = vector.shape_cast %get3A_233 : vector<16xi32> to vector<16xi32>
    %swap3A_235 = arith.constant 3 : i32
    %swap3A_236 = arith.index_cast %swap3A_235 : i32 to index
    %swap3A_237 = arith.constant 16 : index
    %swap3A_238 = tpu.vector_load %arg6[%swap3A_236, %swap3A_237] {strides = array<i32>} : memref<8x128xi32, #tpu.memory_space<vmem>>, vector<1x16xi32>,
    %swap3A_239 = vector.shape_cast %swap3A_238 : vector<1x16xi32> to vector<16xi32>
    %swap3A_240 = vector.shape_cast %get3A_234 : vector<16xi32> to vector<1x16xi32>
    tpu.vector_store %arg6[%swap3A_236, %swap3A_237], %swap3A_240 {strides = array<i32>} : memref<8x128xi32, #tpu.memory_space<vmem>>, vector<1x16xi32>,
    %get3A_241 = arith.constant 416 : index
    %get3A_242 = tpu.vector_load %arg7[%get3A_241] {strides = array<i32>} : memref<1024xi32, #tpu.memory_space<vmem>>, vector<16xi32>,
    %get3A_243 = vector.shape_cast %get3A_242 : vector<16xi32> to vector<16xi32>
    %swap3A_244 = arith.constant 3 : i32
    %swap3A_245 = arith.index_cast %swap3A_244 : i32 to index
    %swap3A_246 = arith.constant 32 : index
    %swap3A_247 = tpu.vector_load %arg6[%swap3A_245, %swap3A_246] {strides = array<i32>} : memref<8x128xi32, #tpu.memory_space<vmem>>, vector<1x16xi32>,
    %swap3A_248 = vector.shape_cast %swap3A_247 : vector<1x16xi32> to vector<16xi32>
    %swap3A_249 = vector.shape_cast %get3A_243 : vector<16xi32> to vector<1x16xi32>
    tpu.vector_store %arg6[%swap3A_245, %swap3A_246], %swap3A_249 {strides = array<i32>} : memref<8x128xi32, #tpu.memory_space<vmem>>, vector<1x16xi32>,
    %get3A_250 = arith.constant 432 : index
    %get3A_251 = tpu.vector_load %arg7[%get3A_250] {strides = array<i32>} : memref<1024xi32, #tpu.memory_space<vmem>>, vector<16xi32>,
    %get3A_252 = vector.shape_cast %get3A_251 : vector<16xi32> to vector<16xi32>
    %swap3A_253 = arith.constant 3 : i32
    %swap3A_254 = arith.index_cast %swap3A_253 : i32 to index
    %swap3A_255 = arith.constant 48 : index
    %swap3A_256 = tpu.vector_load %arg6[%swap3A_254, %swap3A_255] {strides = array<i32>} : memref<8x128xi32, #tpu.memory_space<vmem>>, vector<1x16xi32>,
    %swap3A_257 = vector.shape_cast %swap3A_256 : vector<1x16xi32> to vector<16xi32>
    %swap3A_258 = vector.shape_cast %get3A_252 : vector<16xi32> to vector<1x16xi32>
    tpu.vector_store %arg6[%swap3A_254, %swap3A_255], %swap3A_258 {strides = array<i32>} : memref<8x128xi32, #tpu.memory_space<vmem>>, vector<1x16xi32>,
    %get3A_259 = arith.constant 448 : index
    %get3A_260 = tpu.vector_load %arg7[%get3A_259] {strides = array<i32>} : memref<1024xi32, #tpu.memory_space<vmem>>, vector<16xi32>,
    %get3A_261 = vector.shape_cast %get3A_260 : vector<16xi32> to vector<16xi32>
    %swap3A_262 = arith.constant 3 : i32
    %swap3A_263 = arith.index_cast %swap3A_262 : i32 to index
    %swap3A_264 = arith.constant 64 : index
    %swap3A_265 = tpu.vector_load %arg6[%swap3A_263, %swap3A_264] {strides = array<i32>} : memref<8x128xi32, #tpu.memory_space<vmem>>, vector<1x16xi32>,
    %swap3A_266 = vector.shape_cast %swap3A_265 : vector<1x16xi32> to vector<16xi32>
    %swap3A_267 = vector.shape_cast %get3A_261 : vector<16xi32> to vector<1x16xi32>
    tpu.vector_store %arg6[%swap3A_263, %swap3A_264], %swap3A_267 {strides = array<i32>} : memref<8x128xi32, #tpu.memory_space<vmem>>, vector<1x16xi32>,
    %get3A_268 = arith.constant 464 : index
    %get3A_269 = tpu.vector_load %arg7[%get3A_268] {strides = array<i32>} : memref<1024xi32, #tpu.memory_space<vmem>>, vector<16xi32>,
    %get3A_270 = vector.shape_cast %get3A_269 : vector<16xi32> to vector<16xi32>
    %swap3A_271 = arith.constant 3 : i32
    %swap3A_272 = arith.index_cast %swap3A_271 : i32 to index
    %swap3A_273 = arith.constant 80 : index
    %swap3A_274 = tpu.vector_load %arg6[%swap3A_272, %swap3A_273] {strides = array<i32>} : memref<8x128xi32, #tpu.memory_space<vmem>>, vector<1x16xi32>,
    %swap3A_275 = vector.shape_cast %swap3A_274 : vector<1x16xi32> to vector<16xi32>
    %swap3A_276 = vector.shape_cast %get3A_270 : vector<16xi32> to vector<1x16xi32>
    tpu.vector_store %arg6[%swap3A_272, %swap3A_273], %swap3A_276 {strides = array<i32>} : memref<8x128xi32, #tpu.memory_space<vmem>>, vector<1x16xi32>,
    %get3A_277 = arith.constant 480 : index
    %get3A_278 = tpu.vector_load %arg7[%get3A_277] {strides = array<i32>} : memref<1024xi32, #tpu.memory_space<vmem>>, vector<16xi32>,
    %get3A_279 = vector.shape_cast %get3A_278 : vector<16xi32> to vector<16xi32>
    %swap3A_280 = arith.constant 3 : i32
    %swap3A_281 = arith.index_cast %swap3A_280 : i32 to index
    %swap3A_282 = arith.constant 96 : index
    %swap3A_283 = tpu.vector_load %arg6[%swap3A_281, %swap3A_282] {strides = array<i32>} : memref<8x128xi32, #tpu.memory_space<vmem>>, vector<1x16xi32>,
    %swap3A_284 = vector.shape_cast %swap3A_283 : vector<1x16xi32> to vector<16xi32>
    %swap3A_285 = vector.shape_cast %get3A_279 : vector<16xi32> to vector<1x16xi32>
    tpu.vector_store %arg6[%swap3A_281, %swap3A_282], %swap3A_285 {strides = array<i32>} : memref<8x128xi32, #tpu.memory_space<vmem>>, vector<1x16xi32>,
    %get3A_286 = arith.constant 496 : index
    %get3A_287 = tpu.vector_load %arg7[%get3A_286] {strides = array<i32>} : memref<1024xi32, #tpu.memory_space<vmem>>, vector<16xi32>,
    %get3A_288 = vector.shape_cast %get3A_287 : vector<16xi32> to vector<16xi32>
    %swap3A_289 = arith.constant 3 : i32
    %swap3A_290 = arith.index_cast %swap3A_289 : i32 to index
    %swap3A_291 = arith.constant 112 : index
    %swap3A_292 = tpu.vector_load %arg6[%swap3A_290, %swap3A_291] {strides = array<i32>} : memref<8x128xi32, #tpu.memory_space<vmem>>, vector<1x16xi32>,
    %swap3A_293 = vector.shape_cast %swap3A_292 : vector<1x16xi32> to vector<16xi32>
    %swap3A_294 = vector.shape_cast %get3A_288 : vector<16xi32> to vector<1x16xi32>
    tpu.vector_store %arg6[%swap3A_290, %swap3A_291], %swap3A_294 {strides = array<i32>} : memref<8x128xi32, #tpu.memory_space<vmem>>, vector<1x16xi32>,
    %get3A_295 = arith.constant 512 : index
    %get3A_296 = tpu.vector_load %arg7[%get3A_295] {strides = array<i32>} : memref<1024xi32, #tpu.memory_space<vmem>>, vector<16xi32>,
    %get3A_297 = vector.shape_cast %get3A_296 : vector<16xi32> to vector<16xi32>
    %swap3A_298 = arith.constant 4 : i32
    %swap3A_299 = arith.index_cast %swap3A_298 : i32 to index
    %swap3A_300 = arith.constant 0 : index
    %swap3A_301 = tpu.vector_load %arg6[%swap3A_299, %swap3A_300] {strides = array<i32>} : memref<8x128xi32, #tpu.memory_space<vmem>>, vector<1x16xi32>,
    %swap3A_302 = vector.shape_cast %swap3A_301 : vector<1x16xi32> to vector<16xi32>
    %swap3A_303 = vector.shape_cast %get3A_297 : vector<16xi32> to vector<1x16xi32>
    tpu.vector_store %arg6[%swap3A_299, %swap3A_300], %swap3A_303 {strides = array<i32>} : memref<8x128xi32, #tpu.memory_space<vmem>>, vector<1x16xi32>,
    %get3A_304 = arith.constant 528 : index
    %get3A_305 = tpu.vector_load %arg7[%get3A_304] {strides = array<i32>} : memref<1024xi32, #tpu.memory_space<vmem>>, vector<16xi32>,
    %get3A_306 = vector.shape_cast %get3A_305 : vector<16xi32> to vector<16xi32>
    %swap3A_307 = arith.constant 4 : i32
    %swap3A_308 = arith.index_cast %swap3A_307 : i32 to index
    %swap3A_309 = arith.constant 16 : index
    %swap3A_310 = tpu.vector_load %arg6[%swap3A_308, %swap3A_309] {strides = array<i32>} : memref<8x128xi32, #tpu.memory_space<vmem>>, vector<1x16xi32>,
    %swap3A_311 = vector.shape_cast %swap3A_310 : vector<1x16xi32> to vector<16xi32>
    %swap3A_312 = vector.shape_cast %get3A_306 : vector<16xi32> to vector<1x16xi32>
    tpu.vector_store %arg6[%swap3A_308, %swap3A_309], %swap3A_312 {strides = array<i32>} : memref<8x128xi32, #tpu.memory_space<vmem>>, vector<1x16xi32>,
    %get3A_313 = arith.constant 544 : index
    %get3A_314 = tpu.vector_load %arg7[%get3A_313] {strides = array<i32>} : memref<1024xi32, #tpu.memory_space<vmem>>, vector<16xi32>,
    %get3A_315 = vector.shape_cast %get3A_314 : vector<16xi32> to vector<16xi32>
    %swap3A_316 = arith.constant 4 : i32
    %swap3A_317 = arith.index_cast %swap3A_316 : i32 to index
    %swap3A_318 = arith.constant 32 : index
    %swap3A_319 = tpu.vector_load %arg6[%swap3A_317, %swap3A_318] {strides = array<i32>} : memref<8x128xi32, #tpu.memory_space<vmem>>, vector<1x16xi32>,
    %swap3A_320 = vector.shape_cast %swap3A_319 : vector<1x16xi32> to vector<16xi32>
    %swap3A_321 = vector.shape_cast %get3A_315 : vector<16xi32> to vector<1x16xi32>
    tpu.vector_store %arg6[%swap3A_317, %swap3A_318], %swap3A_321 {strides = array<i32>} : memref<8x128xi32, #tpu.memory_space<vmem>>, vector<1x16xi32>,
    %get3A_322 = arith.constant 560 : index
    %get3A_323 = tpu.vector_load %arg7[%get3A_322] {strides = array<i32>} : memref<1024xi32, #tpu.memory_space<vmem>>, vector<16xi32>,
    %get3A_324 = vector.shape_cast %get3A_323 : vector<16xi32> to vector<16xi32>
    %swap3A_325 = arith.constant 4 : i32
    %swap3A_326 = arith.index_cast %swap3A_325 : i32 to index
    %swap3A_327 = arith.constant 48 : index
    %swap3A_328 = tpu.vector_load %arg6[%swap3A_326, %swap3A_327] {strides = array<i32>} : memref<8x128xi32, #tpu.memory_space<vmem>>, vector<1x16xi32>,
    %swap3A_329 = vector.shape_cast %swap3A_328 : vector<1x16xi32> to vector<16xi32>
    %swap3A_330 = vector.shape_cast %get3A_324 : vector<16xi32> to vector<1x16xi32>
    tpu.vector_store %arg6[%swap3A_326, %swap3A_327], %swap3A_330 {strides = array<i32>} : memref<8x128xi32, #tpu.memory_space<vmem>>, vector<1x16xi32>,
    %get3A_331 = arith.constant 576 : index
    %get3A_332 = tpu.vector_load %arg7[%get3A_331] {strides = array<i32>} : memref<1024xi32, #tpu.memory_space<vmem>>, vector<16xi32>,
    %get3A_333 = vector.shape_cast %get3A_332 : vector<16xi32> to vector<16xi32>
    %swap3A_334 = arith.constant 4 : i32
    %swap3A_335 = arith.index_cast %swap3A_334 : i32 to index
    %swap3A_336 = arith.constant 64 : index
    %swap3A_337 = tpu.vector_load %arg6[%swap3A_335, %swap3A_336] {strides = array<i32>} : memref<8x128xi32, #tpu.memory_space<vmem>>, vector<1x16xi32>,
    %swap3A_338 = vector.shape_cast %swap3A_337 : vector<1x16xi32> to vector<16xi32>
    %swap3A_339 = vector.shape_cast %get3A_333 : vector<16xi32> to vector<1x16xi32>
    tpu.vector_store %arg6[%swap3A_335, %swap3A_336], %swap3A_339 {strides = array<i32>} : memref<8x128xi32, #tpu.memory_space<vmem>>, vector<1x16xi32>,
    %get3A_340 = arith.constant 592 : index
    %get3A_341 = tpu.vector_load %arg7[%get3A_340] {strides = array<i32>} : memref<1024xi32, #tpu.memory_space<vmem>>, vector<16xi32>,
    %get3A_342 = vector.shape_cast %get3A_341 : vector<16xi32> to vector<16xi32>
    %swap3A_343 = arith.constant 4 : i32
    %swap3A_344 = arith.index_cast %swap3A_343 : i32 to index
    %swap3A_345 = arith.constant 80 : index
    %swap3A_346 = tpu.vector_load %arg6[%swap3A_344, %swap3A_345] {strides = array<i32>} : memref<8x128xi32, #tpu.memory_space<vmem>>, vector<1x16xi32>,
    %swap3A_347 = vector.shape_cast %swap3A_346 : vector<1x16xi32> to vector<16xi32>
    %swap3A_348 = vector.shape_cast %get3A_342 : vector<16xi32> to vector<1x16xi32>
    tpu.vector_store %arg6[%swap3A_344, %swap3A_345], %swap3A_348 {strides = array<i32>} : memref<8x128xi32, #tpu.memory_space<vmem>>, vector<1x16xi32>,
    %get3A_349 = arith.constant 608 : index
    %get3A_350 = tpu.vector_load %arg7[%get3A_349] {strides = array<i32>} : memref<1024xi32, #tpu.memory_space<vmem>>, vector<16xi32>,
    %get3A_351 = vector.shape_cast %get3A_350 : vector<16xi32> to vector<16xi32>
    %swap3A_352 = arith.constant 4 : i32
    %swap3A_353 = arith.index_cast %swap3A_352 : i32 to index
    %swap3A_354 = arith.constant 96 : index
    %swap3A_355 = tpu.vector_load %arg6[%swap3A_353, %swap3A_354] {strides = array<i32>} : memref<8x128xi32, #tpu.memory_space<vmem>>, vector<1x16xi32>,
    %swap3A_356 = vector.shape_cast %swap3A_355 : vector<1x16xi32> to vector<16xi32>
    %swap3A_357 = vector.shape_cast %get3A_351 : vector<16xi32> to vector<1x16xi32>
    tpu.vector_store %arg6[%swap3A_353, %swap3A_354], %swap3A_357 {strides = array<i32>} : memref<8x128xi32, #tpu.memory_space<vmem>>, vector<1x16xi32>,
    %get3A_358 = arith.constant 624 : index
    %get3A_359 = tpu.vector_load %arg7[%get3A_358] {strides = array<i32>} : memref<1024xi32, #tpu.memory_space<vmem>>, vector<16xi32>,
    %get3A_360 = vector.shape_cast %get3A_359 : vector<16xi32> to vector<16xi32>
    %swap3A_361 = arith.constant 4 : i32
    %swap3A_362 = arith.index_cast %swap3A_361 : i32 to index
    %swap3A_363 = arith.constant 112 : index
    %swap3A_364 = tpu.vector_load %arg6[%swap3A_362, %swap3A_363] {strides = array<i32>} : memref<8x128xi32, #tpu.memory_space<vmem>>, vector<1x16xi32>,
    %swap3A_365 = vector.shape_cast %swap3A_364 : vector<1x16xi32> to vector<16xi32>
    %swap3A_366 = vector.shape_cast %get3A_360 : vector<16xi32> to vector<1x16xi32>
    tpu.vector_store %arg6[%swap3A_362, %swap3A_363], %swap3A_366 {strides = array<i32>} : memref<8x128xi32, #tpu.memory_space<vmem>>, vector<1x16xi32>,
    %get3A_367 = arith.constant 640 : index
    %get3A_368 = tpu.vector_load %arg7[%get3A_367] {strides = array<i32>} : memref<1024xi32, #tpu.memory_space<vmem>>, vector<16xi32>,
    %get3A_369 = vector.shape_cast %get3A_368 : vector<16xi32> to vector<16xi32>
    %swap3A_370 = arith.constant 5 : i32
    %swap3A_371 = arith.index_cast %swap3A_370 : i32 to index
    %swap3A_372 = arith.constant 0 : index
    %swap3A_373 = tpu.vector_load %arg6[%swap3A_371, %swap3A_372] {strides = array<i32>} : memref<8x128xi32, #tpu.memory_space<vmem>>, vector<1x16xi32>,
    %swap3A_374 = vector.shape_cast %swap3A_373 : vector<1x16xi32> to vector<16xi32>
    %swap3A_375 = vector.shape_cast %get3A_369 : vector<16xi32> to vector<1x16xi32>
    tpu.vector_store %arg6[%swap3A_371, %swap3A_372], %swap3A_375 {strides = array<i32>} : memref<8x128xi32, #tpu.memory_space<vmem>>, vector<1x16xi32>,
    %get3A_376 = arith.constant 656 : index
    %get3A_377 = tpu.vector_load %arg7[%get3A_376] {strides = array<i32>} : memref<1024xi32, #tpu.memory_space<vmem>>, vector<16xi32>,
    %get3A_378 = vector.shape_cast %get3A_377 : vector<16xi32> to vector<16xi32>
    %swap3A_379 = arith.constant 5 : i32
    %swap3A_380 = arith.index_cast %swap3A_379 : i32 to index
    %swap3A_381 = arith.constant 16 : index
    %swap3A_382 = tpu.vector_load %arg6[%swap3A_380, %swap3A_381] {strides = array<i32>} : memref<8x128xi32, #tpu.memory_space<vmem>>, vector<1x16xi32>,
    %swap3A_383 = vector.shape_cast %swap3A_382 : vector<1x16xi32> to vector<16xi32>
    %swap3A_384 = vector.shape_cast %get3A_378 : vector<16xi32> to vector<1x16xi32>
    tpu.vector_store %arg6[%swap3A_380, %swap3A_381], %swap3A_384 {strides = array<i32>} : memref<8x128xi32, #tpu.memory_space<vmem>>, vector<1x16xi32>,
    %get3A_385 = arith.constant 672 : index
    %get3A_386 = tpu.vector_load %arg7[%get3A_385] {strides = array<i32>} : memref<1024xi32, #tpu.memory_space<vmem>>, vector<16xi32>,
    %get3A_387 = vector.shape_cast %get3A_386 : vector<16xi32> to vector<16xi32>
    %swap3A_388 = arith.constant 5 : i32
    %swap3A_389 = arith.index_cast %swap3A_388 : i32 to index
    %swap3A_390 = arith.constant 32 : index
    %swap3A_391 = tpu.vector_load %arg6[%swap3A_389, %swap3A_390] {strides = array<i32>} : memref<8x128xi32, #tpu.memory_space<vmem>>, vector<1x16xi32>,
    %swap3A_392 = vector.shape_cast %swap3A_391 : vector<1x16xi32> to vector<16xi32>
    %swap3A_393 = vector.shape_cast %get3A_387 : vector<16xi32> to vector<1x16xi32>
    tpu.vector_store %arg6[%swap3A_389, %swap3A_390], %swap3A_393 {strides = array<i32>} : memref<8x128xi32, #tpu.memory_space<vmem>>, vector<1x16xi32>,
    %get3A_394 = arith.constant 688 : index
    %get3A_395 = tpu.vector_load %arg7[%get3A_394] {strides = array<i32>} : memref<1024xi32, #tpu.memory_space<vmem>>, vector<16xi32>,
    %get3A_396 = vector.shape_cast %get3A_395 : vector<16xi32> to vector<16xi32>
    %swap3A_397 = arith.constant 5 : i32
    %swap3A_398 = arith.index_cast %swap3A_397 : i32 to index
    %swap3A_399 = arith.constant 48 : index
    %swap3A_400 = tpu.vector_load %arg6[%swap3A_398, %swap3A_399] {strides = array<i32>} : memref<8x128xi32, #tpu.memory_space<vmem>>, vector<1x16xi32>,
    %swap3A_401 = vector.shape_cast %swap3A_400 : vector<1x16xi32> to vector<16xi32>
    %swap3A_402 = vector.shape_cast %get3A_396 : vector<16xi32> to vector<1x16xi32>
    tpu.vector_store %arg6[%swap3A_398, %swap3A_399], %swap3A_402 {strides = array<i32>} : memref<8x128xi32, #tpu.memory_space<vmem>>, vector<1x16xi32>,
    %get3A_403 = arith.constant 704 : index
    %get3A_404 = tpu.vector_load %arg7[%get3A_403] {strides = array<i32>} : memref<1024xi32, #tpu.memory_space<vmem>>, vector<16xi32>,
    %get3A_405 = vector.shape_cast %get3A_404 : vector<16xi32> to vector<16xi32>
    %swap3A_406 = arith.constant 5 : i32
    %swap3A_407 = arith.index_cast %swap3A_406 : i32 to index
    %swap3A_408 = arith.constant 64 : index
    %swap3A_409 = tpu.vector_load %arg6[%swap3A_407, %swap3A_408] {strides = array<i32>} : memref<8x128xi32, #tpu.memory_space<vmem>>, vector<1x16xi32>,
    %swap3A_410 = vector.shape_cast %swap3A_409 : vector<1x16xi32> to vector<16xi32>
    %swap3A_411 = vector.shape_cast %get3A_405 : vector<16xi32> to vector<1x16xi32>
    tpu.vector_store %arg6[%swap3A_407, %swap3A_408], %swap3A_411 {strides = array<i32>} : memref<8x128xi32, #tpu.memory_space<vmem>>, vector<1x16xi32>,
    %get3A_412 = arith.constant 720 : index
    %get3A_413 = tpu.vector_load %arg7[%get3A_412] {strides = array<i32>} : memref<1024xi32, #tpu.memory_space<vmem>>, vector<16xi32>,
    %get3A_414 = vector.shape_cast %get3A_413 : vector<16xi32> to vector<16xi32>
    %swap3A_415 = arith.constant 5 : i32
    %swap3A_416 = arith.index_cast %swap3A_415 : i32 to index
    %swap3A_417 = arith.constant 80 : index
    %swap3A_418 = tpu.vector_load %arg6[%swap3A_416, %swap3A_417] {strides = array<i32>} : memref<8x128xi32, #tpu.memory_space<vmem>>, vector<1x16xi32>,
    %swap3A_419 = vector.shape_cast %swap3A_418 : vector<1x16xi32> to vector<16xi32>
    %swap3A_420 = vector.shape_cast %get3A_414 : vector<16xi32> to vector<1x16xi32>
    tpu.vector_store %arg6[%swap3A_416, %swap3A_417], %swap3A_420 {strides = array<i32>} : memref<8x128xi32, #tpu.memory_space<vmem>>, vector<1x16xi32>,
    %get3A_421 = arith.constant 736 : index
    %get3A_422 = tpu.vector_load %arg7[%get3A_421] {strides = array<i32>} : memref<1024xi32, #tpu.memory_space<vmem>>, vector<16xi32>,
    %get3A_423 = vector.shape_cast %get3A_422 : vector<16xi32> to vector<16xi32>
    %swap3A_424 = arith.constant 5 : i32
    %swap3A_425 = arith.index_cast %swap3A_424 : i32 to index
    %swap3A_426 = arith.constant 96 : index
    %swap3A_427 = tpu.vector_load %arg6[%swap3A_425, %swap3A_426] {strides = array<i32>} : memref<8x128xi32, #tpu.memory_space<vmem>>, vector<1x16xi32>,
    %swap3A_428 = vector.shape_cast %swap3A_427 : vector<1x16xi32> to vector<16xi32>
    %swap3A_429 = vector.shape_cast %get3A_423 : vector<16xi32> to vector<1x16xi32>
    tpu.vector_store %arg6[%swap3A_425, %swap3A_426], %swap3A_429 {strides = array<i32>} : memref<8x128xi32, #tpu.memory_space<vmem>>, vector<1x16xi32>,
    %get3A_430 = arith.constant 752 : index
    %get3A_431 = tpu.vector_load %arg7[%get3A_430] {strides = array<i32>} : memref<1024xi32, #tpu.memory_space<vmem>>, vector<16xi32>,
    %get3A_432 = vector.shape_cast %get3A_431 : vector<16xi32> to vector<16xi32>
    %swap3A_433 = arith.constant 5 : i32
    %swap3A_434 = arith.index_cast %swap3A_433 : i32 to index
    %swap3A_435 = arith.constant 112 : index
    %swap3A_436 = tpu.vector_load %arg6[%swap3A_434, %swap3A_435] {strides = array<i32>} : memref<8x128xi32, #tpu.memory_space<vmem>>, vector<1x16xi32>,
    %swap3A_437 = vector.shape_cast %swap3A_436 : vector<1x16xi32> to vector<16xi32>
    %swap3A_438 = vector.shape_cast %get3A_432 : vector<16xi32> to vector<1x16xi32>
    tpu.vector_store %arg6[%swap3A_434, %swap3A_435], %swap3A_438 {strides = array<i32>} : memref<8x128xi32, #tpu.memory_space<vmem>>, vector<1x16xi32>,
    %get3A_439 = arith.constant 768 : index
    %get3A_440 = tpu.vector_load %arg7[%get3A_439] {strides = array<i32>} : memref<1024xi32, #tpu.memory_space<vmem>>, vector<16xi32>,
    %get3A_441 = vector.shape_cast %get3A_440 : vector<16xi32> to vector<16xi32>
    %swap3A_442 = arith.constant 6 : i32
    %swap3A_443 = arith.index_cast %swap3A_442 : i32 to index
    %swap3A_444 = arith.constant 0 : index
    %swap3A_445 = tpu.vector_load %arg6[%swap3A_443, %swap3A_444] {strides = array<i32>} : memref<8x128xi32, #tpu.memory_space<vmem>>, vector<1x16xi32>,
    %swap3A_446 = vector.shape_cast %swap3A_445 : vector<1x16xi32> to vector<16xi32>
    %swap3A_447 = vector.shape_cast %get3A_441 : vector<16xi32> to vector<1x16xi32>
    tpu.vector_store %arg6[%swap3A_443, %swap3A_444], %swap3A_447 {strides = array<i32>} : memref<8x128xi32, #tpu.memory_space<vmem>>, vector<1x16xi32>,
    %get3A_448 = arith.constant 784 : index
    %get3A_449 = tpu.vector_load %arg7[%get3A_448] {strides = array<i32>} : memref<1024xi32, #tpu.memory_space<vmem>>, vector<16xi32>,
    %get3A_450 = vector.shape_cast %get3A_449 : vector<16xi32> to vector<16xi32>
    %swap3A_451 = arith.constant 6 : i32
    %swap3A_452 = arith.index_cast %swap3A_451 : i32 to index
    %swap3A_453 = arith.constant 16 : index
    %swap3A_454 = tpu.vector_load %arg6[%swap3A_452, %swap3A_453] {strides = array<i32>} : memref<8x128xi32, #tpu.memory_space<vmem>>, vector<1x16xi32>,
    %swap3A_455 = vector.shape_cast %swap3A_454 : vector<1x16xi32> to vector<16xi32>
    %swap3A_456 = vector.shape_cast %get3A_450 : vector<16xi32> to vector<1x16xi32>
    tpu.vector_store %arg6[%swap3A_452, %swap3A_453], %swap3A_456 {strides = array<i32>} : memref<8x128xi32, #tpu.memory_space<vmem>>, vector<1x16xi32>,
    %get3A_457 = arith.constant 800 : index
    %get3A_458 = tpu.vector_load %arg7[%get3A_457] {strides = array<i32>} : memref<1024xi32, #tpu.memory_space<vmem>>, vector<16xi32>,
    %get3A_459 = vector.shape_cast %get3A_458 : vector<16xi32> to vector<16xi32>
    %swap3A_460 = arith.constant 6 : i32
    %swap3A_461 = arith.index_cast %swap3A_460 : i32 to index
    %swap3A_462 = arith.constant 32 : index
    %swap3A_463 = tpu.vector_load %arg6[%swap3A_461, %swap3A_462] {strides = array<i32>} : memref<8x128xi32, #tpu.memory_space<vmem>>, vector<1x16xi32>,
    %swap3A_464 = vector.shape_cast %swap3A_463 : vector<1x16xi32> to vector<16xi32>
    %swap3A_465 = vector.shape_cast %get3A_459 : vector<16xi32> to vector<1x16xi32>
    tpu.vector_store %arg6[%swap3A_461, %swap3A_462], %swap3A_465 {strides = array<i32>} : memref<8x128xi32, #tpu.memory_space<vmem>>, vector<1x16xi32>,
    %get3A_466 = arith.constant 816 : index
    %get3A_467 = tpu.vector_load %arg7[%get3A_466] {strides = array<i32>} : memref<1024xi32, #tpu.memory_space<vmem>>, vector<16xi32>,
    %get3A_468 = vector.shape_cast %get3A_467 : vector<16xi32> to vector<16xi32>
    %swap3A_469 = arith.constant 6 : i32
    %swap3A_470 = arith.index_cast %swap3A_469 : i32 to index
    %swap3A_471 = arith.constant 48 : index
    %swap3A_472 = tpu.vector_load %arg6[%swap3A_470, %swap3A_471] {strides = array<i32>} : memref<8x128xi32, #tpu.memory_space<vmem>>, vector<1x16xi32>,
    %swap3A_473 = vector.shape_cast %swap3A_472 : vector<1x16xi32> to vector<16xi32>
    %swap3A_474 = vector.shape_cast %get3A_468 : vector<16xi32> to vector<1x16xi32>
    tpu.vector_store %arg6[%swap3A_470, %swap3A_471], %swap3A_474 {strides = array<i32>} : memref<8x128xi32, #tpu.memory_space<vmem>>, vector<1x16xi32>,
    %get3A_475 = arith.constant 832 : index
    %get3A_476 = tpu.vector_load %arg7[%get3A_475] {strides = array<i32>} : memref<1024xi32, #tpu.memory_space<vmem>>, vector<16xi32>,
    %get3A_477 = vector.shape_cast %get3A_476 : vector<16xi32> to vector<16xi32>
    %swap3A_478 = arith.constant 6 : i32
    %swap3A_479 = arith.index_cast %swap3A_478 : i32 to index
    %swap3A_480 = arith.constant 64 : index
    %swap3A_481 = tpu.vector_load %arg6[%swap3A_479, %swap3A_480] {strides = array<i32>} : memref<8x128xi32, #tpu.memory_space<vmem>>, vector<1x16xi32>,
    %swap3A_482 = vector.shape_cast %swap3A_481 : vector<1x16xi32> to vector<16xi32>
    %swap3A_483 = vector.shape_cast %get3A_477 : vector<16xi32> to vector<1x16xi32>
    tpu.vector_store %arg6[%swap3A_479, %swap3A_480], %swap3A_483 {strides = array<i32>} : memref<8x128xi32, #tpu.memory_space<vmem>>, vector<1x16xi32>,
    %get3A_484 = arith.constant 848 : index
    %get3A_485 = tpu.vector_load %arg7[%get3A_484] {strides = array<i32>} : memref<1024xi32, #tpu.memory_space<vmem>>, vector<16xi32>,
    %get3A_486 = vector.shape_cast %get3A_485 : vector<16xi32> to vector<16xi32>
    %swap3A_487 = arith.constant 6 : i32
    %swap3A_488 = arith.index_cast %swap3A_487 : i32 to index
    %swap3A_489 = arith.constant 80 : index
    %swap3A_490 = tpu.vector_load %arg6[%swap3A_488, %swap3A_489] {strides = array<i32>} : memref<8x128xi32, #tpu.memory_space<vmem>>, vector<1x16xi32>,
    %swap3A_491 = vector.shape_cast %swap3A_490 : vector<1x16xi32> to vector<16xi32>
    %swap3A_492 = vector.shape_cast %get3A_486 : vector<16xi32> to vector<1x16xi32>
    tpu.vector_store %arg6[%swap3A_488, %swap3A_489], %swap3A_492 {strides = array<i32>} : memref<8x128xi32, #tpu.memory_space<vmem>>, vector<1x16xi32>,
    %get3A_493 = arith.constant 864 : index
    %get3A_494 = tpu.vector_load %arg7[%get3A_493] {strides = array<i32>} : memref<1024xi32, #tpu.memory_space<vmem>>, vector<16xi32>,
    %get3A_495 = vector.shape_cast %get3A_494 : vector<16xi32> to vector<16xi32>
    %swap3A_496 = arith.constant 6 : i32
    %swap3A_497 = arith.index_cast %swap3A_496 : i32 to index
    %swap3A_498 = arith.constant 96 : index
    %swap3A_499 = tpu.vector_load %arg6[%swap3A_497, %swap3A_498] {strides = array<i32>} : memref<8x128xi32, #tpu.memory_space<vmem>>, vector<1x16xi32>,
    %swap3A_500 = vector.shape_cast %swap3A_499 : vector<1x16xi32> to vector<16xi32>
    %swap3A_501 = vector.shape_cast %get3A_495 : vector<16xi32> to vector<1x16xi32>
    tpu.vector_store %arg6[%swap3A_497, %swap3A_498], %swap3A_501 {strides = array<i32>} : memref<8x128xi32, #tpu.memory_space<vmem>>, vector<1x16xi32>,
    %get3A_502 = arith.constant 880 : index
    %get3A_503 = tpu.vector_load %arg7[%get3A_502] {strides = array<i32>} : memref<1024xi32, #tpu.memory_space<vmem>>, vector<16xi32>,
    %get3A_504 = vector.shape_cast %get3A_503 : vector<16xi32> to vector<16xi32>
    %swap3A_505 = arith.constant 6 : i32
    %swap3A_506 = arith.index_cast %swap3A_505 : i32 to index
    %swap3A_507 = arith.constant 112 : index
    %swap3A_508 = tpu.vector_load %arg6[%swap3A_506, %swap3A_507] {strides = array<i32>} : memref<8x128xi32, #tpu.memory_space<vmem>>, vector<1x16xi32>,
    %swap3A_509 = vector.shape_cast %swap3A_508 : vector<1x16xi32> to vector<16xi32>
    %swap3A_510 = vector.shape_cast %get3A_504 : vector<16xi32> to vector<1x16xi32>
    tpu.vector_store %arg6[%swap3A_506, %swap3A_507], %swap3A_510 {strides = array<i32>} : memref<8x128xi32, #tpu.memory_space<vmem>>, vector<1x16xi32>,
    %get3A_511 = arith.constant 896 : index
    %get3A_512 = tpu.vector_load %arg7[%get3A_511] {strides = array<i32>} : memref<1024xi32, #tpu.memory_space<vmem>>, vector<16xi32>,
    %get3A_513 = vector.shape_cast %get3A_512 : vector<16xi32> to vector<16xi32>
    %swap3A_514 = arith.constant 7 : i32
    %swap3A_515 = arith.index_cast %swap3A_514 : i32 to index
    %swap3A_516 = arith.constant 0 : index
    %swap3A_517 = tpu.vector_load %arg6[%swap3A_515, %swap3A_516] {strides = array<i32>} : memref<8x128xi32, #tpu.memory_space<vmem>>, vector<1x16xi32>,
    %swap3A_518 = vector.shape_cast %swap3A_517 : vector<1x16xi32> to vector<16xi32>
    %swap3A_519 = vector.shape_cast %get3A_513 : vector<16xi32> to vector<1x16xi32>
    tpu.vector_store %arg6[%swap3A_515, %swap3A_516], %swap3A_519 {strides = array<i32>} : memref<8x128xi32, #tpu.memory_space<vmem>>, vector<1x16xi32>,
    %get3A_520 = arith.constant 912 : index
    %get3A_521 = tpu.vector_load %arg7[%get3A_520] {strides = array<i32>} : memref<1024xi32, #tpu.memory_space<vmem>>, vector<16xi32>,
    %get3A_522 = vector.shape_cast %get3A_521 : vector<16xi32> to vector<16xi32>
    %swap3A_523 = arith.constant 7 : i32
    %swap3A_524 = arith.index_cast %swap3A_523 : i32 to index
    %swap3A_525 = arith.constant 16 : index
    %swap3A_526 = tpu.vector_load %arg6[%swap3A_524, %swap3A_525] {strides = array<i32>} : memref<8x128xi32, #tpu.memory_space<vmem>>, vector<1x16xi32>,
    %swap3A_527 = vector.shape_cast %swap3A_526 : vector<1x16xi32> to vector<16xi32>
    %swap3A_528 = vector.shape_cast %get3A_522 : vector<16xi32> to vector<1x16xi32>
    tpu.vector_store %arg6[%swap3A_524, %swap3A_525], %swap3A_528 {strides = array<i32>} : memref<8x128xi32, #tpu.memory_space<vmem>>, vector<1x16xi32>,
    %get3A_529 = arith.constant 928 : index
    %get3A_530 = tpu.vector_load %arg7[%get3A_529] {strides = array<i32>} : memref<1024xi32, #tpu.memory_space<vmem>>, vector<16xi32>,
    %get3A_531 = vector.shape_cast %get3A_530 : vector<16xi32> to vector<16xi32>
    %swap3A_532 = arith.constant 7 : i32
    %swap3A_533 = arith.index_cast %swap3A_532 : i32 to index
    %swap3A_534 = arith.constant 32 : index
    %swap3A_535 = tpu.vector_load %arg6[%swap3A_533, %swap3A_534] {strides = array<i32>} : memref<8x128xi32, #tpu.memory_space<vmem>>, vector<1x16xi32>,
    %swap3A_536 = vector.shape_cast %swap3A_535 : vector<1x16xi32> to vector<16xi32>
    %swap3A_537 = vector.shape_cast %get3A_531 : vector<16xi32> to vector<1x16xi32>
    tpu.vector_store %arg6[%swap3A_533, %swap3A_534], %swap3A_537 {strides = array<i32>} : memref<8x128xi32, #tpu.memory_space<vmem>>, vector<1x16xi32>,
    %get3A_538 = arith.constant 944 : index
    %get3A_539 = tpu.vector_load %arg7[%get3A_538] {strides = array<i32>} : memref<1024xi32, #tpu.memory_space<vmem>>, vector<16xi32>,
    %get3A_540 = vector.shape_cast %get3A_539 : vector<16xi32> to vector<16xi32>
    %swap3A_541 = arith.constant 7 : i32
    %swap3A_542 = arith.index_cast %swap3A_541 : i32 to index
    %swap3A_543 = arith.constant 48 : index
    %swap3A_544 = tpu.vector_load %arg6[%swap3A_542, %swap3A_543] {strides = array<i32>} : memref<8x128xi32, #tpu.memory_space<vmem>>, vector<1x16xi32>,
    %swap3A_545 = vector.shape_cast %swap3A_544 : vector<1x16xi32> to vector<16xi32>
    %swap3A_546 = vector.shape_cast %get3A_540 : vector<16xi32> to vector<1x16xi32>
    tpu.vector_store %arg6[%swap3A_542, %swap3A_543], %swap3A_546 {strides = array<i32>} : memref<8x128xi32, #tpu.memory_space<vmem>>, vector<1x16xi32>,
    %get3A_547 = arith.constant 960 : index
    %get3A_548 = tpu.vector_load %arg7[%get3A_547] {strides = array<i32>} : memref<1024xi32, #tpu.memory_space<vmem>>, vector<16xi32>,
    %get3A_549 = vector.shape_cast %get3A_548 : vector<16xi32> to vector<16xi32>
    %swap3A_550 = arith.constant 7 : i32
    %swap3A_551 = arith.index_cast %swap3A_550 : i32 to index
    %swap3A_552 = arith.constant 64 : index
    %swap3A_553 = tpu.vector_load %arg6[%swap3A_551, %swap3A_552] {strides = array<i32>} : memref<8x128xi32, #tpu.memory_space<vmem>>, vector<1x16xi32>,
    %swap3A_554 = vector.shape_cast %swap3A_553 : vector<1x16xi32> to vector<16xi32>
    %swap3A_555 = vector.shape_cast %get3A_549 : vector<16xi32> to vector<1x16xi32>
    tpu.vector_store %arg6[%swap3A_551, %swap3A_552], %swap3A_555 {strides = array<i32>} : memref<8x128xi32, #tpu.memory_space<vmem>>, vector<1x16xi32>,
    %get3A_556 = arith.constant 976 : index
    %get3A_557 = tpu.vector_load %arg7[%get3A_556] {strides = array<i32>} : memref<1024xi32, #tpu.memory_space<vmem>>, vector<16xi32>,
    %get3A_558 = vector.shape_cast %get3A_557 : vector<16xi32> to vector<16xi32>
    %swap3A_559 = arith.constant 7 : i32
    %swap3A_560 = arith.index_cast %swap3A_559 : i32 to index
    %swap3A_561 = arith.constant 80 : index
    %swap3A_562 = tpu.vector_load %arg6[%swap3A_560, %swap3A_561] {strides = array<i32>} : memref<8x128xi32, #tpu.memory_space<vmem>>, vector<1x16xi32>,
    %swap3A_563 = vector.shape_cast %swap3A_562 : vector<1x16xi32> to vector<16xi32>
    %swap3A_564 = vector.shape_cast %get3A_558 : vector<16xi32> to vector<1x16xi32>
    tpu.vector_store %arg6[%swap3A_560, %swap3A_561], %swap3A_564 {strides = array<i32>} : memref<8x128xi32, #tpu.memory_space<vmem>>, vector<1x16xi32>,
    %get3A_565 = arith.constant 992 : index
    %get3A_566 = tpu.vector_load %arg7[%get3A_565] {strides = array<i32>} : memref<1024xi32, #tpu.memory_space<vmem>>, vector<16xi32>,
    %get3A_567 = vector.shape_cast %get3A_566 : vector<16xi32> to vector<16xi32>
    %swap3A_568 = arith.constant 7 : i32
    %swap3A_569 = arith.index_cast %swap3A_568 : i32 to index
    %swap3A_570 = arith.constant 96 : index
    %swap3A_571 = tpu.vector_load %arg6[%swap3A_569, %swap3A_570] {strides = array<i32>} : memref<8x128xi32, #tpu.memory_space<vmem>>, vector<1x16xi32>,
    %swap3A_572 = vector.shape_cast %swap3A_571 : vector<1x16xi32> to vector<16xi32>
    %swap3A_573 = vector.shape_cast %get3A_567 : vector<16xi32> to vector<1x16xi32>
    tpu.vector_store %arg6[%swap3A_569, %swap3A_570], %swap3A_573 {strides = array<i32>} : memref<8x128xi32, #tpu.memory_space<vmem>>, vector<1x16xi32>,
    %get3A_574 = arith.constant 1008 : index
    %get3A_575 = tpu.vector_load %arg7[%get3A_574] {strides = array<i32>} : memref<1024xi32, #tpu.memory_space<vmem>>, vector<16xi32>,
    %get3A_576 = vector.shape_cast %get3A_575 : vector<16xi32> to vector<16xi32>
    %swap3A_577 = arith.constant 7 : i32
    %swap3A_578 = arith.index_cast %swap3A_577 : i32 to index
    %swap3A_579 = arith.constant 112 : index
    %swap3A_580 = tpu.vector_load %arg6[%swap3A_578, %swap3A_579] {strides = array<i32>} : memref<8x128xi32, #tpu.memory_space<vmem>>, vector<1x16xi32>,
    %swap3A_581 = vector.shape_cast %swap3A_580 : vector<1x16xi32> to vector<16xi32>
    %swap3A_582 = vector.shape_cast %get3A_576 : vector<16xi32> to vector<1x16xi32>
    tpu.vector_store %arg6[%swap3A_578, %swap3A_579], %swap3A_582 {strides = array<i32>} : memref<8x128xi32, #tpu.memory_space<vmem>>, vector<1x16xi32>,
    %barrier3A = arith.constant 0 : index
    tpu.barrier barrier_id(%barrier3A)
    %run_scoped3A = arith.constant 0 : i32
    "tpu.region"() ({
      %run_scoped3A_1022 = tpu.sem_alloc : memref<!tpu.dma_semaphore, #tpu.memory_space<semaphore_mem>>
      %dma_start3A = arith.constant 0 : i32
      %dma_start3A_1023 = tpu.memref_slice %arg6[%run_scoped3A, %dma_start3A] : memref<8x128xi32, #tpu.memory_space<vmem>> -> memref<1x128xi32, #tpu.memory_space<vmem>>
      %dma_start3A_1024 = tpu.memref_squeeze %dma_start3A_1023 : memref<1x128xi32, #tpu.memory_space<vmem>> -> memref<128xi32, #tpu.memory_space<vmem>>
      %dma_start3A_1025 = arith.constant 0 : i32
      %dma_start3A_1026 = tpu.memref_slice %arg11[%dma_start3A_1025] : memref<100352xf32, #tpu.memory_space<vmem_shared>> -> memref<100352xf32, #tpu.memory_space<vmem_shared>>
      tpu.enqueue_indirect_dma source(%arg8 : memref<128xf32, #tpu.memory_space<vmem>>) target(%dma_start3A_1026 : memref<100352xf32, #tpu.memory_space<vmem_shared>>) offsets(%dma_start3A_1024 : memref<128xi32, #tpu.memory_space<vmem>>) semaphore(%run_scoped3A_1022 : memref<!tpu.dma_semaphore, #tpu.memory_space<semaphore_mem>>) {add = true}
      %dma_wait3A = arith.constant 0 : i32
      %dma_wait3A_1027 = tpu.memref_slice %arg6[%run_scoped3A, %dma_wait3A] : memref<8x128xi32, #tpu.memory_space<vmem>> -> memref<1x128xi32, #tpu.memory_space<vmem>>
      %dma_wait3A_1028 = tpu.memref_squeeze %dma_wait3A_1027 : memref<1x128xi32, #tpu.memory_space<vmem>> -> memref<128xi32, #tpu.memory_space<vmem>>
      %dma_wait3A_1029 = arith.constant 0 : i32
      %dma_wait3A_1030 = tpu.memref_slice %arg11[%dma_wait3A_1029] : memref<100352xf32, #tpu.memory_space<vmem_shared>> -> memref<100352xf32, #tpu.memory_space<vmem_shared>>
      tpu.wait_indirect_dma semaphore(%run_scoped3A_1022 : memref<!tpu.dma_semaphore, #tpu.memory_space<semaphore_mem>>) src(%arg8 : memref<128xf32, #tpu.memory_space<vmem>>) dst(%dma_wait3A_1030 : memref<100352xf32, #tpu.memory_space<vmem_shared>>)
      tpu.yield
    }) : () -> ()
    %run_scoped3A_583 = arith.constant 1 : i32
    "tpu.region"() ({
      %run_scoped3A_1022 = tpu.sem_alloc : memref<!tpu.dma_semaphore, #tpu.memory_space<semaphore_mem>>
      %dma_start3A = arith.constant 0 : i32
      %dma_start3A_1023 = tpu.memref_slice %arg6[%run_scoped3A_583, %dma_start3A] : memref<8x128xi32, #tpu.memory_space<vmem>> -> memref<1x128xi32, #tpu.memory_space<vmem>>
      %dma_start3A_1024 = tpu.memref_squeeze %dma_start3A_1023 : memref<1x128xi32, #tpu.memory_space<vmem>> -> memref<128xi32, #tpu.memory_space<vmem>>
      %dma_start3A_1025 = arith.constant 0 : i32
      %dma_start3A_1026 = tpu.memref_slice %arg11[%dma_start3A_1025] : memref<100352xf32, #tpu.memory_space<vmem_shared>> -> memref<100352xf32, #tpu.memory_space<vmem_shared>>
      tpu.enqueue_indirect_dma source(%arg8 : memref<128xf32, #tpu.memory_space<vmem>>) target(%dma_start3A_1026 : memref<100352xf32, #tpu.memory_space<vmem_shared>>) offsets(%dma_start3A_1024 : memref<128xi32, #tpu.memory_space<vmem>>) semaphore(%run_scoped3A_1022 : memref<!tpu.dma_semaphore, #tpu.memory_space<semaphore_mem>>) {add = true}
      %dma_wait3A = arith.constant 0 : i32
      %dma_wait3A_1027 = tpu.memref_slice %arg6[%run_scoped3A_583, %dma_wait3A] : memref<8x128xi32, #tpu.memory_space<vmem>> -> memref<1x128xi32, #tpu.memory_space<vmem>>
      %dma_wait3A_1028 = tpu.memref_squeeze %dma_wait3A_1027 : memref<1x128xi32, #tpu.memory_space<vmem>> -> memref<128xi32, #tpu.memory_space<vmem>>
      %dma_wait3A_1029 = arith.constant 0 : i32
      %dma_wait3A_1030 = tpu.memref_slice %arg11[%dma_wait3A_1029] : memref<100352xf32, #tpu.memory_space<vmem_shared>> -> memref<100352xf32, #tpu.memory_space<vmem_shared>>
      tpu.wait_indirect_dma semaphore(%run_scoped3A_1022 : memref<!tpu.dma_semaphore, #tpu.memory_space<semaphore_mem>>) src(%arg8 : memref<128xf32, #tpu.memory_space<vmem>>) dst(%dma_wait3A_1030 : memref<100352xf32, #tpu.memory_space<vmem_shared>>)
      tpu.yield
    }) : () -> ()
    %run_scoped3A_584 = arith.constant 2 : i32
    "tpu.region"() ({
      %run_scoped3A_1022 = tpu.sem_alloc : memref<!tpu.dma_semaphore, #tpu.memory_space<semaphore_mem>>
      %dma_start3A = arith.constant 0 : i32
      %dma_start3A_1023 = tpu.memref_slice %arg6[%run_scoped3A_584, %dma_start3A] : memref<8x128xi32, #tpu.memory_space<vmem>> -> memref<1x128xi32, #tpu.memory_space<vmem>>
      %dma_start3A_1024 = tpu.memref_squeeze %dma_start3A_1023 : memref<1x128xi32, #tpu.memory_space<vmem>> -> memref<128xi32, #tpu.memory_space<vmem>>
      %dma_start3A_1025 = arith.constant 0 : i32
      %dma_start3A_1026 = tpu.memref_slice %arg11[%dma_start3A_1025] : memref<100352xf32, #tpu.memory_space<vmem_shared>> -> memref<100352xf32, #tpu.memory_space<vmem_shared>>
      tpu.enqueue_indirect_dma source(%arg8 : memref<128xf32, #tpu.memory_space<vmem>>) target(%dma_start3A_1026 : memref<100352xf32, #tpu.memory_space<vmem_shared>>) offsets(%dma_start3A_1024 : memref<128xi32, #tpu.memory_space<vmem>>) semaphore(%run_scoped3A_1022 : memref<!tpu.dma_semaphore, #tpu.memory_space<semaphore_mem>>) {add = true}
      %dma_wait3A = arith.constant 0 : i32
      %dma_wait3A_1027 = tpu.memref_slice %arg6[%run_scoped3A_584, %dma_wait3A] : memref<8x128xi32, #tpu.memory_space<vmem>> -> memref<1x128xi32, #tpu.memory_space<vmem>>
      %dma_wait3A_1028 = tpu.memref_squeeze %dma_wait3A_1027 : memref<1x128xi32, #tpu.memory_space<vmem>> -> memref<128xi32, #tpu.memory_space<vmem>>
      %dma_wait3A_1029 = arith.constant 0 : i32
      %dma_wait3A_1030 = tpu.memref_slice %arg11[%dma_wait3A_1029] : memref<100352xf32, #tpu.memory_space<vmem_shared>> -> memref<100352xf32, #tpu.memory_space<vmem_shared>>
      tpu.wait_indirect_dma semaphore(%run_scoped3A_1022 : memref<!tpu.dma_semaphore, #tpu.memory_space<semaphore_mem>>) src(%arg8 : memref<128xf32, #tpu.memory_space<vmem>>) dst(%dma_wait3A_1030 : memref<100352xf32, #tpu.memory_space<vmem_shared>>)
      tpu.yield
    }) : () -> ()
    %run_scoped3A_585 = arith.constant 3 : i32
    "tpu.region"() ({
      %run_scoped3A_1022 = tpu.sem_alloc : memref<!tpu.dma_semaphore, #tpu.memory_space<semaphore_mem>>
      %dma_start3A = arith.constant 0 : i32
      %dma_start3A_1023 = tpu.memref_slice %arg6[%run_scoped3A_585, %dma_start3A] : memref<8x128xi32, #tpu.memory_space<vmem>> -> memref<1x128xi32, #tpu.memory_space<vmem>>
      %dma_start3A_1024 = tpu.memref_squeeze %dma_start3A_1023 : memref<1x128xi32, #tpu.memory_space<vmem>> -> memref<128xi32, #tpu.memory_space<vmem>>
      %dma_start3A_1025 = arith.constant 0 : i32
      %dma_start3A_1026 = tpu.memref_slice %arg11[%dma_start3A_1025] : memref<100352xf32, #tpu.memory_space<vmem_shared>> -> memref<100352xf32, #tpu.memory_space<vmem_shared>>
      tpu.enqueue_indirect_dma source(%arg8 : memref<128xf32, #tpu.memory_space<vmem>>) target(%dma_start3A_1026 : memref<100352xf32, #tpu.memory_space<vmem_shared>>) offsets(%dma_start3A_1024 : memref<128xi32, #tpu.memory_space<vmem>>) semaphore(%run_scoped3A_1022 : memref<!tpu.dma_semaphore, #tpu.memory_space<semaphore_mem>>) {add = true}
      %dma_wait3A = arith.constant 0 : i32
      %dma_wait3A_1027 = tpu.memref_slice %arg6[%run_scoped3A_585, %dma_wait3A] : memref<8x128xi32, #tpu.memory_space<vmem>> -> memref<1x128xi32, #tpu.memory_space<vmem>>
      %dma_wait3A_1028 = tpu.memref_squeeze %dma_wait3A_1027 : memref<1x128xi32, #tpu.memory_space<vmem>> -> memref<128xi32, #tpu.memory_space<vmem>>
      %dma_wait3A_1029 = arith.constant 0 : i32
      %dma_wait3A_1030 = tpu.memref_slice %arg11[%dma_wait3A_1029] : memref<100352xf32, #tpu.memory_space<vmem_shared>> -> memref<100352xf32, #tpu.memory_space<vmem_shared>>
      tpu.wait_indirect_dma semaphore(%run_scoped3A_1022 : memref<!tpu.dma_semaphore, #tpu.memory_space<semaphore_mem>>) src(%arg8 : memref<128xf32, #tpu.memory_space<vmem>>) dst(%dma_wait3A_1030 : memref<100352xf32, #tpu.memory_space<vmem_shared>>)
      tpu.yield
    }) : () -> ()
    %run_scoped3A_586 = arith.constant 4 : i32
    "tpu.region"() ({
      %run_scoped3A_1022 = tpu.sem_alloc : memref<!tpu.dma_semaphore, #tpu.memory_space<semaphore_mem>>
      %dma_start3A = arith.constant 0 : i32
      %dma_start3A_1023 = tpu.memref_slice %arg6[%run_scoped3A_586, %dma_start3A] : memref<8x128xi32, #tpu.memory_space<vmem>> -> memref<1x128xi32, #tpu.memory_space<vmem>>
      %dma_start3A_1024 = tpu.memref_squeeze %dma_start3A_1023 : memref<1x128xi32, #tpu.memory_space<vmem>> -> memref<128xi32, #tpu.memory_space<vmem>>
      %dma_start3A_1025 = arith.constant 0 : i32
      %dma_start3A_1026 = tpu.memref_slice %arg11[%dma_start3A_1025] : memref<100352xf32, #tpu.memory_space<vmem_shared>> -> memref<100352xf32, #tpu.memory_space<vmem_shared>>
      tpu.enqueue_indirect_dma source(%arg8 : memref<128xf32, #tpu.memory_space<vmem>>) target(%dma_start3A_1026 : memref<100352xf32, #tpu.memory_space<vmem_shared>>) offsets(%dma_start3A_1024 : memref<128xi32, #tpu.memory_space<vmem>>) semaphore(%run_scoped3A_1022 : memref<!tpu.dma_semaphore, #tpu.memory_space<semaphore_mem>>) {add = true}
      %dma_wait3A = arith.constant 0 : i32
      %dma_wait3A_1027 = tpu.memref_slice %arg6[%run_scoped3A_586, %dma_wait3A] : memref<8x128xi32, #tpu.memory_space<vmem>> -> memref<1x128xi32, #tpu.memory_space<vmem>>
      %dma_wait3A_1028 = tpu.memref_squeeze %dma_wait3A_1027 : memref<1x128xi32, #tpu.memory_space<vmem>> -> memref<128xi32, #tpu.memory_space<vmem>>
      %dma_wait3A_1029 = arith.constant 0 : i32
      %dma_wait3A_1030 = tpu.memref_slice %arg11[%dma_wait3A_1029] : memref<100352xf32, #tpu.memory_space<vmem_shared>> -> memref<100352xf32, #tpu.memory_space<vmem_shared>>
      tpu.wait_indirect_dma semaphore(%run_scoped3A_1022 : memref<!tpu.dma_semaphore, #tpu.memory_space<semaphore_mem>>) src(%arg8 : memref<128xf32, #tpu.memory_space<vmem>>) dst(%dma_wait3A_1030 : memref<100352xf32, #tpu.memory_space<vmem_shared>>)
      tpu.yield
    }) : () -> ()
    %run_scoped3A_587 = arith.constant 5 : i32
    "tpu.region"() ({
      %run_scoped3A_1022 = tpu.sem_alloc : memref<!tpu.dma_semaphore, #tpu.memory_space<semaphore_mem>>
      %dma_start3A = arith.constant 0 : i32
      %dma_start3A_1023 = tpu.memref_slice %arg6[%run_scoped3A_587, %dma_start3A] : memref<8x128xi32, #tpu.memory_space<vmem>> -> memref<1x128xi32, #tpu.memory_space<vmem>>
      %dma_start3A_1024 = tpu.memref_squeeze %dma_start3A_1023 : memref<1x128xi32, #tpu.memory_space<vmem>> -> memref<128xi32, #tpu.memory_space<vmem>>
      %dma_start3A_1025 = arith.constant 0 : i32
      %dma_start3A_1026 = tpu.memref_slice %arg11[%dma_start3A_1025] : memref<100352xf32, #tpu.memory_space<vmem_shared>> -> memref<100352xf32, #tpu.memory_space<vmem_shared>>
      tpu.enqueue_indirect_dma source(%arg8 : memref<128xf32, #tpu.memory_space<vmem>>) target(%dma_start3A_1026 : memref<100352xf32, #tpu.memory_space<vmem_shared>>) offsets(%dma_start3A_1024 : memref<128xi32, #tpu.memory_space<vmem>>) semaphore(%run_scoped3A_1022 : memref<!tpu.dma_semaphore, #tpu.memory_space<semaphore_mem>>) {add = true}
      %dma_wait3A = arith.constant 0 : i32
      %dma_wait3A_1027 = tpu.memref_slice %arg6[%run_scoped3A_587, %dma_wait3A] : memref<8x128xi32, #tpu.memory_space<vmem>> -> memref<1x128xi32, #tpu.memory_space<vmem>>
      %dma_wait3A_1028 = tpu.memref_squeeze %dma_wait3A_1027 : memref<1x128xi32, #tpu.memory_space<vmem>> -> memref<128xi32, #tpu.memory_space<vmem>>
      %dma_wait3A_1029 = arith.constant 0 : i32
      %dma_wait3A_1030 = tpu.memref_slice %arg11[%dma_wait3A_1029] : memref<100352xf32, #tpu.memory_space<vmem_shared>> -> memref<100352xf32, #tpu.memory_space<vmem_shared>>
      tpu.wait_indirect_dma semaphore(%run_scoped3A_1022 : memref<!tpu.dma_semaphore, #tpu.memory_space<semaphore_mem>>) src(%arg8 : memref<128xf32, #tpu.memory_space<vmem>>) dst(%dma_wait3A_1030 : memref<100352xf32, #tpu.memory_space<vmem_shared>>)
      tpu.yield
    }) : () -> ()
    %run_scoped3A_588 = arith.constant 6 : i32
    "tpu.region"() ({
      %run_scoped3A_1022 = tpu.sem_alloc : memref<!tpu.dma_semaphore, #tpu.memory_space<semaphore_mem>>
      %dma_start3A = arith.constant 0 : i32
      %dma_start3A_1023 = tpu.memref_slice %arg6[%run_scoped3A_588, %dma_start3A] : memref<8x128xi32, #tpu.memory_space<vmem>> -> memref<1x128xi32, #tpu.memory_space<vmem>>
      %dma_start3A_1024 = tpu.memref_squeeze %dma_start3A_1023 : memref<1x128xi32, #tpu.memory_space<vmem>> -> memref<128xi32, #tpu.memory_space<vmem>>
      %dma_start3A_1025 = arith.constant 0 : i32
      %dma_start3A_1026 = tpu.memref_slice %arg11[%dma_start3A_1025] : memref<100352xf32, #tpu.memory_space<vmem_shared>> -> memref<100352xf32, #tpu.memory_space<vmem_shared>>
      tpu.enqueue_indirect_dma source(%arg8 : memref<128xf32, #tpu.memory_space<vmem>>) target(%dma_start3A_1026 : memref<100352xf32, #tpu.memory_space<vmem_shared>>) offsets(%dma_start3A_1024 : memref<128xi32, #tpu.memory_space<vmem>>) semaphore(%run_scoped3A_1022 : memref<!tpu.dma_semaphore, #tpu.memory_space<semaphore_mem>>) {add = true}
      %dma_wait3A = arith.constant 0 : i32
      %dma_wait3A_1027 = tpu.memref_slice %arg6[%run_scoped3A_588, %dma_wait3A] : memref<8x128xi32, #tpu.memory_space<vmem>> -> memref<1x128xi32, #tpu.memory_space<vmem>>
      %dma_wait3A_1028 = tpu.memref_squeeze %dma_wait3A_1027 : memref<1x128xi32, #tpu.memory_space<vmem>> -> memref<128xi32, #tpu.memory_space<vmem>>
      %dma_wait3A_1029 = arith.constant 0 : i32
      %dma_wait3A_1030 = tpu.memref_slice %arg11[%dma_wait3A_1029] : memref<100352xf32, #tpu.memory_space<vmem_shared>> -> memref<100352xf32, #tpu.memory_space<vmem_shared>>
      tpu.wait_indirect_dma semaphore(%run_scoped3A_1022 : memref<!tpu.dma_semaphore, #tpu.memory_space<semaphore_mem>>) src(%arg8 : memref<128xf32, #tpu.memory_space<vmem>>) dst(%dma_wait3A_1030 : memref<100352xf32, #tpu.memory_space<vmem_shared>>)
      tpu.yield
    }) : () -> ()
    %run_scoped3A_589 = arith.constant 7 : i32
    "tpu.region"() ({
      %run_scoped3A_1022 = tpu.sem_alloc : memref<!tpu.dma_semaphore, #tpu.memory_space<semaphore_mem>>
      %dma_start3A = arith.constant 0 : i32
      %dma_start3A_1023 = tpu.memref_slice %arg6[%run_scoped3A_589, %dma_start3A] : memref<8x128xi32, #tpu.memory_space<vmem>> -> memref<1x128xi32, #tpu.memory_space<vmem>>
      %dma_start3A_1024 = tpu.memref_squeeze %dma_start3A_1023 : memref<1x128xi32, #tpu.memory_space<vmem>> -> memref<128xi32, #tpu.memory_space<vmem>>
      %dma_start3A_1025 = arith.constant 0 : i32
      %dma_start3A_1026 = tpu.memref_slice %arg11[%dma_start3A_1025] : memref<100352xf32, #tpu.memory_space<vmem_shared>> -> memref<100352xf32, #tpu.memory_space<vmem_shared>>
      tpu.enqueue_indirect_dma source(%arg8 : memref<128xf32, #tpu.memory_space<vmem>>) target(%dma_start3A_1026 : memref<100352xf32, #tpu.memory_space<vmem_shared>>) offsets(%dma_start3A_1024 : memref<128xi32, #tpu.memory_space<vmem>>) semaphore(%run_scoped3A_1022 : memref<!tpu.dma_semaphore, #tpu.memory_space<semaphore_mem>>) {add = true}
      %dma_wait3A = arith.constant 0 : i32
      %dma_wait3A_1027 = tpu.memref_slice %arg6[%run_scoped3A_589, %dma_wait3A] : memref<8x128xi32, #tpu.memory_space<vmem>> -> memref<1x128xi32, #tpu.memory_space<vmem>>
      %dma_wait3A_1028 = tpu.memref_squeeze %dma_wait3A_1027 : memref<1x128xi32, #tpu.memory_space<vmem>> -> memref<128xi32, #tpu.memory_space<vmem>>
      %dma_wait3A_1029 = arith.constant 0 : i32
      %dma_wait3A_1030 = tpu.memref_slice %arg11[%dma_wait3A_1029] : memref<100352xf32, #tpu.memory_space<vmem_shared>> -> memref<100352xf32, #tpu.memory_space<vmem_shared>>
      tpu.wait_indirect_dma semaphore(%run_scoped3A_1022 : memref<!tpu.dma_semaphore, #tpu.memory_space<semaphore_mem>>) src(%arg8 : memref<128xf32, #tpu.memory_space<vmem>>) dst(%dma_wait3A_1030 : memref<100352xf32, #tpu.memory_space<vmem_shared>>)
      tpu.yield
    }) : () -> ()
    %barrier3A_590 = arith.constant 0 : index
    tpu.barrier barrier_id(%barrier3A_590)
    %mul3A_591 = arith.constant 4 : i32
    %mul3A_592 = arith.muli %arg0, %mul3A_591 : i32
    %add3A_593 = arith.constant 0 : i32
    %add3A_594 = arith.addi %mul3A_592, %add3A_593 : i32
    "tpu.region"() ({
      %run_scoped3A_1022 = tpu.sem_alloc : memref<!tpu.dma_semaphore, #tpu.memory_space<semaphore_mem>>
      %dma_start3A = arith.constant 0 : i32
      %dma_start3A_1023 = tpu.memref_slice %arg9[%dma_start3A] : memref<512xf32, #tpu.memory_space<vmem>> -> memref<128xf32, #tpu.memory_space<vmem>>
      %dma_start3A_1024 = arith.constant 0 : i32
      %dma_start3A_1025 = tpu.memref_slice %arg6[%add3A_594, %dma_start3A_1024] : memref<8x128xi32, #tpu.memory_space<vmem>> -> memref<1x128xi32, #tpu.memory_space<vmem>>
      %dma_start3A_1026 = tpu.memref_squeeze %dma_start3A_1025 : memref<1x128xi32, #tpu.memory_space<vmem>> -> memref<128xi32, #tpu.memory_space<vmem>>
      %dma_start3A_1027 = arith.constant 0 : i32
      %dma_start3A_1028 = tpu.memref_slice %arg11[%dma_start3A_1027] : memref<100352xf32, #tpu.memory_space<vmem_shared>> -> memref<100352xf32, #tpu.memory_space<vmem_shared>>
      tpu.enqueue_indirect_dma source(%dma_start3A_1028 : memref<100352xf32, #tpu.memory_space<vmem_shared>>) target(%dma_start3A_1023 : memref<128xf32, #tpu.memory_space<vmem>>) offsets(%dma_start3A_1026 : memref<128xi32, #tpu.memory_space<vmem>>) semaphore(%run_scoped3A_1022 : memref<!tpu.dma_semaphore, #tpu.memory_space<semaphore_mem>>)
      %dma_wait3A = arith.constant 0 : i32
      %dma_wait3A_1029 = tpu.memref_slice %arg9[%dma_wait3A] : memref<512xf32, #tpu.memory_space<vmem>> -> memref<128xf32, #tpu.memory_space<vmem>>
      %dma_wait3A_1030 = arith.constant 0 : i32
      %dma_wait3A_1031 = tpu.memref_slice %arg6[%add3A_594, %dma_wait3A_1030] : memref<8x128xi32, #tpu.memory_space<vmem>> -> memref<1x128xi32, #tpu.memory_space<vmem>>
      %dma_wait3A_1032 = tpu.memref_squeeze %dma_wait3A_1031 : memref<1x128xi32, #tpu.memory_space<vmem>> -> memref<128xi32, #tpu.memory_space<vmem>>
      %dma_wait3A_1033 = arith.constant 0 : i32
      %dma_wait3A_1034 = tpu.memref_slice %arg11[%dma_wait3A_1033] : memref<100352xf32, #tpu.memory_space<vmem_shared>> -> memref<100352xf32, #tpu.memory_space<vmem_shared>>
      tpu.wait_indirect_dma semaphore(%run_scoped3A_1022 : memref<!tpu.dma_semaphore, #tpu.memory_space<semaphore_mem>>) src(%dma_wait3A_1034 : memref<100352xf32, #tpu.memory_space<vmem_shared>>) dst(%dma_wait3A_1029 : memref<128xf32, #tpu.memory_space<vmem>>)
      tpu.yield
    }) : () -> ()
    %mul3A_595 = arith.constant 4 : i32
    %mul3A_596 = arith.muli %arg0, %mul3A_595 : i32
    %add3A_597 = arith.constant 1 : i32
    %add3A_598 = arith.addi %mul3A_596, %add3A_597 : i32
    "tpu.region"() ({
      %run_scoped3A_1022 = tpu.sem_alloc : memref<!tpu.dma_semaphore, #tpu.memory_space<semaphore_mem>>
      %dma_start3A = arith.constant 128 : i32
      %dma_start3A_1023 = tpu.memref_slice %arg9[%dma_start3A] : memref<512xf32, #tpu.memory_space<vmem>> -> memref<128xf32, #tpu.memory_space<vmem>>
      %dma_start3A_1024 = arith.constant 0 : i32
      %dma_start3A_1025 = tpu.memref_slice %arg6[%add3A_598, %dma_start3A_1024] : memref<8x128xi32, #tpu.memory_space<vmem>> -> memref<1x128xi32, #tpu.memory_space<vmem>>
      %dma_start3A_1026 = tpu.memref_squeeze %dma_start3A_1025 : memref<1x128xi32, #tpu.memory_space<vmem>> -> memref<128xi32, #tpu.memory_space<vmem>>
      %dma_start3A_1027 = arith.constant 0 : i32
      %dma_start3A_1028 = tpu.memref_slice %arg11[%dma_start3A_1027] : memref<100352xf32, #tpu.memory_space<vmem_shared>> -> memref<100352xf32, #tpu.memory_space<vmem_shared>>
      tpu.enqueue_indirect_dma source(%dma_start3A_1028 : memref<100352xf32, #tpu.memory_space<vmem_shared>>) target(%dma_start3A_1023 : memref<128xf32, #tpu.memory_space<vmem>>) offsets(%dma_start3A_1026 : memref<128xi32, #tpu.memory_space<vmem>>) semaphore(%run_scoped3A_1022 : memref<!tpu.dma_semaphore, #tpu.memory_space<semaphore_mem>>)
      %dma_wait3A = arith.constant 128 : i32
      %dma_wait3A_1029 = tpu.memref_slice %arg9[%dma_wait3A] : memref<512xf32, #tpu.memory_space<vmem>> -> memref<128xf32, #tpu.memory_space<vmem>>
      %dma_wait3A_1030 = arith.constant 0 : i32
      %dma_wait3A_1031 = tpu.memref_slice %arg6[%add3A_598, %dma_wait3A_1030] : memref<8x128xi32, #tpu.memory_space<vmem>> -> memref<1x128xi32, #tpu.memory_space<vmem>>
      %dma_wait3A_1032 = tpu.memref_squeeze %dma_wait3A_1031 : memref<1x128xi32, #tpu.memory_space<vmem>> -> memref<128xi32, #tpu.memory_space<vmem>>
      %dma_wait3A_1033 = arith.constant 0 : i32
      %dma_wait3A_1034 = tpu.memref_slice %arg11[%dma_wait3A_1033] : memref<100352xf32, #tpu.memory_space<vmem_shared>> -> memref<100352xf32, #tpu.memory_space<vmem_shared>>
      tpu.wait_indirect_dma semaphore(%run_scoped3A_1022 : memref<!tpu.dma_semaphore, #tpu.memory_space<semaphore_mem>>) src(%dma_wait3A_1034 : memref<100352xf32, #tpu.memory_space<vmem_shared>>) dst(%dma_wait3A_1029 : memref<128xf32, #tpu.memory_space<vmem>>)
      tpu.yield
    }) : () -> ()
    %mul3A_599 = arith.constant 4 : i32
    %mul3A_600 = arith.muli %arg0, %mul3A_599 : i32
    %add3A_601 = arith.constant 2 : i32
    %add3A_602 = arith.addi %mul3A_600, %add3A_601 : i32
    "tpu.region"() ({
      %run_scoped3A_1022 = tpu.sem_alloc : memref<!tpu.dma_semaphore, #tpu.memory_space<semaphore_mem>>
      %dma_start3A = arith.constant 256 : i32
      %dma_start3A_1023 = tpu.memref_slice %arg9[%dma_start3A] : memref<512xf32, #tpu.memory_space<vmem>> -> memref<128xf32, #tpu.memory_space<vmem>>
      %dma_start3A_1024 = arith.constant 0 : i32
      %dma_start3A_1025 = tpu.memref_slice %arg6[%add3A_602, %dma_start3A_1024] : memref<8x128xi32, #tpu.memory_space<vmem>> -> memref<1x128xi32, #tpu.memory_space<vmem>>
      %dma_start3A_1026 = tpu.memref_squeeze %dma_start3A_1025 : memref<1x128xi32, #tpu.memory_space<vmem>> -> memref<128xi32, #tpu.memory_space<vmem>>
      %dma_start3A_1027 = arith.constant 0 : i32
      %dma_start3A_1028 = tpu.memref_slice %arg11[%dma_start3A_1027] : memref<100352xf32, #tpu.memory_space<vmem_shared>> -> memref<100352xf32, #tpu.memory_space<vmem_shared>>
      tpu.enqueue_indirect_dma source(%dma_start3A_1028 : memref<100352xf32, #tpu.memory_space<vmem_shared>>) target(%dma_start3A_1023 : memref<128xf32, #tpu.memory_space<vmem>>) offsets(%dma_start3A_1026 : memref<128xi32, #tpu.memory_space<vmem>>) semaphore(%run_scoped3A_1022 : memref<!tpu.dma_semaphore, #tpu.memory_space<semaphore_mem>>)
      %dma_wait3A = arith.constant 256 : i32
      %dma_wait3A_1029 = tpu.memref_slice %arg9[%dma_wait3A] : memref<512xf32, #tpu.memory_space<vmem>> -> memref<128xf32, #tpu.memory_space<vmem>>
      %dma_wait3A_1030 = arith.constant 0 : i32
      %dma_wait3A_1031 = tpu.memref_slice %arg6[%add3A_602, %dma_wait3A_1030] : memref<8x128xi32, #tpu.memory_space<vmem>> -> memref<1x128xi32, #tpu.memory_space<vmem>>
      %dma_wait3A_1032 = tpu.memref_squeeze %dma_wait3A_1031 : memref<1x128xi32, #tpu.memory_space<vmem>> -> memref<128xi32, #tpu.memory_space<vmem>>
      %dma_wait3A_1033 = arith.constant 0 : i32
      %dma_wait3A_1034 = tpu.memref_slice %arg11[%dma_wait3A_1033] : memref<100352xf32, #tpu.memory_space<vmem_shared>> -> memref<100352xf32, #tpu.memory_space<vmem_shared>>
      tpu.wait_indirect_dma semaphore(%run_scoped3A_1022 : memref<!tpu.dma_semaphore, #tpu.memory_space<semaphore_mem>>) src(%dma_wait3A_1034 : memref<100352xf32, #tpu.memory_space<vmem_shared>>) dst(%dma_wait3A_1029 : memref<128xf32, #tpu.memory_space<vmem>>)
      tpu.yield
    }) : () -> ()
    %mul3A_603 = arith.constant 4 : i32
    %mul3A_604 = arith.muli %arg0, %mul3A_603 : i32
    %add3A_605 = arith.constant 3 : i32
    %add3A_606 = arith.addi %mul3A_604, %add3A_605 : i32
    "tpu.region"() ({
      %run_scoped3A_1022 = tpu.sem_alloc : memref<!tpu.dma_semaphore, #tpu.memory_space<semaphore_mem>>
      %dma_start3A = arith.constant 384 : i32
      %dma_start3A_1023 = tpu.memref_slice %arg9[%dma_start3A] : memref<512xf32, #tpu.memory_space<vmem>> -> memref<128xf32, #tpu.memory_space<vmem>>
      %dma_start3A_1024 = arith.constant 0 : i32
      %dma_start3A_1025 = tpu.memref_slice %arg6[%add3A_606, %dma_start3A_1024] : memref<8x128xi32, #tpu.memory_space<vmem>> -> memref<1x128xi32, #tpu.memory_space<vmem>>
      %dma_start3A_1026 = tpu.memref_squeeze %dma_start3A_1025 : memref<1x128xi32, #tpu.memory_space<vmem>> -> memref<128xi32, #tpu.memory_space<vmem>>
      %dma_start3A_1027 = arith.constant 0 : i32
      %dma_start3A_1028 = tpu.memref_slice %arg11[%dma_start3A_1027] : memref<100352xf32, #tpu.memory_space<vmem_shared>> -> memref<100352xf32, #tpu.memory_space<vmem_shared>>
      tpu.enqueue_indirect_dma source(%dma_start3A_1028 : memref<100352xf32, #tpu.memory_space<vmem_shared>>) target(%dma_start3A_1023 : memref<128xf32, #tpu.memory_space<vmem>>) offsets(%dma_start3A_1026 : memref<128xi32, #tpu.memory_space<vmem>>) semaphore(%run_scoped3A_1022 : memref<!tpu.dma_semaphore, #tpu.memory_space<semaphore_mem>>)
      %dma_wait3A = arith.constant 384 : i32
      %dma_wait3A_1029 = tpu.memref_slice %arg9[%dma_wait3A] : memref<512xf32, #tpu.memory_space<vmem>> -> memref<128xf32, #tpu.memory_space<vmem>>
      %dma_wait3A_1030 = arith.constant 0 : i32
      %dma_wait3A_1031 = tpu.memref_slice %arg6[%add3A_606, %dma_wait3A_1030] : memref<8x128xi32, #tpu.memory_space<vmem>> -> memref<1x128xi32, #tpu.memory_space<vmem>>
      %dma_wait3A_1032 = tpu.memref_squeeze %dma_wait3A_1031 : memref<1x128xi32, #tpu.memory_space<vmem>> -> memref<128xi32, #tpu.memory_space<vmem>>
      %dma_wait3A_1033 = arith.constant 0 : i32
      %dma_wait3A_1034 = tpu.memref_slice %arg11[%dma_wait3A_1033] : memref<100352xf32, #tpu.memory_space<vmem_shared>> -> memref<100352xf32, #tpu.memory_space<vmem_shared>>
      tpu.wait_indirect_dma semaphore(%run_scoped3A_1022 : memref<!tpu.dma_semaphore, #tpu.memory_space<semaphore_mem>>) src(%dma_wait3A_1034 : memref<100352xf32, #tpu.memory_space<vmem_shared>>) dst(%dma_wait3A_1029 : memref<128xf32, #tpu.memory_space<vmem>>)
      tpu.yield
    }) : () -> ()
    %get3A_607 = arith.constant 0 : index
    %get3A_608 = tpu.vector_load %arg9[%get3A_607] {strides = array<i32>} : memref<512xf32, #tpu.memory_space<vmem>>, vector<16xf32>,
    %get3A_609 = vector.shape_cast %get3A_608 : vector<16xf32> to vector<16xf32>
    %add3A_610 = arith.constant 1.000000e+00 : f32
    %add3A_611 = vector.broadcast %add3A_610 : f32 to vector<16xf32>
    %add3A_612 = arith.addf %get3A_609, %add3A_611 : vector<16xf32>
    %div3A = arith.constant 5.000000e-01 : f32
    %div3A_613 = vector.broadcast %div3A : f32 to vector<16xf32>
    %div3A_614 = arith.divf %div3A_613, %add3A_612 : vector<16xf32>
    %swap3A_615 = arith.constant 0 : index
    %swap3A_616 = tpu.vector_load %arg10[%swap3A_615] {strides = array<i32>} : memref<512xf32, #tpu.memory_space<vmem>>, vector<16xf32>,
    %swap3A_617 = vector.shape_cast %swap3A_616 : vector<16xf32> to vector<16xf32>
    %swap3A_618 = vector.shape_cast %div3A_614 : vector<16xf32> to vector<16xf32>
    tpu.vector_store %arg10[%swap3A_615], %swap3A_618 {strides = array<i32>} : memref<512xf32, #tpu.memory_space<vmem>>, vector<16xf32>,
    %get3A_619 = arith.constant 16 : index
    %get3A_620 = tpu.vector_load %arg9[%get3A_619] {strides = array<i32>} : memref<512xf32, #tpu.memory_space<vmem>>, vector<16xf32>,
    %get3A_621 = vector.shape_cast %get3A_620 : vector<16xf32> to vector<16xf32>
    %add3A_622 = arith.constant 1.000000e+00 : f32
    %add3A_623 = vector.broadcast %add3A_622 : f32 to vector<16xf32>
    %add3A_624 = arith.addf %get3A_621, %add3A_623 : vector<16xf32>
    %div3A_625 = arith.constant 5.000000e-01 : f32
    %div3A_626 = vector.broadcast %div3A_625 : f32 to vector<16xf32>
    %div3A_627 = arith.divf %div3A_626, %add3A_624 : vector<16xf32>
    %swap3A_628 = arith.constant 16 : index
    %swap3A_629 = tpu.vector_load %arg10[%swap3A_628] {strides = array<i32>} : memref<512xf32, #tpu.memory_space<vmem>>, vector<16xf32>,
    %swap3A_630 = vector.shape_cast %swap3A_629 : vector<16xf32> to vector<16xf32>
    %swap3A_631 = vector.shape_cast %div3A_627 : vector<16xf32> to vector<16xf32>
    tpu.vector_store %arg10[%swap3A_628], %swap3A_631 {strides = array<i32>} : memref<512xf32, #tpu.memory_space<vmem>>, vector<16xf32>,
    %get3A_632 = arith.constant 32 : index
    %get3A_633 = tpu.vector_load %arg9[%get3A_632] {strides = array<i32>} : memref<512xf32, #tpu.memory_space<vmem>>, vector<16xf32>,
    %get3A_634 = vector.shape_cast %get3A_633 : vector<16xf32> to vector<16xf32>
    %add3A_635 = arith.constant 1.000000e+00 : f32
    %add3A_636 = vector.broadcast %add3A_635 : f32 to vector<16xf32>
    %add3A_637 = arith.addf %get3A_634, %add3A_636 : vector<16xf32>
    %div3A_638 = arith.constant 5.000000e-01 : f32
    %div3A_639 = vector.broadcast %div3A_638 : f32 to vector<16xf32>
    %div3A_640 = arith.divf %div3A_639, %add3A_637 : vector<16xf32>
    %swap3A_641 = arith.constant 32 : index
    %swap3A_642 = tpu.vector_load %arg10[%swap3A_641] {strides = array<i32>} : memref<512xf32, #tpu.memory_space<vmem>>, vector<16xf32>,
    %swap3A_643 = vector.shape_cast %swap3A_642 : vector<16xf32> to vector<16xf32>
    %swap3A_644 = vector.shape_cast %div3A_640 : vector<16xf32> to vector<16xf32>
    tpu.vector_store %arg10[%swap3A_641], %swap3A_644 {strides = array<i32>} : memref<512xf32, #tpu.memory_space<vmem>>, vector<16xf32>,
    %get3A_645 = arith.constant 48 : index
    %get3A_646 = tpu.vector_load %arg9[%get3A_645] {strides = array<i32>} : memref<512xf32, #tpu.memory_space<vmem>>, vector<16xf32>,
    %get3A_647 = vector.shape_cast %get3A_646 : vector<16xf32> to vector<16xf32>
    %add3A_648 = arith.constant 1.000000e+00 : f32
    %add3A_649 = vector.broadcast %add3A_648 : f32 to vector<16xf32>
    %add3A_650 = arith.addf %get3A_647, %add3A_649 : vector<16xf32>
    %div3A_651 = arith.constant 5.000000e-01 : f32
    %div3A_652 = vector.broadcast %div3A_651 : f32 to vector<16xf32>
    %div3A_653 = arith.divf %div3A_652, %add3A_650 : vector<16xf32>
    %swap3A_654 = arith.constant 48 : index
    %swap3A_655 = tpu.vector_load %arg10[%swap3A_654] {strides = array<i32>} : memref<512xf32, #tpu.memory_space<vmem>>, vector<16xf32>,
    %swap3A_656 = vector.shape_cast %swap3A_655 : vector<16xf32> to vector<16xf32>
    %swap3A_657 = vector.shape_cast %div3A_653 : vector<16xf32> to vector<16xf32>
    tpu.vector_store %arg10[%swap3A_654], %swap3A_657 {strides = array<i32>} : memref<512xf32, #tpu.memory_space<vmem>>, vector<16xf32>,
    %get3A_658 = arith.constant 64 : index
    %get3A_659 = tpu.vector_load %arg9[%get3A_658] {strides = array<i32>} : memref<512xf32, #tpu.memory_space<vmem>>, vector<16xf32>,
    %get3A_660 = vector.shape_cast %get3A_659 : vector<16xf32> to vector<16xf32>
    %add3A_661 = arith.constant 1.000000e+00 : f32
    %add3A_662 = vector.broadcast %add3A_661 : f32 to vector<16xf32>
    %add3A_663 = arith.addf %get3A_660, %add3A_662 : vector<16xf32>
    %div3A_664 = arith.constant 5.000000e-01 : f32
    %div3A_665 = vector.broadcast %div3A_664 : f32 to vector<16xf32>
    %div3A_666 = arith.divf %div3A_665, %add3A_663 : vector<16xf32>
    %swap3A_667 = arith.constant 64 : index
    %swap3A_668 = tpu.vector_load %arg10[%swap3A_667] {strides = array<i32>} : memref<512xf32, #tpu.memory_space<vmem>>, vector<16xf32>,
    %swap3A_669 = vector.shape_cast %swap3A_668 : vector<16xf32> to vector<16xf32>
    %swap3A_670 = vector.shape_cast %div3A_666 : vector<16xf32> to vector<16xf32>
    tpu.vector_store %arg10[%swap3A_667], %swap3A_670 {strides = array<i32>} : memref<512xf32, #tpu.memory_space<vmem>>, vector<16xf32>,
    %get3A_671 = arith.constant 80 : index
    %get3A_672 = tpu.vector_load %arg9[%get3A_671] {strides = array<i32>} : memref<512xf32, #tpu.memory_space<vmem>>, vector<16xf32>,
    %get3A_673 = vector.shape_cast %get3A_672 : vector<16xf32> to vector<16xf32>
    %add3A_674 = arith.constant 1.000000e+00 : f32
    %add3A_675 = vector.broadcast %add3A_674 : f32 to vector<16xf32>
    %add3A_676 = arith.addf %get3A_673, %add3A_675 : vector<16xf32>
    %div3A_677 = arith.constant 5.000000e-01 : f32
    %div3A_678 = vector.broadcast %div3A_677 : f32 to vector<16xf32>
    %div3A_679 = arith.divf %div3A_678, %add3A_676 : vector<16xf32>
    %swap3A_680 = arith.constant 80 : index
    %swap3A_681 = tpu.vector_load %arg10[%swap3A_680] {strides = array<i32>} : memref<512xf32, #tpu.memory_space<vmem>>, vector<16xf32>,
    %swap3A_682 = vector.shape_cast %swap3A_681 : vector<16xf32> to vector<16xf32>
    %swap3A_683 = vector.shape_cast %div3A_679 : vector<16xf32> to vector<16xf32>
    tpu.vector_store %arg10[%swap3A_680], %swap3A_683 {strides = array<i32>} : memref<512xf32, #tpu.memory_space<vmem>>, vector<16xf32>,
    %get3A_684 = arith.constant 96 : index
    %get3A_685 = tpu.vector_load %arg9[%get3A_684] {strides = array<i32>} : memref<512xf32, #tpu.memory_space<vmem>>, vector<16xf32>,
    %get3A_686 = vector.shape_cast %get3A_685 : vector<16xf32> to vector<16xf32>
    %add3A_687 = arith.constant 1.000000e+00 : f32
    %add3A_688 = vector.broadcast %add3A_687 : f32 to vector<16xf32>
    %add3A_689 = arith.addf %get3A_686, %add3A_688 : vector<16xf32>
    %div3A_690 = arith.constant 5.000000e-01 : f32
    %div3A_691 = vector.broadcast %div3A_690 : f32 to vector<16xf32>
    %div3A_692 = arith.divf %div3A_691, %add3A_689 : vector<16xf32>
    %swap3A_693 = arith.constant 96 : index
    %swap3A_694 = tpu.vector_load %arg10[%swap3A_693] {strides = array<i32>} : memref<512xf32, #tpu.memory_space<vmem>>, vector<16xf32>,
    %swap3A_695 = vector.shape_cast %swap3A_694 : vector<16xf32> to vector<16xf32>
    %swap3A_696 = vector.shape_cast %div3A_692 : vector<16xf32> to vector<16xf32>
    tpu.vector_store %arg10[%swap3A_693], %swap3A_696 {strides = array<i32>} : memref<512xf32, #tpu.memory_space<vmem>>, vector<16xf32>,
    %get3A_697 = arith.constant 112 : index
    %get3A_698 = tpu.vector_load %arg9[%get3A_697] {strides = array<i32>} : memref<512xf32, #tpu.memory_space<vmem>>, vector<16xf32>,
    %get3A_699 = vector.shape_cast %get3A_698 : vector<16xf32> to vector<16xf32>
    %add3A_700 = arith.constant 1.000000e+00 : f32
    %add3A_701 = vector.broadcast %add3A_700 : f32 to vector<16xf32>
    %add3A_702 = arith.addf %get3A_699, %add3A_701 : vector<16xf32>
    %div3A_703 = arith.constant 5.000000e-01 : f32
    %div3A_704 = vector.broadcast %div3A_703 : f32 to vector<16xf32>
    %div3A_705 = arith.divf %div3A_704, %add3A_702 : vector<16xf32>
    %swap3A_706 = arith.constant 112 : index
    %swap3A_707 = tpu.vector_load %arg10[%swap3A_706] {strides = array<i32>} : memref<512xf32, #tpu.memory_space<vmem>>, vector<16xf32>,
    %swap3A_708 = vector.shape_cast %swap3A_707 : vector<16xf32> to vector<16xf32>
    %swap3A_709 = vector.shape_cast %div3A_705 : vector<16xf32> to vector<16xf32>
    tpu.vector_store %arg10[%swap3A_706], %swap3A_709 {strides = array<i32>} : memref<512xf32, #tpu.memory_space<vmem>>, vector<16xf32>,
    %get3A_710 = arith.constant 128 : index
    %get3A_711 = tpu.vector_load %arg9[%get3A_710] {strides = array<i32>} : memref<512xf32, #tpu.memory_space<vmem>>, vector<16xf32>,
    %get3A_712 = vector.shape_cast %get3A_711 : vector<16xf32> to vector<16xf32>
    %add3A_713 = arith.constant 1.000000e+00 : f32
    %add3A_714 = vector.broadcast %add3A_713 : f32 to vector<16xf32>
    %add3A_715 = arith.addf %get3A_712, %add3A_714 : vector<16xf32>
    %div3A_716 = arith.constant 5.000000e-01 : f32
    %div3A_717 = vector.broadcast %div3A_716 : f32 to vector<16xf32>
    %div3A_718 = arith.divf %div3A_717, %add3A_715 : vector<16xf32>
    %swap3A_719 = arith.constant 128 : index
    %swap3A_720 = tpu.vector_load %arg10[%swap3A_719] {strides = array<i32>} : memref<512xf32, #tpu.memory_space<vmem>>, vector<16xf32>,
    %swap3A_721 = vector.shape_cast %swap3A_720 : vector<16xf32> to vector<16xf32>
    %swap3A_722 = vector.shape_cast %div3A_718 : vector<16xf32> to vector<16xf32>
    tpu.vector_store %arg10[%swap3A_719], %swap3A_722 {strides = array<i32>} : memref<512xf32, #tpu.memory_space<vmem>>, vector<16xf32>,
    %get3A_723 = arith.constant 144 : index
    %get3A_724 = tpu.vector_load %arg9[%get3A_723] {strides = array<i32>} : memref<512xf32, #tpu.memory_space<vmem>>, vector<16xf32>,
    %get3A_725 = vector.shape_cast %get3A_724 : vector<16xf32> to vector<16xf32>
    %add3A_726 = arith.constant 1.000000e+00 : f32
    %add3A_727 = vector.broadcast %add3A_726 : f32 to vector<16xf32>
    %add3A_728 = arith.addf %get3A_725, %add3A_727 : vector<16xf32>
    %div3A_729 = arith.constant 5.000000e-01 : f32
    %div3A_730 = vector.broadcast %div3A_729 : f32 to vector<16xf32>
    %div3A_731 = arith.divf %div3A_730, %add3A_728 : vector<16xf32>
    %swap3A_732 = arith.constant 144 : index
    %swap3A_733 = tpu.vector_load %arg10[%swap3A_732] {strides = array<i32>} : memref<512xf32, #tpu.memory_space<vmem>>, vector<16xf32>,
    %swap3A_734 = vector.shape_cast %swap3A_733 : vector<16xf32> to vector<16xf32>
    %swap3A_735 = vector.shape_cast %div3A_731 : vector<16xf32> to vector<16xf32>
    tpu.vector_store %arg10[%swap3A_732], %swap3A_735 {strides = array<i32>} : memref<512xf32, #tpu.memory_space<vmem>>, vector<16xf32>,
    %get3A_736 = arith.constant 160 : index
    %get3A_737 = tpu.vector_load %arg9[%get3A_736] {strides = array<i32>} : memref<512xf32, #tpu.memory_space<vmem>>, vector<16xf32>,
    %get3A_738 = vector.shape_cast %get3A_737 : vector<16xf32> to vector<16xf32>
    %add3A_739 = arith.constant 1.000000e+00 : f32
    %add3A_740 = vector.broadcast %add3A_739 : f32 to vector<16xf32>
    %add3A_741 = arith.addf %get3A_738, %add3A_740 : vector<16xf32>
    %div3A_742 = arith.constant 5.000000e-01 : f32
    %div3A_743 = vector.broadcast %div3A_742 : f32 to vector<16xf32>
    %div3A_744 = arith.divf %div3A_743, %add3A_741 : vector<16xf32>
    %swap3A_745 = arith.constant 160 : index
    %swap3A_746 = tpu.vector_load %arg10[%swap3A_745] {strides = array<i32>} : memref<512xf32, #tpu.memory_space<vmem>>, vector<16xf32>,
    %swap3A_747 = vector.shape_cast %swap3A_746 : vector<16xf32> to vector<16xf32>
    %swap3A_748 = vector.shape_cast %div3A_744 : vector<16xf32> to vector<16xf32>
    tpu.vector_store %arg10[%swap3A_745], %swap3A_748 {strides = array<i32>} : memref<512xf32, #tpu.memory_space<vmem>>, vector<16xf32>,
    %get3A_749 = arith.constant 176 : index
    %get3A_750 = tpu.vector_load %arg9[%get3A_749] {strides = array<i32>} : memref<512xf32, #tpu.memory_space<vmem>>, vector<16xf32>,
    %get3A_751 = vector.shape_cast %get3A_750 : vector<16xf32> to vector<16xf32>
    %add3A_752 = arith.constant 1.000000e+00 : f32
    %add3A_753 = vector.broadcast %add3A_752 : f32 to vector<16xf32>
    %add3A_754 = arith.addf %get3A_751, %add3A_753 : vector<16xf32>
    %div3A_755 = arith.constant 5.000000e-01 : f32
    %div3A_756 = vector.broadcast %div3A_755 : f32 to vector<16xf32>
    %div3A_757 = arith.divf %div3A_756, %add3A_754 : vector<16xf32>
    %swap3A_758 = arith.constant 176 : index
    %swap3A_759 = tpu.vector_load %arg10[%swap3A_758] {strides = array<i32>} : memref<512xf32, #tpu.memory_space<vmem>>, vector<16xf32>,
    %swap3A_760 = vector.shape_cast %swap3A_759 : vector<16xf32> to vector<16xf32>
    %swap3A_761 = vector.shape_cast %div3A_757 : vector<16xf32> to vector<16xf32>
    tpu.vector_store %arg10[%swap3A_758], %swap3A_761 {strides = array<i32>} : memref<512xf32, #tpu.memory_space<vmem>>, vector<16xf32>,
    %get3A_762 = arith.constant 192 : index
    %get3A_763 = tpu.vector_load %arg9[%get3A_762] {strides = array<i32>} : memref<512xf32, #tpu.memory_space<vmem>>, vector<16xf32>,
    %get3A_764 = vector.shape_cast %get3A_763 : vector<16xf32> to vector<16xf32>
    %add3A_765 = arith.constant 1.000000e+00 : f32
    %add3A_766 = vector.broadcast %add3A_765 : f32 to vector<16xf32>
    %add3A_767 = arith.addf %get3A_764, %add3A_766 : vector<16xf32>
    %div3A_768 = arith.constant 5.000000e-01 : f32
    %div3A_769 = vector.broadcast %div3A_768 : f32 to vector<16xf32>
    %div3A_770 = arith.divf %div3A_769, %add3A_767 : vector<16xf32>
    %swap3A_771 = arith.constant 192 : index
    %swap3A_772 = tpu.vector_load %arg10[%swap3A_771] {strides = array<i32>} : memref<512xf32, #tpu.memory_space<vmem>>, vector<16xf32>,
    %swap3A_773 = vector.shape_cast %swap3A_772 : vector<16xf32> to vector<16xf32>
    %swap3A_774 = vector.shape_cast %div3A_770 : vector<16xf32> to vector<16xf32>
    tpu.vector_store %arg10[%swap3A_771], %swap3A_774 {strides = array<i32>} : memref<512xf32, #tpu.memory_space<vmem>>, vector<16xf32>,
    %get3A_775 = arith.constant 208 : index
    %get3A_776 = tpu.vector_load %arg9[%get3A_775] {strides = array<i32>} : memref<512xf32, #tpu.memory_space<vmem>>, vector<16xf32>,
    %get3A_777 = vector.shape_cast %get3A_776 : vector<16xf32> to vector<16xf32>
    %add3A_778 = arith.constant 1.000000e+00 : f32
    %add3A_779 = vector.broadcast %add3A_778 : f32 to vector<16xf32>
    %add3A_780 = arith.addf %get3A_777, %add3A_779 : vector<16xf32>
    %div3A_781 = arith.constant 5.000000e-01 : f32
    %div3A_782 = vector.broadcast %div3A_781 : f32 to vector<16xf32>
    %div3A_783 = arith.divf %div3A_782, %add3A_780 : vector<16xf32>
    %swap3A_784 = arith.constant 208 : index
    %swap3A_785 = tpu.vector_load %arg10[%swap3A_784] {strides = array<i32>} : memref<512xf32, #tpu.memory_space<vmem>>, vector<16xf32>,
    %swap3A_786 = vector.shape_cast %swap3A_785 : vector<16xf32> to vector<16xf32>
    %swap3A_787 = vector.shape_cast %div3A_783 : vector<16xf32> to vector<16xf32>
    tpu.vector_store %arg10[%swap3A_784], %swap3A_787 {strides = array<i32>} : memref<512xf32, #tpu.memory_space<vmem>>, vector<16xf32>,
    %get3A_788 = arith.constant 224 : index
    %get3A_789 = tpu.vector_load %arg9[%get3A_788] {strides = array<i32>} : memref<512xf32, #tpu.memory_space<vmem>>, vector<16xf32>,
    %get3A_790 = vector.shape_cast %get3A_789 : vector<16xf32> to vector<16xf32>
    %add3A_791 = arith.constant 1.000000e+00 : f32
    %add3A_792 = vector.broadcast %add3A_791 : f32 to vector<16xf32>
    %add3A_793 = arith.addf %get3A_790, %add3A_792 : vector<16xf32>
    %div3A_794 = arith.constant 5.000000e-01 : f32
    %div3A_795 = vector.broadcast %div3A_794 : f32 to vector<16xf32>
    %div3A_796 = arith.divf %div3A_795, %add3A_793 : vector<16xf32>
    %swap3A_797 = arith.constant 224 : index
    %swap3A_798 = tpu.vector_load %arg10[%swap3A_797] {strides = array<i32>} : memref<512xf32, #tpu.memory_space<vmem>>, vector<16xf32>,
    %swap3A_799 = vector.shape_cast %swap3A_798 : vector<16xf32> to vector<16xf32>
    %swap3A_800 = vector.shape_cast %div3A_796 : vector<16xf32> to vector<16xf32>
    tpu.vector_store %arg10[%swap3A_797], %swap3A_800 {strides = array<i32>} : memref<512xf32, #tpu.memory_space<vmem>>, vector<16xf32>,
    %get3A_801 = arith.constant 240 : index
    %get3A_802 = tpu.vector_load %arg9[%get3A_801] {strides = array<i32>} : memref<512xf32, #tpu.memory_space<vmem>>, vector<16xf32>,
    %get3A_803 = vector.shape_cast %get3A_802 : vector<16xf32> to vector<16xf32>
    %add3A_804 = arith.constant 1.000000e+00 : f32
    %add3A_805 = vector.broadcast %add3A_804 : f32 to vector<16xf32>
    %add3A_806 = arith.addf %get3A_803, %add3A_805 : vector<16xf32>
    %div3A_807 = arith.constant 5.000000e-01 : f32
    %div3A_808 = vector.broadcast %div3A_807 : f32 to vector<16xf32>
    %div3A_809 = arith.divf %div3A_808, %add3A_806 : vector<16xf32>
    %swap3A_810 = arith.constant 240 : index
    %swap3A_811 = tpu.vector_load %arg10[%swap3A_810] {strides = array<i32>} : memref<512xf32, #tpu.memory_space<vmem>>, vector<16xf32>,
    %swap3A_812 = vector.shape_cast %swap3A_811 : vector<16xf32> to vector<16xf32>
    %swap3A_813 = vector.shape_cast %div3A_809 : vector<16xf32> to vector<16xf32>
    tpu.vector_store %arg10[%swap3A_810], %swap3A_813 {strides = array<i32>} : memref<512xf32, #tpu.memory_space<vmem>>, vector<16xf32>,
    %get3A_814 = arith.constant 256 : index
    %get3A_815 = tpu.vector_load %arg9[%get3A_814] {strides = array<i32>} : memref<512xf32, #tpu.memory_space<vmem>>, vector<16xf32>,
    %get3A_816 = vector.shape_cast %get3A_815 : vector<16xf32> to vector<16xf32>
    %add3A_817 = arith.constant 1.000000e+00 : f32
    %add3A_818 = vector.broadcast %add3A_817 : f32 to vector<16xf32>
    %add3A_819 = arith.addf %get3A_816, %add3A_818 : vector<16xf32>
    %div3A_820 = arith.constant 5.000000e-01 : f32
    %div3A_821 = vector.broadcast %div3A_820 : f32 to vector<16xf32>
    %div3A_822 = arith.divf %div3A_821, %add3A_819 : vector<16xf32>
    %swap3A_823 = arith.constant 256 : index
    %swap3A_824 = tpu.vector_load %arg10[%swap3A_823] {strides = array<i32>} : memref<512xf32, #tpu.memory_space<vmem>>, vector<16xf32>,
    %swap3A_825 = vector.shape_cast %swap3A_824 : vector<16xf32> to vector<16xf32>
    %swap3A_826 = vector.shape_cast %div3A_822 : vector<16xf32> to vector<16xf32>
    tpu.vector_store %arg10[%swap3A_823], %swap3A_826 {strides = array<i32>} : memref<512xf32, #tpu.memory_space<vmem>>, vector<16xf32>,
    %get3A_827 = arith.constant 272 : index
    %get3A_828 = tpu.vector_load %arg9[%get3A_827] {strides = array<i32>} : memref<512xf32, #tpu.memory_space<vmem>>, vector<16xf32>,
    %get3A_829 = vector.shape_cast %get3A_828 : vector<16xf32> to vector<16xf32>
    %add3A_830 = arith.constant 1.000000e+00 : f32
    %add3A_831 = vector.broadcast %add3A_830 : f32 to vector<16xf32>
    %add3A_832 = arith.addf %get3A_829, %add3A_831 : vector<16xf32>
    %div3A_833 = arith.constant 5.000000e-01 : f32
    %div3A_834 = vector.broadcast %div3A_833 : f32 to vector<16xf32>
    %div3A_835 = arith.divf %div3A_834, %add3A_832 : vector<16xf32>
    %swap3A_836 = arith.constant 272 : index
    %swap3A_837 = tpu.vector_load %arg10[%swap3A_836] {strides = array<i32>} : memref<512xf32, #tpu.memory_space<vmem>>, vector<16xf32>,
    %swap3A_838 = vector.shape_cast %swap3A_837 : vector<16xf32> to vector<16xf32>
    %swap3A_839 = vector.shape_cast %div3A_835 : vector<16xf32> to vector<16xf32>
    tpu.vector_store %arg10[%swap3A_836], %swap3A_839 {strides = array<i32>} : memref<512xf32, #tpu.memory_space<vmem>>, vector<16xf32>,
    %get3A_840 = arith.constant 288 : index
    %get3A_841 = tpu.vector_load %arg9[%get3A_840] {strides = array<i32>} : memref<512xf32, #tpu.memory_space<vmem>>, vector<16xf32>,
    %get3A_842 = vector.shape_cast %get3A_841 : vector<16xf32> to vector<16xf32>
    %add3A_843 = arith.constant 1.000000e+00 : f32
    %add3A_844 = vector.broadcast %add3A_843 : f32 to vector<16xf32>
    %add3A_845 = arith.addf %get3A_842, %add3A_844 : vector<16xf32>
    %div3A_846 = arith.constant 5.000000e-01 : f32
    %div3A_847 = vector.broadcast %div3A_846 : f32 to vector<16xf32>
    %div3A_848 = arith.divf %div3A_847, %add3A_845 : vector<16xf32>
    %swap3A_849 = arith.constant 288 : index
    %swap3A_850 = tpu.vector_load %arg10[%swap3A_849] {strides = array<i32>} : memref<512xf32, #tpu.memory_space<vmem>>, vector<16xf32>,
    %swap3A_851 = vector.shape_cast %swap3A_850 : vector<16xf32> to vector<16xf32>
    %swap3A_852 = vector.shape_cast %div3A_848 : vector<16xf32> to vector<16xf32>
    tpu.vector_store %arg10[%swap3A_849], %swap3A_852 {strides = array<i32>} : memref<512xf32, #tpu.memory_space<vmem>>, vector<16xf32>,
    %get3A_853 = arith.constant 304 : index
    %get3A_854 = tpu.vector_load %arg9[%get3A_853] {strides = array<i32>} : memref<512xf32, #tpu.memory_space<vmem>>, vector<16xf32>,
    %get3A_855 = vector.shape_cast %get3A_854 : vector<16xf32> to vector<16xf32>
    %add3A_856 = arith.constant 1.000000e+00 : f32
    %add3A_857 = vector.broadcast %add3A_856 : f32 to vector<16xf32>
    %add3A_858 = arith.addf %get3A_855, %add3A_857 : vector<16xf32>
    %div3A_859 = arith.constant 5.000000e-01 : f32
    %div3A_860 = vector.broadcast %div3A_859 : f32 to vector<16xf32>
    %div3A_861 = arith.divf %div3A_860, %add3A_858 : vector<16xf32>
    %swap3A_862 = arith.constant 304 : index
    %swap3A_863 = tpu.vector_load %arg10[%swap3A_862] {strides = array<i32>} : memref<512xf32, #tpu.memory_space<vmem>>, vector<16xf32>,
    %swap3A_864 = vector.shape_cast %swap3A_863 : vector<16xf32> to vector<16xf32>
    %swap3A_865 = vector.shape_cast %div3A_861 : vector<16xf32> to vector<16xf32>
    tpu.vector_store %arg10[%swap3A_862], %swap3A_865 {strides = array<i32>} : memref<512xf32, #tpu.memory_space<vmem>>, vector<16xf32>,
    %get3A_866 = arith.constant 320 : index
    %get3A_867 = tpu.vector_load %arg9[%get3A_866] {strides = array<i32>} : memref<512xf32, #tpu.memory_space<vmem>>, vector<16xf32>,
    %get3A_868 = vector.shape_cast %get3A_867 : vector<16xf32> to vector<16xf32>
    %add3A_869 = arith.constant 1.000000e+00 : f32
    %add3A_870 = vector.broadcast %add3A_869 : f32 to vector<16xf32>
    %add3A_871 = arith.addf %get3A_868, %add3A_870 : vector<16xf32>
    %div3A_872 = arith.constant 5.000000e-01 : f32
    %div3A_873 = vector.broadcast %div3A_872 : f32 to vector<16xf32>
    %div3A_874 = arith.divf %div3A_873, %add3A_871 : vector<16xf32>
    %swap3A_875 = arith.constant 320 : index
    %swap3A_876 = tpu.vector_load %arg10[%swap3A_875] {strides = array<i32>} : memref<512xf32, #tpu.memory_space<vmem>>, vector<16xf32>,
    %swap3A_877 = vector.shape_cast %swap3A_876 : vector<16xf32> to vector<16xf32>
    %swap3A_878 = vector.shape_cast %div3A_874 : vector<16xf32> to vector<16xf32>
    tpu.vector_store %arg10[%swap3A_875], %swap3A_878 {strides = array<i32>} : memref<512xf32, #tpu.memory_space<vmem>>, vector<16xf32>,
    %get3A_879 = arith.constant 336 : index
    %get3A_880 = tpu.vector_load %arg9[%get3A_879] {strides = array<i32>} : memref<512xf32, #tpu.memory_space<vmem>>, vector<16xf32>,
    %get3A_881 = vector.shape_cast %get3A_880 : vector<16xf32> to vector<16xf32>
    %add3A_882 = arith.constant 1.000000e+00 : f32
    %add3A_883 = vector.broadcast %add3A_882 : f32 to vector<16xf32>
    %add3A_884 = arith.addf %get3A_881, %add3A_883 : vector<16xf32>
    %div3A_885 = arith.constant 5.000000e-01 : f32
    %div3A_886 = vector.broadcast %div3A_885 : f32 to vector<16xf32>
    %div3A_887 = arith.divf %div3A_886, %add3A_884 : vector<16xf32>
    %swap3A_888 = arith.constant 336 : index
    %swap3A_889 = tpu.vector_load %arg10[%swap3A_888] {strides = array<i32>} : memref<512xf32, #tpu.memory_space<vmem>>, vector<16xf32>,
    %swap3A_890 = vector.shape_cast %swap3A_889 : vector<16xf32> to vector<16xf32>
    %swap3A_891 = vector.shape_cast %div3A_887 : vector<16xf32> to vector<16xf32>
    tpu.vector_store %arg10[%swap3A_888], %swap3A_891 {strides = array<i32>} : memref<512xf32, #tpu.memory_space<vmem>>, vector<16xf32>,
    %get3A_892 = arith.constant 352 : index
    %get3A_893 = tpu.vector_load %arg9[%get3A_892] {strides = array<i32>} : memref<512xf32, #tpu.memory_space<vmem>>, vector<16xf32>,
    %get3A_894 = vector.shape_cast %get3A_893 : vector<16xf32> to vector<16xf32>
    %add3A_895 = arith.constant 1.000000e+00 : f32
    %add3A_896 = vector.broadcast %add3A_895 : f32 to vector<16xf32>
    %add3A_897 = arith.addf %get3A_894, %add3A_896 : vector<16xf32>
    %div3A_898 = arith.constant 5.000000e-01 : f32
    %div3A_899 = vector.broadcast %div3A_898 : f32 to vector<16xf32>
    %div3A_900 = arith.divf %div3A_899, %add3A_897 : vector<16xf32>
    %swap3A_901 = arith.constant 352 : index
    %swap3A_902 = tpu.vector_load %arg10[%swap3A_901] {strides = array<i32>} : memref<512xf32, #tpu.memory_space<vmem>>, vector<16xf32>,
    %swap3A_903 = vector.shape_cast %swap3A_902 : vector<16xf32> to vector<16xf32>
    %swap3A_904 = vector.shape_cast %div3A_900 : vector<16xf32> to vector<16xf32>
    tpu.vector_store %arg10[%swap3A_901], %swap3A_904 {strides = array<i32>} : memref<512xf32, #tpu.memory_space<vmem>>, vector<16xf32>,
    %get3A_905 = arith.constant 368 : index
    %get3A_906 = tpu.vector_load %arg9[%get3A_905] {strides = array<i32>} : memref<512xf32, #tpu.memory_space<vmem>>, vector<16xf32>,
    %get3A_907 = vector.shape_cast %get3A_906 : vector<16xf32> to vector<16xf32>
    %add3A_908 = arith.constant 1.000000e+00 : f32
    %add3A_909 = vector.broadcast %add3A_908 : f32 to vector<16xf32>
    %add3A_910 = arith.addf %get3A_907, %add3A_909 : vector<16xf32>
    %div3A_911 = arith.constant 5.000000e-01 : f32
    %div3A_912 = vector.broadcast %div3A_911 : f32 to vector<16xf32>
    %div3A_913 = arith.divf %div3A_912, %add3A_910 : vector<16xf32>
    %swap3A_914 = arith.constant 368 : index
    %swap3A_915 = tpu.vector_load %arg10[%swap3A_914] {strides = array<i32>} : memref<512xf32, #tpu.memory_space<vmem>>, vector<16xf32>,
    %swap3A_916 = vector.shape_cast %swap3A_915 : vector<16xf32> to vector<16xf32>
    %swap3A_917 = vector.shape_cast %div3A_913 : vector<16xf32> to vector<16xf32>
    tpu.vector_store %arg10[%swap3A_914], %swap3A_917 {strides = array<i32>} : memref<512xf32, #tpu.memory_space<vmem>>, vector<16xf32>,
    %get3A_918 = arith.constant 384 : index
    %get3A_919 = tpu.vector_load %arg9[%get3A_918] {strides = array<i32>} : memref<512xf32, #tpu.memory_space<vmem>>, vector<16xf32>,
    %get3A_920 = vector.shape_cast %get3A_919 : vector<16xf32> to vector<16xf32>
    %add3A_921 = arith.constant 1.000000e+00 : f32
    %add3A_922 = vector.broadcast %add3A_921 : f32 to vector<16xf32>
    %add3A_923 = arith.addf %get3A_920, %add3A_922 : vector<16xf32>
    %div3A_924 = arith.constant 5.000000e-01 : f32
    %div3A_925 = vector.broadcast %div3A_924 : f32 to vector<16xf32>
    %div3A_926 = arith.divf %div3A_925, %add3A_923 : vector<16xf32>
    %swap3A_927 = arith.constant 384 : index
    %swap3A_928 = tpu.vector_load %arg10[%swap3A_927] {strides = array<i32>} : memref<512xf32, #tpu.memory_space<vmem>>, vector<16xf32>,
    %swap3A_929 = vector.shape_cast %swap3A_928 : vector<16xf32> to vector<16xf32>
    %swap3A_930 = vector.shape_cast %div3A_926 : vector<16xf32> to vector<16xf32>
    tpu.vector_store %arg10[%swap3A_927], %swap3A_930 {strides = array<i32>} : memref<512xf32, #tpu.memory_space<vmem>>, vector<16xf32>,
    %get3A_931 = arith.constant 400 : index
    %get3A_932 = tpu.vector_load %arg9[%get3A_931] {strides = array<i32>} : memref<512xf32, #tpu.memory_space<vmem>>, vector<16xf32>,
    %get3A_933 = vector.shape_cast %get3A_932 : vector<16xf32> to vector<16xf32>
    %add3A_934 = arith.constant 1.000000e+00 : f32
    %add3A_935 = vector.broadcast %add3A_934 : f32 to vector<16xf32>
    %add3A_936 = arith.addf %get3A_933, %add3A_935 : vector<16xf32>
    %div3A_937 = arith.constant 5.000000e-01 : f32
    %div3A_938 = vector.broadcast %div3A_937 : f32 to vector<16xf32>
    %div3A_939 = arith.divf %div3A_938, %add3A_936 : vector<16xf32>
    %swap3A_940 = arith.constant 400 : index
    %swap3A_941 = tpu.vector_load %arg10[%swap3A_940] {strides = array<i32>} : memref<512xf32, #tpu.memory_space<vmem>>, vector<16xf32>,
    %swap3A_942 = vector.shape_cast %swap3A_941 : vector<16xf32> to vector<16xf32>
    %swap3A_943 = vector.shape_cast %div3A_939 : vector<16xf32> to vector<16xf32>
    tpu.vector_store %arg10[%swap3A_940], %swap3A_943 {strides = array<i32>} : memref<512xf32, #tpu.memory_space<vmem>>, vector<16xf32>,
    %get3A_944 = arith.constant 416 : index
    %get3A_945 = tpu.vector_load %arg9[%get3A_944] {strides = array<i32>} : memref<512xf32, #tpu.memory_space<vmem>>, vector<16xf32>,
    %get3A_946 = vector.shape_cast %get3A_945 : vector<16xf32> to vector<16xf32>
    %add3A_947 = arith.constant 1.000000e+00 : f32
    %add3A_948 = vector.broadcast %add3A_947 : f32 to vector<16xf32>
    %add3A_949 = arith.addf %get3A_946, %add3A_948 : vector<16xf32>
    %div3A_950 = arith.constant 5.000000e-01 : f32
    %div3A_951 = vector.broadcast %div3A_950 : f32 to vector<16xf32>
    %div3A_952 = arith.divf %div3A_951, %add3A_949 : vector<16xf32>
    %swap3A_953 = arith.constant 416 : index
    %swap3A_954 = tpu.vector_load %arg10[%swap3A_953] {strides = array<i32>} : memref<512xf32, #tpu.memory_space<vmem>>, vector<16xf32>,
    %swap3A_955 = vector.shape_cast %swap3A_954 : vector<16xf32> to vector<16xf32>
    %swap3A_956 = vector.shape_cast %div3A_952 : vector<16xf32> to vector<16xf32>
    tpu.vector_store %arg10[%swap3A_953], %swap3A_956 {strides = array<i32>} : memref<512xf32, #tpu.memory_space<vmem>>, vector<16xf32>,
    %get3A_957 = arith.constant 432 : index
    %get3A_958 = tpu.vector_load %arg9[%get3A_957] {strides = array<i32>} : memref<512xf32, #tpu.memory_space<vmem>>, vector<16xf32>,
    %get3A_959 = vector.shape_cast %get3A_958 : vector<16xf32> to vector<16xf32>
    %add3A_960 = arith.constant 1.000000e+00 : f32
    %add3A_961 = vector.broadcast %add3A_960 : f32 to vector<16xf32>
    %add3A_962 = arith.addf %get3A_959, %add3A_961 : vector<16xf32>
    %div3A_963 = arith.constant 5.000000e-01 : f32
    %div3A_964 = vector.broadcast %div3A_963 : f32 to vector<16xf32>
    %div3A_965 = arith.divf %div3A_964, %add3A_962 : vector<16xf32>
    %swap3A_966 = arith.constant 432 : index
    %swap3A_967 = tpu.vector_load %arg10[%swap3A_966] {strides = array<i32>} : memref<512xf32, #tpu.memory_space<vmem>>, vector<16xf32>,
    %swap3A_968 = vector.shape_cast %swap3A_967 : vector<16xf32> to vector<16xf32>
    %swap3A_969 = vector.shape_cast %div3A_965 : vector<16xf32> to vector<16xf32>
    tpu.vector_store %arg10[%swap3A_966], %swap3A_969 {strides = array<i32>} : memref<512xf32, #tpu.memory_space<vmem>>, vector<16xf32>,
    %get3A_970 = arith.constant 448 : index
    %get3A_971 = tpu.vector_load %arg9[%get3A_970] {strides = array<i32>} : memref<512xf32, #tpu.memory_space<vmem>>, vector<16xf32>,
    %get3A_972 = vector.shape_cast %get3A_971 : vector<16xf32> to vector<16xf32>
    %add3A_973 = arith.constant 1.000000e+00 : f32
    %add3A_974 = vector.broadcast %add3A_973 : f32 to vector<16xf32>
    %add3A_975 = arith.addf %get3A_972, %add3A_974 : vector<16xf32>
    %div3A_976 = arith.constant 5.000000e-01 : f32
    %div3A_977 = vector.broadcast %div3A_976 : f32 to vector<16xf32>
    %div3A_978 = arith.divf %div3A_977, %add3A_975 : vector<16xf32>
    %swap3A_979 = arith.constant 448 : index
    %swap3A_980 = tpu.vector_load %arg10[%swap3A_979] {strides = array<i32>} : memref<512xf32, #tpu.memory_space<vmem>>, vector<16xf32>,
    %swap3A_981 = vector.shape_cast %swap3A_980 : vector<16xf32> to vector<16xf32>
    %swap3A_982 = vector.shape_cast %div3A_978 : vector<16xf32> to vector<16xf32>
    tpu.vector_store %arg10[%swap3A_979], %swap3A_982 {strides = array<i32>} : memref<512xf32, #tpu.memory_space<vmem>>, vector<16xf32>,
    %get3A_983 = arith.constant 464 : index
    %get3A_984 = tpu.vector_load %arg9[%get3A_983] {strides = array<i32>} : memref<512xf32, #tpu.memory_space<vmem>>, vector<16xf32>,
    %get3A_985 = vector.shape_cast %get3A_984 : vector<16xf32> to vector<16xf32>
    %add3A_986 = arith.constant 1.000000e+00 : f32
    %add3A_987 = vector.broadcast %add3A_986 : f32 to vector<16xf32>
    %add3A_988 = arith.addf %get3A_985, %add3A_987 : vector<16xf32>
    %div3A_989 = arith.constant 5.000000e-01 : f32
    %div3A_990 = vector.broadcast %div3A_989 : f32 to vector<16xf32>
    %div3A_991 = arith.divf %div3A_990, %add3A_988 : vector<16xf32>
    %swap3A_992 = arith.constant 464 : index
    %swap3A_993 = tpu.vector_load %arg10[%swap3A_992] {strides = array<i32>} : memref<512xf32, #tpu.memory_space<vmem>>, vector<16xf32>,
    %swap3A_994 = vector.shape_cast %swap3A_993 : vector<16xf32> to vector<16xf32>
    %swap3A_995 = vector.shape_cast %div3A_991 : vector<16xf32> to vector<16xf32>
    tpu.vector_store %arg10[%swap3A_992], %swap3A_995 {strides = array<i32>} : memref<512xf32, #tpu.memory_space<vmem>>, vector<16xf32>,
    %get3A_996 = arith.constant 480 : index
    %get3A_997 = tpu.vector_load %arg9[%get3A_996] {strides = array<i32>} : memref<512xf32, #tpu.memory_space<vmem>>, vector<16xf32>,
    %get3A_998 = vector.shape_cast %get3A_997 : vector<16xf32> to vector<16xf32>
    %add3A_999 = arith.constant 1.000000e+00 : f32
    %add3A_1000 = vector.broadcast %add3A_999 : f32 to vector<16xf32>
    %add3A_1001 = arith.addf %get3A_998, %add3A_1000 : vector<16xf32>
    %div3A_1002 = arith.constant 5.000000e-01 : f32
    %div3A_1003 = vector.broadcast %div3A_1002 : f32 to vector<16xf32>
    %div3A_1004 = arith.divf %div3A_1003, %add3A_1001 : vector<16xf32>
    %swap3A_1005 = arith.constant 480 : index
    %swap3A_1006 = tpu.vector_load %arg10[%swap3A_1005] {strides = array<i32>} : memref<512xf32, #tpu.memory_space<vmem>>, vector<16xf32>,
    %swap3A_1007 = vector.shape_cast %swap3A_1006 : vector<16xf32> to vector<16xf32>
    %swap3A_1008 = vector.shape_cast %div3A_1004 : vector<16xf32> to vector<16xf32>
    tpu.vector_store %arg10[%swap3A_1005], %swap3A_1008 {strides = array<i32>} : memref<512xf32, #tpu.memory_space<vmem>>, vector<16xf32>,
    %get3A_1009 = arith.constant 496 : index
    %get3A_1010 = tpu.vector_load %arg9[%get3A_1009] {strides = array<i32>} : memref<512xf32, #tpu.memory_space<vmem>>, vector<16xf32>,
    %get3A_1011 = vector.shape_cast %get3A_1010 : vector<16xf32> to vector<16xf32>
    %add3A_1012 = arith.constant 1.000000e+00 : f32
    %add3A_1013 = vector.broadcast %add3A_1012 : f32 to vector<16xf32>
    %add3A_1014 = arith.addf %get3A_1011, %add3A_1013 : vector<16xf32>
    %div3A_1015 = arith.constant 5.000000e-01 : f32
    %div3A_1016 = vector.broadcast %div3A_1015 : f32 to vector<16xf32>
    %div3A_1017 = arith.divf %div3A_1016, %add3A_1014 : vector<16xf32>
    %swap3A_1018 = arith.constant 496 : index
    %swap3A_1019 = tpu.vector_load %arg10[%swap3A_1018] {strides = array<i32>} : memref<512xf32, #tpu.memory_space<vmem>>, vector<16xf32>,
    %swap3A_1020 = vector.shape_cast %swap3A_1019 : vector<16xf32> to vector<16xf32>
    %swap3A_1021 = vector.shape_cast %div3A_1017 : vector<16xf32> to vector<16xf32>
    tpu.vector_store %arg10[%swap3A_1018], %swap3A_1021 {strides = array<i32>} : memref<512xf32, #tpu.memory_space<vmem>>, vector<16xf32>,
    %multiple_of3A = tpu.assume_multiple %add3A, 8 : i32
    "tpu.region"() ({
      %run_scoped3A_1022 = tpu.sem_alloc : memref<!tpu.dma_semaphore, #tpu.memory_space<semaphore_mem>>
      %dma_start3A = tpu.memref_slice %arg5[%multiple_of3A] : memref<16384xf32, #tpu.memory_space<hbm>> -> memref<512xf32, #tpu.memory_space<hbm>>
      %dma_start3A_1023 = tpu.memref_slice %arg5[%multiple_of3A] : memref<16384xf32, #tpu.memory_space<hbm>> -> memref<512xf32, #tpu.memory_space<hbm>>
      tpu.enqueue_dma source(%arg10 : memref<512xf32, #tpu.memory_space<vmem>>) target(%dma_start3A_1023 : memref<512xf32, #tpu.memory_space<hbm>>) target_semaphore(%run_scoped3A_1022 : memref<!tpu.dma_semaphore, #tpu.memory_space<semaphore_mem>>)
      %dma_wait3A = tpu.memref_slice %arg5[%multiple_of3A] : memref<16384xf32, #tpu.memory_space<hbm>> -> memref<512xf32, #tpu.memory_space<hbm>>
      %dma_wait3A_1024 = tpu.memref_slice %arg5[%multiple_of3A] : memref<16384xf32, #tpu.memory_space<hbm>> -> memref<512xf32, #tpu.memory_space<hbm>>
      tpu.wait_dma2 semaphore(%run_scoped3A_1022 : memref<!tpu.dma_semaphore, #tpu.memory_space<semaphore_mem>>) src(%arg10 : memref<512xf32, #tpu.memory_space<vmem>>) dst(%dma_wait3A_1024 : memref<512xf32, #tpu.memory_space<hbm>>)
      tpu.yield
    }) : () -> ()
    return
  }
}

#map = affine_map<(d0, d1) -> (0, 0)>
#map1 = affine_map<(d0, d1) -> (0)>
module attributes {stable_mosaic.version = 14 : i64} {
  func.func @_dist_body(%arg0: i32, %arg1: i32, %arg2: memref<8192x128xf32, #tpu.memory_space<hbm>>, %arg3: memref<16384xi32, #tpu.memory_space<hbm>>, %arg4: memref<100000x128xf32, #tpu.memory_space<hbm>>, %arg5: memref<16384xf32, #tpu.memory_space<hbm>>, %arg6: memref<32x16xf32, #tpu.memory_space<hbm>>, %arg7: memref<512xi32, #tpu.memory_space<vmem>>, %arg8: memref<4x128xi32, #tpu.memory_space<vmem>>, %arg9: memref<256x128xf32, #tpu.memory_space<vmem>>, %arg10: memref<512x128xf32, #tpu.memory_space<vmem>>, %arg11: memref<512xf32, #tpu.memory_space<vmem>>, %arg12: memref<16xf32, #tpu.memory_space<vmem>>, %arg13: memref<!tpu.dma_semaphore, #tpu.memory_space<semaphore_mem>>, %arg14: memref<!tpu.dma_semaphore, #tpu.memory_space<semaphore_mem>>) attributes {dimension_semantics = [#tpu.dimension_semantics<core_parallel>, #tpu.dimension_semantics<subcore_parallel>], iteration_bounds = array<i64: 2, 16>, scalar_prefetch = 0 : i64, scratch_operands = 8 : i64, tpu.core_type = #tpu.core_type<sc_vector_subcore>, window_params = [{transform_indices = #map}, {transform_indices = #map1}, {transform_indices = #map}, {transform_indices = #map1}, {transform_indices = #map}]} {
    %mul3A = arith.constant 1024 : i32
    %mul3A_0 = arith.muli %arg1, %mul3A : i32
    %mul3A_1 = arith.constant 512 : i32
    %mul3A_2 = arith.muli %arg0, %mul3A_1 : i32
    %add3A = arith.addi %mul3A_0, %mul3A_2 : i32
    %multiple_of3A = tpu.assume_multiple %add3A, 8 : i32
    "tpu.region"() ({
      %run_scoped3A = tpu.sem_alloc : memref<!tpu.dma_semaphore, #tpu.memory_space<semaphore_mem>>
      %dma_start3A_406 = tpu.memref_slice %arg3[%multiple_of3A] : memref<16384xi32, #tpu.memory_space<hbm>> -> memref<512xi32, #tpu.memory_space<hbm>>
      %dma_start3A_407 = tpu.memref_slice %arg3[%multiple_of3A] : memref<16384xi32, #tpu.memory_space<hbm>> -> memref<512xi32, #tpu.memory_space<hbm>>
      tpu.enqueue_dma source(%dma_start3A_407 : memref<512xi32, #tpu.memory_space<hbm>>) target(%arg7 : memref<512xi32, #tpu.memory_space<vmem>>) target_semaphore(%run_scoped3A : memref<!tpu.dma_semaphore, #tpu.memory_space<semaphore_mem>>)
      %dma_wait3A_408 = tpu.memref_slice %arg3[%multiple_of3A] : memref<16384xi32, #tpu.memory_space<hbm>> -> memref<512xi32, #tpu.memory_space<hbm>>
      %dma_wait3A_409 = tpu.memref_slice %arg3[%multiple_of3A] : memref<16384xi32, #tpu.memory_space<hbm>> -> memref<512xi32, #tpu.memory_space<hbm>>
      tpu.wait_dma2 semaphore(%run_scoped3A : memref<!tpu.dma_semaphore, #tpu.memory_space<semaphore_mem>>) src(%dma_wait3A_409 : memref<512xi32, #tpu.memory_space<hbm>>) dst(%arg7 : memref<512xi32, #tpu.memory_space<vmem>>)
      tpu.yield
    }) : () -> ()
    %jit3A = arith.constant 2 : i32
    %div3A = arith.divsi %add3A, %jit3A : i32
    %sign3A = arith.constant 0 : i32
    %sign3A_3 = arith.cmpi sgt, %add3A, %sign3A : i32
    %sign3A_4 = arith.extui %sign3A_3 : i1 to i32
    %sign3A_5 = arith.constant 0 : i32
    %sign3A_6 = arith.cmpi slt, %add3A, %sign3A_5 : i32
    %sign3A_7 = arith.extui %sign3A_6 : i1 to i32
    %sign3A_8 = arith.subi %sign3A_4, %sign3A_7 : i32
    %sign3A_9 = arith.constant 0 : i32
    %sign3A_10 = arith.cmpi sgt, %jit3A, %sign3A_9 : i32
    %sign3A_11 = arith.extui %sign3A_10 : i1 to i32
    %sign3A_12 = arith.constant 0 : i32
    %sign3A_13 = arith.cmpi slt, %jit3A, %sign3A_12 : i32
    %sign3A_14 = arith.extui %sign3A_13 : i1 to i32
    %sign3A_15 = arith.subi %sign3A_11, %sign3A_14 : i32
    %ne3A = arith.cmpi ne, %sign3A_8, %sign3A_15 : i32
    %rem3A = arith.remsi %add3A, %jit3A : i32
    %ne3A_16 = arith.constant 0 : i32
    %ne3A_17 = arith.cmpi ne, %rem3A, %ne3A_16 : i32
    %and3A = arith.andi %ne3A, %ne3A_17 : i1
    %sub3A = arith.constant 1 : i32
    %sub3A_18 = arith.subi %div3A, %sub3A : i32
    %select_n3A = arith.select %and3A, %sub3A_18, %div3A : i32
    %multiple_of3A_19 = tpu.assume_multiple %select_n3A, 256 : i32
    %dma_start3A = arith.constant 0 : i32
    %dma_start3A_20 = tpu.memref_slice %arg2[%multiple_of3A_19, %dma_start3A] : memref<8192x128xf32, #tpu.memory_space<hbm>> -> memref<256x128xf32, #tpu.memory_space<hbm>>
    %dma_start3A_21 = arith.constant 0 : i32
    %dma_start3A_22 = tpu.memref_slice %arg2[%multiple_of3A_19, %dma_start3A_21] : memref<8192x128xf32, #tpu.memory_space<hbm>> -> memref<256x128xf32, #tpu.memory_space<hbm>>
    tpu.enqueue_dma source(%dma_start3A_22 : memref<256x128xf32, #tpu.memory_space<hbm>>) target(%arg9 : memref<256x128xf32, #tpu.memory_space<vmem>>) target_semaphore(%arg14 : memref<!tpu.dma_semaphore, #tpu.memory_space<semaphore_mem>>)
    %get3A = arith.constant 0 : index
    %get3A_23 = tpu.vector_load %arg7[%get3A] {strides = array<i32>} : memref<512xi32, #tpu.memory_space<vmem>>, vector<16xi32>,
    %get3A_24 = vector.shape_cast %get3A_23 : vector<16xi32> to vector<16xi32>
    %swap3A = arith.constant 0 : i32
    %swap3A_25 = arith.index_cast %swap3A : i32 to index
    %swap3A_26 = arith.constant 0 : index
    %swap3A_27 = tpu.vector_load %arg8[%swap3A_25, %swap3A_26] {strides = array<i32>} : memref<4x128xi32, #tpu.memory_space<vmem>>, vector<1x16xi32>,
    %swap3A_28 = vector.shape_cast %swap3A_27 : vector<1x16xi32> to vector<16xi32>
    %swap3A_29 = vector.shape_cast %get3A_24 : vector<16xi32> to vector<1x16xi32>
    tpu.vector_store %arg8[%swap3A_25, %swap3A_26], %swap3A_29 {strides = array<i32>} : memref<4x128xi32, #tpu.memory_space<vmem>>, vector<1x16xi32>,
    %get3A_30 = arith.constant 16 : index
    %get3A_31 = tpu.vector_load %arg7[%get3A_30] {strides = array<i32>} : memref<512xi32, #tpu.memory_space<vmem>>, vector<16xi32>,
    %get3A_32 = vector.shape_cast %get3A_31 : vector<16xi32> to vector<16xi32>
    %swap3A_33 = arith.constant 0 : i32
    %swap3A_34 = arith.index_cast %swap3A_33 : i32 to index
    %swap3A_35 = arith.constant 16 : index
    %swap3A_36 = tpu.vector_load %arg8[%swap3A_34, %swap3A_35] {strides = array<i32>} : memref<4x128xi32, #tpu.memory_space<vmem>>, vector<1x16xi32>,
    %swap3A_37 = vector.shape_cast %swap3A_36 : vector<1x16xi32> to vector<16xi32>
    %swap3A_38 = vector.shape_cast %get3A_32 : vector<16xi32> to vector<1x16xi32>
    tpu.vector_store %arg8[%swap3A_34, %swap3A_35], %swap3A_38 {strides = array<i32>} : memref<4x128xi32, #tpu.memory_space<vmem>>, vector<1x16xi32>,
    %get3A_39 = arith.constant 32 : index
    %get3A_40 = tpu.vector_load %arg7[%get3A_39] {strides = array<i32>} : memref<512xi32, #tpu.memory_space<vmem>>, vector<16xi32>,
    %get3A_41 = vector.shape_cast %get3A_40 : vector<16xi32> to vector<16xi32>
    %swap3A_42 = arith.constant 0 : i32
    %swap3A_43 = arith.index_cast %swap3A_42 : i32 to index
    %swap3A_44 = arith.constant 32 : index
    %swap3A_45 = tpu.vector_load %arg8[%swap3A_43, %swap3A_44] {strides = array<i32>} : memref<4x128xi32, #tpu.memory_space<vmem>>, vector<1x16xi32>,
    %swap3A_46 = vector.shape_cast %swap3A_45 : vector<1x16xi32> to vector<16xi32>
    %swap3A_47 = vector.shape_cast %get3A_41 : vector<16xi32> to vector<1x16xi32>
    tpu.vector_store %arg8[%swap3A_43, %swap3A_44], %swap3A_47 {strides = array<i32>} : memref<4x128xi32, #tpu.memory_space<vmem>>, vector<1x16xi32>,
    %get3A_48 = arith.constant 48 : index
    %get3A_49 = tpu.vector_load %arg7[%get3A_48] {strides = array<i32>} : memref<512xi32, #tpu.memory_space<vmem>>, vector<16xi32>,
    %get3A_50 = vector.shape_cast %get3A_49 : vector<16xi32> to vector<16xi32>
    %swap3A_51 = arith.constant 0 : i32
    %swap3A_52 = arith.index_cast %swap3A_51 : i32 to index
    %swap3A_53 = arith.constant 48 : index
    %swap3A_54 = tpu.vector_load %arg8[%swap3A_52, %swap3A_53] {strides = array<i32>} : memref<4x128xi32, #tpu.memory_space<vmem>>, vector<1x16xi32>,
    %swap3A_55 = vector.shape_cast %swap3A_54 : vector<1x16xi32> to vector<16xi32>
    %swap3A_56 = vector.shape_cast %get3A_50 : vector<16xi32> to vector<1x16xi32>
    tpu.vector_store %arg8[%swap3A_52, %swap3A_53], %swap3A_56 {strides = array<i32>} : memref<4x128xi32, #tpu.memory_space<vmem>>, vector<1x16xi32>,
    %get3A_57 = arith.constant 64 : index
    %get3A_58 = tpu.vector_load %arg7[%get3A_57] {strides = array<i32>} : memref<512xi32, #tpu.memory_space<vmem>>, vector<16xi32>,
    %get3A_59 = vector.shape_cast %get3A_58 : vector<16xi32> to vector<16xi32>
    %swap3A_60 = arith.constant 0 : i32
    %swap3A_61 = arith.index_cast %swap3A_60 : i32 to index
    %swap3A_62 = arith.constant 64 : index
    %swap3A_63 = tpu.vector_load %arg8[%swap3A_61, %swap3A_62] {strides = array<i32>} : memref<4x128xi32, #tpu.memory_space<vmem>>, vector<1x16xi32>,
    %swap3A_64 = vector.shape_cast %swap3A_63 : vector<1x16xi32> to vector<16xi32>
    %swap3A_65 = vector.shape_cast %get3A_59 : vector<16xi32> to vector<1x16xi32>
    tpu.vector_store %arg8[%swap3A_61, %swap3A_62], %swap3A_65 {strides = array<i32>} : memref<4x128xi32, #tpu.memory_space<vmem>>, vector<1x16xi32>,
    %get3A_66 = arith.constant 80 : index
    %get3A_67 = tpu.vector_load %arg7[%get3A_66] {strides = array<i32>} : memref<512xi32, #tpu.memory_space<vmem>>, vector<16xi32>,
    %get3A_68 = vector.shape_cast %get3A_67 : vector<16xi32> to vector<16xi32>
    %swap3A_69 = arith.constant 0 : i32
    %swap3A_70 = arith.index_cast %swap3A_69 : i32 to index
    %swap3A_71 = arith.constant 80 : index
    %swap3A_72 = tpu.vector_load %arg8[%swap3A_70, %swap3A_71] {strides = array<i32>} : memref<4x128xi32, #tpu.memory_space<vmem>>, vector<1x16xi32>,
    %swap3A_73 = vector.shape_cast %swap3A_72 : vector<1x16xi32> to vector<16xi32>
    %swap3A_74 = vector.shape_cast %get3A_68 : vector<16xi32> to vector<1x16xi32>
    tpu.vector_store %arg8[%swap3A_70, %swap3A_71], %swap3A_74 {strides = array<i32>} : memref<4x128xi32, #tpu.memory_space<vmem>>, vector<1x16xi32>,
    %get3A_75 = arith.constant 96 : index
    %get3A_76 = tpu.vector_load %arg7[%get3A_75] {strides = array<i32>} : memref<512xi32, #tpu.memory_space<vmem>>, vector<16xi32>,
    %get3A_77 = vector.shape_cast %get3A_76 : vector<16xi32> to vector<16xi32>
    %swap3A_78 = arith.constant 0 : i32
    %swap3A_79 = arith.index_cast %swap3A_78 : i32 to index
    %swap3A_80 = arith.constant 96 : index
    %swap3A_81 = tpu.vector_load %arg8[%swap3A_79, %swap3A_80] {strides = array<i32>} : memref<4x128xi32, #tpu.memory_space<vmem>>, vector<1x16xi32>,
    %swap3A_82 = vector.shape_cast %swap3A_81 : vector<1x16xi32> to vector<16xi32>
    %swap3A_83 = vector.shape_cast %get3A_77 : vector<16xi32> to vector<1x16xi32>
    tpu.vector_store %arg8[%swap3A_79, %swap3A_80], %swap3A_83 {strides = array<i32>} : memref<4x128xi32, #tpu.memory_space<vmem>>, vector<1x16xi32>,
    %get3A_84 = arith.constant 112 : index
    %get3A_85 = tpu.vector_load %arg7[%get3A_84] {strides = array<i32>} : memref<512xi32, #tpu.memory_space<vmem>>, vector<16xi32>,
    %get3A_86 = vector.shape_cast %get3A_85 : vector<16xi32> to vector<16xi32>
    %swap3A_87 = arith.constant 0 : i32
    %swap3A_88 = arith.index_cast %swap3A_87 : i32 to index
    %swap3A_89 = arith.constant 112 : index
    %swap3A_90 = tpu.vector_load %arg8[%swap3A_88, %swap3A_89] {strides = array<i32>} : memref<4x128xi32, #tpu.memory_space<vmem>>, vector<1x16xi32>,
    %swap3A_91 = vector.shape_cast %swap3A_90 : vector<1x16xi32> to vector<16xi32>
    %swap3A_92 = vector.shape_cast %get3A_86 : vector<16xi32> to vector<1x16xi32>
    tpu.vector_store %arg8[%swap3A_88, %swap3A_89], %swap3A_92 {strides = array<i32>} : memref<4x128xi32, #tpu.memory_space<vmem>>, vector<1x16xi32>,
    %get3A_93 = arith.constant 128 : index
    %get3A_94 = tpu.vector_load %arg7[%get3A_93] {strides = array<i32>} : memref<512xi32, #tpu.memory_space<vmem>>, vector<16xi32>,
    %get3A_95 = vector.shape_cast %get3A_94 : vector<16xi32> to vector<16xi32>
    %swap3A_96 = arith.constant 1 : i32
    %swap3A_97 = arith.index_cast %swap3A_96 : i32 to index
    %swap3A_98 = arith.constant 0 : index
    %swap3A_99 = tpu.vector_load %arg8[%swap3A_97, %swap3A_98] {strides = array<i32>} : memref<4x128xi32, #tpu.memory_space<vmem>>, vector<1x16xi32>,
    %swap3A_100 = vector.shape_cast %swap3A_99 : vector<1x16xi32> to vector<16xi32>
    %swap3A_101 = vector.shape_cast %get3A_95 : vector<16xi32> to vector<1x16xi32>
    tpu.vector_store %arg8[%swap3A_97, %swap3A_98], %swap3A_101 {strides = array<i32>} : memref<4x128xi32, #tpu.memory_space<vmem>>, vector<1x16xi32>,
    %get3A_102 = arith.constant 144 : index
    %get3A_103 = tpu.vector_load %arg7[%get3A_102] {strides = array<i32>} : memref<512xi32, #tpu.memory_space<vmem>>, vector<16xi32>,
    %get3A_104 = vector.shape_cast %get3A_103 : vector<16xi32> to vector<16xi32>
    %swap3A_105 = arith.constant 1 : i32
    %swap3A_106 = arith.index_cast %swap3A_105 : i32 to index
    %swap3A_107 = arith.constant 16 : index
    %swap3A_108 = tpu.vector_load %arg8[%swap3A_106, %swap3A_107] {strides = array<i32>} : memref<4x128xi32, #tpu.memory_space<vmem>>, vector<1x16xi32>,
    %swap3A_109 = vector.shape_cast %swap3A_108 : vector<1x16xi32> to vector<16xi32>
    %swap3A_110 = vector.shape_cast %get3A_104 : vector<16xi32> to vector<1x16xi32>
    tpu.vector_store %arg8[%swap3A_106, %swap3A_107], %swap3A_110 {strides = array<i32>} : memref<4x128xi32, #tpu.memory_space<vmem>>, vector<1x16xi32>,
    %get3A_111 = arith.constant 160 : index
    %get3A_112 = tpu.vector_load %arg7[%get3A_111] {strides = array<i32>} : memref<512xi32, #tpu.memory_space<vmem>>, vector<16xi32>,
    %get3A_113 = vector.shape_cast %get3A_112 : vector<16xi32> to vector<16xi32>
    %swap3A_114 = arith.constant 1 : i32
    %swap3A_115 = arith.index_cast %swap3A_114 : i32 to index
    %swap3A_116 = arith.constant 32 : index
    %swap3A_117 = tpu.vector_load %arg8[%swap3A_115, %swap3A_116] {strides = array<i32>} : memref<4x128xi32, #tpu.memory_space<vmem>>, vector<1x16xi32>,
    %swap3A_118 = vector.shape_cast %swap3A_117 : vector<1x16xi32> to vector<16xi32>
    %swap3A_119 = vector.shape_cast %get3A_113 : vector<16xi32> to vector<1x16xi32>
    tpu.vector_store %arg8[%swap3A_115, %swap3A_116], %swap3A_119 {strides = array<i32>} : memref<4x128xi32, #tpu.memory_space<vmem>>, vector<1x16xi32>,
    %get3A_120 = arith.constant 176 : index
    %get3A_121 = tpu.vector_load %arg7[%get3A_120] {strides = array<i32>} : memref<512xi32, #tpu.memory_space<vmem>>, vector<16xi32>,
    %get3A_122 = vector.shape_cast %get3A_121 : vector<16xi32> to vector<16xi32>
    %swap3A_123 = arith.constant 1 : i32
    %swap3A_124 = arith.index_cast %swap3A_123 : i32 to index
    %swap3A_125 = arith.constant 48 : index
    %swap3A_126 = tpu.vector_load %arg8[%swap3A_124, %swap3A_125] {strides = array<i32>} : memref<4x128xi32, #tpu.memory_space<vmem>>, vector<1x16xi32>,
    %swap3A_127 = vector.shape_cast %swap3A_126 : vector<1x16xi32> to vector<16xi32>
    %swap3A_128 = vector.shape_cast %get3A_122 : vector<16xi32> to vector<1x16xi32>
    tpu.vector_store %arg8[%swap3A_124, %swap3A_125], %swap3A_128 {strides = array<i32>} : memref<4x128xi32, #tpu.memory_space<vmem>>, vector<1x16xi32>,
    %get3A_129 = arith.constant 192 : index
    %get3A_130 = tpu.vector_load %arg7[%get3A_129] {strides = array<i32>} : memref<512xi32, #tpu.memory_space<vmem>>, vector<16xi32>,
    %get3A_131 = vector.shape_cast %get3A_130 : vector<16xi32> to vector<16xi32>
    %swap3A_132 = arith.constant 1 : i32
    %swap3A_133 = arith.index_cast %swap3A_132 : i32 to index
    %swap3A_134 = arith.constant 64 : index
    %swap3A_135 = tpu.vector_load %arg8[%swap3A_133, %swap3A_134] {strides = array<i32>} : memref<4x128xi32, #tpu.memory_space<vmem>>, vector<1x16xi32>,
    %swap3A_136 = vector.shape_cast %swap3A_135 : vector<1x16xi32> to vector<16xi32>
    %swap3A_137 = vector.shape_cast %get3A_131 : vector<16xi32> to vector<1x16xi32>
    tpu.vector_store %arg8[%swap3A_133, %swap3A_134], %swap3A_137 {strides = array<i32>} : memref<4x128xi32, #tpu.memory_space<vmem>>, vector<1x16xi32>,
    %get3A_138 = arith.constant 208 : index
    %get3A_139 = tpu.vector_load %arg7[%get3A_138] {strides = array<i32>} : memref<512xi32, #tpu.memory_space<vmem>>, vector<16xi32>,
    %get3A_140 = vector.shape_cast %get3A_139 : vector<16xi32> to vector<16xi32>
    %swap3A_141 = arith.constant 1 : i32
    %swap3A_142 = arith.index_cast %swap3A_141 : i32 to index
    %swap3A_143 = arith.constant 80 : index
    %swap3A_144 = tpu.vector_load %arg8[%swap3A_142, %swap3A_143] {strides = array<i32>} : memref<4x128xi32, #tpu.memory_space<vmem>>, vector<1x16xi32>,
    %swap3A_145 = vector.shape_cast %swap3A_144 : vector<1x16xi32> to vector<16xi32>
    %swap3A_146 = vector.shape_cast %get3A_140 : vector<16xi32> to vector<1x16xi32>
    tpu.vector_store %arg8[%swap3A_142, %swap3A_143], %swap3A_146 {strides = array<i32>} : memref<4x128xi32, #tpu.memory_space<vmem>>, vector<1x16xi32>,
    %get3A_147 = arith.constant 224 : index
    %get3A_148 = tpu.vector_load %arg7[%get3A_147] {strides = array<i32>} : memref<512xi32, #tpu.memory_space<vmem>>, vector<16xi32>,
    %get3A_149 = vector.shape_cast %get3A_148 : vector<16xi32> to vector<16xi32>
    %swap3A_150 = arith.constant 1 : i32
    %swap3A_151 = arith.index_cast %swap3A_150 : i32 to index
    %swap3A_152 = arith.constant 96 : index
    %swap3A_153 = tpu.vector_load %arg8[%swap3A_151, %swap3A_152] {strides = array<i32>} : memref<4x128xi32, #tpu.memory_space<vmem>>, vector<1x16xi32>,
    %swap3A_154 = vector.shape_cast %swap3A_153 : vector<1x16xi32> to vector<16xi32>
    %swap3A_155 = vector.shape_cast %get3A_149 : vector<16xi32> to vector<1x16xi32>
    tpu.vector_store %arg8[%swap3A_151, %swap3A_152], %swap3A_155 {strides = array<i32>} : memref<4x128xi32, #tpu.memory_space<vmem>>, vector<1x16xi32>,
    %get3A_156 = arith.constant 240 : index
    %get3A_157 = tpu.vector_load %arg7[%get3A_156] {strides = array<i32>} : memref<512xi32, #tpu.memory_space<vmem>>, vector<16xi32>,
    %get3A_158 = vector.shape_cast %get3A_157 : vector<16xi32> to vector<16xi32>
    %swap3A_159 = arith.constant 1 : i32
    %swap3A_160 = arith.index_cast %swap3A_159 : i32 to index
    %swap3A_161 = arith.constant 112 : index
    %swap3A_162 = tpu.vector_load %arg8[%swap3A_160, %swap3A_161] {strides = array<i32>} : memref<4x128xi32, #tpu.memory_space<vmem>>, vector<1x16xi32>,
    %swap3A_163 = vector.shape_cast %swap3A_162 : vector<1x16xi32> to vector<16xi32>
    %swap3A_164 = vector.shape_cast %get3A_158 : vector<16xi32> to vector<1x16xi32>
    tpu.vector_store %arg8[%swap3A_160, %swap3A_161], %swap3A_164 {strides = array<i32>} : memref<4x128xi32, #tpu.memory_space<vmem>>, vector<1x16xi32>,
    %get3A_165 = arith.constant 256 : index
    %get3A_166 = tpu.vector_load %arg7[%get3A_165] {strides = array<i32>} : memref<512xi32, #tpu.memory_space<vmem>>, vector<16xi32>,
    %get3A_167 = vector.shape_cast %get3A_166 : vector<16xi32> to vector<16xi32>
    %swap3A_168 = arith.constant 2 : i32
    %swap3A_169 = arith.index_cast %swap3A_168 : i32 to index
    %swap3A_170 = arith.constant 0 : index
    %swap3A_171 = tpu.vector_load %arg8[%swap3A_169, %swap3A_170] {strides = array<i32>} : memref<4x128xi32, #tpu.memory_space<vmem>>, vector<1x16xi32>,
    %swap3A_172 = vector.shape_cast %swap3A_171 : vector<1x16xi32> to vector<16xi32>
    %swap3A_173 = vector.shape_cast %get3A_167 : vector<16xi32> to vector<1x16xi32>
    tpu.vector_store %arg8[%swap3A_169, %swap3A_170], %swap3A_173 {strides = array<i32>} : memref<4x128xi32, #tpu.memory_space<vmem>>, vector<1x16xi32>,
    %get3A_174 = arith.constant 272 : index
    %get3A_175 = tpu.vector_load %arg7[%get3A_174] {strides = array<i32>} : memref<512xi32, #tpu.memory_space<vmem>>, vector<16xi32>,
    %get3A_176 = vector.shape_cast %get3A_175 : vector<16xi32> to vector<16xi32>
    %swap3A_177 = arith.constant 2 : i32
    %swap3A_178 = arith.index_cast %swap3A_177 : i32 to index
    %swap3A_179 = arith.constant 16 : index
    %swap3A_180 = tpu.vector_load %arg8[%swap3A_178, %swap3A_179] {strides = array<i32>} : memref<4x128xi32, #tpu.memory_space<vmem>>, vector<1x16xi32>,
    %swap3A_181 = vector.shape_cast %swap3A_180 : vector<1x16xi32> to vector<16xi32>
    %swap3A_182 = vector.shape_cast %get3A_176 : vector<16xi32> to vector<1x16xi32>
    tpu.vector_store %arg8[%swap3A_178, %swap3A_179], %swap3A_182 {strides = array<i32>} : memref<4x128xi32, #tpu.memory_space<vmem>>, vector<1x16xi32>,
    %get3A_183 = arith.constant 288 : index
    %get3A_184 = tpu.vector_load %arg7[%get3A_183] {strides = array<i32>} : memref<512xi32, #tpu.memory_space<vmem>>, vector<16xi32>,
    %get3A_185 = vector.shape_cast %get3A_184 : vector<16xi32> to vector<16xi32>
    %swap3A_186 = arith.constant 2 : i32
    %swap3A_187 = arith.index_cast %swap3A_186 : i32 to index
    %swap3A_188 = arith.constant 32 : index
    %swap3A_189 = tpu.vector_load %arg8[%swap3A_187, %swap3A_188] {strides = array<i32>} : memref<4x128xi32, #tpu.memory_space<vmem>>, vector<1x16xi32>,
    %swap3A_190 = vector.shape_cast %swap3A_189 : vector<1x16xi32> to vector<16xi32>
    %swap3A_191 = vector.shape_cast %get3A_185 : vector<16xi32> to vector<1x16xi32>
    tpu.vector_store %arg8[%swap3A_187, %swap3A_188], %swap3A_191 {strides = array<i32>} : memref<4x128xi32, #tpu.memory_space<vmem>>, vector<1x16xi32>,
    %get3A_192 = arith.constant 304 : index
    %get3A_193 = tpu.vector_load %arg7[%get3A_192] {strides = array<i32>} : memref<512xi32, #tpu.memory_space<vmem>>, vector<16xi32>,
    %get3A_194 = vector.shape_cast %get3A_193 : vector<16xi32> to vector<16xi32>
    %swap3A_195 = arith.constant 2 : i32
    %swap3A_196 = arith.index_cast %swap3A_195 : i32 to index
    %swap3A_197 = arith.constant 48 : index
    %swap3A_198 = tpu.vector_load %arg8[%swap3A_196, %swap3A_197] {strides = array<i32>} : memref<4x128xi32, #tpu.memory_space<vmem>>, vector<1x16xi32>,
    %swap3A_199 = vector.shape_cast %swap3A_198 : vector<1x16xi32> to vector<16xi32>
    %swap3A_200 = vector.shape_cast %get3A_194 : vector<16xi32> to vector<1x16xi32>
    tpu.vector_store %arg8[%swap3A_196, %swap3A_197], %swap3A_200 {strides = array<i32>} : memref<4x128xi32, #tpu.memory_space<vmem>>, vector<1x16xi32>,
    %get3A_201 = arith.constant 320 : index
    %get3A_202 = tpu.vector_load %arg7[%get3A_201] {strides = array<i32>} : memref<512xi32, #tpu.memory_space<vmem>>, vector<16xi32>,
    %get3A_203 = vector.shape_cast %get3A_202 : vector<16xi32> to vector<16xi32>
    %swap3A_204 = arith.constant 2 : i32
    %swap3A_205 = arith.index_cast %swap3A_204 : i32 to index
    %swap3A_206 = arith.constant 64 : index
    %swap3A_207 = tpu.vector_load %arg8[%swap3A_205, %swap3A_206] {strides = array<i32>} : memref<4x128xi32, #tpu.memory_space<vmem>>, vector<1x16xi32>,
    %swap3A_208 = vector.shape_cast %swap3A_207 : vector<1x16xi32> to vector<16xi32>
    %swap3A_209 = vector.shape_cast %get3A_203 : vector<16xi32> to vector<1x16xi32>
    tpu.vector_store %arg8[%swap3A_205, %swap3A_206], %swap3A_209 {strides = array<i32>} : memref<4x128xi32, #tpu.memory_space<vmem>>, vector<1x16xi32>,
    %get3A_210 = arith.constant 336 : index
    %get3A_211 = tpu.vector_load %arg7[%get3A_210] {strides = array<i32>} : memref<512xi32, #tpu.memory_space<vmem>>, vector<16xi32>,
    %get3A_212 = vector.shape_cast %get3A_211 : vector<16xi32> to vector<16xi32>
    %swap3A_213 = arith.constant 2 : i32
    %swap3A_214 = arith.index_cast %swap3A_213 : i32 to index
    %swap3A_215 = arith.constant 80 : index
    %swap3A_216 = tpu.vector_load %arg8[%swap3A_214, %swap3A_215] {strides = array<i32>} : memref<4x128xi32, #tpu.memory_space<vmem>>, vector<1x16xi32>,
    %swap3A_217 = vector.shape_cast %swap3A_216 : vector<1x16xi32> to vector<16xi32>
    %swap3A_218 = vector.shape_cast %get3A_212 : vector<16xi32> to vector<1x16xi32>
    tpu.vector_store %arg8[%swap3A_214, %swap3A_215], %swap3A_218 {strides = array<i32>} : memref<4x128xi32, #tpu.memory_space<vmem>>, vector<1x16xi32>,
    %get3A_219 = arith.constant 352 : index
    %get3A_220 = tpu.vector_load %arg7[%get3A_219] {strides = array<i32>} : memref<512xi32, #tpu.memory_space<vmem>>, vector<16xi32>,
    %get3A_221 = vector.shape_cast %get3A_220 : vector<16xi32> to vector<16xi32>
    %swap3A_222 = arith.constant 2 : i32
    %swap3A_223 = arith.index_cast %swap3A_222 : i32 to index
    %swap3A_224 = arith.constant 96 : index
    %swap3A_225 = tpu.vector_load %arg8[%swap3A_223, %swap3A_224] {strides = array<i32>} : memref<4x128xi32, #tpu.memory_space<vmem>>, vector<1x16xi32>,
    %swap3A_226 = vector.shape_cast %swap3A_225 : vector<1x16xi32> to vector<16xi32>
    %swap3A_227 = vector.shape_cast %get3A_221 : vector<16xi32> to vector<1x16xi32>
    tpu.vector_store %arg8[%swap3A_223, %swap3A_224], %swap3A_227 {strides = array<i32>} : memref<4x128xi32, #tpu.memory_space<vmem>>, vector<1x16xi32>,
    %get3A_228 = arith.constant 368 : index
    %get3A_229 = tpu.vector_load %arg7[%get3A_228] {strides = array<i32>} : memref<512xi32, #tpu.memory_space<vmem>>, vector<16xi32>,
    %get3A_230 = vector.shape_cast %get3A_229 : vector<16xi32> to vector<16xi32>
    %swap3A_231 = arith.constant 2 : i32
    %swap3A_232 = arith.index_cast %swap3A_231 : i32 to index
    %swap3A_233 = arith.constant 112 : index
    %swap3A_234 = tpu.vector_load %arg8[%swap3A_232, %swap3A_233] {strides = array<i32>} : memref<4x128xi32, #tpu.memory_space<vmem>>, vector<1x16xi32>,
    %swap3A_235 = vector.shape_cast %swap3A_234 : vector<1x16xi32> to vector<16xi32>
    %swap3A_236 = vector.shape_cast %get3A_230 : vector<16xi32> to vector<1x16xi32>
    tpu.vector_store %arg8[%swap3A_232, %swap3A_233], %swap3A_236 {strides = array<i32>} : memref<4x128xi32, #tpu.memory_space<vmem>>, vector<1x16xi32>,
    %get3A_237 = arith.constant 384 : index
    %get3A_238 = tpu.vector_load %arg7[%get3A_237] {strides = array<i32>} : memref<512xi32, #tpu.memory_space<vmem>>, vector<16xi32>,
    %get3A_239 = vector.shape_cast %get3A_238 : vector<16xi32> to vector<16xi32>
    %swap3A_240 = arith.constant 3 : i32
    %swap3A_241 = arith.index_cast %swap3A_240 : i32 to index
    %swap3A_242 = arith.constant 0 : index
    %swap3A_243 = tpu.vector_load %arg8[%swap3A_241, %swap3A_242] {strides = array<i32>} : memref<4x128xi32, #tpu.memory_space<vmem>>, vector<1x16xi32>,
    %swap3A_244 = vector.shape_cast %swap3A_243 : vector<1x16xi32> to vector<16xi32>
    %swap3A_245 = vector.shape_cast %get3A_239 : vector<16xi32> to vector<1x16xi32>
    tpu.vector_store %arg8[%swap3A_241, %swap3A_242], %swap3A_245 {strides = array<i32>} : memref<4x128xi32, #tpu.memory_space<vmem>>, vector<1x16xi32>,
    %get3A_246 = arith.constant 400 : index
    %get3A_247 = tpu.vector_load %arg7[%get3A_246] {strides = array<i32>} : memref<512xi32, #tpu.memory_space<vmem>>, vector<16xi32>,
    %get3A_248 = vector.shape_cast %get3A_247 : vector<16xi32> to vector<16xi32>
    %swap3A_249 = arith.constant 3 : i32
    %swap3A_250 = arith.index_cast %swap3A_249 : i32 to index
    %swap3A_251 = arith.constant 16 : index
    %swap3A_252 = tpu.vector_load %arg8[%swap3A_250, %swap3A_251] {strides = array<i32>} : memref<4x128xi32, #tpu.memory_space<vmem>>, vector<1x16xi32>,
    %swap3A_253 = vector.shape_cast %swap3A_252 : vector<1x16xi32> to vector<16xi32>
    %swap3A_254 = vector.shape_cast %get3A_248 : vector<16xi32> to vector<1x16xi32>
    tpu.vector_store %arg8[%swap3A_250, %swap3A_251], %swap3A_254 {strides = array<i32>} : memref<4x128xi32, #tpu.memory_space<vmem>>, vector<1x16xi32>,
    %get3A_255 = arith.constant 416 : index
    %get3A_256 = tpu.vector_load %arg7[%get3A_255] {strides = array<i32>} : memref<512xi32, #tpu.memory_space<vmem>>, vector<16xi32>,
    %get3A_257 = vector.shape_cast %get3A_256 : vector<16xi32> to vector<16xi32>
    %swap3A_258 = arith.constant 3 : i32
    %swap3A_259 = arith.index_cast %swap3A_258 : i32 to index
    %swap3A_260 = arith.constant 32 : index
    %swap3A_261 = tpu.vector_load %arg8[%swap3A_259, %swap3A_260] {strides = array<i32>} : memref<4x128xi32, #tpu.memory_space<vmem>>, vector<1x16xi32>,
    %swap3A_262 = vector.shape_cast %swap3A_261 : vector<1x16xi32> to vector<16xi32>
    %swap3A_263 = vector.shape_cast %get3A_257 : vector<16xi32> to vector<1x16xi32>
    tpu.vector_store %arg8[%swap3A_259, %swap3A_260], %swap3A_263 {strides = array<i32>} : memref<4x128xi32, #tpu.memory_space<vmem>>, vector<1x16xi32>,
    %get3A_264 = arith.constant 432 : index
    %get3A_265 = tpu.vector_load %arg7[%get3A_264] {strides = array<i32>} : memref<512xi32, #tpu.memory_space<vmem>>, vector<16xi32>,
    %get3A_266 = vector.shape_cast %get3A_265 : vector<16xi32> to vector<16xi32>
    %swap3A_267 = arith.constant 3 : i32
    %swap3A_268 = arith.index_cast %swap3A_267 : i32 to index
    %swap3A_269 = arith.constant 48 : index
    %swap3A_270 = tpu.vector_load %arg8[%swap3A_268, %swap3A_269] {strides = array<i32>} : memref<4x128xi32, #tpu.memory_space<vmem>>, vector<1x16xi32>,
    %swap3A_271 = vector.shape_cast %swap3A_270 : vector<1x16xi32> to vector<16xi32>
    %swap3A_272 = vector.shape_cast %get3A_266 : vector<16xi32> to vector<1x16xi32>
    tpu.vector_store %arg8[%swap3A_268, %swap3A_269], %swap3A_272 {strides = array<i32>} : memref<4x128xi32, #tpu.memory_space<vmem>>, vector<1x16xi32>,
    %get3A_273 = arith.constant 448 : index
    %get3A_274 = tpu.vector_load %arg7[%get3A_273] {strides = array<i32>} : memref<512xi32, #tpu.memory_space<vmem>>, vector<16xi32>,
    %get3A_275 = vector.shape_cast %get3A_274 : vector<16xi32> to vector<16xi32>
    %swap3A_276 = arith.constant 3 : i32
    %swap3A_277 = arith.index_cast %swap3A_276 : i32 to index
    %swap3A_278 = arith.constant 64 : index
    %swap3A_279 = tpu.vector_load %arg8[%swap3A_277, %swap3A_278] {strides = array<i32>} : memref<4x128xi32, #tpu.memory_space<vmem>>, vector<1x16xi32>,
    %swap3A_280 = vector.shape_cast %swap3A_279 : vector<1x16xi32> to vector<16xi32>
    %swap3A_281 = vector.shape_cast %get3A_275 : vector<16xi32> to vector<1x16xi32>
    tpu.vector_store %arg8[%swap3A_277, %swap3A_278], %swap3A_281 {strides = array<i32>} : memref<4x128xi32, #tpu.memory_space<vmem>>, vector<1x16xi32>,
    %get3A_282 = arith.constant 464 : index
    %get3A_283 = tpu.vector_load %arg7[%get3A_282] {strides = array<i32>} : memref<512xi32, #tpu.memory_space<vmem>>, vector<16xi32>,
    %get3A_284 = vector.shape_cast %get3A_283 : vector<16xi32> to vector<16xi32>
    %swap3A_285 = arith.constant 3 : i32
    %swap3A_286 = arith.index_cast %swap3A_285 : i32 to index
    %swap3A_287 = arith.constant 80 : index
    %swap3A_288 = tpu.vector_load %arg8[%swap3A_286, %swap3A_287] {strides = array<i32>} : memref<4x128xi32, #tpu.memory_space<vmem>>, vector<1x16xi32>,
    %swap3A_289 = vector.shape_cast %swap3A_288 : vector<1x16xi32> to vector<16xi32>
    %swap3A_290 = vector.shape_cast %get3A_284 : vector<16xi32> to vector<1x16xi32>
    tpu.vector_store %arg8[%swap3A_286, %swap3A_287], %swap3A_290 {strides = array<i32>} : memref<4x128xi32, #tpu.memory_space<vmem>>, vector<1x16xi32>,
    %get3A_291 = arith.constant 480 : index
    %get3A_292 = tpu.vector_load %arg7[%get3A_291] {strides = array<i32>} : memref<512xi32, #tpu.memory_space<vmem>>, vector<16xi32>,
    %get3A_293 = vector.shape_cast %get3A_292 : vector<16xi32> to vector<16xi32>
    %swap3A_294 = arith.constant 3 : i32
    %swap3A_295 = arith.index_cast %swap3A_294 : i32 to index
    %swap3A_296 = arith.constant 96 : index
    %swap3A_297 = tpu.vector_load %arg8[%swap3A_295, %swap3A_296] {strides = array<i32>} : memref<4x128xi32, #tpu.memory_space<vmem>>, vector<1x16xi32>,
    %swap3A_298 = vector.shape_cast %swap3A_297 : vector<1x16xi32> to vector<16xi32>
    %swap3A_299 = vector.shape_cast %get3A_293 : vector<16xi32> to vector<1x16xi32>
    tpu.vector_store %arg8[%swap3A_295, %swap3A_296], %swap3A_299 {strides = array<i32>} : memref<4x128xi32, #tpu.memory_space<vmem>>, vector<1x16xi32>,
    %get3A_300 = arith.constant 496 : index
    %get3A_301 = tpu.vector_load %arg7[%get3A_300] {strides = array<i32>} : memref<512xi32, #tpu.memory_space<vmem>>, vector<16xi32>,
    %get3A_302 = vector.shape_cast %get3A_301 : vector<16xi32> to vector<16xi32>
    %swap3A_303 = arith.constant 3 : i32
    %swap3A_304 = arith.index_cast %swap3A_303 : i32 to index
    %swap3A_305 = arith.constant 112 : index
    %swap3A_306 = tpu.vector_load %arg8[%swap3A_304, %swap3A_305] {strides = array<i32>} : memref<4x128xi32, #tpu.memory_space<vmem>>, vector<1x16xi32>,
    %swap3A_307 = vector.shape_cast %swap3A_306 : vector<1x16xi32> to vector<16xi32>
    %swap3A_308 = vector.shape_cast %get3A_302 : vector<16xi32> to vector<1x16xi32>
    tpu.vector_store %arg8[%swap3A_304, %swap3A_305], %swap3A_308 {strides = array<i32>} : memref<4x128xi32, #tpu.memory_space<vmem>>, vector<1x16xi32>,
    %dma_start3A_309 = arith.constant 0 : i32
    %dma_start3A_310 = arith.constant 0 : i32
    %dma_start3A_311 = arith.constant 0 : i32
    %dma_start3A_312 = tpu.memref_slice %arg10[%dma_start3A_310, %dma_start3A_311] : memref<512x128xf32, #tpu.memory_space<vmem>> -> memref<128x128xf32, #tpu.memory_space<vmem>>
    %dma_start3A_313 = arith.constant 0 : i32
    %dma_start3A_314 = tpu.memref_slice %arg8[%dma_start3A_309, %dma_start3A_313] : memref<4x128xi32, #tpu.memory_space<vmem>> -> memref<1x128xi32, #tpu.memory_space<vmem>>
    %dma_start3A_315 = tpu.memref_squeeze %dma_start3A_314 : memref<1x128xi32, #tpu.memory_space<vmem>> -> memref<128xi32, #tpu.memory_space<vmem>>
    %dma_start3A_316 = arith.constant 0 : i32
    %dma_start3A_317 = arith.constant 0 : i32
    %dma_start3A_318 = tpu.memref_slice %arg4[%dma_start3A_316, %dma_start3A_317] : memref<100000x128xf32, #tpu.memory_space<hbm>> -> memref<100000x128xf32, #tpu.memory_space<hbm>>
    tpu.enqueue_indirect_dma source(%dma_start3A_318 : memref<100000x128xf32, #tpu.memory_space<hbm>>) target(%dma_start3A_312 : memref<128x128xf32, #tpu.memory_space<vmem>>) offsets(%dma_start3A_315 : memref<128xi32, #tpu.memory_space<vmem>>) semaphore(%arg13 : memref<!tpu.dma_semaphore, #tpu.memory_space<semaphore_mem>>)
    %dma_start3A_319 = arith.constant 1 : i32
    %dma_start3A_320 = arith.constant 128 : i32
    %dma_start3A_321 = arith.constant 0 : i32
    %dma_start3A_322 = tpu.memref_slice %arg10[%dma_start3A_320, %dma_start3A_321] : memref<512x128xf32, #tpu.memory_space<vmem>> -> memref<128x128xf32, #tpu.memory_space<vmem>>
    %dma_start3A_323 = arith.constant 0 : i32
    %dma_start3A_324 = tpu.memref_slice %arg8[%dma_start3A_319, %dma_start3A_323] : memref<4x128xi32, #tpu.memory_space<vmem>> -> memref<1x128xi32, #tpu.memory_space<vmem>>
    %dma_start3A_325 = tpu.memref_squeeze %dma_start3A_324 : memref<1x128xi32, #tpu.memory_space<vmem>> -> memref<128xi32, #tpu.memory_space<vmem>>
    %dma_start3A_326 = arith.constant 0 : i32
    %dma_start3A_327 = arith.constant 0 : i32
    %dma_start3A_328 = tpu.memref_slice %arg4[%dma_start3A_326, %dma_start3A_327] : memref<100000x128xf32, #tpu.memory_space<hbm>> -> memref<100000x128xf32, #tpu.memory_space<hbm>>
    tpu.enqueue_indirect_dma source(%dma_start3A_328 : memref<100000x128xf32, #tpu.memory_space<hbm>>) target(%dma_start3A_322 : memref<128x128xf32, #tpu.memory_space<vmem>>) offsets(%dma_start3A_325 : memref<128xi32, #tpu.memory_space<vmem>>) semaphore(%arg13 : memref<!tpu.dma_semaphore, #tpu.memory_space<semaphore_mem>>)
    %dma_start3A_329 = arith.constant 2 : i32
    %dma_start3A_330 = arith.constant 256 : i32
    %dma_start3A_331 = arith.constant 0 : i32
    %dma_start3A_332 = tpu.memref_slice %arg10[%dma_start3A_330, %dma_start3A_331] : memref<512x128xf32, #tpu.memory_space<vmem>> -> memref<128x128xf32, #tpu.memory_space<vmem>>
    %dma_start3A_333 = arith.constant 0 : i32
    %dma_start3A_334 = tpu.memref_slice %arg8[%dma_start3A_329, %dma_start3A_333] : memref<4x128xi32, #tpu.memory_space<vmem>> -> memref<1x128xi32, #tpu.memory_space<vmem>>
    %dma_start3A_335 = tpu.memref_squeeze %dma_start3A_334 : memref<1x128xi32, #tpu.memory_space<vmem>> -> memref<128xi32, #tpu.memory_space<vmem>>
    %dma_start3A_336 = arith.constant 0 : i32
    %dma_start3A_337 = arith.constant 0 : i32
    %dma_start3A_338 = tpu.memref_slice %arg4[%dma_start3A_336, %dma_start3A_337] : memref<100000x128xf32, #tpu.memory_space<hbm>> -> memref<100000x128xf32, #tpu.memory_space<hbm>>
    tpu.enqueue_indirect_dma source(%dma_start3A_338 : memref<100000x128xf32, #tpu.memory_space<hbm>>) target(%dma_start3A_332 : memref<128x128xf32, #tpu.memory_space<vmem>>) offsets(%dma_start3A_335 : memref<128xi32, #tpu.memory_space<vmem>>) semaphore(%arg13 : memref<!tpu.dma_semaphore, #tpu.memory_space<semaphore_mem>>)
    %dma_start3A_339 = arith.constant 3 : i32
    %dma_start3A_340 = arith.constant 384 : i32
    %dma_start3A_341 = arith.constant 0 : i32
    %dma_start3A_342 = tpu.memref_slice %arg10[%dma_start3A_340, %dma_start3A_341] : memref<512x128xf32, #tpu.memory_space<vmem>> -> memref<128x128xf32, #tpu.memory_space<vmem>>
    %dma_start3A_343 = arith.constant 0 : i32
    %dma_start3A_344 = tpu.memref_slice %arg8[%dma_start3A_339, %dma_start3A_343] : memref<4x128xi32, #tpu.memory_space<vmem>> -> memref<1x128xi32, #tpu.memory_space<vmem>>
    %dma_start3A_345 = tpu.memref_squeeze %dma_start3A_344 : memref<1x128xi32, #tpu.memory_space<vmem>> -> memref<128xi32, #tpu.memory_space<vmem>>
    %dma_start3A_346 = arith.constant 0 : i32
    %dma_start3A_347 = arith.constant 0 : i32
    %dma_start3A_348 = tpu.memref_slice %arg4[%dma_start3A_346, %dma_start3A_347] : memref<100000x128xf32, #tpu.memory_space<hbm>> -> memref<100000x128xf32, #tpu.memory_space<hbm>>
    tpu.enqueue_indirect_dma source(%dma_start3A_348 : memref<100000x128xf32, #tpu.memory_space<hbm>>) target(%dma_start3A_342 : memref<128x128xf32, #tpu.memory_space<vmem>>) offsets(%dma_start3A_345 : memref<128xi32, #tpu.memory_space<vmem>>) semaphore(%arg13 : memref<!tpu.dma_semaphore, #tpu.memory_space<semaphore_mem>>)
    %multiple_of3A_349 = tpu.assume_multiple %add3A, 8 : i32
    "tpu.region"() ({
      %run_scoped3A = tpu.sem_alloc : memref<!tpu.dma_semaphore, #tpu.memory_space<semaphore_mem>>
      %dma_start3A_406 = tpu.memref_slice %arg5[%multiple_of3A_349] : memref<16384xf32, #tpu.memory_space<hbm>> -> memref<512xf32, #tpu.memory_space<hbm>>
      %dma_start3A_407 = tpu.memref_slice %arg5[%multiple_of3A_349] : memref<16384xf32, #tpu.memory_space<hbm>> -> memref<512xf32, #tpu.memory_space<hbm>>
      tpu.enqueue_dma source(%dma_start3A_407 : memref<512xf32, #tpu.memory_space<hbm>>) target(%arg11 : memref<512xf32, #tpu.memory_space<vmem>>) target_semaphore(%run_scoped3A : memref<!tpu.dma_semaphore, #tpu.memory_space<semaphore_mem>>)
      %dma_wait3A_408 = tpu.memref_slice %arg5[%multiple_of3A_349] : memref<16384xf32, #tpu.memory_space<hbm>> -> memref<512xf32, #tpu.memory_space<hbm>>
      %dma_wait3A_409 = tpu.memref_slice %arg5[%multiple_of3A_349] : memref<16384xf32, #tpu.memory_space<hbm>> -> memref<512xf32, #tpu.memory_space<hbm>>
      tpu.wait_dma2 semaphore(%run_scoped3A : memref<!tpu.dma_semaphore, #tpu.memory_space<semaphore_mem>>) src(%dma_wait3A_409 : memref<512xf32, #tpu.memory_space<hbm>>) dst(%arg11 : memref<512xf32, #tpu.memory_space<vmem>>)
      tpu.yield
    }) : () -> ()
    %dma_wait3A = arith.constant 0 : i32
    %dma_wait3A_350 = tpu.memref_slice %arg2[%multiple_of3A_19, %dma_wait3A] : memref<8192x128xf32, #tpu.memory_space<hbm>> -> memref<256x128xf32, #tpu.memory_space<hbm>>
    %dma_wait3A_351 = arith.constant 0 : i32
    %dma_wait3A_352 = tpu.memref_slice %arg2[%multiple_of3A_19, %dma_wait3A_351] : memref<8192x128xf32, #tpu.memory_space<hbm>> -> memref<256x128xf32, #tpu.memory_space<hbm>>
    tpu.wait_dma2 semaphore(%arg14 : memref<!tpu.dma_semaphore, #tpu.memory_space<semaphore_mem>>) src(%dma_wait3A_352 : memref<256x128xf32, #tpu.memory_space<hbm>>) dst(%arg9 : memref<256x128xf32, #tpu.memory_space<vmem>>)
    %dma_wait3A_353 = arith.constant 0 : i32
    %dma_wait3A_354 = arith.constant 0 : i32
    %dma_wait3A_355 = arith.constant 0 : i32
    %dma_wait3A_356 = tpu.memref_slice %arg10[%dma_wait3A_354, %dma_wait3A_355] : memref<512x128xf32, #tpu.memory_space<vmem>> -> memref<128x128xf32, #tpu.memory_space<vmem>>
    %dma_wait3A_357 = arith.constant 0 : i32
    %dma_wait3A_358 = tpu.memref_slice %arg8[%dma_wait3A_353, %dma_wait3A_357] : memref<4x128xi32, #tpu.memory_space<vmem>> -> memref<1x128xi32, #tpu.memory_space<vmem>>
    %dma_wait3A_359 = tpu.memref_squeeze %dma_wait3A_358 : memref<1x128xi32, #tpu.memory_space<vmem>> -> memref<128xi32, #tpu.memory_space<vmem>>
    %dma_wait3A_360 = arith.constant 0 : i32
    %dma_wait3A_361 = arith.constant 0 : i32
    %dma_wait3A_362 = tpu.memref_slice %arg4[%dma_wait3A_360, %dma_wait3A_361] : memref<100000x128xf32, #tpu.memory_space<hbm>> -> memref<100000x128xf32, #tpu.memory_space<hbm>>
    tpu.wait_indirect_dma semaphore(%arg13 : memref<!tpu.dma_semaphore, #tpu.memory_space<semaphore_mem>>) src(%dma_wait3A_362 : memref<100000x128xf32, #tpu.memory_space<hbm>>) dst(%dma_wait3A_356 : memref<128x128xf32, #tpu.memory_space<vmem>>)
    %dma_wait3A_363 = arith.constant 1 : i32
    %dma_wait3A_364 = arith.constant 128 : i32
    %dma_wait3A_365 = arith.constant 0 : i32
    %dma_wait3A_366 = tpu.memref_slice %arg10[%dma_wait3A_364, %dma_wait3A_365] : memref<512x128xf32, #tpu.memory_space<vmem>> -> memref<128x128xf32, #tpu.memory_space<vmem>>
    %dma_wait3A_367 = arith.constant 0 : i32
    %dma_wait3A_368 = tpu.memref_slice %arg8[%dma_wait3A_363, %dma_wait3A_367] : memref<4x128xi32, #tpu.memory_space<vmem>> -> memref<1x128xi32, #tpu.memory_space<vmem>>
    %dma_wait3A_369 = tpu.memref_squeeze %dma_wait3A_368 : memref<1x128xi32, #tpu.memory_space<vmem>> -> memref<128xi32, #tpu.memory_space<vmem>>
    %dma_wait3A_370 = arith.constant 0 : i32
    %dma_wait3A_371 = arith.constant 0 : i32
    %dma_wait3A_372 = tpu.memref_slice %arg4[%dma_wait3A_370, %dma_wait3A_371] : memref<100000x128xf32, #tpu.memory_space<hbm>> -> memref<100000x128xf32, #tpu.memory_space<hbm>>
    tpu.wait_indirect_dma semaphore(%arg13 : memref<!tpu.dma_semaphore, #tpu.memory_space<semaphore_mem>>) src(%dma_wait3A_372 : memref<100000x128xf32, #tpu.memory_space<hbm>>) dst(%dma_wait3A_366 : memref<128x128xf32, #tpu.memory_space<vmem>>)
    %dma_wait3A_373 = arith.constant 2 : i32
    %dma_wait3A_374 = arith.constant 256 : i32
    %dma_wait3A_375 = arith.constant 0 : i32
    %dma_wait3A_376 = tpu.memref_slice %arg10[%dma_wait3A_374, %dma_wait3A_375] : memref<512x128xf32, #tpu.memory_space<vmem>> -> memref<128x128xf32, #tpu.memory_space<vmem>>
    %dma_wait3A_377 = arith.constant 0 : i32
    %dma_wait3A_378 = tpu.memref_slice %arg8[%dma_wait3A_373, %dma_wait3A_377] : memref<4x128xi32, #tpu.memory_space<vmem>> -> memref<1x128xi32, #tpu.memory_space<vmem>>
    %dma_wait3A_379 = tpu.memref_squeeze %dma_wait3A_378 : memref<1x128xi32, #tpu.memory_space<vmem>> -> memref<128xi32, #tpu.memory_space<vmem>>
    %dma_wait3A_380 = arith.constant 0 : i32
    %dma_wait3A_381 = arith.constant 0 : i32
    %dma_wait3A_382 = tpu.memref_slice %arg4[%dma_wait3A_380, %dma_wait3A_381] : memref<100000x128xf32, #tpu.memory_space<hbm>> -> memref<100000x128xf32, #tpu.memory_space<hbm>>
    tpu.wait_indirect_dma semaphore(%arg13 : memref<!tpu.dma_semaphore, #tpu.memory_space<semaphore_mem>>) src(%dma_wait3A_382 : memref<100000x128xf32, #tpu.memory_space<hbm>>) dst(%dma_wait3A_376 : memref<128x128xf32, #tpu.memory_space<vmem>>)
    %dma_wait3A_383 = arith.constant 3 : i32
    %dma_wait3A_384 = arith.constant 384 : i32
    %dma_wait3A_385 = arith.constant 0 : i32
    %dma_wait3A_386 = tpu.memref_slice %arg10[%dma_wait3A_384, %dma_wait3A_385] : memref<512x128xf32, #tpu.memory_space<vmem>> -> memref<128x128xf32, #tpu.memory_space<vmem>>
    %dma_wait3A_387 = arith.constant 0 : i32
    %dma_wait3A_388 = tpu.memref_slice %arg8[%dma_wait3A_383, %dma_wait3A_387] : memref<4x128xi32, #tpu.memory_space<vmem>> -> memref<1x128xi32, #tpu.memory_space<vmem>>
    %dma_wait3A_389 = tpu.memref_squeeze %dma_wait3A_388 : memref<1x128xi32, #tpu.memory_space<vmem>> -> memref<128xi32, #tpu.memory_space<vmem>>
    %dma_wait3A_390 = arith.constant 0 : i32
    %dma_wait3A_391 = arith.constant 0 : i32
    %dma_wait3A_392 = tpu.memref_slice %arg4[%dma_wait3A_390, %dma_wait3A_391] : memref<100000x128xf32, #tpu.memory_space<hbm>> -> memref<100000x128xf32, #tpu.memory_space<hbm>>
    tpu.wait_indirect_dma semaphore(%arg13 : memref<!tpu.dma_semaphore, #tpu.memory_space<semaphore_mem>>) src(%dma_wait3A_392 : memref<100000x128xf32, #tpu.memory_space<hbm>>) dst(%dma_wait3A_386 : memref<128x128xf32, #tpu.memory_space<vmem>>)
    %broadcast_in_dim3A = arith.constant 0.000000e+00 : f32
    %broadcast_in_dim3A_393 = vector.broadcast %broadcast_in_dim3A : f32 to vector<16xf32>
    %scan3A = arith.constant 0 : i32
    %scan3A_394 = arith.constant 32 : i32
    %scan3A_395 = arith.addi %scan3A, %scan3A_394 : i32
    %scan3A_396 = arith.constant 1 : i32
    %scan3A_397 = scf.for %scan3A_406 = %scan3A to %scan3A_395 step %scan3A_396 iter_args(%scan3A_407 = %broadcast_in_dim3A_393) -> (vector<16xf32>)  : i32 {
      %mul3A_408 = arith.constant 16 : i32
      %mul3A_409 = arith.muli %scan3A_406, %mul3A_408 : i32
      %get3A_410 = arith.index_cast %mul3A_409 : i32 to index
      %get3A_411 = tpu.vector_load %arg11[%get3A_410] {strides = array<i32>} : memref<512xf32, #tpu.memory_space<vmem>>, vector<16xf32>,
      %get3A_412 = vector.shape_cast %get3A_411 : vector<16xf32> to vector<16xf32>
      %mul3A_413 = arith.constant 16 : i32
      %mul3A_414 = arith.muli %scan3A_406, %mul3A_413 : i32
      %add3A_415 = arith.constant 0 : i32
      %add3A_416 = arith.addi %mul3A_414, %add3A_415 : i32
      %mul3A_417 = arith.constant 8 : i32
      %mul3A_418 = arith.muli %scan3A_406, %mul3A_417 : i32
      %add3A_419 = arith.constant 0 : i32
      %add3A_420 = arith.addi %mul3A_418, %add3A_419 : i32
      %get3A_421 = arith.index_cast %add3A_420 : i32 to index
      %get3A_422 = arith.constant 0 : index
      %get3A_423 = tpu.vector_load %arg9[%get3A_421, %get3A_422] {strides = array<i32>} : memref<256x128xf32, #tpu.memory_space<vmem>>, vector<1x16xf32>,
      %get3A_424 = vector.shape_cast %get3A_423 : vector<1x16xf32> to vector<16xf32>
      %get3A_425 = arith.index_cast %add3A_416 : i32 to index
      %get3A_426 = arith.constant 0 : index
      %get3A_427 = tpu.vector_load %arg10[%get3A_425, %get3A_426] {strides = array<i32>} : memref<512x128xf32, #tpu.memory_space<vmem>>, vector<1x16xf32>,
      %get3A_428 = vector.shape_cast %get3A_427 : vector<1x16xf32> to vector<16xf32>
      %sub3A_429 = arith.subf %get3A_424, %get3A_428 : vector<16xf32>
      %mul3A_430 = arith.mulf %sub3A_429, %sub3A_429 : vector<16xf32>
      %get3A_431 = arith.index_cast %add3A_420 : i32 to index
      %get3A_432 = arith.constant 16 : index
      %get3A_433 = tpu.vector_load %arg9[%get3A_431, %get3A_432] {strides = array<i32>} : memref<256x128xf32, #tpu.memory_space<vmem>>, vector<1x16xf32>,
      %get3A_434 = vector.shape_cast %get3A_433 : vector<1x16xf32> to vector<16xf32>
      %get3A_435 = arith.index_cast %add3A_416 : i32 to index
      %get3A_436 = arith.constant 16 : index
      %get3A_437 = tpu.vector_load %arg10[%get3A_435, %get3A_436] {strides = array<i32>} : memref<512x128xf32, #tpu.memory_space<vmem>>, vector<1x16xf32>,
      %get3A_438 = vector.shape_cast %get3A_437 : vector<1x16xf32> to vector<16xf32>
      %sub3A_439 = arith.subf %get3A_434, %get3A_438 : vector<16xf32>
      %mul3A_440 = arith.mulf %sub3A_439, %sub3A_439 : vector<16xf32>
      %add3A_441 = arith.addf %mul3A_430, %mul3A_440 : vector<16xf32>
      %get3A_442 = arith.index_cast %add3A_420 : i32 to index
      %get3A_443 = arith.constant 32 : index
      %get3A_444 = tpu.vector_load %arg9[%get3A_442, %get3A_443] {strides = array<i32>} : memref<256x128xf32, #tpu.memory_space<vmem>>, vector<1x16xf32>,
      %get3A_445 = vector.shape_cast %get3A_444 : vector<1x16xf32> to vector<16xf32>
      %get3A_446 = arith.index_cast %add3A_416 : i32 to index
      %get3A_447 = arith.constant 32 : index
      %get3A_448 = tpu.vector_load %arg10[%get3A_446, %get3A_447] {strides = array<i32>} : memref<512x128xf32, #tpu.memory_space<vmem>>, vector<1x16xf32>,
      %get3A_449 = vector.shape_cast %get3A_448 : vector<1x16xf32> to vector<16xf32>
      %sub3A_450 = arith.subf %get3A_445, %get3A_449 : vector<16xf32>
      %mul3A_451 = arith.mulf %sub3A_450, %sub3A_450 : vector<16xf32>
      %add3A_452 = arith.addf %add3A_441, %mul3A_451 : vector<16xf32>
      %get3A_453 = arith.index_cast %add3A_420 : i32 to index
      %get3A_454 = arith.constant 48 : index
      %get3A_455 = tpu.vector_load %arg9[%get3A_453, %get3A_454] {strides = array<i32>} : memref<256x128xf32, #tpu.memory_space<vmem>>, vector<1x16xf32>,
      %get3A_456 = vector.shape_cast %get3A_455 : vector<1x16xf32> to vector<16xf32>
      %get3A_457 = arith.index_cast %add3A_416 : i32 to index
      %get3A_458 = arith.constant 48 : index
      %get3A_459 = tpu.vector_load %arg10[%get3A_457, %get3A_458] {strides = array<i32>} : memref<512x128xf32, #tpu.memory_space<vmem>>, vector<1x16xf32>,
      %get3A_460 = vector.shape_cast %get3A_459 : vector<1x16xf32> to vector<16xf32>
      %sub3A_461 = arith.subf %get3A_456, %get3A_460 : vector<16xf32>
      %mul3A_462 = arith.mulf %sub3A_461, %sub3A_461 : vector<16xf32>
      %add3A_463 = arith.addf %add3A_452, %mul3A_462 : vector<16xf32>
      %slice3A = vector.extract_strided_slice %get3A_412 {offsets = [0], sizes = [1], strides = [1]} : vector<16xf32> to vector<1xf32>
      %squeeze3A = vector.extract %slice3A[0] : f32 from vector<1xf32>
      %broadcast_in_dim3A_464 = vector.broadcast %squeeze3A : f32 to vector<16xf32>
      %mul3A_465 = arith.mulf %broadcast_in_dim3A_464, %add3A_463 : vector<16xf32>
      %add3A_466 = arith.addf %scan3A_407, %mul3A_465 : vector<16xf32>
      %mul3A_467 = arith.constant 16 : i32
      %mul3A_468 = arith.muli %scan3A_406, %mul3A_467 : i32
      %add3A_469 = arith.constant 1 : i32
      %add3A_470 = arith.addi %mul3A_468, %add3A_469 : i32
      %mul3A_471 = arith.constant 8 : i32
      %mul3A_472 = arith.muli %scan3A_406, %mul3A_471 : i32
      %add3A_473 = arith.constant 0 : i32
      %add3A_474 = arith.addi %mul3A_472, %add3A_473 : i32
      %get3A_475 = arith.index_cast %add3A_474 : i32 to index
      %get3A_476 = arith.constant 64 : index
      %get3A_477 = tpu.vector_load %arg9[%get3A_475, %get3A_476] {strides = array<i32>} : memref<256x128xf32, #tpu.memory_space<vmem>>, vector<1x16xf32>,
      %get3A_478 = vector.shape_cast %get3A_477 : vector<1x16xf32> to vector<16xf32>
      %get3A_479 = arith.index_cast %add3A_470 : i32 to index
      %get3A_480 = arith.constant 0 : index
      %get3A_481 = tpu.vector_load %arg10[%get3A_479, %get3A_480] {strides = array<i32>} : memref<512x128xf32, #tpu.memory_space<vmem>>, vector<1x16xf32>,
      %get3A_482 = vector.shape_cast %get3A_481 : vector<1x16xf32> to vector<16xf32>
      %sub3A_483 = arith.subf %get3A_478, %get3A_482 : vector<16xf32>
      %mul3A_484 = arith.mulf %sub3A_483, %sub3A_483 : vector<16xf32>
      %get3A_485 = arith.index_cast %add3A_474 : i32 to index
      %get3A_486 = arith.constant 80 : index
      %get3A_487 = tpu.vector_load %arg9[%get3A_485, %get3A_486] {strides = array<i32>} : memref<256x128xf32, #tpu.memory_space<vmem>>, vector<1x16xf32>,
      %get3A_488 = vector.shape_cast %get3A_487 : vector<1x16xf32> to vector<16xf32>
      %get3A_489 = arith.index_cast %add3A_470 : i32 to index
      %get3A_490 = arith.constant 16 : index
      %get3A_491 = tpu.vector_load %arg10[%get3A_489, %get3A_490] {strides = array<i32>} : memref<512x128xf32, #tpu.memory_space<vmem>>, vector<1x16xf32>,
      %get3A_492 = vector.shape_cast %get3A_491 : vector<1x16xf32> to vector<16xf32>
      %sub3A_493 = arith.subf %get3A_488, %get3A_492 : vector<16xf32>
      %mul3A_494 = arith.mulf %sub3A_493, %sub3A_493 : vector<16xf32>
      %add3A_495 = arith.addf %mul3A_484, %mul3A_494 : vector<16xf32>
      %get3A_496 = arith.index_cast %add3A_474 : i32 to index
      %get3A_497 = arith.constant 96 : index
      %get3A_498 = tpu.vector_load %arg9[%get3A_496, %get3A_497] {strides = array<i32>} : memref<256x128xf32, #tpu.memory_space<vmem>>, vector<1x16xf32>,
      %get3A_499 = vector.shape_cast %get3A_498 : vector<1x16xf32> to vector<16xf32>
      %get3A_500 = arith.index_cast %add3A_470 : i32 to index
      %get3A_501 = arith.constant 32 : index
      %get3A_502 = tpu.vector_load %arg10[%get3A_500, %get3A_501] {strides = array<i32>} : memref<512x128xf32, #tpu.memory_space<vmem>>, vector<1x16xf32>,
      %get3A_503 = vector.shape_cast %get3A_502 : vector<1x16xf32> to vector<16xf32>
      %sub3A_504 = arith.subf %get3A_499, %get3A_503 : vector<16xf32>
      %mul3A_505 = arith.mulf %sub3A_504, %sub3A_504 : vector<16xf32>
      %add3A_506 = arith.addf %add3A_495, %mul3A_505 : vector<16xf32>
      %get3A_507 = arith.index_cast %add3A_474 : i32 to index
      %get3A_508 = arith.constant 112 : index
      %get3A_509 = tpu.vector_load %arg9[%get3A_507, %get3A_508] {strides = array<i32>} : memref<256x128xf32, #tpu.memory_space<vmem>>, vector<1x16xf32>,
      %get3A_510 = vector.shape_cast %get3A_509 : vector<1x16xf32> to vector<16xf32>
      %get3A_511 = arith.index_cast %add3A_470 : i32 to index
      %get3A_512 = arith.constant 48 : index
      %get3A_513 = tpu.vector_load %arg10[%get3A_511, %get3A_512] {strides = array<i32>} : memref<512x128xf32, #tpu.memory_space<vmem>>, vector<1x16xf32>,
      %get3A_514 = vector.shape_cast %get3A_513 : vector<1x16xf32> to vector<16xf32>
      %sub3A_515 = arith.subf %get3A_510, %get3A_514 : vector<16xf32>
      %mul3A_516 = arith.mulf %sub3A_515, %sub3A_515 : vector<16xf32>
      %add3A_517 = arith.addf %add3A_506, %mul3A_516 : vector<16xf32>
      %slice3A_518 = vector.extract_strided_slice %get3A_412 {offsets = [1], sizes = [1], strides = [1]} : vector<16xf32> to vector<1xf32>
      %squeeze3A_519 = vector.extract %slice3A_518[0] : f32 from vector<1xf32>
      %broadcast_in_dim3A_520 = vector.broadcast %squeeze3A_519 : f32 to vector<16xf32>
      %mul3A_521 = arith.mulf %broadcast_in_dim3A_520, %add3A_517 : vector<16xf32>
      %add3A_522 = arith.addf %add3A_466, %mul3A_521 : vector<16xf32>
      %mul3A_523 = arith.constant 16 : i32
      %mul3A_524 = arith.muli %scan3A_406, %mul3A_523 : i32
      %add3A_525 = arith.constant 2 : i32
      %add3A_526 = arith.addi %mul3A_524, %add3A_525 : i32
      %mul3A_527 = arith.constant 8 : i32
      %mul3A_528 = arith.muli %scan3A_406, %mul3A_527 : i32
      %add3A_529 = arith.constant 1 : i32
      %add3A_530 = arith.addi %mul3A_528, %add3A_529 : i32
      %get3A_531 = arith.index_cast %add3A_530 : i32 to index
      %get3A_532 = arith.constant 0 : index
      %get3A_533 = tpu.vector_load %arg9[%get3A_531, %get3A_532] {strides = array<i32>} : memref<256x128xf32, #tpu.memory_space<vmem>>, vector<1x16xf32>,
      %get3A_534 = vector.shape_cast %get3A_533 : vector<1x16xf32> to vector<16xf32>
      %get3A_535 = arith.index_cast %add3A_526 : i32 to index
      %get3A_536 = arith.constant 0 : index
      %get3A_537 = tpu.vector_load %arg10[%get3A_535, %get3A_536] {strides = array<i32>} : memref<512x128xf32, #tpu.memory_space<vmem>>, vector<1x16xf32>,
      %get3A_538 = vector.shape_cast %get3A_537 : vector<1x16xf32> to vector<16xf32>
      %sub3A_539 = arith.subf %get3A_534, %get3A_538 : vector<16xf32>
      %mul3A_540 = arith.mulf %sub3A_539, %sub3A_539 : vector<16xf32>
      %get3A_541 = arith.index_cast %add3A_530 : i32 to index
      %get3A_542 = arith.constant 16 : index
      %get3A_543 = tpu.vector_load %arg9[%get3A_541, %get3A_542] {strides = array<i32>} : memref<256x128xf32, #tpu.memory_space<vmem>>, vector<1x16xf32>,
      %get3A_544 = vector.shape_cast %get3A_543 : vector<1x16xf32> to vector<16xf32>
      %get3A_545 = arith.index_cast %add3A_526 : i32 to index
      %get3A_546 = arith.constant 16 : index
      %get3A_547 = tpu.vector_load %arg10[%get3A_545, %get3A_546] {strides = array<i32>} : memref<512x128xf32, #tpu.memory_space<vmem>>, vector<1x16xf32>,
      %get3A_548 = vector.shape_cast %get3A_547 : vector<1x16xf32> to vector<16xf32>
      %sub3A_549 = arith.subf %get3A_544, %get3A_548 : vector<16xf32>
      %mul3A_550 = arith.mulf %sub3A_549, %sub3A_549 : vector<16xf32>
      %add3A_551 = arith.addf %mul3A_540, %mul3A_550 : vector<16xf32>
      %get3A_552 = arith.index_cast %add3A_530 : i32 to index
      %get3A_553 = arith.constant 32 : index
      %get3A_554 = tpu.vector_load %arg9[%get3A_552, %get3A_553] {strides = array<i32>} : memref<256x128xf32, #tpu.memory_space<vmem>>, vector<1x16xf32>,
      %get3A_555 = vector.shape_cast %get3A_554 : vector<1x16xf32> to vector<16xf32>
      %get3A_556 = arith.index_cast %add3A_526 : i32 to index
      %get3A_557 = arith.constant 32 : index
      %get3A_558 = tpu.vector_load %arg10[%get3A_556, %get3A_557] {strides = array<i32>} : memref<512x128xf32, #tpu.memory_space<vmem>>, vector<1x16xf32>,
      %get3A_559 = vector.shape_cast %get3A_558 : vector<1x16xf32> to vector<16xf32>
      %sub3A_560 = arith.subf %get3A_555, %get3A_559 : vector<16xf32>
      %mul3A_561 = arith.mulf %sub3A_560, %sub3A_560 : vector<16xf32>
      %add3A_562 = arith.addf %add3A_551, %mul3A_561 : vector<16xf32>
      %get3A_563 = arith.index_cast %add3A_530 : i32 to index
      %get3A_564 = arith.constant 48 : index
      %get3A_565 = tpu.vector_load %arg9[%get3A_563, %get3A_564] {strides = array<i32>} : memref<256x128xf32, #tpu.memory_space<vmem>>, vector<1x16xf32>,
      %get3A_566 = vector.shape_cast %get3A_565 : vector<1x16xf32> to vector<16xf32>
      %get3A_567 = arith.index_cast %add3A_526 : i32 to index
      %get3A_568 = arith.constant 48 : index
      %get3A_569 = tpu.vector_load %arg10[%get3A_567, %get3A_568] {strides = array<i32>} : memref<512x128xf32, #tpu.memory_space<vmem>>, vector<1x16xf32>,
      %get3A_570 = vector.shape_cast %get3A_569 : vector<1x16xf32> to vector<16xf32>
      %sub3A_571 = arith.subf %get3A_566, %get3A_570 : vector<16xf32>
      %mul3A_572 = arith.mulf %sub3A_571, %sub3A_571 : vector<16xf32>
      %add3A_573 = arith.addf %add3A_562, %mul3A_572 : vector<16xf32>
      %slice3A_574 = vector.extract_strided_slice %get3A_412 {offsets = [2], sizes = [1], strides = [1]} : vector<16xf32> to vector<1xf32>
      %squeeze3A_575 = vector.extract %slice3A_574[0] : f32 from vector<1xf32>
      %broadcast_in_dim3A_576 = vector.broadcast %squeeze3A_575 : f32 to vector<16xf32>
      %mul3A_577 = arith.mulf %broadcast_in_dim3A_576, %add3A_573 : vector<16xf32>
      %add3A_578 = arith.addf %add3A_522, %mul3A_577 : vector<16xf32>
      %mul3A_579 = arith.constant 16 : i32
      %mul3A_580 = arith.muli %scan3A_406, %mul3A_579 : i32
      %add3A_581 = arith.constant 3 : i32
      %add3A_582 = arith.addi %mul3A_580, %add3A_581 : i32
      %mul3A_583 = arith.constant 8 : i32
      %mul3A_584 = arith.muli %scan3A_406, %mul3A_583 : i32
      %add3A_585 = arith.constant 1 : i32
      %add3A_586 = arith.addi %mul3A_584, %add3A_585 : i32
      %get3A_587 = arith.index_cast %add3A_586 : i32 to index
      %get3A_588 = arith.constant 64 : index
      %get3A_589 = tpu.vector_load %arg9[%get3A_587, %get3A_588] {strides = array<i32>} : memref<256x128xf32, #tpu.memory_space<vmem>>, vector<1x16xf32>,
      %get3A_590 = vector.shape_cast %get3A_589 : vector<1x16xf32> to vector<16xf32>
      %get3A_591 = arith.index_cast %add3A_582 : i32 to index
      %get3A_592 = arith.constant 0 : index
      %get3A_593 = tpu.vector_load %arg10[%get3A_591, %get3A_592] {strides = array<i32>} : memref<512x128xf32, #tpu.memory_space<vmem>>, vector<1x16xf32>,
      %get3A_594 = vector.shape_cast %get3A_593 : vector<1x16xf32> to vector<16xf32>
      %sub3A_595 = arith.subf %get3A_590, %get3A_594 : vector<16xf32>
      %mul3A_596 = arith.mulf %sub3A_595, %sub3A_595 : vector<16xf32>
      %get3A_597 = arith.index_cast %add3A_586 : i32 to index
      %get3A_598 = arith.constant 80 : index
      %get3A_599 = tpu.vector_load %arg9[%get3A_597, %get3A_598] {strides = array<i32>} : memref<256x128xf32, #tpu.memory_space<vmem>>, vector<1x16xf32>,
      %get3A_600 = vector.shape_cast %get3A_599 : vector<1x16xf32> to vector<16xf32>
      %get3A_601 = arith.index_cast %add3A_582 : i32 to index
      %get3A_602 = arith.constant 16 : index
      %get3A_603 = tpu.vector_load %arg10[%get3A_601, %get3A_602] {strides = array<i32>} : memref<512x128xf32, #tpu.memory_space<vmem>>, vector<1x16xf32>,
      %get3A_604 = vector.shape_cast %get3A_603 : vector<1x16xf32> to vector<16xf32>
      %sub3A_605 = arith.subf %get3A_600, %get3A_604 : vector<16xf32>
      %mul3A_606 = arith.mulf %sub3A_605, %sub3A_605 : vector<16xf32>
      %add3A_607 = arith.addf %mul3A_596, %mul3A_606 : vector<16xf32>
      %get3A_608 = arith.index_cast %add3A_586 : i32 to index
      %get3A_609 = arith.constant 96 : index
      %get3A_610 = tpu.vector_load %arg9[%get3A_608, %get3A_609] {strides = array<i32>} : memref<256x128xf32, #tpu.memory_space<vmem>>, vector<1x16xf32>,
      %get3A_611 = vector.shape_cast %get3A_610 : vector<1x16xf32> to vector<16xf32>
      %get3A_612 = arith.index_cast %add3A_582 : i32 to index
      %get3A_613 = arith.constant 32 : index
      %get3A_614 = tpu.vector_load %arg10[%get3A_612, %get3A_613] {strides = array<i32>} : memref<512x128xf32, #tpu.memory_space<vmem>>, vector<1x16xf32>,
      %get3A_615 = vector.shape_cast %get3A_614 : vector<1x16xf32> to vector<16xf32>
      %sub3A_616 = arith.subf %get3A_611, %get3A_615 : vector<16xf32>
      %mul3A_617 = arith.mulf %sub3A_616, %sub3A_616 : vector<16xf32>
      %add3A_618 = arith.addf %add3A_607, %mul3A_617 : vector<16xf32>
      %get3A_619 = arith.index_cast %add3A_586 : i32 to index
      %get3A_620 = arith.constant 112 : index
      %get3A_621 = tpu.vector_load %arg9[%get3A_619, %get3A_620] {strides = array<i32>} : memref<256x128xf32, #tpu.memory_space<vmem>>, vector<1x16xf32>,
      %get3A_622 = vector.shape_cast %get3A_621 : vector<1x16xf32> to vector<16xf32>
      %get3A_623 = arith.index_cast %add3A_582 : i32 to index
      %get3A_624 = arith.constant 48 : index
      %get3A_625 = tpu.vector_load %arg10[%get3A_623, %get3A_624] {strides = array<i32>} : memref<512x128xf32, #tpu.memory_space<vmem>>, vector<1x16xf32>,
      %get3A_626 = vector.shape_cast %get3A_625 : vector<1x16xf32> to vector<16xf32>
      %sub3A_627 = arith.subf %get3A_622, %get3A_626 : vector<16xf32>
      %mul3A_628 = arith.mulf %sub3A_627, %sub3A_627 : vector<16xf32>
      %add3A_629 = arith.addf %add3A_618, %mul3A_628 : vector<16xf32>
      %slice3A_630 = vector.extract_strided_slice %get3A_412 {offsets = [3], sizes = [1], strides = [1]} : vector<16xf32> to vector<1xf32>
      %squeeze3A_631 = vector.extract %slice3A_630[0] : f32 from vector<1xf32>
      %broadcast_in_dim3A_632 = vector.broadcast %squeeze3A_631 : f32 to vector<16xf32>
      %mul3A_633 = arith.mulf %broadcast_in_dim3A_632, %add3A_629 : vector<16xf32>
      %add3A_634 = arith.addf %add3A_578, %mul3A_633 : vector<16xf32>
      %mul3A_635 = arith.constant 16 : i32
      %mul3A_636 = arith.muli %scan3A_406, %mul3A_635 : i32
      %add3A_637 = arith.constant 4 : i32
      %add3A_638 = arith.addi %mul3A_636, %add3A_637 : i32
      %mul3A_639 = arith.constant 8 : i32
      %mul3A_640 = arith.muli %scan3A_406, %mul3A_639 : i32
      %add3A_641 = arith.constant 2 : i32
      %add3A_642 = arith.addi %mul3A_640, %add3A_641 : i32
      %get3A_643 = arith.index_cast %add3A_642 : i32 to index
      %get3A_644 = arith.constant 0 : index
      %get3A_645 = tpu.vector_load %arg9[%get3A_643, %get3A_644] {strides = array<i32>} : memref<256x128xf32, #tpu.memory_space<vmem>>, vector<1x16xf32>,
      %get3A_646 = vector.shape_cast %get3A_645 : vector<1x16xf32> to vector<16xf32>
      %get3A_647 = arith.index_cast %add3A_638 : i32 to index
      %get3A_648 = arith.constant 0 : index
      %get3A_649 = tpu.vector_load %arg10[%get3A_647, %get3A_648] {strides = array<i32>} : memref<512x128xf32, #tpu.memory_space<vmem>>, vector<1x16xf32>,
      %get3A_650 = vector.shape_cast %get3A_649 : vector<1x16xf32> to vector<16xf32>
      %sub3A_651 = arith.subf %get3A_646, %get3A_650 : vector<16xf32>
      %mul3A_652 = arith.mulf %sub3A_651, %sub3A_651 : vector<16xf32>
      %get3A_653 = arith.index_cast %add3A_642 : i32 to index
      %get3A_654 = arith.constant 16 : index
      %get3A_655 = tpu.vector_load %arg9[%get3A_653, %get3A_654] {strides = array<i32>} : memref<256x128xf32, #tpu.memory_space<vmem>>, vector<1x16xf32>,
      %get3A_656 = vector.shape_cast %get3A_655 : vector<1x16xf32> to vector<16xf32>
      %get3A_657 = arith.index_cast %add3A_638 : i32 to index
      %get3A_658 = arith.constant 16 : index
      %get3A_659 = tpu.vector_load %arg10[%get3A_657, %get3A_658] {strides = array<i32>} : memref<512x128xf32, #tpu.memory_space<vmem>>, vector<1x16xf32>,
      %get3A_660 = vector.shape_cast %get3A_659 : vector<1x16xf32> to vector<16xf32>
      %sub3A_661 = arith.subf %get3A_656, %get3A_660 : vector<16xf32>
      %mul3A_662 = arith.mulf %sub3A_661, %sub3A_661 : vector<16xf32>
      %add3A_663 = arith.addf %mul3A_652, %mul3A_662 : vector<16xf32>
      %get3A_664 = arith.index_cast %add3A_642 : i32 to index
      %get3A_665 = arith.constant 32 : index
      %get3A_666 = tpu.vector_load %arg9[%get3A_664, %get3A_665] {strides = array<i32>} : memref<256x128xf32, #tpu.memory_space<vmem>>, vector<1x16xf32>,
      %get3A_667 = vector.shape_cast %get3A_666 : vector<1x16xf32> to vector<16xf32>
      %get3A_668 = arith.index_cast %add3A_638 : i32 to index
      %get3A_669 = arith.constant 32 : index
      %get3A_670 = tpu.vector_load %arg10[%get3A_668, %get3A_669] {strides = array<i32>} : memref<512x128xf32, #tpu.memory_space<vmem>>, vector<1x16xf32>,
      %get3A_671 = vector.shape_cast %get3A_670 : vector<1x16xf32> to vector<16xf32>
      %sub3A_672 = arith.subf %get3A_667, %get3A_671 : vector<16xf32>
      %mul3A_673 = arith.mulf %sub3A_672, %sub3A_672 : vector<16xf32>
      %add3A_674 = arith.addf %add3A_663, %mul3A_673 : vector<16xf32>
      %get3A_675 = arith.index_cast %add3A_642 : i32 to index
      %get3A_676 = arith.constant 48 : index
      %get3A_677 = tpu.vector_load %arg9[%get3A_675, %get3A_676] {strides = array<i32>} : memref<256x128xf32, #tpu.memory_space<vmem>>, vector<1x16xf32>,
      %get3A_678 = vector.shape_cast %get3A_677 : vector<1x16xf32> to vector<16xf32>
      %get3A_679 = arith.index_cast %add3A_638 : i32 to index
      %get3A_680 = arith.constant 48 : index
      %get3A_681 = tpu.vector_load %arg10[%get3A_679, %get3A_680] {strides = array<i32>} : memref<512x128xf32, #tpu.memory_space<vmem>>, vector<1x16xf32>,
      %get3A_682 = vector.shape_cast %get3A_681 : vector<1x16xf32> to vector<16xf32>
      %sub3A_683 = arith.subf %get3A_678, %get3A_682 : vector<16xf32>
      %mul3A_684 = arith.mulf %sub3A_683, %sub3A_683 : vector<16xf32>
      %add3A_685 = arith.addf %add3A_674, %mul3A_684 : vector<16xf32>
      %slice3A_686 = vector.extract_strided_slice %get3A_412 {offsets = [4], sizes = [1], strides = [1]} : vector<16xf32> to vector<1xf32>
      %squeeze3A_687 = vector.extract %slice3A_686[0] : f32 from vector<1xf32>
      %broadcast_in_dim3A_688 = vector.broadcast %squeeze3A_687 : f32 to vector<16xf32>
      %mul3A_689 = arith.mulf %broadcast_in_dim3A_688, %add3A_685 : vector<16xf32>
      %add3A_690 = arith.addf %add3A_634, %mul3A_689 : vector<16xf32>
      %mul3A_691 = arith.constant 16 : i32
      %mul3A_692 = arith.muli %scan3A_406, %mul3A_691 : i32
      %add3A_693 = arith.constant 5 : i32
      %add3A_694 = arith.addi %mul3A_692, %add3A_693 : i32
      %mul3A_695 = arith.constant 8 : i32
      %mul3A_696 = arith.muli %scan3A_406, %mul3A_695 : i32
      %add3A_697 = arith.constant 2 : i32
      %add3A_698 = arith.addi %mul3A_696, %add3A_697 : i32
      %get3A_699 = arith.index_cast %add3A_698 : i32 to index
      %get3A_700 = arith.constant 64 : index
      %get3A_701 = tpu.vector_load %arg9[%get3A_699, %get3A_700] {strides = array<i32>} : memref<256x128xf32, #tpu.memory_space<vmem>>, vector<1x16xf32>,
      %get3A_702 = vector.shape_cast %get3A_701 : vector<1x16xf32> to vector<16xf32>
      %get3A_703 = arith.index_cast %add3A_694 : i32 to index
      %get3A_704 = arith.constant 0 : index
      %get3A_705 = tpu.vector_load %arg10[%get3A_703, %get3A_704] {strides = array<i32>} : memref<512x128xf32, #tpu.memory_space<vmem>>, vector<1x16xf32>,
      %get3A_706 = vector.shape_cast %get3A_705 : vector<1x16xf32> to vector<16xf32>
      %sub3A_707 = arith.subf %get3A_702, %get3A_706 : vector<16xf32>
      %mul3A_708 = arith.mulf %sub3A_707, %sub3A_707 : vector<16xf32>
      %get3A_709 = arith.index_cast %add3A_698 : i32 to index
      %get3A_710 = arith.constant 80 : index
      %get3A_711 = tpu.vector_load %arg9[%get3A_709, %get3A_710] {strides = array<i32>} : memref<256x128xf32, #tpu.memory_space<vmem>>, vector<1x16xf32>,
      %get3A_712 = vector.shape_cast %get3A_711 : vector<1x16xf32> to vector<16xf32>
      %get3A_713 = arith.index_cast %add3A_694 : i32 to index
      %get3A_714 = arith.constant 16 : index
      %get3A_715 = tpu.vector_load %arg10[%get3A_713, %get3A_714] {strides = array<i32>} : memref<512x128xf32, #tpu.memory_space<vmem>>, vector<1x16xf32>,
      %get3A_716 = vector.shape_cast %get3A_715 : vector<1x16xf32> to vector<16xf32>
      %sub3A_717 = arith.subf %get3A_712, %get3A_716 : vector<16xf32>
      %mul3A_718 = arith.mulf %sub3A_717, %sub3A_717 : vector<16xf32>
      %add3A_719 = arith.addf %mul3A_708, %mul3A_718 : vector<16xf32>
      %get3A_720 = arith.index_cast %add3A_698 : i32 to index
      %get3A_721 = arith.constant 96 : index
      %get3A_722 = tpu.vector_load %arg9[%get3A_720, %get3A_721] {strides = array<i32>} : memref<256x128xf32, #tpu.memory_space<vmem>>, vector<1x16xf32>,
      %get3A_723 = vector.shape_cast %get3A_722 : vector<1x16xf32> to vector<16xf32>
      %get3A_724 = arith.index_cast %add3A_694 : i32 to index
      %get3A_725 = arith.constant 32 : index
      %get3A_726 = tpu.vector_load %arg10[%get3A_724, %get3A_725] {strides = array<i32>} : memref<512x128xf32, #tpu.memory_space<vmem>>, vector<1x16xf32>,
      %get3A_727 = vector.shape_cast %get3A_726 : vector<1x16xf32> to vector<16xf32>
      %sub3A_728 = arith.subf %get3A_723, %get3A_727 : vector<16xf32>
      %mul3A_729 = arith.mulf %sub3A_728, %sub3A_728 : vector<16xf32>
      %add3A_730 = arith.addf %add3A_719, %mul3A_729 : vector<16xf32>
      %get3A_731 = arith.index_cast %add3A_698 : i32 to index
      %get3A_732 = arith.constant 112 : index
      %get3A_733 = tpu.vector_load %arg9[%get3A_731, %get3A_732] {strides = array<i32>} : memref<256x128xf32, #tpu.memory_space<vmem>>, vector<1x16xf32>,
      %get3A_734 = vector.shape_cast %get3A_733 : vector<1x16xf32> to vector<16xf32>
      %get3A_735 = arith.index_cast %add3A_694 : i32 to index
      %get3A_736 = arith.constant 48 : index
      %get3A_737 = tpu.vector_load %arg10[%get3A_735, %get3A_736] {strides = array<i32>} : memref<512x128xf32, #tpu.memory_space<vmem>>, vector<1x16xf32>,
      %get3A_738 = vector.shape_cast %get3A_737 : vector<1x16xf32> to vector<16xf32>
      %sub3A_739 = arith.subf %get3A_734, %get3A_738 : vector<16xf32>
      %mul3A_740 = arith.mulf %sub3A_739, %sub3A_739 : vector<16xf32>
      %add3A_741 = arith.addf %add3A_730, %mul3A_740 : vector<16xf32>
      %slice3A_742 = vector.extract_strided_slice %get3A_412 {offsets = [5], sizes = [1], strides = [1]} : vector<16xf32> to vector<1xf32>
      %squeeze3A_743 = vector.extract %slice3A_742[0] : f32 from vector<1xf32>
      %broadcast_in_dim3A_744 = vector.broadcast %squeeze3A_743 : f32 to vector<16xf32>
      %mul3A_745 = arith.mulf %broadcast_in_dim3A_744, %add3A_741 : vector<16xf32>
      %add3A_746 = arith.addf %add3A_690, %mul3A_745 : vector<16xf32>
      %mul3A_747 = arith.constant 16 : i32
      %mul3A_748 = arith.muli %scan3A_406, %mul3A_747 : i32
      %add3A_749 = arith.constant 6 : i32
      %add3A_750 = arith.addi %mul3A_748, %add3A_749 : i32
      %mul3A_751 = arith.constant 8 : i32
      %mul3A_752 = arith.muli %scan3A_406, %mul3A_751 : i32
      %add3A_753 = arith.constant 3 : i32
      %add3A_754 = arith.addi %mul3A_752, %add3A_753 : i32
      %get3A_755 = arith.index_cast %add3A_754 : i32 to index
      %get3A_756 = arith.constant 0 : index
      %get3A_757 = tpu.vector_load %arg9[%get3A_755, %get3A_756] {strides = array<i32>} : memref<256x128xf32, #tpu.memory_space<vmem>>, vector<1x16xf32>,
      %get3A_758 = vector.shape_cast %get3A_757 : vector<1x16xf32> to vector<16xf32>
      %get3A_759 = arith.index_cast %add3A_750 : i32 to index
      %get3A_760 = arith.constant 0 : index
      %get3A_761 = tpu.vector_load %arg10[%get3A_759, %get3A_760] {strides = array<i32>} : memref<512x128xf32, #tpu.memory_space<vmem>>, vector<1x16xf32>,
      %get3A_762 = vector.shape_cast %get3A_761 : vector<1x16xf32> to vector<16xf32>
      %sub3A_763 = arith.subf %get3A_758, %get3A_762 : vector<16xf32>
      %mul3A_764 = arith.mulf %sub3A_763, %sub3A_763 : vector<16xf32>
      %get3A_765 = arith.index_cast %add3A_754 : i32 to index
      %get3A_766 = arith.constant 16 : index
      %get3A_767 = tpu.vector_load %arg9[%get3A_765, %get3A_766] {strides = array<i32>} : memref<256x128xf32, #tpu.memory_space<vmem>>, vector<1x16xf32>,
      %get3A_768 = vector.shape_cast %get3A_767 : vector<1x16xf32> to vector<16xf32>
      %get3A_769 = arith.index_cast %add3A_750 : i32 to index
      %get3A_770 = arith.constant 16 : index
      %get3A_771 = tpu.vector_load %arg10[%get3A_769, %get3A_770] {strides = array<i32>} : memref<512x128xf32, #tpu.memory_space<vmem>>, vector<1x16xf32>,
      %get3A_772 = vector.shape_cast %get3A_771 : vector<1x16xf32> to vector<16xf32>
      %sub3A_773 = arith.subf %get3A_768, %get3A_772 : vector<16xf32>
      %mul3A_774 = arith.mulf %sub3A_773, %sub3A_773 : vector<16xf32>
      %add3A_775 = arith.addf %mul3A_764, %mul3A_774 : vector<16xf32>
      %get3A_776 = arith.index_cast %add3A_754 : i32 to index
      %get3A_777 = arith.constant 32 : index
      %get3A_778 = tpu.vector_load %arg9[%get3A_776, %get3A_777] {strides = array<i32>} : memref<256x128xf32, #tpu.memory_space<vmem>>, vector<1x16xf32>,
      %get3A_779 = vector.shape_cast %get3A_778 : vector<1x16xf32> to vector<16xf32>
      %get3A_780 = arith.index_cast %add3A_750 : i32 to index
      %get3A_781 = arith.constant 32 : index
      %get3A_782 = tpu.vector_load %arg10[%get3A_780, %get3A_781] {strides = array<i32>} : memref<512x128xf32, #tpu.memory_space<vmem>>, vector<1x16xf32>,
      %get3A_783 = vector.shape_cast %get3A_782 : vector<1x16xf32> to vector<16xf32>
      %sub3A_784 = arith.subf %get3A_779, %get3A_783 : vector<16xf32>
      %mul3A_785 = arith.mulf %sub3A_784, %sub3A_784 : vector<16xf32>
      %add3A_786 = arith.addf %add3A_775, %mul3A_785 : vector<16xf32>
      %get3A_787 = arith.index_cast %add3A_754 : i32 to index
      %get3A_788 = arith.constant 48 : index
      %get3A_789 = tpu.vector_load %arg9[%get3A_787, %get3A_788] {strides = array<i32>} : memref<256x128xf32, #tpu.memory_space<vmem>>, vector<1x16xf32>,
      %get3A_790 = vector.shape_cast %get3A_789 : vector<1x16xf32> to vector<16xf32>
      %get3A_791 = arith.index_cast %add3A_750 : i32 to index
      %get3A_792 = arith.constant 48 : index
      %get3A_793 = tpu.vector_load %arg10[%get3A_791, %get3A_792] {strides = array<i32>} : memref<512x128xf32, #tpu.memory_space<vmem>>, vector<1x16xf32>,
      %get3A_794 = vector.shape_cast %get3A_793 : vector<1x16xf32> to vector<16xf32>
      %sub3A_795 = arith.subf %get3A_790, %get3A_794 : vector<16xf32>
      %mul3A_796 = arith.mulf %sub3A_795, %sub3A_795 : vector<16xf32>
      %add3A_797 = arith.addf %add3A_786, %mul3A_796 : vector<16xf32>
      %slice3A_798 = vector.extract_strided_slice %get3A_412 {offsets = [6], sizes = [1], strides = [1]} : vector<16xf32> to vector<1xf32>
      %squeeze3A_799 = vector.extract %slice3A_798[0] : f32 from vector<1xf32>
      %broadcast_in_dim3A_800 = vector.broadcast %squeeze3A_799 : f32 to vector<16xf32>
      %mul3A_801 = arith.mulf %broadcast_in_dim3A_800, %add3A_797 : vector<16xf32>
      %add3A_802 = arith.addf %add3A_746, %mul3A_801 : vector<16xf32>
      %mul3A_803 = arith.constant 16 : i32
      %mul3A_804 = arith.muli %scan3A_406, %mul3A_803 : i32
      %add3A_805 = arith.constant 7 : i32
      %add3A_806 = arith.addi %mul3A_804, %add3A_805 : i32
      %mul3A_807 = arith.constant 8 : i32
      %mul3A_808 = arith.muli %scan3A_406, %mul3A_807 : i32
      %add3A_809 = arith.constant 3 : i32
      %add3A_810 = arith.addi %mul3A_808, %add3A_809 : i32
      %get3A_811 = arith.index_cast %add3A_810 : i32 to index
      %get3A_812 = arith.constant 64 : index
      %get3A_813 = tpu.vector_load %arg9[%get3A_811, %get3A_812] {strides = array<i32>} : memref<256x128xf32, #tpu.memory_space<vmem>>, vector<1x16xf32>,
      %get3A_814 = vector.shape_cast %get3A_813 : vector<1x16xf32> to vector<16xf32>
      %get3A_815 = arith.index_cast %add3A_806 : i32 to index
      %get3A_816 = arith.constant 0 : index
      %get3A_817 = tpu.vector_load %arg10[%get3A_815, %get3A_816] {strides = array<i32>} : memref<512x128xf32, #tpu.memory_space<vmem>>, vector<1x16xf32>,
      %get3A_818 = vector.shape_cast %get3A_817 : vector<1x16xf32> to vector<16xf32>
      %sub3A_819 = arith.subf %get3A_814, %get3A_818 : vector<16xf32>
      %mul3A_820 = arith.mulf %sub3A_819, %sub3A_819 : vector<16xf32>
      %get3A_821 = arith.index_cast %add3A_810 : i32 to index
      %get3A_822 = arith.constant 80 : index
      %get3A_823 = tpu.vector_load %arg9[%get3A_821, %get3A_822] {strides = array<i32>} : memref<256x128xf32, #tpu.memory_space<vmem>>, vector<1x16xf32>,
      %get3A_824 = vector.shape_cast %get3A_823 : vector<1x16xf32> to vector<16xf32>
      %get3A_825 = arith.index_cast %add3A_806 : i32 to index
      %get3A_826 = arith.constant 16 : index
      %get3A_827 = tpu.vector_load %arg10[%get3A_825, %get3A_826] {strides = array<i32>} : memref<512x128xf32, #tpu.memory_space<vmem>>, vector<1x16xf32>,
      %get3A_828 = vector.shape_cast %get3A_827 : vector<1x16xf32> to vector<16xf32>
      %sub3A_829 = arith.subf %get3A_824, %get3A_828 : vector<16xf32>
      %mul3A_830 = arith.mulf %sub3A_829, %sub3A_829 : vector<16xf32>
      %add3A_831 = arith.addf %mul3A_820, %mul3A_830 : vector<16xf32>
      %get3A_832 = arith.index_cast %add3A_810 : i32 to index
      %get3A_833 = arith.constant 96 : index
      %get3A_834 = tpu.vector_load %arg9[%get3A_832, %get3A_833] {strides = array<i32>} : memref<256x128xf32, #tpu.memory_space<vmem>>, vector<1x16xf32>,
      %get3A_835 = vector.shape_cast %get3A_834 : vector<1x16xf32> to vector<16xf32>
      %get3A_836 = arith.index_cast %add3A_806 : i32 to index
      %get3A_837 = arith.constant 32 : index
      %get3A_838 = tpu.vector_load %arg10[%get3A_836, %get3A_837] {strides = array<i32>} : memref<512x128xf32, #tpu.memory_space<vmem>>, vector<1x16xf32>,
      %get3A_839 = vector.shape_cast %get3A_838 : vector<1x16xf32> to vector<16xf32>
      %sub3A_840 = arith.subf %get3A_835, %get3A_839 : vector<16xf32>
      %mul3A_841 = arith.mulf %sub3A_840, %sub3A_840 : vector<16xf32>
      %add3A_842 = arith.addf %add3A_831, %mul3A_841 : vector<16xf32>
      %get3A_843 = arith.index_cast %add3A_810 : i32 to index
      %get3A_844 = arith.constant 112 : index
      %get3A_845 = tpu.vector_load %arg9[%get3A_843, %get3A_844] {strides = array<i32>} : memref<256x128xf32, #tpu.memory_space<vmem>>, vector<1x16xf32>,
      %get3A_846 = vector.shape_cast %get3A_845 : vector<1x16xf32> to vector<16xf32>
      %get3A_847 = arith.index_cast %add3A_806 : i32 to index
      %get3A_848 = arith.constant 48 : index
      %get3A_849 = tpu.vector_load %arg10[%get3A_847, %get3A_848] {strides = array<i32>} : memref<512x128xf32, #tpu.memory_space<vmem>>, vector<1x16xf32>,
      %get3A_850 = vector.shape_cast %get3A_849 : vector<1x16xf32> to vector<16xf32>
      %sub3A_851 = arith.subf %get3A_846, %get3A_850 : vector<16xf32>
      %mul3A_852 = arith.mulf %sub3A_851, %sub3A_851 : vector<16xf32>
      %add3A_853 = arith.addf %add3A_842, %mul3A_852 : vector<16xf32>
      %slice3A_854 = vector.extract_strided_slice %get3A_412 {offsets = [7], sizes = [1], strides = [1]} : vector<16xf32> to vector<1xf32>
      %squeeze3A_855 = vector.extract %slice3A_854[0] : f32 from vector<1xf32>
      %broadcast_in_dim3A_856 = vector.broadcast %squeeze3A_855 : f32 to vector<16xf32>
      %mul3A_857 = arith.mulf %broadcast_in_dim3A_856, %add3A_853 : vector<16xf32>
      %add3A_858 = arith.addf %add3A_802, %mul3A_857 : vector<16xf32>
      %mul3A_859 = arith.constant 16 : i32
      %mul3A_860 = arith.muli %scan3A_406, %mul3A_859 : i32
      %add3A_861 = arith.constant 8 : i32
      %add3A_862 = arith.addi %mul3A_860, %add3A_861 : i32
      %mul3A_863 = arith.constant 8 : i32
      %mul3A_864 = arith.muli %scan3A_406, %mul3A_863 : i32
      %add3A_865 = arith.constant 4 : i32
      %add3A_866 = arith.addi %mul3A_864, %add3A_865 : i32
      %get3A_867 = arith.index_cast %add3A_866 : i32 to index
      %get3A_868 = arith.constant 0 : index
      %get3A_869 = tpu.vector_load %arg9[%get3A_867, %get3A_868] {strides = array<i32>} : memref<256x128xf32, #tpu.memory_space<vmem>>, vector<1x16xf32>,
      %get3A_870 = vector.shape_cast %get3A_869 : vector<1x16xf32> to vector<16xf32>
      %get3A_871 = arith.index_cast %add3A_862 : i32 to index
      %get3A_872 = arith.constant 0 : index
      %get3A_873 = tpu.vector_load %arg10[%get3A_871, %get3A_872] {strides = array<i32>} : memref<512x128xf32, #tpu.memory_space<vmem>>, vector<1x16xf32>,
      %get3A_874 = vector.shape_cast %get3A_873 : vector<1x16xf32> to vector<16xf32>
      %sub3A_875 = arith.subf %get3A_870, %get3A_874 : vector<16xf32>
      %mul3A_876 = arith.mulf %sub3A_875, %sub3A_875 : vector<16xf32>
      %get3A_877 = arith.index_cast %add3A_866 : i32 to index
      %get3A_878 = arith.constant 16 : index
      %get3A_879 = tpu.vector_load %arg9[%get3A_877, %get3A_878] {strides = array<i32>} : memref<256x128xf32, #tpu.memory_space<vmem>>, vector<1x16xf32>,
      %get3A_880 = vector.shape_cast %get3A_879 : vector<1x16xf32> to vector<16xf32>
      %get3A_881 = arith.index_cast %add3A_862 : i32 to index
      %get3A_882 = arith.constant 16 : index
      %get3A_883 = tpu.vector_load %arg10[%get3A_881, %get3A_882] {strides = array<i32>} : memref<512x128xf32, #tpu.memory_space<vmem>>, vector<1x16xf32>,
      %get3A_884 = vector.shape_cast %get3A_883 : vector<1x16xf32> to vector<16xf32>
      %sub3A_885 = arith.subf %get3A_880, %get3A_884 : vector<16xf32>
      %mul3A_886 = arith.mulf %sub3A_885, %sub3A_885 : vector<16xf32>
      %add3A_887 = arith.addf %mul3A_876, %mul3A_886 : vector<16xf32>
      %get3A_888 = arith.index_cast %add3A_866 : i32 to index
      %get3A_889 = arith.constant 32 : index
      %get3A_890 = tpu.vector_load %arg9[%get3A_888, %get3A_889] {strides = array<i32>} : memref<256x128xf32, #tpu.memory_space<vmem>>, vector<1x16xf32>,
      %get3A_891 = vector.shape_cast %get3A_890 : vector<1x16xf32> to vector<16xf32>
      %get3A_892 = arith.index_cast %add3A_862 : i32 to index
      %get3A_893 = arith.constant 32 : index
      %get3A_894 = tpu.vector_load %arg10[%get3A_892, %get3A_893] {strides = array<i32>} : memref<512x128xf32, #tpu.memory_space<vmem>>, vector<1x16xf32>,
      %get3A_895 = vector.shape_cast %get3A_894 : vector<1x16xf32> to vector<16xf32>
      %sub3A_896 = arith.subf %get3A_891, %get3A_895 : vector<16xf32>
      %mul3A_897 = arith.mulf %sub3A_896, %sub3A_896 : vector<16xf32>
      %add3A_898 = arith.addf %add3A_887, %mul3A_897 : vector<16xf32>
      %get3A_899 = arith.index_cast %add3A_866 : i32 to index
      %get3A_900 = arith.constant 48 : index
      %get3A_901 = tpu.vector_load %arg9[%get3A_899, %get3A_900] {strides = array<i32>} : memref<256x128xf32, #tpu.memory_space<vmem>>, vector<1x16xf32>,
      %get3A_902 = vector.shape_cast %get3A_901 : vector<1x16xf32> to vector<16xf32>
      %get3A_903 = arith.index_cast %add3A_862 : i32 to index
      %get3A_904 = arith.constant 48 : index
      %get3A_905 = tpu.vector_load %arg10[%get3A_903, %get3A_904] {strides = array<i32>} : memref<512x128xf32, #tpu.memory_space<vmem>>, vector<1x16xf32>,
      %get3A_906 = vector.shape_cast %get3A_905 : vector<1x16xf32> to vector<16xf32>
      %sub3A_907 = arith.subf %get3A_902, %get3A_906 : vector<16xf32>
      %mul3A_908 = arith.mulf %sub3A_907, %sub3A_907 : vector<16xf32>
      %add3A_909 = arith.addf %add3A_898, %mul3A_908 : vector<16xf32>
      %slice3A_910 = vector.extract_strided_slice %get3A_412 {offsets = [8], sizes = [1], strides = [1]} : vector<16xf32> to vector<1xf32>
      %squeeze3A_911 = vector.extract %slice3A_910[0] : f32 from vector<1xf32>
      %broadcast_in_dim3A_912 = vector.broadcast %squeeze3A_911 : f32 to vector<16xf32>
      %mul3A_913 = arith.mulf %broadcast_in_dim3A_912, %add3A_909 : vector<16xf32>
      %add3A_914 = arith.addf %add3A_858, %mul3A_913 : vector<16xf32>
      %mul3A_915 = arith.constant 16 : i32
      %mul3A_916 = arith.muli %scan3A_406, %mul3A_915 : i32
      %add3A_917 = arith.constant 9 : i32
      %add3A_918 = arith.addi %mul3A_916, %add3A_917 : i32
      %mul3A_919 = arith.constant 8 : i32
      %mul3A_920 = arith.muli %scan3A_406, %mul3A_919 : i32
      %add3A_921 = arith.constant 4 : i32
      %add3A_922 = arith.addi %mul3A_920, %add3A_921 : i32
      %get3A_923 = arith.index_cast %add3A_922 : i32 to index
      %get3A_924 = arith.constant 64 : index
      %get3A_925 = tpu.vector_load %arg9[%get3A_923, %get3A_924] {strides = array<i32>} : memref<256x128xf32, #tpu.memory_space<vmem>>, vector<1x16xf32>,
      %get3A_926 = vector.shape_cast %get3A_925 : vector<1x16xf32> to vector<16xf32>
      %get3A_927 = arith.index_cast %add3A_918 : i32 to index
      %get3A_928 = arith.constant 0 : index
      %get3A_929 = tpu.vector_load %arg10[%get3A_927, %get3A_928] {strides = array<i32>} : memref<512x128xf32, #tpu.memory_space<vmem>>, vector<1x16xf32>,
      %get3A_930 = vector.shape_cast %get3A_929 : vector<1x16xf32> to vector<16xf32>
      %sub3A_931 = arith.subf %get3A_926, %get3A_930 : vector<16xf32>
      %mul3A_932 = arith.mulf %sub3A_931, %sub3A_931 : vector<16xf32>
      %get3A_933 = arith.index_cast %add3A_922 : i32 to index
      %get3A_934 = arith.constant 80 : index
      %get3A_935 = tpu.vector_load %arg9[%get3A_933, %get3A_934] {strides = array<i32>} : memref<256x128xf32, #tpu.memory_space<vmem>>, vector<1x16xf32>,
      %get3A_936 = vector.shape_cast %get3A_935 : vector<1x16xf32> to vector<16xf32>
      %get3A_937 = arith.index_cast %add3A_918 : i32 to index
      %get3A_938 = arith.constant 16 : index
      %get3A_939 = tpu.vector_load %arg10[%get3A_937, %get3A_938] {strides = array<i32>} : memref<512x128xf32, #tpu.memory_space<vmem>>, vector<1x16xf32>,
      %get3A_940 = vector.shape_cast %get3A_939 : vector<1x16xf32> to vector<16xf32>
      %sub3A_941 = arith.subf %get3A_936, %get3A_940 : vector<16xf32>
      %mul3A_942 = arith.mulf %sub3A_941, %sub3A_941 : vector<16xf32>
      %add3A_943 = arith.addf %mul3A_932, %mul3A_942 : vector<16xf32>
      %get3A_944 = arith.index_cast %add3A_922 : i32 to index
      %get3A_945 = arith.constant 96 : index
      %get3A_946 = tpu.vector_load %arg9[%get3A_944, %get3A_945] {strides = array<i32>} : memref<256x128xf32, #tpu.memory_space<vmem>>, vector<1x16xf32>,
      %get3A_947 = vector.shape_cast %get3A_946 : vector<1x16xf32> to vector<16xf32>
      %get3A_948 = arith.index_cast %add3A_918 : i32 to index
      %get3A_949 = arith.constant 32 : index
      %get3A_950 = tpu.vector_load %arg10[%get3A_948, %get3A_949] {strides = array<i32>} : memref<512x128xf32, #tpu.memory_space<vmem>>, vector<1x16xf32>,
      %get3A_951 = vector.shape_cast %get3A_950 : vector<1x16xf32> to vector<16xf32>
      %sub3A_952 = arith.subf %get3A_947, %get3A_951 : vector<16xf32>
      %mul3A_953 = arith.mulf %sub3A_952, %sub3A_952 : vector<16xf32>
      %add3A_954 = arith.addf %add3A_943, %mul3A_953 : vector<16xf32>
      %get3A_955 = arith.index_cast %add3A_922 : i32 to index
      %get3A_956 = arith.constant 112 : index
      %get3A_957 = tpu.vector_load %arg9[%get3A_955, %get3A_956] {strides = array<i32>} : memref<256x128xf32, #tpu.memory_space<vmem>>, vector<1x16xf32>,
      %get3A_958 = vector.shape_cast %get3A_957 : vector<1x16xf32> to vector<16xf32>
      %get3A_959 = arith.index_cast %add3A_918 : i32 to index
      %get3A_960 = arith.constant 48 : index
      %get3A_961 = tpu.vector_load %arg10[%get3A_959, %get3A_960] {strides = array<i32>} : memref<512x128xf32, #tpu.memory_space<vmem>>, vector<1x16xf32>,
      %get3A_962 = vector.shape_cast %get3A_961 : vector<1x16xf32> to vector<16xf32>
      %sub3A_963 = arith.subf %get3A_958, %get3A_962 : vector<16xf32>
      %mul3A_964 = arith.mulf %sub3A_963, %sub3A_963 : vector<16xf32>
      %add3A_965 = arith.addf %add3A_954, %mul3A_964 : vector<16xf32>
      %slice3A_966 = vector.extract_strided_slice %get3A_412 {offsets = [9], sizes = [1], strides = [1]} : vector<16xf32> to vector<1xf32>
      %squeeze3A_967 = vector.extract %slice3A_966[0] : f32 from vector<1xf32>
      %broadcast_in_dim3A_968 = vector.broadcast %squeeze3A_967 : f32 to vector<16xf32>
      %mul3A_969 = arith.mulf %broadcast_in_dim3A_968, %add3A_965 : vector<16xf32>
      %add3A_970 = arith.addf %add3A_914, %mul3A_969 : vector<16xf32>
      %mul3A_971 = arith.constant 16 : i32
      %mul3A_972 = arith.muli %scan3A_406, %mul3A_971 : i32
      %add3A_973 = arith.constant 10 : i32
      %add3A_974 = arith.addi %mul3A_972, %add3A_973 : i32
      %mul3A_975 = arith.constant 8 : i32
      %mul3A_976 = arith.muli %scan3A_406, %mul3A_975 : i32
      %add3A_977 = arith.constant 5 : i32
      %add3A_978 = arith.addi %mul3A_976, %add3A_977 : i32
      %get3A_979 = arith.index_cast %add3A_978 : i32 to index
      %get3A_980 = arith.constant 0 : index
      %get3A_981 = tpu.vector_load %arg9[%get3A_979, %get3A_980] {strides = array<i32>} : memref<256x128xf32, #tpu.memory_space<vmem>>, vector<1x16xf32>,
      %get3A_982 = vector.shape_cast %get3A_981 : vector<1x16xf32> to vector<16xf32>
      %get3A_983 = arith.index_cast %add3A_974 : i32 to index
      %get3A_984 = arith.constant 0 : index
      %get3A_985 = tpu.vector_load %arg10[%get3A_983, %get3A_984] {strides = array<i32>} : memref<512x128xf32, #tpu.memory_space<vmem>>, vector<1x16xf32>,
      %get3A_986 = vector.shape_cast %get3A_985 : vector<1x16xf32> to vector<16xf32>
      %sub3A_987 = arith.subf %get3A_982, %get3A_986 : vector<16xf32>
      %mul3A_988 = arith.mulf %sub3A_987, %sub3A_987 : vector<16xf32>
      %get3A_989 = arith.index_cast %add3A_978 : i32 to index
      %get3A_990 = arith.constant 16 : index
      %get3A_991 = tpu.vector_load %arg9[%get3A_989, %get3A_990] {strides = array<i32>} : memref<256x128xf32, #tpu.memory_space<vmem>>, vector<1x16xf32>,
      %get3A_992 = vector.shape_cast %get3A_991 : vector<1x16xf32> to vector<16xf32>
      %get3A_993 = arith.index_cast %add3A_974 : i32 to index
      %get3A_994 = arith.constant 16 : index
      %get3A_995 = tpu.vector_load %arg10[%get3A_993, %get3A_994] {strides = array<i32>} : memref<512x128xf32, #tpu.memory_space<vmem>>, vector<1x16xf32>,
      %get3A_996 = vector.shape_cast %get3A_995 : vector<1x16xf32> to vector<16xf32>
      %sub3A_997 = arith.subf %get3A_992, %get3A_996 : vector<16xf32>
      %mul3A_998 = arith.mulf %sub3A_997, %sub3A_997 : vector<16xf32>
      %add3A_999 = arith.addf %mul3A_988, %mul3A_998 : vector<16xf32>
      %get3A_1000 = arith.index_cast %add3A_978 : i32 to index
      %get3A_1001 = arith.constant 32 : index
      %get3A_1002 = tpu.vector_load %arg9[%get3A_1000, %get3A_1001] {strides = array<i32>} : memref<256x128xf32, #tpu.memory_space<vmem>>, vector<1x16xf32>,
      %get3A_1003 = vector.shape_cast %get3A_1002 : vector<1x16xf32> to vector<16xf32>
      %get3A_1004 = arith.index_cast %add3A_974 : i32 to index
      %get3A_1005 = arith.constant 32 : index
      %get3A_1006 = tpu.vector_load %arg10[%get3A_1004, %get3A_1005] {strides = array<i32>} : memref<512x128xf32, #tpu.memory_space<vmem>>, vector<1x16xf32>,
      %get3A_1007 = vector.shape_cast %get3A_1006 : vector<1x16xf32> to vector<16xf32>
      %sub3A_1008 = arith.subf %get3A_1003, %get3A_1007 : vector<16xf32>
      %mul3A_1009 = arith.mulf %sub3A_1008, %sub3A_1008 : vector<16xf32>
      %add3A_1010 = arith.addf %add3A_999, %mul3A_1009 : vector<16xf32>
      %get3A_1011 = arith.index_cast %add3A_978 : i32 to index
      %get3A_1012 = arith.constant 48 : index
      %get3A_1013 = tpu.vector_load %arg9[%get3A_1011, %get3A_1012] {strides = array<i32>} : memref<256x128xf32, #tpu.memory_space<vmem>>, vector<1x16xf32>,
      %get3A_1014 = vector.shape_cast %get3A_1013 : vector<1x16xf32> to vector<16xf32>
      %get3A_1015 = arith.index_cast %add3A_974 : i32 to index
      %get3A_1016 = arith.constant 48 : index
      %get3A_1017 = tpu.vector_load %arg10[%get3A_1015, %get3A_1016] {strides = array<i32>} : memref<512x128xf32, #tpu.memory_space<vmem>>, vector<1x16xf32>,
      %get3A_1018 = vector.shape_cast %get3A_1017 : vector<1x16xf32> to vector<16xf32>
      %sub3A_1019 = arith.subf %get3A_1014, %get3A_1018 : vector<16xf32>
      %mul3A_1020 = arith.mulf %sub3A_1019, %sub3A_1019 : vector<16xf32>
      %add3A_1021 = arith.addf %add3A_1010, %mul3A_1020 : vector<16xf32>
      %slice3A_1022 = vector.extract_strided_slice %get3A_412 {offsets = [10], sizes = [1], strides = [1]} : vector<16xf32> to vector<1xf32>
      %squeeze3A_1023 = vector.extract %slice3A_1022[0] : f32 from vector<1xf32>
      %broadcast_in_dim3A_1024 = vector.broadcast %squeeze3A_1023 : f32 to vector<16xf32>
      %mul3A_1025 = arith.mulf %broadcast_in_dim3A_1024, %add3A_1021 : vector<16xf32>
      %add3A_1026 = arith.addf %add3A_970, %mul3A_1025 : vector<16xf32>
      %mul3A_1027 = arith.constant 16 : i32
      %mul3A_1028 = arith.muli %scan3A_406, %mul3A_1027 : i32
      %add3A_1029 = arith.constant 11 : i32
      %add3A_1030 = arith.addi %mul3A_1028, %add3A_1029 : i32
      %mul3A_1031 = arith.constant 8 : i32
      %mul3A_1032 = arith.muli %scan3A_406, %mul3A_1031 : i32
      %add3A_1033 = arith.constant 5 : i32
      %add3A_1034 = arith.addi %mul3A_1032, %add3A_1033 : i32
      %get3A_1035 = arith.index_cast %add3A_1034 : i32 to index
      %get3A_1036 = arith.constant 64 : index
      %get3A_1037 = tpu.vector_load %arg9[%get3A_1035, %get3A_1036] {strides = array<i32>} : memref<256x128xf32, #tpu.memory_space<vmem>>, vector<1x16xf32>,
      %get3A_1038 = vector.shape_cast %get3A_1037 : vector<1x16xf32> to vector<16xf32>
      %get3A_1039 = arith.index_cast %add3A_1030 : i32 to index
      %get3A_1040 = arith.constant 0 : index
      %get3A_1041 = tpu.vector_load %arg10[%get3A_1039, %get3A_1040] {strides = array<i32>} : memref<512x128xf32, #tpu.memory_space<vmem>>, vector<1x16xf32>,
      %get3A_1042 = vector.shape_cast %get3A_1041 : vector<1x16xf32> to vector<16xf32>
      %sub3A_1043 = arith.subf %get3A_1038, %get3A_1042 : vector<16xf32>
      %mul3A_1044 = arith.mulf %sub3A_1043, %sub3A_1043 : vector<16xf32>
      %get3A_1045 = arith.index_cast %add3A_1034 : i32 to index
      %get3A_1046 = arith.constant 80 : index
      %get3A_1047 = tpu.vector_load %arg9[%get3A_1045, %get3A_1046] {strides = array<i32>} : memref<256x128xf32, #tpu.memory_space<vmem>>, vector<1x16xf32>,
      %get3A_1048 = vector.shape_cast %get3A_1047 : vector<1x16xf32> to vector<16xf32>
      %get3A_1049 = arith.index_cast %add3A_1030 : i32 to index
      %get3A_1050 = arith.constant 16 : index
      %get3A_1051 = tpu.vector_load %arg10[%get3A_1049, %get3A_1050] {strides = array<i32>} : memref<512x128xf32, #tpu.memory_space<vmem>>, vector<1x16xf32>,
      %get3A_1052 = vector.shape_cast %get3A_1051 : vector<1x16xf32> to vector<16xf32>
      %sub3A_1053 = arith.subf %get3A_1048, %get3A_1052 : vector<16xf32>
      %mul3A_1054 = arith.mulf %sub3A_1053, %sub3A_1053 : vector<16xf32>
      %add3A_1055 = arith.addf %mul3A_1044, %mul3A_1054 : vector<16xf32>
      %get3A_1056 = arith.index_cast %add3A_1034 : i32 to index
      %get3A_1057 = arith.constant 96 : index
      %get3A_1058 = tpu.vector_load %arg9[%get3A_1056, %get3A_1057] {strides = array<i32>} : memref<256x128xf32, #tpu.memory_space<vmem>>, vector<1x16xf32>,
      %get3A_1059 = vector.shape_cast %get3A_1058 : vector<1x16xf32> to vector<16xf32>
      %get3A_1060 = arith.index_cast %add3A_1030 : i32 to index
      %get3A_1061 = arith.constant 32 : index
      %get3A_1062 = tpu.vector_load %arg10[%get3A_1060, %get3A_1061] {strides = array<i32>} : memref<512x128xf32, #tpu.memory_space<vmem>>, vector<1x16xf32>,
      %get3A_1063 = vector.shape_cast %get3A_1062 : vector<1x16xf32> to vector<16xf32>
      %sub3A_1064 = arith.subf %get3A_1059, %get3A_1063 : vector<16xf32>
      %mul3A_1065 = arith.mulf %sub3A_1064, %sub3A_1064 : vector<16xf32>
      %add3A_1066 = arith.addf %add3A_1055, %mul3A_1065 : vector<16xf32>
      %get3A_1067 = arith.index_cast %add3A_1034 : i32 to index
      %get3A_1068 = arith.constant 112 : index
      %get3A_1069 = tpu.vector_load %arg9[%get3A_1067, %get3A_1068] {strides = array<i32>} : memref<256x128xf32, #tpu.memory_space<vmem>>, vector<1x16xf32>,
      %get3A_1070 = vector.shape_cast %get3A_1069 : vector<1x16xf32> to vector<16xf32>
      %get3A_1071 = arith.index_cast %add3A_1030 : i32 to index
      %get3A_1072 = arith.constant 48 : index
      %get3A_1073 = tpu.vector_load %arg10[%get3A_1071, %get3A_1072] {strides = array<i32>} : memref<512x128xf32, #tpu.memory_space<vmem>>, vector<1x16xf32>,
      %get3A_1074 = vector.shape_cast %get3A_1073 : vector<1x16xf32> to vector<16xf32>
      %sub3A_1075 = arith.subf %get3A_1070, %get3A_1074 : vector<16xf32>
      %mul3A_1076 = arith.mulf %sub3A_1075, %sub3A_1075 : vector<16xf32>
      %add3A_1077 = arith.addf %add3A_1066, %mul3A_1076 : vector<16xf32>
      %slice3A_1078 = vector.extract_strided_slice %get3A_412 {offsets = [11], sizes = [1], strides = [1]} : vector<16xf32> to vector<1xf32>
      %squeeze3A_1079 = vector.extract %slice3A_1078[0] : f32 from vector<1xf32>
      %broadcast_in_dim3A_1080 = vector.broadcast %squeeze3A_1079 : f32 to vector<16xf32>
      %mul3A_1081 = arith.mulf %broadcast_in_dim3A_1080, %add3A_1077 : vector<16xf32>
      %add3A_1082 = arith.addf %add3A_1026, %mul3A_1081 : vector<16xf32>
      %mul3A_1083 = arith.constant 16 : i32
      %mul3A_1084 = arith.muli %scan3A_406, %mul3A_1083 : i32
      %add3A_1085 = arith.constant 12 : i32
      %add3A_1086 = arith.addi %mul3A_1084, %add3A_1085 : i32
      %mul3A_1087 = arith.constant 8 : i32
      %mul3A_1088 = arith.muli %scan3A_406, %mul3A_1087 : i32
      %add3A_1089 = arith.constant 6 : i32
      %add3A_1090 = arith.addi %mul3A_1088, %add3A_1089 : i32
      %get3A_1091 = arith.index_cast %add3A_1090 : i32 to index
      %get3A_1092 = arith.constant 0 : index
      %get3A_1093 = tpu.vector_load %arg9[%get3A_1091, %get3A_1092] {strides = array<i32>} : memref<256x128xf32, #tpu.memory_space<vmem>>, vector<1x16xf32>,
      %get3A_1094 = vector.shape_cast %get3A_1093 : vector<1x16xf32> to vector<16xf32>
      %get3A_1095 = arith.index_cast %add3A_1086 : i32 to index
      %get3A_1096 = arith.constant 0 : index
      %get3A_1097 = tpu.vector_load %arg10[%get3A_1095, %get3A_1096] {strides = array<i32>} : memref<512x128xf32, #tpu.memory_space<vmem>>, vector<1x16xf32>,
      %get3A_1098 = vector.shape_cast %get3A_1097 : vector<1x16xf32> to vector<16xf32>
      %sub3A_1099 = arith.subf %get3A_1094, %get3A_1098 : vector<16xf32>
      %mul3A_1100 = arith.mulf %sub3A_1099, %sub3A_1099 : vector<16xf32>
      %get3A_1101 = arith.index_cast %add3A_1090 : i32 to index
      %get3A_1102 = arith.constant 16 : index
      %get3A_1103 = tpu.vector_load %arg9[%get3A_1101, %get3A_1102] {strides = array<i32>} : memref<256x128xf32, #tpu.memory_space<vmem>>, vector<1x16xf32>,
      %get3A_1104 = vector.shape_cast %get3A_1103 : vector<1x16xf32> to vector<16xf32>
      %get3A_1105 = arith.index_cast %add3A_1086 : i32 to index
      %get3A_1106 = arith.constant 16 : index
      %get3A_1107 = tpu.vector_load %arg10[%get3A_1105, %get3A_1106] {strides = array<i32>} : memref<512x128xf32, #tpu.memory_space<vmem>>, vector<1x16xf32>,
      %get3A_1108 = vector.shape_cast %get3A_1107 : vector<1x16xf32> to vector<16xf32>
      %sub3A_1109 = arith.subf %get3A_1104, %get3A_1108 : vector<16xf32>
      %mul3A_1110 = arith.mulf %sub3A_1109, %sub3A_1109 : vector<16xf32>
      %add3A_1111 = arith.addf %mul3A_1100, %mul3A_1110 : vector<16xf32>
      %get3A_1112 = arith.index_cast %add3A_1090 : i32 to index
      %get3A_1113 = arith.constant 32 : index
      %get3A_1114 = tpu.vector_load %arg9[%get3A_1112, %get3A_1113] {strides = array<i32>} : memref<256x128xf32, #tpu.memory_space<vmem>>, vector<1x16xf32>,
      %get3A_1115 = vector.shape_cast %get3A_1114 : vector<1x16xf32> to vector<16xf32>
      %get3A_1116 = arith.index_cast %add3A_1086 : i32 to index
      %get3A_1117 = arith.constant 32 : index
      %get3A_1118 = tpu.vector_load %arg10[%get3A_1116, %get3A_1117] {strides = array<i32>} : memref<512x128xf32, #tpu.memory_space<vmem>>, vector<1x16xf32>,
      %get3A_1119 = vector.shape_cast %get3A_1118 : vector<1x16xf32> to vector<16xf32>
      %sub3A_1120 = arith.subf %get3A_1115, %get3A_1119 : vector<16xf32>
      %mul3A_1121 = arith.mulf %sub3A_1120, %sub3A_1120 : vector<16xf32>
      %add3A_1122 = arith.addf %add3A_1111, %mul3A_1121 : vector<16xf32>
      %get3A_1123 = arith.index_cast %add3A_1090 : i32 to index
      %get3A_1124 = arith.constant 48 : index
      %get3A_1125 = tpu.vector_load %arg9[%get3A_1123, %get3A_1124] {strides = array<i32>} : memref<256x128xf32, #tpu.memory_space<vmem>>, vector<1x16xf32>,
      %get3A_1126 = vector.shape_cast %get3A_1125 : vector<1x16xf32> to vector<16xf32>
      %get3A_1127 = arith.index_cast %add3A_1086 : i32 to index
      %get3A_1128 = arith.constant 48 : index
      %get3A_1129 = tpu.vector_load %arg10[%get3A_1127, %get3A_1128] {strides = array<i32>} : memref<512x128xf32, #tpu.memory_space<vmem>>, vector<1x16xf32>,
      %get3A_1130 = vector.shape_cast %get3A_1129 : vector<1x16xf32> to vector<16xf32>
      %sub3A_1131 = arith.subf %get3A_1126, %get3A_1130 : vector<16xf32>
      %mul3A_1132 = arith.mulf %sub3A_1131, %sub3A_1131 : vector<16xf32>
      %add3A_1133 = arith.addf %add3A_1122, %mul3A_1132 : vector<16xf32>
      %slice3A_1134 = vector.extract_strided_slice %get3A_412 {offsets = [12], sizes = [1], strides = [1]} : vector<16xf32> to vector<1xf32>
      %squeeze3A_1135 = vector.extract %slice3A_1134[0] : f32 from vector<1xf32>
      %broadcast_in_dim3A_1136 = vector.broadcast %squeeze3A_1135 : f32 to vector<16xf32>
      %mul3A_1137 = arith.mulf %broadcast_in_dim3A_1136, %add3A_1133 : vector<16xf32>
      %add3A_1138 = arith.addf %add3A_1082, %mul3A_1137 : vector<16xf32>
      %mul3A_1139 = arith.constant 16 : i32
      %mul3A_1140 = arith.muli %scan3A_406, %mul3A_1139 : i32
      %add3A_1141 = arith.constant 13 : i32
      %add3A_1142 = arith.addi %mul3A_1140, %add3A_1141 : i32
      %mul3A_1143 = arith.constant 8 : i32
      %mul3A_1144 = arith.muli %scan3A_406, %mul3A_1143 : i32
      %add3A_1145 = arith.constant 6 : i32
      %add3A_1146 = arith.addi %mul3A_1144, %add3A_1145 : i32
      %get3A_1147 = arith.index_cast %add3A_1146 : i32 to index
      %get3A_1148 = arith.constant 64 : index
      %get3A_1149 = tpu.vector_load %arg9[%get3A_1147, %get3A_1148] {strides = array<i32>} : memref<256x128xf32, #tpu.memory_space<vmem>>, vector<1x16xf32>,
      %get3A_1150 = vector.shape_cast %get3A_1149 : vector<1x16xf32> to vector<16xf32>
      %get3A_1151 = arith.index_cast %add3A_1142 : i32 to index
      %get3A_1152 = arith.constant 0 : index
      %get3A_1153 = tpu.vector_load %arg10[%get3A_1151, %get3A_1152] {strides = array<i32>} : memref<512x128xf32, #tpu.memory_space<vmem>>, vector<1x16xf32>,
      %get3A_1154 = vector.shape_cast %get3A_1153 : vector<1x16xf32> to vector<16xf32>
      %sub3A_1155 = arith.subf %get3A_1150, %get3A_1154 : vector<16xf32>
      %mul3A_1156 = arith.mulf %sub3A_1155, %sub3A_1155 : vector<16xf32>
      %get3A_1157 = arith.index_cast %add3A_1146 : i32 to index
      %get3A_1158 = arith.constant 80 : index
      %get3A_1159 = tpu.vector_load %arg9[%get3A_1157, %get3A_1158] {strides = array<i32>} : memref<256x128xf32, #tpu.memory_space<vmem>>, vector<1x16xf32>,
      %get3A_1160 = vector.shape_cast %get3A_1159 : vector<1x16xf32> to vector<16xf32>
      %get3A_1161 = arith.index_cast %add3A_1142 : i32 to index
      %get3A_1162 = arith.constant 16 : index
      %get3A_1163 = tpu.vector_load %arg10[%get3A_1161, %get3A_1162] {strides = array<i32>} : memref<512x128xf32, #tpu.memory_space<vmem>>, vector<1x16xf32>,
      %get3A_1164 = vector.shape_cast %get3A_1163 : vector<1x16xf32> to vector<16xf32>
      %sub3A_1165 = arith.subf %get3A_1160, %get3A_1164 : vector<16xf32>
      %mul3A_1166 = arith.mulf %sub3A_1165, %sub3A_1165 : vector<16xf32>
      %add3A_1167 = arith.addf %mul3A_1156, %mul3A_1166 : vector<16xf32>
      %get3A_1168 = arith.index_cast %add3A_1146 : i32 to index
      %get3A_1169 = arith.constant 96 : index
      %get3A_1170 = tpu.vector_load %arg9[%get3A_1168, %get3A_1169] {strides = array<i32>} : memref<256x128xf32, #tpu.memory_space<vmem>>, vector<1x16xf32>,
      %get3A_1171 = vector.shape_cast %get3A_1170 : vector<1x16xf32> to vector<16xf32>
      %get3A_1172 = arith.index_cast %add3A_1142 : i32 to index
      %get3A_1173 = arith.constant 32 : index
      %get3A_1174 = tpu.vector_load %arg10[%get3A_1172, %get3A_1173] {strides = array<i32>} : memref<512x128xf32, #tpu.memory_space<vmem>>, vector<1x16xf32>,
      %get3A_1175 = vector.shape_cast %get3A_1174 : vector<1x16xf32> to vector<16xf32>
      %sub3A_1176 = arith.subf %get3A_1171, %get3A_1175 : vector<16xf32>
      %mul3A_1177 = arith.mulf %sub3A_1176, %sub3A_1176 : vector<16xf32>
      %add3A_1178 = arith.addf %add3A_1167, %mul3A_1177 : vector<16xf32>
      %get3A_1179 = arith.index_cast %add3A_1146 : i32 to index
      %get3A_1180 = arith.constant 112 : index
      %get3A_1181 = tpu.vector_load %arg9[%get3A_1179, %get3A_1180] {strides = array<i32>} : memref<256x128xf32, #tpu.memory_space<vmem>>, vector<1x16xf32>,
      %get3A_1182 = vector.shape_cast %get3A_1181 : vector<1x16xf32> to vector<16xf32>
      %get3A_1183 = arith.index_cast %add3A_1142 : i32 to index
      %get3A_1184 = arith.constant 48 : index
      %get3A_1185 = tpu.vector_load %arg10[%get3A_1183, %get3A_1184] {strides = array<i32>} : memref<512x128xf32, #tpu.memory_space<vmem>>, vector<1x16xf32>,
      %get3A_1186 = vector.shape_cast %get3A_1185 : vector<1x16xf32> to vector<16xf32>
      %sub3A_1187 = arith.subf %get3A_1182, %get3A_1186 : vector<16xf32>
      %mul3A_1188 = arith.mulf %sub3A_1187, %sub3A_1187 : vector<16xf32>
      %add3A_1189 = arith.addf %add3A_1178, %mul3A_1188 : vector<16xf32>
      %slice3A_1190 = vector.extract_strided_slice %get3A_412 {offsets = [13], sizes = [1], strides = [1]} : vector<16xf32> to vector<1xf32>
      %squeeze3A_1191 = vector.extract %slice3A_1190[0] : f32 from vector<1xf32>
      %broadcast_in_dim3A_1192 = vector.broadcast %squeeze3A_1191 : f32 to vector<16xf32>
      %mul3A_1193 = arith.mulf %broadcast_in_dim3A_1192, %add3A_1189 : vector<16xf32>
      %add3A_1194 = arith.addf %add3A_1138, %mul3A_1193 : vector<16xf32>
      %mul3A_1195 = arith.constant 16 : i32
      %mul3A_1196 = arith.muli %scan3A_406, %mul3A_1195 : i32
      %add3A_1197 = arith.constant 14 : i32
      %add3A_1198 = arith.addi %mul3A_1196, %add3A_1197 : i32
      %mul3A_1199 = arith.constant 8 : i32
      %mul3A_1200 = arith.muli %scan3A_406, %mul3A_1199 : i32
      %add3A_1201 = arith.constant 7 : i32
      %add3A_1202 = arith.addi %mul3A_1200, %add3A_1201 : i32
      %get3A_1203 = arith.index_cast %add3A_1202 : i32 to index
      %get3A_1204 = arith.constant 0 : index
      %get3A_1205 = tpu.vector_load %arg9[%get3A_1203, %get3A_1204] {strides = array<i32>} : memref<256x128xf32, #tpu.memory_space<vmem>>, vector<1x16xf32>,
      %get3A_1206 = vector.shape_cast %get3A_1205 : vector<1x16xf32> to vector<16xf32>
      %get3A_1207 = arith.index_cast %add3A_1198 : i32 to index
      %get3A_1208 = arith.constant 0 : index
      %get3A_1209 = tpu.vector_load %arg10[%get3A_1207, %get3A_1208] {strides = array<i32>} : memref<512x128xf32, #tpu.memory_space<vmem>>, vector<1x16xf32>,
      %get3A_1210 = vector.shape_cast %get3A_1209 : vector<1x16xf32> to vector<16xf32>
      %sub3A_1211 = arith.subf %get3A_1206, %get3A_1210 : vector<16xf32>
      %mul3A_1212 = arith.mulf %sub3A_1211, %sub3A_1211 : vector<16xf32>
      %get3A_1213 = arith.index_cast %add3A_1202 : i32 to index
      %get3A_1214 = arith.constant 16 : index
      %get3A_1215 = tpu.vector_load %arg9[%get3A_1213, %get3A_1214] {strides = array<i32>} : memref<256x128xf32, #tpu.memory_space<vmem>>, vector<1x16xf32>,
      %get3A_1216 = vector.shape_cast %get3A_1215 : vector<1x16xf32> to vector<16xf32>
      %get3A_1217 = arith.index_cast %add3A_1198 : i32 to index
      %get3A_1218 = arith.constant 16 : index
      %get3A_1219 = tpu.vector_load %arg10[%get3A_1217, %get3A_1218] {strides = array<i32>} : memref<512x128xf32, #tpu.memory_space<vmem>>, vector<1x16xf32>,
      %get3A_1220 = vector.shape_cast %get3A_1219 : vector<1x16xf32> to vector<16xf32>
      %sub3A_1221 = arith.subf %get3A_1216, %get3A_1220 : vector<16xf32>
      %mul3A_1222 = arith.mulf %sub3A_1221, %sub3A_1221 : vector<16xf32>
      %add3A_1223 = arith.addf %mul3A_1212, %mul3A_1222 : vector<16xf32>
      %get3A_1224 = arith.index_cast %add3A_1202 : i32 to index
      %get3A_1225 = arith.constant 32 : index
      %get3A_1226 = tpu.vector_load %arg9[%get3A_1224, %get3A_1225] {strides = array<i32>} : memref<256x128xf32, #tpu.memory_space<vmem>>, vector<1x16xf32>,
      %get3A_1227 = vector.shape_cast %get3A_1226 : vector<1x16xf32> to vector<16xf32>
      %get3A_1228 = arith.index_cast %add3A_1198 : i32 to index
      %get3A_1229 = arith.constant 32 : index
      %get3A_1230 = tpu.vector_load %arg10[%get3A_1228, %get3A_1229] {strides = array<i32>} : memref<512x128xf32, #tpu.memory_space<vmem>>, vector<1x16xf32>,
      %get3A_1231 = vector.shape_cast %get3A_1230 : vector<1x16xf32> to vector<16xf32>
      %sub3A_1232 = arith.subf %get3A_1227, %get3A_1231 : vector<16xf32>
      %mul3A_1233 = arith.mulf %sub3A_1232, %sub3A_1232 : vector<16xf32>
      %add3A_1234 = arith.addf %add3A_1223, %mul3A_1233 : vector<16xf32>
      %get3A_1235 = arith.index_cast %add3A_1202 : i32 to index
      %get3A_1236 = arith.constant 48 : index
      %get3A_1237 = tpu.vector_load %arg9[%get3A_1235, %get3A_1236] {strides = array<i32>} : memref<256x128xf32, #tpu.memory_space<vmem>>, vector<1x16xf32>,
      %get3A_1238 = vector.shape_cast %get3A_1237 : vector<1x16xf32> to vector<16xf32>
      %get3A_1239 = arith.index_cast %add3A_1198 : i32 to index
      %get3A_1240 = arith.constant 48 : index
      %get3A_1241 = tpu.vector_load %arg10[%get3A_1239, %get3A_1240] {strides = array<i32>} : memref<512x128xf32, #tpu.memory_space<vmem>>, vector<1x16xf32>,
      %get3A_1242 = vector.shape_cast %get3A_1241 : vector<1x16xf32> to vector<16xf32>
      %sub3A_1243 = arith.subf %get3A_1238, %get3A_1242 : vector<16xf32>
      %mul3A_1244 = arith.mulf %sub3A_1243, %sub3A_1243 : vector<16xf32>
      %add3A_1245 = arith.addf %add3A_1234, %mul3A_1244 : vector<16xf32>
      %slice3A_1246 = vector.extract_strided_slice %get3A_412 {offsets = [14], sizes = [1], strides = [1]} : vector<16xf32> to vector<1xf32>
      %squeeze3A_1247 = vector.extract %slice3A_1246[0] : f32 from vector<1xf32>
      %broadcast_in_dim3A_1248 = vector.broadcast %squeeze3A_1247 : f32 to vector<16xf32>
      %mul3A_1249 = arith.mulf %broadcast_in_dim3A_1248, %add3A_1245 : vector<16xf32>
      %add3A_1250 = arith.addf %add3A_1194, %mul3A_1249 : vector<16xf32>
      %mul3A_1251 = arith.constant 16 : i32
      %mul3A_1252 = arith.muli %scan3A_406, %mul3A_1251 : i32
      %add3A_1253 = arith.constant 15 : i32
      %add3A_1254 = arith.addi %mul3A_1252, %add3A_1253 : i32
      %mul3A_1255 = arith.constant 8 : i32
      %mul3A_1256 = arith.muli %scan3A_406, %mul3A_1255 : i32
      %add3A_1257 = arith.constant 7 : i32
      %add3A_1258 = arith.addi %mul3A_1256, %add3A_1257 : i32
      %get3A_1259 = arith.index_cast %add3A_1258 : i32 to index
      %get3A_1260 = arith.constant 64 : index
      %get3A_1261 = tpu.vector_load %arg9[%get3A_1259, %get3A_1260] {strides = array<i32>} : memref<256x128xf32, #tpu.memory_space<vmem>>, vector<1x16xf32>,
      %get3A_1262 = vector.shape_cast %get3A_1261 : vector<1x16xf32> to vector<16xf32>
      %get3A_1263 = arith.index_cast %add3A_1254 : i32 to index
      %get3A_1264 = arith.constant 0 : index
      %get3A_1265 = tpu.vector_load %arg10[%get3A_1263, %get3A_1264] {strides = array<i32>} : memref<512x128xf32, #tpu.memory_space<vmem>>, vector<1x16xf32>,
      %get3A_1266 = vector.shape_cast %get3A_1265 : vector<1x16xf32> to vector<16xf32>
      %sub3A_1267 = arith.subf %get3A_1262, %get3A_1266 : vector<16xf32>
      %mul3A_1268 = arith.mulf %sub3A_1267, %sub3A_1267 : vector<16xf32>
      %get3A_1269 = arith.index_cast %add3A_1258 : i32 to index
      %get3A_1270 = arith.constant 80 : index
      %get3A_1271 = tpu.vector_load %arg9[%get3A_1269, %get3A_1270] {strides = array<i32>} : memref<256x128xf32, #tpu.memory_space<vmem>>, vector<1x16xf32>,
      %get3A_1272 = vector.shape_cast %get3A_1271 : vector<1x16xf32> to vector<16xf32>
      %get3A_1273 = arith.index_cast %add3A_1254 : i32 to index
      %get3A_1274 = arith.constant 16 : index
      %get3A_1275 = tpu.vector_load %arg10[%get3A_1273, %get3A_1274] {strides = array<i32>} : memref<512x128xf32, #tpu.memory_space<vmem>>, vector<1x16xf32>,
      %get3A_1276 = vector.shape_cast %get3A_1275 : vector<1x16xf32> to vector<16xf32>
      %sub3A_1277 = arith.subf %get3A_1272, %get3A_1276 : vector<16xf32>
      %mul3A_1278 = arith.mulf %sub3A_1277, %sub3A_1277 : vector<16xf32>
      %add3A_1279 = arith.addf %mul3A_1268, %mul3A_1278 : vector<16xf32>
      %get3A_1280 = arith.index_cast %add3A_1258 : i32 to index
      %get3A_1281 = arith.constant 96 : index
      %get3A_1282 = tpu.vector_load %arg9[%get3A_1280, %get3A_1281] {strides = array<i32>} : memref<256x128xf32, #tpu.memory_space<vmem>>, vector<1x16xf32>,
      %get3A_1283 = vector.shape_cast %get3A_1282 : vector<1x16xf32> to vector<16xf32>
      %get3A_1284 = arith.index_cast %add3A_1254 : i32 to index
      %get3A_1285 = arith.constant 32 : index
      %get3A_1286 = tpu.vector_load %arg10[%get3A_1284, %get3A_1285] {strides = array<i32>} : memref<512x128xf32, #tpu.memory_space<vmem>>, vector<1x16xf32>,
      %get3A_1287 = vector.shape_cast %get3A_1286 : vector<1x16xf32> to vector<16xf32>
      %sub3A_1288 = arith.subf %get3A_1283, %get3A_1287 : vector<16xf32>
      %mul3A_1289 = arith.mulf %sub3A_1288, %sub3A_1288 : vector<16xf32>
      %add3A_1290 = arith.addf %add3A_1279, %mul3A_1289 : vector<16xf32>
      %get3A_1291 = arith.index_cast %add3A_1258 : i32 to index
      %get3A_1292 = arith.constant 112 : index
      %get3A_1293 = tpu.vector_load %arg9[%get3A_1291, %get3A_1292] {strides = array<i32>} : memref<256x128xf32, #tpu.memory_space<vmem>>, vector<1x16xf32>,
      %get3A_1294 = vector.shape_cast %get3A_1293 : vector<1x16xf32> to vector<16xf32>
      %get3A_1295 = arith.index_cast %add3A_1254 : i32 to index
      %get3A_1296 = arith.constant 48 : index
      %get3A_1297 = tpu.vector_load %arg10[%get3A_1295, %get3A_1296] {strides = array<i32>} : memref<512x128xf32, #tpu.memory_space<vmem>>, vector<1x16xf32>,
      %get3A_1298 = vector.shape_cast %get3A_1297 : vector<1x16xf32> to vector<16xf32>
      %sub3A_1299 = arith.subf %get3A_1294, %get3A_1298 : vector<16xf32>
      %mul3A_1300 = arith.mulf %sub3A_1299, %sub3A_1299 : vector<16xf32>
      %add3A_1301 = arith.addf %add3A_1290, %mul3A_1300 : vector<16xf32>
      %slice3A_1302 = vector.extract_strided_slice %get3A_412 {offsets = [15], sizes = [1], strides = [1]} : vector<16xf32> to vector<1xf32>
      %squeeze3A_1303 = vector.extract %slice3A_1302[0] : f32 from vector<1xf32>
      %broadcast_in_dim3A_1304 = vector.broadcast %squeeze3A_1303 : f32 to vector<16xf32>
      %mul3A_1305 = arith.mulf %broadcast_in_dim3A_1304, %add3A_1301 : vector<16xf32>
      %add3A_1306 = arith.addf %add3A_1250, %mul3A_1305 : vector<16xf32>
      scf.yield %add3A_1306 : vector<16xf32>
    }
    %scan3A_398 = arith.constant 32 : i32
    %swap3A_399 = arith.constant 0 : index
    %swap3A_400 = tpu.vector_load %arg12[%swap3A_399] {strides = array<i32>} : memref<16xf32, #tpu.memory_space<vmem>>, vector<16xf32>,
    %swap3A_401 = vector.shape_cast %swap3A_400 : vector<16xf32> to vector<16xf32>
    %swap3A_402 = vector.shape_cast %scan3A_397 : vector<16xf32> to vector<16xf32>
    tpu.vector_store %arg12[%swap3A_399], %swap3A_402 {strides = array<i32>} : memref<16xf32, #tpu.memory_space<vmem>>, vector<16xf32>,
    %mul3A_403 = arith.constant 2 : i32
    %mul3A_404 = arith.muli %arg1, %mul3A_403 : i32
    %add3A_405 = arith.addi %mul3A_404, %arg0 : i32
    "tpu.region"() ({
      %run_scoped3A = tpu.sem_alloc : memref<!tpu.dma_semaphore, #tpu.memory_space<semaphore_mem>>
      %dma_start3A_406 = arith.constant 0 : i32
      %dma_start3A_407 = tpu.memref_slice %arg6[%add3A_405, %dma_start3A_406] : memref<32x16xf32, #tpu.memory_space<hbm>> -> memref<1x16xf32, #tpu.memory_space<hbm>>
      %dma_start3A_408 = tpu.memref_squeeze %dma_start3A_407 : memref<1x16xf32, #tpu.memory_space<hbm>> -> memref<16xf32, #tpu.memory_space<hbm>>
      %dma_start3A_409 = arith.constant 0 : i32
      %dma_start3A_410 = tpu.memref_slice %arg6[%add3A_405, %dma_start3A_409] : memref<32x16xf32, #tpu.memory_space<hbm>> -> memref<1x16xf32, #tpu.memory_space<hbm>>
      %dma_start3A_411 = tpu.memref_squeeze %dma_start3A_410 : memref<1x16xf32, #tpu.memory_space<hbm>> -> memref<16xf32, #tpu.memory_space<hbm>>
      tpu.enqueue_dma source(%arg12 : memref<16xf32, #tpu.memory_space<vmem>>) target(%dma_start3A_411 : memref<16xf32, #tpu.memory_space<hbm>>) target_semaphore(%run_scoped3A : memref<!tpu.dma_semaphore, #tpu.memory_space<semaphore_mem>>)
      %dma_wait3A_412 = arith.constant 0 : i32
      %dma_wait3A_413 = tpu.memref_slice %arg6[%add3A_405, %dma_wait3A_412] : memref<32x16xf32, #tpu.memory_space<hbm>> -> memref<1x16xf32, #tpu.memory_space<hbm>>
      %dma_wait3A_414 = tpu.memref_squeeze %dma_wait3A_413 : memref<1x16xf32, #tpu.memory_space<hbm>> -> memref<16xf32, #tpu.memory_space<hbm>>
      %dma_wait3A_415 = arith.constant 0 : i32
      %dma_wait3A_416 = tpu.memref_slice %arg6[%add3A_405, %dma_wait3A_415] : memref<32x16xf32, #tpu.memory_space<hbm>> -> memref<1x16xf32, #tpu.memory_space<hbm>>
      %dma_wait3A_417 = tpu.memref_squeeze %dma_wait3A_416 : memref<1x16xf32, #tpu.memory_space<hbm>> -> memref<16xf32, #tpu.memory_space<hbm>>
      tpu.wait_dma2 semaphore(%run_scoped3A : memref<!tpu.dma_semaphore, #tpu.memory_space<semaphore_mem>>) src(%arg12 : memref<16xf32, #tpu.memory_space<vmem>>) dst(%dma_wait3A_417 : memref<16xf32, #tpu.memory_space<hbm>>)
      tpu.yield
    }) : () -> ()
    return
  }
}

</mosaic_0001>

<sc_bundles>
// kernel: kernel.4.cloned.1.call-start
scs
__scs_entry_jumppad:
0x0: {  	(pc) =	sbr.rel $0x88, $3  }
0x1: {  	(tag) =	ssettag $0x0;
	lr =	simm.s32 $0x1  }
0x2: {  	[smem:$0x3F9E] =	sst lr;
	_ =	strace $0xD0000000  }
0x3: {  	_ = 	snop  }
0x4: {  	_ = 	snop  }
0x5: {  	_ = 	snop  }
0x6: {  	_ = 	snop  }
0x7: {  	_ = 	snop  }
__scs_overlays_trampoline_lowered:
0x8: {  	[smem:$0x3FAD] =	sst s0  }
0x9: {  	[smem:$0x3FAE] =	sst s1  }
0xa: {  	[smem:$0x3FAF] =	sst s2  }
0xb: {  	[smem:$0x3FB0] =	sst s3  }
0xc: {  	[smem:$0x3FB1] =	sst s4  }
0xd: {  	[smem:$0x3FB2] =	sst s5  }
0xe: {  	[smem:$0x3FB3] =	sst s6  }
0xf: {  	[smem:$0x3FB4] =	sst s7  }
0x10: {  	[smem:$0x3FB5] =	sst s8  }
0x11: {  	[smem:$0x3FB6] =	sst s9;
	s0 =	simm.s32 @!p0 $0x0  }
0x12: {  	s1 =	sld [smem:$0x3F9C];
	s0 =	simm.s32 @p0 $0x1  }
0x13: {  	[smem:$0x3FB7] =	sst s0;
	s0 =	simm.s32 @!p1 $0x0  }
0x14: {  	s2 =	sld [smem:$0x3F9B];
	s0 =	simm.s32 @p1 $0x1  }
0x15: {  	[smem:$0x3FB8] =	sst s0;
	s0 =	simm.s32 @!p2 $0x0  }
0x16: {  	s3 =	sld [smem:$0x3FDB];
	s0 =	simm.s32 @p2 $0x1  }
0x17: {  	s4 =	simm.s32 $0x1BF5;
	[smem:$0x3FBA] =	sst s0  }
0x18: {  	s0 =	sld [smem:$0x3F9D];
	_ =	swait.ge [sflag:s4], $0x0  }
0x19: {  	s7 =	sld [smem:$0x3F9E]  }
0x1a: {  	s8 =	sadd.s32 $0xFFFFE003, lr  }
0x1b: {  	s9 =	sadd.s32 $0xFFFFFEF7, lr;
	s5 =	simm.s32 $0xFFFFFFFF;
	p2 =	slt.u32 s8, $0xFFFFF086  }
0x1c: {  	p1 =	slt.u32 s9, $0xF7A;
	s5 =	simm.s32 @!p2 $0x0  }
0x1d: {  	s5 =	simm.s32 @p1 $0x1;
	p0 =	seq.s32 s7, s2  }
0x1e: {  	s7 =	smul.u32 @!p0 $0xF7A, s2;
	p2 =	seq.s32 @!p0 s5, $0x0  }
0x1f: {  	s9 =	smul.u32 $0xF7A, s1;
	s8 =	simm.s32 @!p0 $0x1BF5;
	p2 =	por !p2, p0  }
0x20: {  	[sflag:s8] =	ssyncset.s32 @!p0 $0xFFFFF086;
	s6 =	sadd.s32 @!p0 s3, s7;
	s7 =	simm.s32 @!p0 $0x108  }
0x21: {  	s3 =	sadd.s32 s3, s9;
	s6 =	sadd.s32 @!p0 $0x88, s6;
	s7 =	simm.s32 @p2 $0x1082  }
0x22: {  	[simem:s7], [sflag:s8] =	dma.local @!p0 [hbm:s6], $0xF7A  }
0x23: {  	s9 =	sor.u32 $0xD0000000, s2;
	s6 =	simm.s32 $0x108;
	_ =	swait.ge @!p0 [sflag:s8], $0x0  }
0x24: {  	s3 =	sadd.s32 $0x88, s3;
	s6 =	simm.s32 @!p1 $0x1082;
	[sflag:s4] =	ssyncset.s32 $0xFFFFF086  }
0x25: {  	[simem:s6], [sflag:s4] =	dma.local [hbm:s3], $0xF7A  }
0x26: {  	[smem:$0x3F9E] =	sst s1;
	(tag) =	ssettag s2;
	_ =	strace s9  }
0x27: {  	s1 =	sld [smem:$0x3FAE]  }
0x28: {  	s2 =	sld [smem:$0x3FAF]  }
0x29: {  	s4 =	sld [smem:$0x3FB1]  }
0x2a: {  	p0 =	seq.s32 s5, $0x0;
	s5 =	sld [smem:$0x3FB2]  }
0x2b: {  	s6 =	sld [smem:$0x3FB3]  }
0x2c: {  	s7 =	sld [smem:$0x3FB4]  }
0x2d: {  	s3 =	simm.s32 $0x108;
	s8 =	sld [smem:$0x3FB5]  }
0x2e: {  	s3 =	simm.s32 @!p0 $0x1082;
	s9 =	sld [smem:$0x3FB6]  }
0x2f: {  	lr =	sadd.s32 s0, s3;
	s0 =	sld [smem:$0x3FAD]  }
0x30: {  	s3 =	sld [smem:$0x3FB0]  }
0x31: {  	[smem:$0x3FB9] =	sst s10  }
0x32: {  	s10 =	sld [smem:$0x3FB7];
	_ =	sdelay $0x3  }
0x33: {  	p0 =	seq.s32 s10, $0x1;
	s10 =	sld [smem:$0x3FB9];
	_ =	sdelay $0x3  }
0x34: {  	[smem:$0x3FB9] =	sst s10  }
0x35: {  	s10 =	sld [smem:$0x3FB8];
	_ =	sdelay $0x3  }
0x36: {  	p1 =	seq.s32 s10, $0x1;
	s10 =	sld [smem:$0x3FB9];
	_ =	sdelay $0x3  }
0x37: {  	[smem:$0x3FB9] =	sst s10  }
0x38: {  	s10 =	sld [smem:$0x3FBA]  }
0x39: {  	_ = 	snop;
	(pc) =	sbr.ind lr, $3  }
0x3a: {  	_ = 	snop  }
0x3b: {  	_ = 	snop  }
0x3c: {  	p2 =	seq.s32 s10, $0x1;
	s10 =	sld [smem:$0x3FB9]  }
0x3d: {  	_ =	shalt  }
0x3e: {  	_ =	shalt  }
0x3f: {  	_ =	shalt  }
0x40: {  	_ =	shalt  }
0x41: {  	_ =	shalt  }
0x42: {  	_ =	shalt  }
0x43: {  	_ =	shalt  }
0x44: {  	_ =	shalt  }
0x45: {  	_ =	shalt  }
0x46: {  	_ =	shalt  }
0x47: {  	_ =	shalt  }
0x48: {  	_ =	shalt  }
0x49: {  	_ =	shalt  }
0x4a: {  	_ =	shalt  }
0x4b: {  	_ =	shalt  }
0x4c: {  	_ =	shalt  }
0x4d: {  	_ =	shalt  }
0x4e: {  	_ =	shalt  }
0x4f: {  	_ =	shalt  }
0x50: {  	_ =	shalt  }
0x51: {  	_ =	shalt  }
0x52: {  	_ =	shalt  }
0x53: {  	_ =	shalt  }
0x54: {  	_ =	shalt  }
0x55: {  	_ =	shalt  }
0x56: {  	_ =	shalt  }
0x57: {  	_ =	shalt  }
0x58: {  	_ =	shalt  }
0x59: {  	_ =	shalt  }
0x5a: {  	_ =	shalt  }
0x5b: {  	_ =	shalt  }
0x5c: {  	_ =	shalt  }
0x5d: {  	_ =	shalt  }
0x5e: {  	_ =	shalt  }
0x5f: {  	_ =	shalt  }
0x60: {  	_ =	shalt  }
0x61: {  	_ =	shalt  }
0x62: {  	_ =	shalt  }
0x63: {  	_ =	shalt  }
0x64: {  	_ =	shalt  }
0x65: {  	_ =	shalt  }
0x66: {  	_ =	shalt  }
0x67: {  	_ =	shalt  }
0x68: {  	_ =	shalt  }
0x69: {  	_ =	shalt  }
0x6a: {  	_ =	shalt  }
0x6b: {  	_ =	shalt  }
0x6c: {  	_ =	shalt  }
0x6d: {  	_ =	shalt  }
0x6e: {  	_ =	shalt  }
0x6f: {  	_ =	shalt  }
0x70: {  	_ =	shalt  }
0x71: {  	_ =	shalt  }
0x72: {  	_ =	shalt  }
0x73: {  	_ =	shalt  }
0x74: {  	_ =	shalt  }
0x75: {  	_ =	shalt  }
0x76: {  	_ =	shalt  }
0x77: {  	_ =	shalt  }
0x78: {  	_ =	shalt  }
0x79: {  	_ =	shalt  }
0x7a: {  	_ =	shalt  }
0x7b: {  	_ =	shalt  }
0x7c: {  	_ =	shalt  }
0x7d: {  	_ =	shalt  }
0x7e: {  	_ =	shalt  }
0x7f: {  	_ =	shalt  }
0x80: {  	_ =	shalt  }
0x81: {  	_ =	shalt  }
0x82: {  	_ =	shalt  }
0x83: {  	_ =	shalt  }
0x84: {  	_ =	shalt  }
0x85: {  	_ =	shalt  }
0x86: {  	_ =	shalt  }
0x87: {  	_ =	shalt  }
.Lfunc_end0:
.L_simem_size_0:
called_computation_lowered:
.L_overlay_start_0:
0x88: {  	s2 =	sld [smem:$0x3FD9]  }
0x89: {  	s3 =	sld [smem:$0x3FFE];
	_ =	sdelay $0x1  }
0x8a: {  	s1 =	srdreg.scid  }
0x8b: {  	s0 =	sand.u32 $0x1, s1  }
0x8c: {  	s17 =	sshll.u32 s0, $0xA;
	s2 =	sadd.s32 s3, s2  }
0x8d: {  	s2 =	sadd.s32 s2, s17  }
0x8e: {  	[smem:$0x3FC5] =	sst s2  }
0x8f: {  	_ = 	snop  }
0x90: {  	s2 =	sld [smem:$0x3FC8]  }
0x91: {  	s18 =	sld [smem:$0x3FD0];
	(tm) =	ssettm $0x1  }
0x92: {  	s4 =	sld [smem:$0x3FFB];
	_ =	sdelay $0x3  }
0x93: {  	_ =	strace s4  }
0x94: {  	s4 =	sld [smem:$0x3FFC];
	_ =	sdelay $0x3  }
0x95: {  	_ =	strace s4  }
0x96: {  	s4 =	sld [smem:$0x3FFD];
	_ =	sdelay $0x3  }
0x97: {  	_ =	strace s4  }
0x98: {  	_ =	strace $0x8FFFFFFF  }
0x99: {  	s19 =	sld [smem:$0x3FDB];
	_ =	sdelay $0x1  }
0x9a: {  	s5 =	simm.s32 $_scs_section_size  }
0x9b: {  	s6 =	simm.s32 $_size__tile_overlayer_lowered;
	s7 =	simm.s32 $_tile_overlayer_lowered  }
0x9c: {  	s22 =	simm.s32 $0x1BFF;
	s21 =	sshll.u32 s7, $0x1;
	s4 =	sadd.s32 s5, s19  }
0x9d: {  	s8 =	simm.s32 $0x0;
	s20 =	sshll.u32 s6, $0x1;
	s6 =	sadd.s32 s21, s4  }
0x9e: {  	[timem:s8], [sflag:s22] =	dma.local [hbm:s6], s20  }
0x9f: {  	_ =	swait.ge [sflag:s22], s20  }
0xa0: {  	s5 =	ssub.s32 $0x0, s20;
	[sflag:s22] =	ssyncset.done $0x0  }
0xa1: {  	[sflag:s22] =	ssyncadd.s32 s5;
	_ =	sdelay $0x1  }
0xa2: {  	s23 =	simm.s32 $0x1B8B  }
0xa3: {  	_ =	swait.ge [sflag:s23], $0x1  }
0xa4: {  	[sflag:s23] =	ssyncset.done $0x0  }
0xa5: {  	s25 =	simm.s32 $0x1B8E;
	s24 =	sld [smem:$0x3FFE];
	[sflag:s23] =	ssyncadd.s32 $0xFFFFFFFF  }
0xa6: {  	s26 =	simm.s32 $execute0_lowered;
	[smem:$0x3FD2] =	sst s25  }
0xa7: {  	s6 =	sshll.u32 s26, $0x1;
	_ =	strace $0x80000046;
	[dreg:$0x1] =	wrdreg $0xFFFFFFFF  }
0xa8: {  	s28 =	simm.s32 $_size_execute0_lowered;
	s4 =	sadd.s32 s4, s6;
	[dreg:$0x0] =	wrdreg $0x0  }
0xa9: {  	s6 =	sshll.u32 s28, $0x1;
	[dreg:$0x2] =	wrdreg s4  }
0xaa: {  	[dreg:$0x3] =	wrdreg s6  }
0xab: {  	[dreg:$0x4] =	wrdreg $0xC0  }
0xac: {  	_ =	task [dreg:s8], $0x5FFFF  }
0xad: {  	[dreg:$0x1] =	wrdreg $0xFFFFFFFF  }
0xae: {  	[dreg:$0x0] =	wrdreg $0x60  }
0xaf: {  	[dreg:$0x2] =	wrdreg s2  }
0xb0: {  	[dreg:$0x3] =	wrdreg s24  }
0xb1: {  	[dreg:$0x4] =	wrdreg s18  }
0xb2: {  	[dreg:$0x5] =	wrdreg $0xC800  }
0xb3: {  	[dreg:$0x6] =	wrdreg $0x9  }
0xb4: {  	_ =	task.clear_ibuf [dreg:s8], $0x7FFFF;
	_ =	strace $0x90000046  }
0xb5: {  	s29 =	simm.s32 $0x9;
	_ =	strace $0x80000048  }
0xb6: {  	_ =	swait.ge [sflag:s29], $0x1  }
0xb7: {  	[sflag:s29] =	ssyncadd.s32 $0xFFFFFFFF  }
0xb8: {  	_ =	strace $0x90000048  }
0xb9: {  	_ =	sfence  }
0xba: {  	s30 =	sld [smem:$0x0];
	_ =	sdelay $0x2  }
0xbb: {  	s31 =	sshll.u32 s1, $0xD;
	s1 =	sshrl.u32 s1, $0x2  }
0xbc: {  	s3 =	sand.u32 $0x4000, s31;
	s1 =	sadd.s32 s1, s30  }
0xbd: {  	s0 =	sor.u32 s3, s0;
	s1 =	sshll.u32 s1, $0x11  }
0xbe: {  	s0 =	sor.u32 s1, s0  }
0xbf: {  	s0 =	sadd.s32 $0x8F2B, s0  }
0xc0: {  	[sflag:s0] =	ssyncadd.remote.s32 $0x1  }
0xc1: {  	_ =	sfence.sel $0xFFFF  }
0xc2: {  	[dreg:$0x0] =	wrdreg $0xFFFFFFFF;
	(pc) =	sbr.abs _section_cstart, $3  }
0xc3: {  	[dreg:$0x1] =	wrdreg $0xFFFFFFFF  }
0xc4: {  	_ =	task.clear_ibuf [dreg:s8], $0x2FFFF;
	_ =	strace $0x9FFFFFFF  }
0xc5: {  	(tm) =	ssettm $0x7FFFFFFF  }
tec
execute0_lowered:
.L_overlay_start_1:
0x0: {  	(tag) =	ssettag $0x1  }
0x1: {  	s5 =	rddreg [dreg:$0x0]  }
0x2: {  	s6 =	rddreg [dreg:$0x1]  }
0x3: {  	s2 =	rddreg [dreg:$0x2]  }
0x4: {  	s3 =	rddreg [dreg:$0x3]  }
0x5: {  	s0 =	stileid.u32;
	s1 =	rddreg [dreg:$0x4]  }
0x6: {  	s4 =	simm.s32 $0x0;
	s8 =	srdreg.scid;
	s14 =	simm.s32 $0x1  }
0x7: {  	s15 =	simm.s32 $0x800;
	s18 =	simm.s32 $0x80;
	s19 =	simm.s32 $0x100  }
0x8: {  	s20 =	simm.s32 $0x180;
	s21 =	simm.s32 $0x200;
	s22 =	simm.s32 $0x280  }
0x9: {  	s23 =	simm.s32 $0x300;
	s24 =	simm.s32 $0x380;
	s25 =	simm.s32 $0x880  }
0xa: {  	s26 =	simm.s32 $0x900;
	s28 =	simm.s32 $0x980;
	s29 =	simm.s32 $0xA00  }
0xb: {  	s30 =	simm.s32 $0xA80;
	s7 =	smul.u32 $0x1880, s0;
	[smem:$0x7FF] =	sst s4  }
0xc: {  	s8 =	sand.u32 $0x1, s8;
	s13 =	sshll.u32 s0, $0x7;
	s16 =	sshll.u32 s0, $0x6  }
0xd: {  	_ =	strace $0x80000047;
	s10 =	ssub.s32 $0x2, s8;
	s11 =	sshll.u32 s8, $0x6  }
0xe: {  	s5 =	sadd.s32 s5, s13;
	s16 =	sor.u32 $0x1C01, s16;
	s9 =	sshrl.u32 s7, $0x3  }
0xf: {  	s12 =	sshrl.u32 s10, $0x1;
	s11 =	sadd.s32 s11, s6;
	s17 =	sadd.s32 s7, s3  }
0x10: {  	s7 =	sshll.u32 s8, $0x9;
	s9 =	sadd.s32 s9, s6;
	s12 =	ssub.s32 s10, s12  }
0x11: {  	s8 =	sor.u32 $0x80, s7;
	s11 =	sadd.s32 s13, s11;
	s10 =	sor.u32 $0x180, s7  }
0x12: {  	s13 =	simm.s32 $0x400;
	s17 =	sshrl.u32 s17, $0x3;
	s6 =	sadd.s32 $0x600, s9  }
0x13: {  	s9 =	sor.u32 $0x100, s7;
	s11 =	sadd.s32 $0x3800, s11;
	s12 =	smax.u32 s12, $0x1  }
.LBB2_1:
0x14: {  	[tilespmem:s13], [sflag:$0x1] =	stream.linear.gather [hbm4b:s5+s4], $0x400, $0x38;
	[tilespmem:$0x2500] =	vst v63  }
0x15: {  	_ =	swait.ge [sflag:s14], $0x400  }
0x16: {  	[sflag:s14] =	ssyncset.done $0x0  }
0x17: {  	[sflag:s14] =	ssyncadd.s32 $0xFFFFFC00  }
0x18: {  	[tilespmem:s15], [sflag:$0x1] =	stream.linear.gather [hbm4b:s2+s4], $0x80, $0x38;
	[tilespmem:$0x2500] =	vst v63  }
0x19: {  	_ =	swait.ge [sflag:s14], $0x80  }
0x1a: {  	[sflag:s14] =	ssyncset.done $0x0  }
0x1b: {  	[sflag:s14] =	ssyncadd.s32 $0xFFFFFF80  }
0x1c: {  	[spmem:s17], [sflag:s16] =	dma.local [hbm:s6], $0x310  }
0x1d: {  	_ =	swait.ge [sflag:s14], $0x310  }
0x1e: {  	[sflag:s14] =	ssyncset.done $0x0  }
0x1f: {  	[sflag:s14] =	ssyncadd.s32 $0xFFFFFCF0  }
0x20: {  	v0 =	vld [tilespmem:$0x400]  }
0x21: {  	v1 =	vld [tilespmem:$0x410]  }
0x22: {  	v2 =	vld [tilespmem:$0x420]  }
0x23: {  	v3 =	vld [tilespmem:$0x430]  }
0x24: {  	v4 =	vld [tilespmem:$0x440]  }
0x25: {  	v56 =	vld [tilespmem:$0x450];
	[tilespmem:$0x0] =	vst v0  }
0x26: {  	v57 =	vld [tilespmem:$0x460];
	[tilespmem:$0x10] =	vst v1  }
0x27: {  	v58 =	vld [tilespmem:$0x470];
	[tilespmem:$0x20] =	vst v2  }
0x28: {  	v59 =	vld [tilespmem:$0x480];
	[tilespmem:$0x30] =	vst v3  }
0x29: {  	v60 =	vld [tilespmem:$0x490];
	[tilespmem:$0x40] =	vst v4  }
0x2a: {  	v61 =	vld [tilespmem:$0x4A0];
	[tilespmem:$0x50] =	vst v56  }
0x2b: {  	v62 =	vld [tilespmem:$0x4B0];
	[tilespmem:$0x60] =	vst v57  }
0x2c: {  	v63 =	vld [tilespmem:$0x4C0];
	[tilespmem:$0x70] =	vst v58  }
0x2d: {  	v8 =	vld [tilespmem:$0x4D0];
	[tilespmem:$0x80] =	vst v59  }
0x2e: {  	v9 =	vld [tilespmem:$0x4E0];
	[tilespmem:$0x90] =	vst v60  }
0x2f: {  	v10 =	vld [tilespmem:$0x4F0];
	[tilespmem:$0xA0] =	vst v61  }
0x30: {  	v11 =	vld [tilespmem:$0x500];
	[tilespmem:$0xB0] =	vst v62  }
0x31: {  	v12 =	vld [tilespmem:$0x510];
	[tilespmem:$0xC0] =	vst v63  }
0x32: {  	v13 =	vld [tilespmem:$0x520];
	[tilespmem:$0xD0] =	vst v8  }
0x33: {  	v14 =	vld [tilespmem:$0x530];
	[tilespmem:$0xE0] =	vst v9  }
0x34: {  	v15 =	vld [tilespmem:$0x540];
	[tilespmem:$0xF0] =	vst v10  }
0x35: {  	v16 =	vld [tilespmem:$0x550];
	[tilespmem:$0x100] =	vst v11  }
0x36: {  	v17 =	vld [tilespmem:$0x560];
	[tilespmem:$0x110] =	vst v12  }
0x37: {  	v18 =	vld [tilespmem:$0x570];
	[tilespmem:$0x120] =	vst v13  }
0x38: {  	v19 =	vld [tilespmem:$0x580];
	[tilespmem:$0x130] =	vst v14  }
0x39: {  	v20 =	vld [tilespmem:$0x590];
	[tilespmem:$0x140] =	vst v15  }
0x3a: {  	v21 =	vld [tilespmem:$0x5A0];
	[tilespmem:$0x150] =	vst v16  }
0x3b: {  	v22 =	vld [tilespmem:$0x5B0];
	[tilespmem:$0x160] =	vst v17  }
0x3c: {  	v23 =	vld [tilespmem:$0x5C0];
	[tilespmem:$0x170] =	vst v18  }
0x3d: {  	v24 =	vld [tilespmem:$0x5D0];
	[tilespmem:$0x180] =	vst v19  }
0x3e: {  	v25 =	vld [tilespmem:$0x5E0];
	[tilespmem:$0x190] =	vst v20  }
0x3f: {  	v26 =	vld [tilespmem:$0x5F0];
	[tilespmem:$0x1A0] =	vst v21  }
0x40: {  	v27 =	vld [tilespmem:$0x600];
	[tilespmem:$0x1B0] =	vst v22  }
0x41: {  	v28 =	vld [tilespmem:$0x610];
	[tilespmem:$0x1C0] =	vst v23  }
0x42: {  	v29 =	vld [tilespmem:$0x620];
	[tilespmem:$0x1D0] =	vst v24  }
0x43: {  	v30 =	vld [tilespmem:$0x630];
	[tilespmem:$0x1E0] =	vst v25  }
0x44: {  	v31 =	vld [tilespmem:$0x640];
	[tilespmem:$0x1F0] =	vst v26  }
0x45: {  	v32 =	vld [tilespmem:$0x650];
	[tilespmem:$0x200] =	vst v27  }
0x46: {  	v33 =	vld [tilespmem:$0x660];
	[tilespmem:$0x210] =	vst v28  }
0x47: {  	v34 =	vld [tilespmem:$0x670];
	[tilespmem:$0x220] =	vst v29  }
0x48: {  	v35 =	vld [tilespmem:$0x680];
	[tilespmem:$0x230] =	vst v30  }
0x49: {  	v36 =	vld [tilespmem:$0x690];
	[tilespmem:$0x240] =	vst v31  }
0x4a: {  	v37 =	vld [tilespmem:$0x6A0];
	[tilespmem:$0x250] =	vst v32  }
0x4b: {  	v38 =	vld [tilespmem:$0x6B0];
	[tilespmem:$0x260] =	vst v33  }
0x4c: {  	v39 =	vld [tilespmem:$0x6C0];
	[tilespmem:$0x270] =	vst v34  }
0x4d: {  	v40 =	vld [tilespmem:$0x6D0];
	[tilespmem:$0x280] =	vst v35  }
0x4e: {  	v41 =	vld [tilespmem:$0x6E0];
	[tilespmem:$0x290] =	vst v36  }
0x4f: {  	v42 =	vld [tilespmem:$0x6F0];
	[tilespmem:$0x2A0] =	vst v37  }
0x50: {  	v43 =	vld [tilespmem:$0x700];
	[tilespmem:$0x2B0] =	vst v38  }
0x51: {  	v44 =	vld [tilespmem:$0x710];
	[tilespmem:$0x2C0] =	vst v39  }
0x52: {  	v45 =	vld [tilespmem:$0x720];
	[tilespmem:$0x2D0] =	vst v40  }
0x53: {  	v46 =	vld [tilespmem:$0x730];
	[tilespmem:$0x2E0] =	vst v41  }
0x54: {  	v47 =	vld [tilespmem:$0x740];
	[tilespmem:$0x2F0] =	vst v42  }
0x55: {  	v48 =	vld [tilespmem:$0x750];
	[tilespmem:$0x300] =	vst v43  }
0x56: {  	v49 =	vld [tilespmem:$0x760];
	[tilespmem:$0x310] =	vst v44  }
0x57: {  	v50 =	vld [tilespmem:$0x770];
	[tilespmem:$0x320] =	vst v45  }
0x58: {  	v51 =	vld [tilespmem:$0x780];
	[tilespmem:$0x330] =	vst v46  }
0x59: {  	v52 =	vld [tilespmem:$0x790];
	[tilespmem:$0x340] =	vst v47  }
0x5a: {  	v53 =	vld [tilespmem:$0x7A0];
	[tilespmem:$0x350] =	vst v48  }
0x5b: {  	v54 =	vld [tilespmem:$0x7B0];
	[tilespmem:$0x360] =	vst v49  }
0x5c: {  	v55 =	vld [tilespmem:$0x7C0];
	[tilespmem:$0x370] =	vst v50  }
0x5d: {  	[tilespmem:$0x380] =	vst v51;
	v56 =	vld [tilespmem:$0x7D0]  }
0x5e: {  	[tilespmem:$0x390] =	vst v52;
	v57 =	vld [tilespmem:$0x7E0]  }
0x5f: {  	[tilespmem:$0x3A0] =	vst v53;
	v58 =	vld [tilespmem:$0x7F0]  }
0x60: {  	[tilespmem:$0x3B0] =	vst v54  }
0x61: {  	[tilespmem:$0x3C0] =	vst v55  }
0x62: {  	[tilespmem:$0x3D0] =	vst v56  }
0x63: {  	[tilespmem:$0x3E0] =	vst v57  }
0x64: {  	[tilespmem:$0x3F0] =	vst v58  }
0x65: {  	[bflag:$0x0] =	sbarrier.arrive $0xFFFF  }
0x66: {  	[spmem:s3] =	stream.indirect.scatter.add.f32 [tilespmem:s15], [sflag:$0x1], $0x1, s4, s18, $0xb8;
	[tilespmem:$0x2500] =	vst v63  }
0x67: {  	_ =	swait.ge [sflag:s14], $0x80  }
0x68: {  	[sflag:s14] =	ssyncset.done $0x0  }
0x69: {  	[sflag:s14] =	ssyncadd.s32 $0xFFFFFF80  }
0x6a: {  	[spmem:s3] =	stream.indirect.scatter.add.f32 [tilespmem:s15], [sflag:$0x1], $0x1, s18, s18, $0xb8;
	[tilespmem:$0x2500] =	vst v63  }
0x6b: {  	_ =	swait.ge [sflag:s14], $0x80  }
0x6c: {  	[sflag:s14] =	ssyncset.done $0x0  }
0x6d: {  	[sflag:s14] =	ssyncadd.s32 $0xFFFFFF80  }
0x6e: {  	[spmem:s3] =	stream.indirect.scatter.add.f32 [tilespmem:s15], [sflag:$0x1], $0x1, s19, s18, $0xb8;
	[tilespmem:$0x2500] =	vst v63  }
0x6f: {  	_ =	swait.ge [sflag:s14], $0x80  }
0x70: {  	[sflag:s14] =	ssyncset.done $0x0  }
0x71: {  	[sflag:s14] =	ssyncadd.s32 $0xFFFFFF80  }
0x72: {  	[spmem:s3] =	stream.indirect.scatter.add.f32 [tilespmem:s15], [sflag:$0x1], $0x1, s20, s18, $0xb8;
	[tilespmem:$0x2500] =	vst v63  }
0x73: {  	_ =	swait.ge [sflag:s14], $0x80  }
0x74: {  	[sflag:s14] =	ssyncset.done $0x0  }
0x75: {  	[sflag:s14] =	ssyncadd.s32 $0xFFFFFF80  }
0x76: {  	[spmem:s3] =	stream.indirect.scatter.add.f32 [tilespmem:s15], [sflag:$0x1], $0x1, s21, s18, $0xb8;
	[tilespmem:$0x2500] =	vst v63  }
0x77: {  	_ =	swait.ge [sflag:s14], $0x80  }
0x78: {  	[sflag:s14] =	ssyncset.done $0x0  }
0x79: {  	[sflag:s14] =	ssyncadd.s32 $0xFFFFFF80  }
0x7a: {  	[spmem:s3] =	stream.indirect.scatter.add.f32 [tilespmem:s15], [sflag:$0x1], $0x1, s22, s18, $0xb8;
	[tilespmem:$0x2500] =	vst v63  }
0x7b: {  	_ =	swait.ge [sflag:s14], $0x80  }
0x7c: {  	[sflag:s14] =	ssyncset.done $0x0  }
0x7d: {  	[sflag:s14] =	ssyncadd.s32 $0xFFFFFF80  }
0x7e: {  	[spmem:s3] =	stream.indirect.scatter.add.f32 [tilespmem:s15], [sflag:$0x1], $0x1, s23, s18, $0xb8;
	[tilespmem:$0x2500] =	vst v63  }
0x7f: {  	_ =	swait.ge [sflag:s14], $0x80  }
0x80: {  	[sflag:s14] =	ssyncset.done $0x0  }
0x81: {  	[sflag:s14] =	ssyncadd.s32 $0xFFFFFF80  }
0x82: {  	[spmem:s3] =	stream.indirect.scatter.add.f32 [tilespmem:s15], [sflag:$0x1], $0x1, s24, s18, $0xb8;
	[tilespmem:$0x2500] =	vst v63  }
0x83: {  	_ =	swait.ge [sflag:s14], $0x80  }
0x84: {  	[sflag:s14] =	ssyncset.done $0x0  }
0x85: {  	[sflag:s14] =	ssyncadd.s32 $0xFFFFFF80  }
0x86: {  	[bflag:$0x0] =	sbarrier.arrive $0xFFFF  }
0x87: {  	[tilespmem:s25], [sflag:$0x1] =	stream.indirect.gather [spmem:s3], $0x1, s7, s18, $0xb8;
	[tilespmem:$0x2500] =	vst v63  }
0x88: {  	_ =	swait.ge [sflag:s14], $0x80  }
0x89: {  	[sflag:s14] =	ssyncset.done $0x0  }
0x8a: {  	[sflag:s14] =	ssyncadd.s32 $0xFFFFFF80  }
0x8b: {  	[tilespmem:s26], [sflag:$0x1] =	stream.indirect.gather [spmem:s3], $0x1, s8, s18, $0xb8;
	[tilespmem:$0x2500] =	vst v63  }
0x8c: {  	_ =	swait.ge [sflag:s14], $0x80  }
0x8d: {  	[sflag:s14] =	ssyncset.done $0x0  }
0x8e: {  	[sflag:s14] =	ssyncadd.s32 $0xFFFFFF80  }
0x8f: {  	[tilespmem:s28], [sflag:$0x1] =	stream.indirect.gather [spmem:s3], $0x1, s9, s18, $0xb8;
	[tilespmem:$0x2500] =	vst v63  }
0x90: {  	_ =	swait.ge [sflag:s14], $0x80  }
0x91: {  	[sflag:s14] =	ssyncset.done $0x0  }
0x92: {  	[sflag:s14] =	ssyncadd.s32 $0xFFFFFF80  }
0x93: {  	[tilespmem:s29], [sflag:$0x1] =	stream.indirect.gather [spmem:s3], $0x1, s10, s18, $0xb8;
	[tilespmem:$0x2500] =	vst v63  }
0x94: {  	_ =	swait.ge [sflag:s14], $0x80  }
0x95: {  	[sflag:s14] =	ssyncset.done $0x0  }
0x96: {  	[sflag:s14] =	ssyncadd.s32 $0xFFFFFF80  }
0x97: {  	v59 =	vld [tilespmem:$0x880]  }
0x98: {  	v60 =	vld [tilespmem:$0x890]  }
0x99: {  	v61 =	vld [tilespmem:$0x8A0]  }
0x9a: {  	v62 =	vld [tilespmem:$0x8B0]  }
0x9b: {  	v63 =	vld [tilespmem:$0x8C0]  }
0x9c: {  	v5 =	vld [tilespmem:$0x8D0];
	v0 =	vadd.f32 $1.000000000e+00, v59  }
0x9d: {  	v6 =	vld [tilespmem:$0x8E0];
	v1 =	vadd.f32 $1.000000000e+00, v60  }
0x9e: {  	v10 =	vld [tilespmem:$0x8F0];
	v9 =	vadd.f32 $1.000000000e+00, v61;
	(erf) = vrcp.f32 v0  }
0x9f: {  	v12 =	vld [tilespmem:$0x900];
	v11 =	vadd.f32 $1.000000000e+00, v62;
	(erf) = vrcp.f32 v1  }
0xa0: {  	v14 =	vld [tilespmem:$0x910];
	v13 =	vadd.f32 $1.000000000e+00, v63;
	(erf) = vrcp.f32 v9  }
0xa1: {  	v16 =	vld [tilespmem:$0x920];
	v15 =	vadd.f32 $1.000000000e+00, v5;
	(erf) = vrcp.f32 v11  }
0xa2: {  	v18 =	vld [tilespmem:$0x930];
	v17 =	vadd.f32 $1.000000000e+00, v6;
	(erf) = vrcp.f32 v13  }
0xa3: {  	v20 =	vld [tilespmem:$0x940];
	v19 =	vadd.f32 $1.000000000e+00, v10;
	(erf) = vrcp.f32 v15  }
0xa4: {  	v22 =	vld [tilespmem:$0x950];
	v21 =	vadd.f32 $1.000000000e+00, v12;
	(erf) = vrcp.f32 v17  }
0xa5: {  	v24 =	vld [tilespmem:$0x960];
	v23 =	vadd.f32 $1.000000000e+00, v14;
	(erf) = vrcp.f32 v19  }
0xa6: {  	v26 =	vld [tilespmem:$0x970];
	v25 =	vadd.f32 $1.000000000e+00, v16;
	(erf) = vrcp.f32 v21  }
0xa7: {  	v28 =	vld [tilespmem:$0x980];
	v27 =	vadd.f32 $1.000000000e+00, v18;
	v7 =	vpop (erf);
	(erf) = vrcp.f32 v23  }
0xa8: {  	v30 =	vld [tilespmem:$0x990];
	v29 =	vadd.f32 $1.000000000e+00, v20;
	v7 =	vmul.f32 $5.000000000e-01, v7;
	v8 =	vpop (erf);
	(erf) = vrcp.f32 v25  }
0xa9: {  	v32 =	vld [tilespmem:$0x9A0];
	v31 =	vadd.f32 $1.000000000e+00, v22;
	v8 =	vmul.f32 $5.000000000e-01, v8;
	v9 =	vpop (erf);
	(erf) = vrcp.f32 v27  }
0xaa: {  	v36 =	vld [tilespmem:$0x9B0];
	v35 =	vadd.f32 $1.000000000e+00, v24;
	[tilespmem:$0xA80] =	vst v7;
	v33 =	vmul.f32 $5.000000000e-01, v9;
	v34 =	vpop (erf);
	(erf) = vrcp.f32 v29  }
0xab: {  	v40 =	vld [tilespmem:$0x9C0];
	v39 =	vadd.f32 $1.000000000e+00, v26;
	[tilespmem:$0xA90] =	vst v8;
	v37 =	vmul.f32 $5.000000000e-01, v34;
	v38 =	vpop (erf);
	(erf) = vrcp.f32 v31  }
0xac: {  	v44 =	vld [tilespmem:$0x9D0];
	v43 =	vadd.f32 $1.000000000e+00, v28;
	[tilespmem:$0xAA0] =	vst v33;
	v41 =	vmul.f32 $5.000000000e-01, v38;
	v42 =	vpop (erf);
	(erf) = vrcp.f32 v35  }
0xad: {  	v48 =	vld [tilespmem:$0x9E0];
	v47 =	vadd.f32 $1.000000000e+00, v30;
	[tilespmem:$0xAB0] =	vst v37;
	v45 =	vmul.f32 $5.000000000e-01, v42;
	v46 =	vpop (erf);
	(erf) = vrcp.f32 v39  }
0xae: {  	v52 =	vld [tilespmem:$0x9F0];
	v51 =	vadd.f32 $1.000000000e+00, v32;
	[tilespmem:$0xAC0] =	vst v41;
	v49 =	vmul.f32 $5.000000000e-01, v46;
	v50 =	vpop (erf);
	(erf) = vrcp.f32 v43  }
0xaf: {  	v56 =	vld [tilespmem:$0xA00];
	v55 =	vadd.f32 $1.000000000e+00, v36;
	[tilespmem:$0xAD0] =	vst v45;
	v53 =	vmul.f32 $5.000000000e-01, v50;
	v54 =	vpop (erf);
	(erf) = vrcp.f32 v47  }
0xb0: {  	v59 =	vadd.f32 $1.000000000e+00, v40;
	v60 =	vld [tilespmem:$0xA10];
	[tilespmem:$0xAE0] =	vst v49;
	v57 =	vmul.f32 $5.000000000e-01, v54;
	v58 =	vpop (erf);
	(erf) = vrcp.f32 v51  }
0xb1: {  	v63 =	vadd.f32 $1.000000000e+00, v44;
	v12 =	vld [tilespmem:$0xA20];
	[tilespmem:$0xAF0] =	vst v53;
	v61 =	vmul.f32 $5.000000000e-01, v58;
	v62 =	vpop (erf);
	(erf) = vrcp.f32 v55  }
0xb2: {  	v16 =	vld [tilespmem:$0xA30];
	v15 =	vadd.f32 $1.000000000e+00, v48;
	[tilespmem:$0xB00] =	vst v57;
	v13 =	vmul.f32 $5.000000000e-01, v62;
	v14 =	vpop (erf);
	(erf) = vrcp.f32 v59  }
0xb3: {  	v20 =	vld [tilespmem:$0xA40];
	v19 =	vadd.f32 $1.000000000e+00, v52;
	[tilespmem:$0xB10] =	vst v61;
	v17 =	vmul.f32 $5.000000000e-01, v14;
	v18 =	vpop (erf);
	(erf) = vrcp.f32 v63  }
0xb4: {  	v24 =	vld [tilespmem:$0xA50];
	v23 =	vadd.f32 $1.000000000e+00, v56;
	[tilespmem:$0xB20] =	vst v13;
	v21 =	vmul.f32 $5.000000000e-01, v18;
	v22 =	vpop (erf);
	(erf) = vrcp.f32 v15  }
0xb5: {  	v28 =	vld [tilespmem:$0xA60];
	v27 =	vadd.f32 $1.000000000e+00, v60;
	[tilespmem:$0xB30] =	vst v17;
	v25 =	vmul.f32 $5.000000000e-01, v22;
	v26 =	vpop (erf);
	(erf) = vrcp.f32 v19  }
0xb6: {  	v32 =	vld [tilespmem:$0xA70];
	v31 =	vadd.f32 $1.000000000e+00, v12;
	[tilespmem:$0xB40] =	vst v21;
	v29 =	vmul.f32 $5.000000000e-01, v26;
	v30 =	vpop (erf);
	(erf) = vrcp.f32 v23  }
0xb7: {  	v2 =	vadd.f32 $1.000000000e+00, v16;
	[tilespmem:$0xB50] =	vst v25;
	v33 =	vpop (erf);
	(erf) = vrcp.f32 v27;
	v34 =	vmul.f32 $5.000000000e-01, v30  }
0xb8: {  	v3 =	vadd.f32 $1.000000000e+00, v20;
	[tilespmem:$0xB60] =	vst v29;
	v35 =	vpop (erf);
	(erf) = vrcp.f32 v31;
	v36 =	vmul.f32 $5.000000000e-01, v33  }
0xb9: {  	v4 =	vadd.f32 $1.000000000e+00, v24;
	[tilespmem:$0xB70] =	vst v34;
	v37 =	vpop (erf);
	(erf) = vrcp.f32 v2;
	v38 =	vmul.f32 $5.000000000e-01, v35  }
0xba: {  	v40 =	vadd.f32 $1.000000000e+00, v28;
	[tilespmem:$0xB80] =	vst v36;
	v39 =	vpop (erf);
	(erf) = vrcp.f32 v3;
	v1 =	vmul.f32 $5.000000000e-01, v37  }
0xbb: {  	v42 =	vadd.f32 $1.000000000e+00, v32;
	[tilespmem:$0xB90] =	vst v38;
	v41 =	vpop (erf);
	(erf) = vrcp.f32 v4;
	v0 =	vmul.f32 $5.000000000e-01, v39  }
0xbc: {  	[tilespmem:$0xBA0] =	vst v1;
	v43 =	vpop (erf);
	(erf) = vrcp.f32 v40;
	v2 =	vmul.f32 $5.000000000e-01, v41  }
0xbd: {  	[tilespmem:$0xBB0] =	vst v0;
	v44 =	vmul.f32 $5.000000000e-01, v43;
	v45 =	vpop (erf);
	(erf) = vrcp.f32 v42  }
0xbe: {  	v46 =	vpop (erf);
	[tilespmem:$0xBC0] =	vst v2;
	v1 =	vmul.f32 $5.000000000e-01, v45  }
0xbf: {  	v47 =	vpop (erf);
	[tilespmem:$0xBD0] =	vst v44;
	v48 =	vmul.f32 $5.000000000e-01, v46  }
0xc0: {  	v49 =	vpop (erf);
	[tilespmem:$0xBE0] =	vst v1;
	v50 =	vmul.f32 $5.000000000e-01, v47  }
0xc1: {  	v51 =	vpop (erf);
	[tilespmem:$0xBF0] =	vst v48;
	v52 =	vmul.f32 $5.000000000e-01, v49  }
0xc2: {  	v53 =	vpop (erf);
	[tilespmem:$0xC00] =	vst v50;
	v54 =	vmul.f32 $5.000000000e-01, v51  }
0xc3: {  	v55 =	vpop (erf);
	[tilespmem:$0xC10] =	vst v52;
	v56 =	vmul.f32 $5.000000000e-01, v53  }
0xc4: {  	v57 =	vpop (erf);
	[tilespmem:$0xC20] =	vst v54;
	v58 =	vmul.f32 $5.000000000e-01, v55  }
0xc5: {  	v59 =	vpop (erf);
	[tilespmem:$0xC30] =	vst v56;
	v60 =	vmul.f32 $5.000000000e-01, v57  }
0xc6: {  	[tilespmem:$0xC40] =	vst v58;
	v61 =	vmul.f32 $5.000000000e-01, v59;
	v62 =	vpop (erf)  }
0xc7: {  	[tilespmem:$0xC50] =	vst v60;
	v63 =	vmul.f32 $5.000000000e-01, v62  }
0xc8: {  	p0 =	sne.s32 s12, $0x1;
	[tilespmem:$0xC60] =	vst v61  }
.Ltmp0:
0xc9: {  	[tilespmem:$0xC70] =	vst v63;
	(pc) =	sbr.rel @p0 .LBB2_1-.Ltmp0, $4  }
0xca: {  	[hbm4b:s11+s4] =	stream.linear.scatter [tilespmem:s30], [sflag:$0x1], $0x200, $0x38;
	[tilespmem:$0x2500] =	vst v63  }
0xcb: {  	_ =	swait.ge [sflag:s14], $0x200  }
0xcc: {  	[sflag:s14] =	ssyncset.done $0x0  }
0xcd: {  	s12 =	sadd.s32 $0xFFFFFFFF, s12;
	[sflag:s14] =	ssyncadd.s32 $0xFFFFFE00  }
0xce: {  	_ =	sfence.sel $0x180000  }
0xcf: {  	[bflag:$0x0] =	sbarrier.arrive $0xFFFF  }
0xd0: {  	p0 =	sne.s32 s0, $0x0;
	_ =	strace $0x90000047  }
0xd1: {  	s0 =	sadd.s32 @!p0 $0x100000, s1;
	[bflag:$0x2] =	sbarrier.arrive $0xFFFF  }
0xd2: {  	[sflag:s0] =	ssyncadd.tile.s32 @!p0 $0x1;
	_ =	shalt  }
.Lfunc_end2:
_tile_overlayer_lowered:
.L_overlay_start_2:
0xd3: {  	(tag) =	ssettag $0x2  }
0xd4: {  	s0 =	rddreg [dreg:$0x0];
	s2 =	stileid.u32  }
0xd5: {  	s1 =	rddreg [dreg:$0x1];
	p0 =	sne.s32 s2, $0x0  }
0xd6: {  	s3 =	rddreg [dreg:$0x2];
	[bflag:$0x3] =	sbarrier.arrive $0xFFFF;
	s2 =	simm.s32 @!p0 $0x1C01  }
0xd7: {  	[timem:s3], [sflag:s2] =	dma.local @!p0 [hbm:s0], s1  }
0xd8: {  	s0 =	simm.s32 @!p0 $0x1  }
0xd9: {  	_ =	swait.ge @!p0 [sflag:s0], s1  }
0xda: {  	s1 =	ssub.s32 @!p0 $0x0, s1;
	[sflag:s0] =	ssyncset.done @!p0 $0x0  }
0xdb: {  	[sflag:s0] =	ssyncadd.s32 @!p0 s1  }
0xdc: {  	[bflag:$0x3] =	sbarrier.arrive $0xFFFF  }
0xdd: {  	_ =	shalt  }

// kernel: kernel.7.cloned.1.call-start
scs
__scs_entry_jumppad:
0x0: {  	(pc) =	sbr.rel $0x88, $3  }
0x1: {  	(tag) =	ssettag $0x0;
	lr =	simm.s32 $0x1  }
0x2: {  	[smem:$0x3F9E] =	sst lr;
	_ =	strace $0xD0000000  }
0x3: {  	_ = 	snop  }
0x4: {  	_ = 	snop  }
0x5: {  	_ = 	snop  }
0x6: {  	_ = 	snop  }
0x7: {  	_ = 	snop  }
__scs_overlays_trampoline_lowered:
0x8: {  	[smem:$0x3FAD] =	sst s0  }
0x9: {  	[smem:$0x3FAE] =	sst s1  }
0xa: {  	[smem:$0x3FAF] =	sst s2  }
0xb: {  	[smem:$0x3FB0] =	sst s3  }
0xc: {  	[smem:$0x3FB1] =	sst s4  }
0xd: {  	[smem:$0x3FB2] =	sst s5  }
0xe: {  	[smem:$0x3FB3] =	sst s6  }
0xf: {  	[smem:$0x3FB4] =	sst s7  }
0x10: {  	[smem:$0x3FB5] =	sst s8  }
0x11: {  	[smem:$0x3FB6] =	sst s9;
	s0 =	simm.s32 @!p0 $0x0  }
0x12: {  	s1 =	sld [smem:$0x3F9C];
	s0 =	simm.s32 @p0 $0x1  }
0x13: {  	[smem:$0x3FB7] =	sst s0;
	s0 =	simm.s32 @!p1 $0x0  }
0x14: {  	s2 =	sld [smem:$0x3F9B];
	s0 =	simm.s32 @p1 $0x1  }
0x15: {  	[smem:$0x3FB8] =	sst s0;
	s0 =	simm.s32 @!p2 $0x0  }
0x16: {  	s3 =	sld [smem:$0x3FDB];
	s0 =	simm.s32 @p2 $0x1  }
0x17: {  	s4 =	simm.s32 $0x1BF5;
	[smem:$0x3FBA] =	sst s0  }
0x18: {  	s0 =	sld [smem:$0x3F9D];
	_ =	swait.ge [sflag:s4], $0x0  }
0x19: {  	s7 =	sld [smem:$0x3F9E]  }
0x1a: {  	s8 =	sadd.s32 $0xFFFFE003, lr  }
0x1b: {  	s9 =	sadd.s32 $0xFFFFFEF7, lr;
	s5 =	simm.s32 $0xFFFFFFFF;
	p2 =	slt.u32 s8, $0xFFFFF086  }
0x1c: {  	p1 =	slt.u32 s9, $0xF7A;
	s5 =	simm.s32 @!p2 $0x0  }
0x1d: {  	s5 =	simm.s32 @p1 $0x1;
	p0 =	seq.s32 s7, s2  }
0x1e: {  	s7 =	smul.u32 @!p0 $0xF7A, s2;
	p2 =	seq.s32 @!p0 s5, $0x0  }
0x1f: {  	s9 =	smul.u32 $0xF7A, s1;
	s8 =	simm.s32 @!p0 $0x1BF5;
	p2 =	por !p2, p0  }
0x20: {  	[sflag:s8] =	ssyncset.s32 @!p0 $0xFFFFF086;
	s6 =	sadd.s32 @!p0 s3, s7;
	s7 =	simm.s32 @!p0 $0x108  }
0x21: {  	s3 =	sadd.s32 s3, s9;
	s6 =	sadd.s32 @!p0 $0x88, s6;
	s7 =	simm.s32 @p2 $0x1082  }
0x22: {  	[simem:s7], [sflag:s8] =	dma.local @!p0 [hbm:s6], $0xF7A  }
0x23: {  	s9 =	sor.u32 $0xD0000000, s2;
	s6 =	simm.s32 $0x108;
	_ =	swait.ge @!p0 [sflag:s8], $0x0  }
0x24: {  	s3 =	sadd.s32 $0x88, s3;
	s6 =	simm.s32 @!p1 $0x1082;
	[sflag:s4] =	ssyncset.s32 $0xFFFFF086  }
0x25: {  	[simem:s6], [sflag:s4] =	dma.local [hbm:s3], $0xF7A  }
0x26: {  	[smem:$0x3F9E] =	sst s1;
	(tag) =	ssettag s2;
	_ =	strace s9  }
0x27: {  	s1 =	sld [smem:$0x3FAE]  }
0x28: {  	s2 =	sld [smem:$0x3FAF]  }
0x29: {  	s4 =	sld [smem:$0x3FB1]  }
0x2a: {  	p0 =	seq.s32 s5, $0x0;
	s5 =	sld [smem:$0x3FB2]  }
0x2b: {  	s6 =	sld [smem:$0x3FB3]  }
0x2c: {  	s7 =	sld [smem:$0x3FB4]  }
0x2d: {  	s3 =	simm.s32 $0x108;
	s8 =	sld [smem:$0x3FB5]  }
0x2e: {  	s3 =	simm.s32 @!p0 $0x1082;
	s9 =	sld [smem:$0x3FB6]  }
0x2f: {  	lr =	sadd.s32 s0, s3;
	s0 =	sld [smem:$0x3FAD]  }
0x30: {  	s3 =	sld [smem:$0x3FB0]  }
0x31: {  	[smem:$0x3FB9] =	sst s10  }
0x32: {  	s10 =	sld [smem:$0x3FB7];
	_ =	sdelay $0x3  }
0x33: {  	p0 =	seq.s32 s10, $0x1;
	s10 =	sld [smem:$0x3FB9];
	_ =	sdelay $0x3  }
0x34: {  	[smem:$0x3FB9] =	sst s10  }
0x35: {  	s10 =	sld [smem:$0x3FB8];
	_ =	sdelay $0x3  }
0x36: {  	p1 =	seq.s32 s10, $0x1;
	s10 =	sld [smem:$0x3FB9];
	_ =	sdelay $0x3  }
0x37: {  	[smem:$0x3FB9] =	sst s10  }
0x38: {  	s10 =	sld [smem:$0x3FBA]  }
0x39: {  	_ = 	snop;
	(pc) =	sbr.ind lr, $3  }
0x3a: {  	_ = 	snop  }
0x3b: {  	_ = 	snop  }
0x3c: {  	p2 =	seq.s32 s10, $0x1;
	s10 =	sld [smem:$0x3FB9]  }
0x3d: {  	_ =	shalt  }
0x3e: {  	_ =	shalt  }
0x3f: {  	_ =	shalt  }
0x40: {  	_ =	shalt  }
0x41: {  	_ =	shalt  }
0x42: {  	_ =	shalt  }
0x43: {  	_ =	shalt  }
0x44: {  	_ =	shalt  }
0x45: {  	_ =	shalt  }
0x46: {  	_ =	shalt  }
0x47: {  	_ =	shalt  }
0x48: {  	_ =	shalt  }
0x49: {  	_ =	shalt  }
0x4a: {  	_ =	shalt  }
0x4b: {  	_ =	shalt  }
0x4c: {  	_ =	shalt  }
0x4d: {  	_ =	shalt  }
0x4e: {  	_ =	shalt  }
0x4f: {  	_ =	shalt  }
0x50: {  	_ =	shalt  }
0x51: {  	_ =	shalt  }
0x52: {  	_ =	shalt  }
0x53: {  	_ =	shalt  }
0x54: {  	_ =	shalt  }
0x55: {  	_ =	shalt  }
0x56: {  	_ =	shalt  }
0x57: {  	_ =	shalt  }
0x58: {  	_ =	shalt  }
0x59: {  	_ =	shalt  }
0x5a: {  	_ =	shalt  }
0x5b: {  	_ =	shalt  }
0x5c: {  	_ =	shalt  }
0x5d: {  	_ =	shalt  }
0x5e: {  	_ =	shalt  }
0x5f: {  	_ =	shalt  }
0x60: {  	_ =	shalt  }
0x61: {  	_ =	shalt  }
0x62: {  	_ =	shalt  }
0x63: {  	_ =	shalt  }
0x64: {  	_ =	shalt  }
0x65: {  	_ =	shalt  }
0x66: {  	_ =	shalt  }
0x67: {  	_ =	shalt  }
0x68: {  	_ =	shalt  }
0x69: {  	_ =	shalt  }
0x6a: {  	_ =	shalt  }
0x6b: {  	_ =	shalt  }
0x6c: {  	_ =	shalt  }
0x6d: {  	_ =	shalt  }
0x6e: {  	_ =	shalt  }
0x6f: {  	_ =	shalt  }
0x70: {  	_ =	shalt  }
0x71: {  	_ =	shalt  }
0x72: {  	_ =	shalt  }
0x73: {  	_ =	shalt  }
0x74: {  	_ =	shalt  }
0x75: {  	_ =	shalt  }
0x76: {  	_ =	shalt  }
0x77: {  	_ =	shalt  }
0x78: {  	_ =	shalt  }
0x79: {  	_ =	shalt  }
0x7a: {  	_ =	shalt  }
0x7b: {  	_ =	shalt  }
0x7c: {  	_ =	shalt  }
0x7d: {  	_ =	shalt  }
0x7e: {  	_ =	shalt  }
0x7f: {  	_ =	shalt  }
0x80: {  	_ =	shalt  }
0x81: {  	_ =	shalt  }
0x82: {  	_ =	shalt  }
0x83: {  	_ =	shalt  }
0x84: {  	_ =	shalt  }
0x85: {  	_ =	shalt  }
0x86: {  	_ =	shalt  }
0x87: {  	_ =	shalt  }
.Lfunc_end0:
.L_simem_size_0:
called_computation.1_lowered:
.L_overlay_start_0:
0x88: {  	s2 =	sld [smem:$0x3FD9]  }
0x89: {  	s3 =	sld [smem:$0x3FFE];
	_ =	sdelay $0x1  }
0x8a: {  	s1 =	srdreg.scid  }
0x8b: {  	s0 =	sand.u32 $0x1, s1  }
0x8c: {  	s17 =	sshll.u32 s0, $0xA;
	s2 =	sadd.s32 s3, s2  }
0x8d: {  	s2 =	sadd.s32 s2, s17  }
0x8e: {  	[smem:$0x3FC5] =	sst s2  }
0x8f: {  	_ = 	snop  }
0x90: {  	s2 =	sld [smem:$0x3FC8];
	(tm) =	ssettm $0x1  }
0x91: {  	s18 =	sld [smem:$0x3FFB];
	_ =	sdelay $0x3  }
0x92: {  	_ =	strace s18  }
0x93: {  	s3 =	sld [smem:$0x3FFC];
	_ =	sdelay $0x3  }
0x94: {  	_ =	strace s3  }
0x95: {  	s3 =	sld [smem:$0x3FFD];
	_ =	sdelay $0x3  }
0x96: {  	_ =	strace s3  }
0x97: {  	_ =	strace $0x8FFFFFFF  }
0x98: {  	s19 =	sld [smem:$0x3FDB];
	_ =	sdelay $0x1  }
0x99: {  	s4 =	simm.s32 $_scs_section_size  }
0x9a: {  	s5 =	simm.s32 $_size__tile_overlayer_lowered;
	s6 =	simm.s32 $_tile_overlayer_lowered  }
0x9b: {  	s22 =	simm.s32 $0x1BFF;
	s21 =	sshll.u32 s6, $0x1;
	s3 =	sadd.s32 s4, s19  }
0x9c: {  	s7 =	simm.s32 $0x0;
	s20 =	sshll.u32 s5, $0x1;
	s5 =	sadd.s32 s21, s3  }
0x9d: {  	[timem:s7], [sflag:s22] =	dma.local [hbm:s5], s20  }
0x9e: {  	_ =	swait.ge [sflag:s22], s20  }
0x9f: {  	s4 =	ssub.s32 $0x0, s20;
	[sflag:s22] =	ssyncset.done $0x0  }
0xa0: {  	[sflag:s22] =	ssyncadd.s32 s4;
	_ =	sdelay $0x1  }
0xa1: {  	s23 =	simm.s32 $0x1B8B  }
0xa2: {  	_ =	swait.ge [sflag:s23], $0x1  }
0xa3: {  	[sflag:s23] =	ssyncset.done $0x0  }
0xa4: {  	s25 =	simm.s32 $0x1B8E;
	s24 =	sld [smem:$0x3FFE];
	[sflag:s23] =	ssyncadd.s32 $0xFFFFFFFF  }
0xa5: {  	s26 =	simm.s32 $execute0_lowered;
	[smem:$0x3FD2] =	sst s25  }
0xa6: {  	s5 =	sshll.u32 s26, $0x1;
	_ =	strace $0x80000049;
	[dreg:$0x1] =	wrdreg $0xFFFFFFFF  }
0xa7: {  	s28 =	simm.s32 $_size_execute0_lowered;
	s3 =	sadd.s32 s3, s5;
	[dreg:$0x0] =	wrdreg $0x0  }
0xa8: {  	s5 =	sshll.u32 s28, $0x1;
	[dreg:$0x2] =	wrdreg s3  }
0xa9: {  	[dreg:$0x3] =	wrdreg s5  }
0xaa: {  	[dreg:$0x4] =	wrdreg $0xC0  }
0xab: {  	_ =	task [dreg:s7], $0x5FFFF  }
0xac: {  	[dreg:$0x1] =	wrdreg $0xFFFFFFFF  }
0xad: {  	[dreg:$0x0] =	wrdreg $0x60  }
0xae: {  	[dreg:$0x2] =	wrdreg s24  }
0xaf: {  	[dreg:$0x3] =	wrdreg s2  }
0xb0: {  	[dreg:$0x4] =	wrdreg $0x9  }
0xb1: {  	_ =	task.clear_ibuf [dreg:s7], $0x5FFFF;
	_ =	strace $0x90000049  }
0xb2: {  	s29 =	simm.s32 $0x9;
	_ =	strace $0x8000004B  }
0xb3: {  	_ =	swait.ge [sflag:s29], $0x1  }
0xb4: {  	[sflag:s29] =	ssyncadd.s32 $0xFFFFFFFF  }
0xb5: {  	_ =	strace $0x9000004B  }
0xb6: {  	_ =	sfence  }
0xb7: {  	s30 =	sld [smem:$0x0];
	_ =	sdelay $0x2  }
0xb8: {  	s31 =	sshll.u32 s1, $0xD;
	s1 =	sshrl.u32 s1, $0x2  }
0xb9: {  	s3 =	sand.u32 $0x4000, s31;
	s1 =	sadd.s32 s1, s30  }
0xba: {  	s0 =	sor.u32 s3, s0;
	s1 =	sshll.u32 s1, $0x11  }
0xbb: {  	s0 =	sor.u32 s1, s0  }
0xbc: {  	s0 =	sadd.s32 $0x8F2B, s0  }
0xbd: {  	[sflag:s0] =	ssyncadd.remote.s32 $0x1  }
0xbe: {  	_ =	sfence.sel $0xFFFF  }
0xbf: {  	[dreg:$0x0] =	wrdreg $0xFFFFFFFF;
	(pc) =	sbr.abs _section_cstart, $3  }
0xc0: {  	[dreg:$0x1] =	wrdreg $0xFFFFFFFF  }
0xc1: {  	_ =	task.clear_ibuf [dreg:s7], $0x2FFFF;
	_ =	strace $0x9FFFFFFF  }
0xc2: {  	(tm) =	ssettm $0x7FFFFFFF  }
0xc3: {  	_ =	shalt  }
tec
execute0_lowered:
.L_overlay_start_1:
0x0: {  	(tag) =	ssettag $0x1  }
0x1: {  	s1 =	srdreg.scid  }
0x2: {  	s4 =	rddreg [dreg:$0x0];
	s0 =	stileid.u32  }
0x3: {  	s6 =	rddreg [dreg:$0x1];
	s2 =	simm.s32 $0x0;
	s12 =	simm.s32 $0x200  }
0x4: {  	s13 =	simm.s32 $0x8400;
	s14 =	simm.s32 $0x280;
	s15 =	simm.s32 $0xC400  }
0x5: {  	s16 =	simm.s32 $0x300;
	s17 =	simm.s32 $0x10400;
	s18 =	simm.s32 $0x380  }
0x6: {  	s19 =	simm.s32 $0x14400;
	s20 =	simm.s32 $0x18400;
	s21 =	simm.s32 $0x2  }
0x7: {  	s22 =	simm.s32 $0x1;
	s23 =	simm.s32 $0x18600;
	s24 =	simm.s32 $0x0  }
0x8: {  	s5 =	sand.u32 $0x1, s1;
	s3 =	sshll.u32 s0, $0xA;
	s1 =	rddreg [dreg:$0x2]  }
0x9: {  	[smem:$0x7FF] =	sst s2;
	s31 =	sshll.u32 s0, $0x5;
	s7 =	sshll.u32 s5, $0x9  }
0xa: {  	_ =	strace $0x8000004A;
	s9 =	sshll.u32 s5, $0x4;
	s5 =	ssub.s32 $0x2, s5  }
0xb: {  	s7 =	sor.u32 s7, s3;
	s9 =	sadd.s32 s9, s4;
	s30 =	sshrl.u32 s5, $0x1  }
0xc: {  	s3 =	sshll.u32 s7, $0x3;
	s7 =	sshrl.u32 s7, $0x3;
	s11 =	ssub.s32 s5, s30  }
0xd: {  	s8 =	sadd.s32 s3, s4;
	s3 =	sadd.s32 $0x18AA00, s4;
	s10 =	sadd.s32 s7, s4  }
0xe: {  	s4 =	sadd.s32 s6, s7;
	s7 =	sadd.s32 s31, s9;
	s9 =	simm.s32 $0x3  }
0xf: {  	s5 =	sadd.s32 $0x4000, s8;
	s6 =	sadd.s32 $0x3800, s10;
	s7 =	sadd.s32 $0x600, s7  }
0x10: {  	s8 =	smax.u32 s11, $0x1;
	s10 =	simm.s32 $0x400;
	s11 =	simm.s32 $0x80  }
.LBB2_1:
0x11: {  	[tilespmem:s2], [sflag:$0x3] =	stream.linear.gather [hbm4b:s4+s2], $0x200, $0x38;
	[tilespmem:$0x18680] =	vst v63  }
0x12: {  	_ =	swait.ge [sflag:s9], $0x200  }
0x13: {  	[sflag:s9] =	ssyncset.done $0x0  }
0x14: {  	[sflag:s9] =	ssyncadd.s32 $0xFFFFFE00  }
0x15: {  	[tilespmem:s10], [sflag:$0x2] =	stream.linear.gather [hbm4b:s5+s2], $0x8000, $0x38;
	[tilespmem:$0x18680] =	vst v63  }
0x16: {  	v0 =	vld [tilespmem:$0x0]  }
0x17: {  	v1 =	vld [tilespmem:$0x10]  }
0x18: {  	v2 =	vld [tilespmem:$0x20]  }
0x19: {  	v3 =	vld [tilespmem:$0x30]  }
0x1a: {  	v4 =	vld [tilespmem:$0x40]  }
0x1b: {  	[tilespmem:$0x200] =	vst v0;
	v0 =	vld [tilespmem:$0x50]  }
0x1c: {  	[tilespmem:$0x210] =	vst v1;
	v1 =	vld [tilespmem:$0x60]  }
0x1d: {  	[tilespmem:$0x220] =	vst v2;
	v2 =	vld [tilespmem:$0x70]  }
0x1e: {  	[tilespmem:$0x230] =	vst v3;
	v3 =	vld [tilespmem:$0x80]  }
0x1f: {  	[tilespmem:$0x240] =	vst v4;
	v4 =	vld [tilespmem:$0x90]  }
0x20: {  	[tilespmem:$0x250] =	vst v0;
	v0 =	vld [tilespmem:$0xA0]  }
0x21: {  	[tilespmem:$0x260] =	vst v1;
	v1 =	vld [tilespmem:$0xB0]  }
0x22: {  	[tilespmem:$0x270] =	vst v2;
	v2 =	vld [tilespmem:$0xC0]  }
0x23: {  	[tilespmem:$0x280] =	vst v3;
	v3 =	vld [tilespmem:$0xD0]  }
0x24: {  	[tilespmem:$0x290] =	vst v4;
	v4 =	vld [tilespmem:$0xE0]  }
0x25: {  	[tilespmem:$0x2A0] =	vst v0;
	v0 =	vld [tilespmem:$0xF0]  }
0x26: {  	[tilespmem:$0x2B0] =	vst v1;
	v1 =	vld [tilespmem:$0x100]  }
0x27: {  	[tilespmem:$0x2C0] =	vst v2;
	v2 =	vld [tilespmem:$0x110]  }
0x28: {  	[tilespmem:$0x2D0] =	vst v3;
	v3 =	vld [tilespmem:$0x120]  }
0x29: {  	[tilespmem:$0x2E0] =	vst v4;
	v4 =	vld [tilespmem:$0x130]  }
0x2a: {  	[tilespmem:$0x2F0] =	vst v0;
	v0 =	vld [tilespmem:$0x140]  }
0x2b: {  	[tilespmem:$0x300] =	vst v1;
	v1 =	vld [tilespmem:$0x150]  }
0x2c: {  	[tilespmem:$0x310] =	vst v2;
	v2 =	vld [tilespmem:$0x160]  }
0x2d: {  	[tilespmem:$0x320] =	vst v3;
	v3 =	vld [tilespmem:$0x170]  }
0x2e: {  	[tilespmem:$0x330] =	vst v4;
	v4 =	vld [tilespmem:$0x180]  }
0x2f: {  	[tilespmem:$0x340] =	vst v0;
	v0 =	vld [tilespmem:$0x190]  }
0x30: {  	[tilespmem:$0x350] =	vst v1;
	v1 =	vld [tilespmem:$0x1A0]  }
0x31: {  	[tilespmem:$0x360] =	vst v2;
	v2 =	vld [tilespmem:$0x1B0]  }
0x32: {  	[tilespmem:$0x370] =	vst v3;
	v3 =	vld [tilespmem:$0x1C0]  }
0x33: {  	[tilespmem:$0x380] =	vst v4;
	v4 =	vld [tilespmem:$0x1D0]  }
0x34: {  	[tilespmem:$0x390] =	vst v0;
	v0 =	vld [tilespmem:$0x1E0]  }
0x35: {  	[tilespmem:$0x3A0] =	vst v1;
	v1 =	vld [tilespmem:$0x1F0]  }
0x36: {  	[tilespmem:$0x3B0] =	vst v2  }
0x37: {  	[tilespmem:$0x3C0] =	vst v3  }
0x38: {  	[tilespmem:$0x3D0] =	vst v4  }
0x39: {  	[tilespmem:$0x3E0] =	vst v0  }
0x3a: {  	[tilespmem:$0x3F0] =	vst v1  }
0x3b: {  	[tilespmem:s13], [sflag:$0x1] =	stream.indirect.gather [hbm4b:s3+s11], $0x80, s12, s11, $0xb8;
	[tilespmem:$0x18680] =	vst v63  }
0x3c: {  	_ = 	snop  }
0x3d: {  	[tilespmem:s15], [sflag:$0x1] =	stream.indirect.gather [hbm4b:s3+s11], $0x80, s14, s11, $0xb8;
	[tilespmem:$0x18680] =	vst v63  }
0x3e: {  	_ = 	snop  }
0x3f: {  	[tilespmem:s17], [sflag:$0x1] =	stream.indirect.gather [hbm4b:s3+s11], $0x80, s16, s11, $0xb8;
	[tilespmem:$0x18680] =	vst v63  }
0x40: {  	_ = 	snop  }
0x41: {  	[tilespmem:s19], [sflag:$0x1] =	stream.indirect.gather [hbm4b:s3+s11], $0x80, s18, s11, $0xb8;
	[tilespmem:$0x18680] =	vst v63  }
0x42: {  	_ = 	snop  }
0x43: {  	[tilespmem:s20], [sflag:$0x3] =	stream.linear.gather [hbm4b:s6+s2], $0x200, $0x38;
	[tilespmem:$0x18680] =	vst v63  }
0x44: {  	_ =	swait.ge [sflag:s9], $0x200  }
0x45: {  	[sflag:s9] =	ssyncset.done $0x0  }
0x46: {  	[sflag:s9] =	ssyncadd.s32 $0xFFFFFE00  }
0x47: {  	_ =	swait.ge [sflag:s21], $0x8000  }
0x48: {  	[sflag:s21] =	ssyncset.done $0x0  }
0x49: {  	[sflag:s21] =	ssyncadd.s32 $0xFFFF8000  }
0x4a: {  	_ =	swait.ge [sflag:s22], $0x4000  }
0x4b: {  	[sflag:s22] =	ssyncset.done $0x0  }
0x4c: {  	[sflag:s22] =	ssyncadd.s32 $0xFFFFC000  }
0x4d: {  	_ =	swait.ge [sflag:s22], $0x4000  }
0x4e: {  	[sflag:s22] =	ssyncset.done $0x0  }
0x4f: {  	[sflag:s22] =	ssyncadd.s32 $0xFFFFC000  }
0x50: {  	_ =	swait.ge [sflag:s22], $0x4000  }
0x51: {  	[sflag:s22] =	ssyncset.done $0x0  }
0x52: {  	[sflag:s22] =	ssyncadd.s32 $0xFFFFC000  }
0x53: {  	_ =	swait.ge [sflag:s22], $0x4000  }
0x54: {  	[sflag:s22] =	ssyncset.done $0x0  }
0x55: {  	s26 =	simm.s32 $0x600;
	[sflag:s22] =	ssyncadd.s32 $0xFFFFC000  }
0x56: {  	s25 =	simm.s32 $0x8800;
	v0 =	vld [tilespmem:s26+$0x1F0]  }
0x57: {  	v6 =	vld [tilespmem:s25+$0x3B0]  }
0x58: {  	v1 =	vld [tilespmem:s26+$0x1B0]  }
0x59: {  	v7 =	vld [tilespmem:s25+$0x330]  }
0x5a: {  	v8 =	vld [tilespmem:s26+$0x1E0]  }
0x5b: {  	v14 =	vld [tilespmem:s25+$0x3A0]  }
0x5c: {  	v9 =	vld [tilespmem:s26+$0x170]  }
0x5d: {  	v23 =	vld [tilespmem:s25+$0x2B0]  }
0x5e: {  	v26 =	vld [tilespmem:s26+$0x1A0]  }
0x5f: {  	v33 =	vld [tilespmem:s25+$0x320]  }
0x60: {  	v31 =	vld [tilespmem:s26+$0x1C0]  }
0x61: {  	v34 =	vld [tilespmem:s25+$0x380]  }
0x62: {  	v36 =	vld [tilespmem:s26+$0x1D0]  }
0x63: {  	v48 =	vld [tilespmem:s25+$0x390]  }
0x64: {  	v47 =	vld [tilespmem:s26+$0x130]  }
0x65: {  	v2 =	vld [tilespmem:s25+$0x230]  }
0x66: {  	v3 =	vld [tilespmem:s26+$0xB0]  }
0x67: {  	v12 =	vld [tilespmem:s25+$0x1A0]  }
0x68: {  	v4 =	vld [tilespmem:s26+$0x110]  }
0x69: {  	v18 =	vld [tilespmem:s25+$0x210]  }
0x6a: {  	v40 =	vld [tilespmem:s26+$0xA0]  }
0x6b: {  	v17 =	vld [tilespmem:s25+$0x120]  }
0x6c: {  	v13 =	vld [tilespmem:s26+$0xC0]  }
0x6d: {  	v43 =	vld [tilespmem:s25+$0x180]  }
0x6e: {  	v15 =	vld [tilespmem:s26+$0xD0]  }
0x6f: {  	v45 =	vld [tilespmem:s25+$0x190];
	v0 =	vsub.f32 v0, v6  }
0x70: {  	v46 =	vld [tilespmem:s26+$0x30]  }
0x71: {  	[tilespmem:$0x1FC60] =	vst v0;
	v0 =	vld [tilespmem:s26+$0xFFFFFEF0]  }
0x72: {  	v11 =	vld [tilespmem:s25+$0x30]  }
0x73: {  	v5 =	vld [tilespmem:s26+$0x60]  }
0x74: {  	v49 =	vld [tilespmem:s25+$0xA0]  }
0x75: {  	v50 =	vld [tilespmem:s26+$0x80]  }
0x76: {  	v51 =	vld [tilespmem:s25+$0x100];
	[tilespmem:$0x1FF40] =	vst v0;
	v0 =	vsub.f32 v8, v14  }
0x77: {  	[tilespmem:$0x1FC90] =	vst v2;
	v2 =	vld [tilespmem:s26+$0x160]  }
0x78: {  	[tilespmem:$0x1FC70] =	vst v0;
	v0 =	vld [tilespmem:s25+$0xFFFFFDB0]  }
0x79: {  	v10 =	vld [tilespmem:s26+$0xFFFFFF80]  }
0x7a: {  	v52 =	vld [tilespmem:s26+$0x90]  }
0x7b: {  	v53 =	vld [tilespmem:s25+$0x110]  }
0x7c: {  	[tilespmem:$0x1FCA0] =	vst v2;
	v2 =	vld [tilespmem:s25+$0x2A0]  }
0x7d: {  	[tilespmem:$0x1FF50] =	vst v0;
	v0 =	vld [tilespmem:s26+$0xFFFFFF20]  }
0x7e: {  	[tilespmem:$0x1FED0] =	vst v10;
	v10 =	vld [tilespmem:s25+$0xFFFFFF00]  }
0x7f: {  	v54 =	vld [tilespmem:s26+$0xFFFFFFF0]  }
0x80: {  	v55 =	vld [tilespmem:s25+$0xFFFFFFB0]  }
0x81: {  	v56 =	vld [tilespmem:s26+$0x20];
	[tilespmem:$0x1FCB0] =	vst v2  }
0x82: {  	v2 =	vld [tilespmem:s26+$0x180];
	[tilespmem:$0x1FF70] =	vst v0;
	v0 =	vsub.f32 v36, v48  }
0x83: {  	[tilespmem:$0x1FEE0] =	vst v10;
	v10 =	vld [tilespmem:s26+$0xFFFFFF90]  }
0x84: {  	[tilespmem:$0x1FC80] =	vst v0;
	v0 =	vld [tilespmem:s25+$0xFFFFFE20]  }
0x85: {  	v57 =	vld [tilespmem:s25+$0x20]  }
0x86: {  	v58 =	vld [tilespmem:s26+$0x40]  }
0x87: {  	[tilespmem:$0x1FCC0] =	vst v2;
	v2 =	vld [tilespmem:s25+$0x300]  }
0x88: {  	[tilespmem:$0x1FEF0] =	vst v10;
	v10 =	vld [tilespmem:s25+$0xFFFFFF10]  }
0x89: {  	[tilespmem:$0x1FF80] =	vst v0;
	v0 =	vld [tilespmem:$0x1FC90]  }
0x8a: {  	v59 =	vld [tilespmem:s25+$0x80]  }
0x8b: {  	v60 =	vld [tilespmem:s26+$0x50]  }
0x8c: {  	[tilespmem:$0x1FCD0] =	vst v2;
	v2 =	vld [tilespmem:s26+$0x190]  }
0x8d: {  	v6 =	vld [tilespmem:$0x1FCB0]  }
0x8e: {  	[tilespmem:$0x1FF00] =	vst v10;
	v10 =	vsub.f32 v1, v7;
	v1 =	vsub.f32 v47, v0;
	v0 =	vld [tilespmem:$0x1FCA0]  }
0x8f: {  	v61 =	vld [tilespmem:s25+$0x90]  }
0x90: {  	v62 =	vld [tilespmem:s26+$0xFFFFFFB0]  }
0x91: {  	[tilespmem:$0x1FCE0] =	vst v2;
	v2 =	vld [tilespmem:s25+$0x310]  }
0x92: {  	v63 =	vld [tilespmem:s25+$0xFFFFFF30]  }
0x93: {  	v47 =	vsub.f32 v0, v6;
	v0 =	vld [tilespmem:s26+$0xFFFFFF40]  }
0x94: {  	v29 =	vld [tilespmem:s26+$0xFFFFFFE0]  }
0x95: {  	v24 =	vld [tilespmem:s25+$0xFFFFFFA0]  }
0x96: {  	[tilespmem:$0x1FCF0] =	vst v2;
	v2 =	vld [tilespmem:s26+$0xF0]  }
0x97: {  	v6 =	vld [tilespmem:$0x1FCD0]  }
0x98: {  	[tilespmem:$0x1FF90] =	vst v0;
	v0 =	vld [tilespmem:$0x1FCC0]  }
0x99: {  	v28 =	vld [tilespmem:s26+$0x0]  }
0x9a: {  	v21 =	vld [tilespmem:s25+$0x0]  }
0x9b: {  	v22 =	vld [tilespmem:s26+$0x10]  }
0x9c: {  	[tilespmem:$0x1FD10] =	vst v2;
	v2 =	vld [tilespmem:s25+$0x1B0]  }
0x9d: {  	v36 =	vsub.f32 v0, v6;
	v0 =	vld [tilespmem:$0x1FCE0]  }
0x9e: {  	v6 =	vld [tilespmem:$0x1FCF0]  }
0x9f: {  	v42 =	vld [tilespmem:s25+$0x10]  }
0xa0: {  	v20 =	vld [tilespmem:s26+$0xFFFFFF70]  }
0xa1: {  	v39 =	vld [tilespmem:s25+$0xFFFFFEB0]  }
0xa2: {  	v19 =	vld [tilespmem:s26+$0xFFFFFFA0]  }
0xa3: {  	[tilespmem:$0x1FD20] =	vst v2;
	v2 =	vld [tilespmem:s26+$0x120];
	v0 =	vsub.f32 v0, v6  }
0xa4: {  	v41 =	vld [tilespmem:s25+$0xFFFFFF20]  }
0xa5: {  	[tilespmem:$0x1FD00] =	vst v0;
	v0 =	vld [tilespmem:s25+$0xFFFFFE80]  }
0xa6: {  	v25 =	vld [tilespmem:s26+$0xFFFFFFC0]  }
0xa7: {  	v44 =	vld [tilespmem:s25+$0xFFFFFF80]  }
0xa8: {  	[tilespmem:$0x1FD30] =	vst v2;
	v2 =	vld [tilespmem:s25+$0x220]  }
0xa9: {  	v6 =	vld [tilespmem:$0x1FD20]  }
0xaa: {  	[tilespmem:$0x1FFA0] =	vst v0;
	v0 =	vld [tilespmem:$0x1FD10]  }
0xab: {  	v30 =	vld [tilespmem:s26+$0xFFFFFFD0]  }
0xac: {  	v27 =	vld [tilespmem:s25+$0xFFFFFF90]  }
0xad: {  	[tilespmem:$0x1FD40] =	vst v2;
	v2 =	vld [tilespmem:s26+$0x140]  }
0xae: {  	v7 =	vld [tilespmem:$0x1FD40]  }
0xaf: {  	v6 =	vsub.f32 v0, v6;
	v0 =	vld [tilespmem:$0x1FD30]  }
0xb0: {  	v38 =	vld [tilespmem:s26+$0xFFFFFF30]  }
0xb1: {  	v16 =	vld [tilespmem:s25+$0xFFFFFE30]  }
0xb2: {  	[tilespmem:$0x1FD50] =	vst v2;
	v2 =	vld [tilespmem:s25+$0x280]  }
0xb3: {  	v37 =	vld [tilespmem:s26+$0xFFFFFF60]  }
0xb4: {  	v7 =	vsub.f32 v0, v7;
	v0 =	vld [tilespmem:s26+$0xFFFFFF50]  }
0xb5: {  	v32 =	vld [tilespmem:s25+$0xFFFFFEA0]  }
0xb6: {  	[tilespmem:$0x1FD90] =	vst v3;
	v3 =	vld [tilespmem:s25+$0x130]  }
0xb7: {  	[tilespmem:$0x1FD60] =	vst v2;
	v2 =	vld [tilespmem:s26+$0x150]  }
0xb8: {  	[tilespmem:$0x1FDD0] =	vst v4;
	v8 =	vsub.f32 v9, v23;
	v9 =	vsub.f32 v31, v34;
	v1 =	vmul.f32 v1, v1;
	v14 =	vld [tilespmem:$0x1FD60]  }
0xb9: {  	[tilespmem:$0x1FFB0] =	vst v0;
	v0 =	vld [tilespmem:$0x1FD50]  }
0xba: {  	v4 =	vld [tilespmem:s26+$0x70];
	v35 =	vsub.f32 v26, v33;
	[tilespmem:$0x1FE80] =	vst v1;
	v1 =	vmul.f32 v9, v9  }
0xbb: {  	v33 =	vld [tilespmem:s26+$0xFFFFFEB0];
	v46 =	vsub.f32 v46, v11;
	v11 =	vsub.f32 v5, v49  }
0xbc: {  	v5 =	vsub.f32 v50, v51;
	v50 =	vsub.f32 v54, v55;
	v55 =	vld [tilespmem:s25+$0xFFFFFE00];
	[tilespmem:$0x1FE90] =	vst v1  }
0xbd: {  	v1 =	vmul.f32 v47, v47;
	[tilespmem:$0x1FD70] =	vst v2;
	v2 =	vld [tilespmem:s25+$0x290]  }
0xbe: {  	v14 =	vsub.f32 v0, v14;
	v0 =	vld [tilespmem:$0x1FD70]  }
0xbf: {  	v40 =	vsub.f32 v40, v17;
	v54 =	vsub.f32 v56, v57;
	v57 =	vld [tilespmem:s26+$0xFFFFFF10];
	[tilespmem:$0x1FEA0] =	vst v1;
	v1 =	vmul.f32 v36, v36  }
0xc0: {  	v17 =	vsub.f32 v52, v53;
	v52 =	vsub.f32 v20, v39;
	v20 =	vld [tilespmem:s26+$0xFFFFFEA0];
	[tilespmem:$0x1FDA0] =	vst v3  }
0xc1: {  	v3 =	vld [tilespmem:s26+$0xE0];
	[tilespmem:$0x1FEB0] =	vst v1;
	v1 =	vmul.f32 v6, v6  }
0xc2: {  	v6 =	vld [tilespmem:$0x1FEE0]  }
0xc3: {  	[tilespmem:$0x1FEC0] =	vst v1;
	v1 =	vld [tilespmem:$0x1FED0];
	v0 =	vsub.f32 v0, v2  }
0xc4: {  	v2 =	vld [tilespmem:$0x1FDA0]  }
0xc5: {  	v15 =	vsub.f32 v15, v45;
	[tilespmem:$0x1FD80] =	vst v0;
	v0 =	vld [tilespmem:$0x1FD90]  }
0xc6: {  	v13 =	vsub.f32 v13, v43;
	v43 =	vsub.f32 v19, v41;
	v19 =	vld [tilespmem:s26+$0xFFFFFE30]  }
0xc7: {  	[tilespmem:$0x1FE00] =	vst v15;
	v15 =	vld [tilespmem:s25+$0xFFFFFDA0]  }
0xc8: {  	[tilespmem:$0x1FDB0] =	vst v3;
	v3 =	vld [tilespmem:s26+$0x100]  }
0xc9: {  	[tilespmem:$0x1FE10] =	vst v17;
	v17 =	vsub.f32 v60, v61;
	v61 =	vld [tilespmem:s25+$0xFFFFFE10]  }
0xca: {  	v48 =	vsub.f32 v1, v6;
	v1 =	vld [tilespmem:$0x1FF00];
	v0 =	vsub.f32 v0, v2  }
0xcb: {  	v2 =	vld [tilespmem:$0x1FDB0]  }
0xcc: {  	v36 =	vmul.f32 v0, v0;
	v0 =	vld [tilespmem:$0x1FEF0]  }
0xcd: {  	[tilespmem:$0x1FDC0] =	vst v3;
	v3 =	vld [tilespmem:s25+$0x200]  }
0xce: {  	v26 =	vld [tilespmem:$0x1FDC0]  }
0xcf: {  	v60 =	vld [tilespmem:s25+$0xFFFFFD80];
	[tilespmem:$0x1FE20] =	vst v17;
	v17 =	vsub.f32 v22, v42  }
0xd0: {  	v22 =	vld [tilespmem:s26+$0xFFFFFE70];
	v42 =	vsub.f32 v25, v44;
	v44 =	vsub.f32 v38, v16  }
0xd1: {  	v16 =	vld [tilespmem:s25+$0xFFFFFC30];
	[tilespmem:$0x1FDF0] =	vst v4;
	v12 =	vsub.f32 v2, v12;
	v0 =	vsub.f32 v0, v1  }
0xd2: {  	v4 =	vld [tilespmem:s25+$0xB0];
	[tilespmem:$0x1FE30] =	vst v17  }
0xd3: {  	v17 =	vld [tilespmem:s25+$0xFFFFFCB0];
	v3 =	vsub.f32 v26, v3;
	[tilespmem:$0x1FF10] =	vst v0;
	v0 =	vmul.f32 v12, v12  }
0xd4: {  	v23 =	vld [tilespmem:s25+$0xFFFFFE90]  }
0xd5: {  	v34 =	vld [tilespmem:s26+$0xFFFFFEE0];
	[tilespmem:$0x1FF20] =	vst v0;
	v0 =	vmul.f32 v3, v3  }
0xd6: {  	v1 =	vld [tilespmem:$0x1FF50]  }
0xd7: {  	v8 =	vmul.f32 v8, v8;
	[tilespmem:$0x1FF30] =	vst v0;
	v0 =	vld [tilespmem:$0x1FF40]  }
0xd8: {  	v31 =	vld [tilespmem:s25+$0xFFFFFD30]  }
0xd9: {  	v56 =	vsub.f32 v58, v59;
	v58 =	vsub.f32 v62, v63;
	[tilespmem:$0x1FE50] =	vst v8;
	v8 =	vmul.f32 v35, v35;
	v26 =	vld [tilespmem:$0x1FDD0]  }
0xda: {  	v62 =	vsub.f32 v29, v24;
	v29 =	vmul.f32 v11, v11;
	v11 =	vsub.f32 v22, v17;
	v17 =	vld [tilespmem:s26+$0xFFFFFE00]  }
0xdb: {  	[tilespmem:$0x1FE60] =	vst v8;
	v8 =	vsub.f32 v30, v27;
	v27 =	vmul.f32 v13, v13;
	v30 =	vmul.f32 v5, v5;
	v13 =	vld [tilespmem:s26+$0xFFFFFE20]  }
0xdc: {  	v5 =	vsub.f32 v34, v15;
	v15 =	vld [tilespmem:s25+$0xFFFFFC20];
	v49 =	vsub.f32 v0, v1;
	v0 =	vmul.f32 v40, v40  }
0xdd: {  	v1 =	vld [tilespmem:$0x1FF80]  }
0xde: {  	v18 =	vsub.f32 v26, v18;
	[tilespmem:$0x1FF60] =	vst v0;
	v0 =	vld [tilespmem:$0x1FF70]  }
0xdf: {  	[tilespmem:$0x1FE70] =	vst v8;
	v8 =	vld [tilespmem:s26+$0xFFFFFE80]  }
0xe0: {  	[tilespmem:$0x1FDE0] =	vst v18;
	v18 =	vld [tilespmem:$0x1FDF0]  }
0xe1: {  	s28 =	simm.s32 $0x0;
	v9 =	vld [tilespmem:s25+$0xFFFFFD20]  }
0xe2: {  	v2 =	vld [tilespmem:s28+$0x18400]  }
0xe3: {  	v51 =	vsub.f32 v0, v1;
	v0 =	vld [tilespmem:$0x1FF90]  }
0xe4: {  	v63 =	vsub.f32 v28, v21;
	v28 =	vmul.f32 v50, v50;
	v1 =	vld [tilespmem:$0x1FFA0]  }
0xe5: {  	v59 =	vmul.f32 v54, v54;
	v10 =	vmul.f32 v10, v10;
	v26 =	vld [tilespmem:s26+$0xFFFFFF00];
	v4 =	vsub.f32 v18, v4  }
0xe6: {  	v58 =	vmul.f32 v58, v58;
	v63 =	vmul.f32 v63, v63;
	v18 =	vld [tilespmem:s26+$0xFFFFFEC0]  }
0xe7: {  	v16 =	vsub.f32 v19, v16;
	[tilespmem:$0x1FE40] =	vst v10;
	v10 =	vld [tilespmem:s25+$0xFFFFFD00];
	v25 =	vmul.f32 v4, v4;
	v35 =	vmul.f32 v7, v7  }
0xe8: {  	v4 =	vsub.f32 v20, v9;
	v20 =	vld [tilespmem:s25+$0xFFFFFC10];
	v45 =	vmul.f32 v14, v14;
	v34 =	vbroadcast v2, $0xA  }
0xe9: {  	v50 =	vbroadcast v2, $0x8;
	v9 =	vbroadcast v2, $0x6;
	v53 =	vsub.f32 v0, v1;
	v0 =	vld [tilespmem:$0x1FFB0]  }
0xea: {  	v55 =	vsub.f32 v26, v55;
	v7 =	vld [tilespmem:s25+$0xFFFFFCA0];
	v19 =	vbroadcast v2, $0x3;
	v54 =	vbroadcast v2, $0x1  }
0xeb: {  	v6 =	vld [tilespmem:s26+$0xFFFFFE60];
	v41 =	vbroadcast v2, $0x2;
	[tilespmem:$0x1FFD0] =	vst v9;
	v9 =	vsub.f32 v18, v60;
	v60 =	vbroadcast v2, $0x5  }
0xec: {  	v47 =	vsub.f32 v37, v32;
	v14 =	vld [tilespmem:s25+$0xFFFFFC80];
	v18 =	vbroadcast v2, $0x4;
	v40 =	vmul.f32 v46, v46  }
0xed: {  	v12 =	vld [tilespmem:s26+$0xFFFFFE40];
	v46 =	vbroadcast v2, $0x7;
	v1 =	vsub.f32 v33, v31;
	v33 =	vmul.f32 v56, v56  }
0xee: {  	v3 =	vld [tilespmem:s26+$0xFFFFFE90];
	[tilespmem:$0x1FFF0] =	vst v19;
	v31 =	vmul.f32 v62, v62;
	v38 =	vsub.f32 v0, v23;
	v0 =	vbroadcast v2, $0xD  }
0xef: {  	v32 =	vimm.f32 $0.0e+00;
	v19 =	vld [tilespmem:s26+$0xFFFFFE10];
	[tilespmem:$0x1FFE0] =	vst v18;
	v56 =	vbroadcast v2, $0xC;
	v62 =	vbroadcast v2, $0x9  }
0xf0: {  	s28 =	simm.s32 $0x40;
	v18 =	vld [tilespmem:s25+$0xFFFFFC00];
	[tilespmem:$0x1FFC0] =	vst v0;
	v0 =	vsub.f32 v57, v61;
	v61 =	vbroadcast v2, $0xB;
	v57 =	vbroadcast v2, $0x0  }
.LBB2_2:
0xf1: {  	v21 =	vld [tilespmem:s26+$0xFFFFFE50]  }
0xf2: {  	v13 =	vsub.f32 v13, v15;
	v15 =	vld [tilespmem:s25+$0xFFFFFD10]  }
0xf3: {  	v39 =	vmul.f32 v43, v43;
	v43 =	vld [tilespmem:s25+$0xFFFFFC90]  }
0xf4: {  	v23 =	vmul.f32 v47, v47;
	v47 =	vld [tilespmem:s25+$0xFFFFFD90];
	s25 =	sadd.s32 $0x800, s25  }
0xf5: {  	v12 =	vsub.f32 v12, v14;
	v14 =	vld [tilespmem:s25+$0x3B0];
	_ =	sdelay $0x1  }
0xf6: {  	v3 =	vsub.f32 v3, v15;
	v15 =	vld [tilespmem:s25+$0x330]  }
0xf7: {  	v17 =	vsub.f32 v17, v18;
	v18 =	vld [tilespmem:s26+$0xFFFFFED0];
	v19 =	vsub.f32 v19, v20  }
0xf8: {  	v11 =	vmul.f32 v11, v11;
	v16 =	vmul.f32 v16, v16  }
0xf9: {  	[tilespmem:$0x1F9A0] =	vst v14;
	v14 =	vmul.f32 v17, v17;
	v17 =	vmul.f32 v19, v19;
	v19 =	vsub.f32 v21, v43  }
0xfa: {  	v6 =	vsub.f32 v6, v7;
	v8 =	vsub.f32 v8, v10;
	v13 =	vmul.f32 v13, v13  }
0xfb: {  	v12 =	vmul.f32 v12, v12;
	v14 =	vadd.f32 v17, v14;
	[tilespmem:$0x1F9B0] =	vst v15;
	v15 =	vmul.f32 v19, v19  }
0xfc: {  	v8 =	vmul.f32 v8, v8;
	v3 =	vmul.f32 v3, v3;
	v17 =	vsub.f32 v18, v47  }
0xfd: {  	v6 =	vmul.f32 v6, v6;
	v13 =	vadd.f32 v13, v14;
	v12 =	vadd.f32 v15, v12  }
0xfe: {  	v4 =	vmul.f32 v4, v4;
	v3 =	vadd.f32 v3, v8;
	v8 =	vmul.f32 v9, v9  }
0xff: {  	v9 =	vmul.f32 v17, v17;
	v13 =	vadd.f32 v16, v13;
	v6 =	vadd.f32 v6, v12  }
0x100: {  	v1 =	vmul.f32 v1, v1;
	v5 =	vmul.f32 v5, v5;
	v3 =	vadd.f32 v4, v3  }
0x101: {  	v8 =	vadd.f32 v9, v8;
	v12 =	vmul.f32 v13, v57;
	v6 =	vadd.f32 v11, v6  }
0x102: {  	v1 =	vadd.f32 v1, v3  }
0x103: {  	v4 =	vadd.f32 v5, v8;
	v8 =	vadd.f32 v12, v32;
	v6 =	vmul.f32 v6, v54;
	_ =	sdelay $0x1  }
0x104: {  	v1 =	vmul.f32 v1, v41;
	v6 =	vadd.f32 v6, v8  }
0x105: {  	v8 =	vld [tilespmem:$0x1FE70]  }
0x106: {  	v37 =	vmov v25;
	v25 =	vmul.f32 v49, v49;
	v1 =	vadd.f32 v1, v6;
	v6 =	vld [tilespmem:$0x1FFF0]  }
0x107: {  	v20 =	vmov v27;
	v27 =	vmul.f32 v53, v53;
	v5 =	vmul.f32 v38, v38  }
0x108: {  	v0 =	vmul.f32 v0, v0  }
0x109: {  	v9 =	vmul.f32 v55, v55;
	v3 =	vadd.f32 v5, v27;
	v5 =	vld [tilespmem:$0x1FF10];
	v4 =	vadd.f32 v25, v4  }
0x10a: {  	v22 =	vmul.f32 v42, v42;
	v8 =	vmul.f32 v8, v8  }
0x10b: {  	v26 =	vmul.f32 v51, v51;
	v0 =	vadd.f32 v0, v9;
	v4 =	vmul.f32 v4, v6  }
0x10c: {  	v7 =	vmul.f32 v52, v52;
	v3 =	vadd.f32 v23, v3;
	v6 =	vadd.f32 v8, v22;
	v8 =	vld [tilespmem:$0x1FE30]  }
0x10d: {  	v24 =	vmul.f32 v48, v48;
	v10 =	vmul.f32 v44, v44;
	v1 =	vadd.f32 v4, v1;
	v4 =	vld [tilespmem:$0x1FFE0]  }
0x10e: {  	v0 =	vadd.f32 v26, v0;
	v3 =	vadd.f32 v7, v3;
	v7 =	vld [tilespmem:$0x1FE20];
	v5 =	vmul.f32 v5, v5;
	_ =	sdelay $0x1  }
0x10f: {  	v0 =	vadd.f32 v10, v0;
	v5 =	vadd.f32 v5, v24  }
0x110: {  	v8 =	vmul.f32 v8, v8  }
0x111: {  	v5 =	vadd.f32 v39, v5;
	v0 =	vmul.f32 v0, v4  }
0x112: {  	v7 =	vmul.f32 v7, v7;
	v4 =	vadd.f32 v31, v6;
	v6 =	vadd.f32 v8, v63  }
0x113: {  	v0 =	vadd.f32 v0, v1;
	v1 =	vmul.f32 v3, v60;
	v3 =	vadd.f32 v58, v5  }
0x114: {  	v5 =	vadd.f32 v59, v6;
	v6 =	vadd.f32 v7, v33;
	v7 =	vld [tilespmem:$0x1FE10]  }
0x115: {  	v0 =	vadd.f32 v1, v0;
	v1 =	vld [tilespmem:$0x1FFD0];
	_ =	sdelay $0x3  }
0x116: {  	v7 =	vmul.f32 v7, v7  }
0x117: {  	v1 =	vmul.f32 v3, v1;
	v3 =	vadd.f32 v28, v4  }
0x118: {  	v4 =	vadd.f32 v29, v6;
	v6 =	vadd.f32 v7, v30;
	v7 =	vld [tilespmem:$0x1FE00]  }
0x119: {  	v8 =	vld [tilespmem:s25+$0x310]  }
0x11a: {  	v0 =	vadd.f32 v1, v0;
	v1 =	vmul.f32 v3, v46;
	v3 =	vadd.f32 v40, v5;
	v5 =	vld [tilespmem:$0x1FF60];
	_ =	sdelay $0x1  }
0x11b: {  	v0 =	vadd.f32 v1, v0;
	v1 =	vmul.f32 v3, v50;
	v3 =	vadd.f32 v37, v4;
	v4 =	vld [tilespmem:$0x1FF20]  }
0x11c: {  	v7 =	vmul.f32 v7, v7;
	_ =	sdelay $0x1  }
0x11d: {  	[tilespmem:$0x1F9D0] =	vst v8;
	v8 =	vadd.f32 v5, v6;
	v5 =	vadd.f32 v7, v20;
	v6 =	vld [tilespmem:$0x1FDE0];
	_ =	sdelay $0x1  }
0x11e: {  	v4 =	vadd.f32 v4, v5;
	v5 =	vld [tilespmem:$0x1FF30]  }
0x11f: {  	v0 =	vadd.f32 v1, v0;
	v1 =	vmul.f32 v3, v62;
	v3 =	vadd.f32 v36, v8;
	_ =	sdelay $0x1  }
0x120: {  	v0 =	vadd.f32 v1, v0;
	v1 =	vmul.f32 v3, v34;
	v3 =	vld [tilespmem:$0x1FEC0];
	v7 =	vmul.f32 v6, v6;
	_ =	sdelay $0x1  }
0x121: {  	v7 =	vadd.f32 v7, v5;
	v5 =	vld [tilespmem:$0x1FD80];
	_ =	sdelay $0x2  }
0x122: {  	v3 =	vadd.f32 v3, v4  }
0x123: {  	v4 =	vld [tilespmem:$0x1FEA0]  }
0x124: {  	v0 =	vadd.f32 v1, v0;
	v1 =	vmul.f32 v3, v61;
	v9 =	vmul.f32 v5, v5;
	v5 =	vld [tilespmem:$0x1FD00];
	_ =	sdelay $0x1  }
0x125: {  	v1 =	vadd.f32 v1, v0;
	v0 =	vld [tilespmem:$0x1FE50]  }
0x126: {  	v8 =	vadd.f32 v9, v45;
	_ =	sdelay $0x1  }
0x127: {  	v4 =	vadd.f32 v4, v8;
	v9 =	vmul.f32 v5, v5;
	v5 =	vld [tilespmem:$0x1FEB0]  }
0x128: {  	s26 =	sadd.s32 $0x400, s26  }
0x129: {  	v4 =	vadd.f32 v0, v4;
	v0 =	vld [tilespmem:s26+$0x100];
	_ =	sdelay $0x2  }
0x12a: {  	v8 =	vadd.f32 v9, v5;
	v5 =	vld [tilespmem:$0x1FC80];
	_ =	sdelay $0x1  }
0x12b: {  	[tilespmem:$0x1FA00] =	vst v0;
	v0 =	vld [tilespmem:$0x1FC60]  }
0x12c: {  	v3 =	vld [tilespmem:$0x1FE80];
	_ =	sdelay $0x1  }
0x12d: {  	v9 =	vmul.f32 v5, v5;
	v5 =	vld [tilespmem:s26+$0xE0]  }
0x12e: {  	v7 =	vadd.f32 v35, v7  }
0x12f: {  	v15 =	vmul.f32 v0, v0;
	v0 =	vld [tilespmem:$0x1FFC0]  }
0x130: {  	v3 =	vadd.f32 v3, v7;
	_ =	sdelay $0x1  }
0x131: {  	v3 =	vmul.f32 v3, v56;
	[tilespmem:$0x1F9E0] =	vst v5;
	v5 =	vld [tilespmem:$0x1FE60];
	_ =	sdelay $0x1  }
0x132: {  	v1 =	vadd.f32 v3, v1;
	v3 =	vmul.f32 v4, v0;
	v0 =	vld [tilespmem:$0x1FE40];
	_ =	sdelay $0x2  }
0x133: {  	v7 =	vadd.f32 v5, v8;
	_ =	sdelay $0x1  }
0x134: {  	v4 =	vadd.f32 v0, v7;
	v0 =	vld [tilespmem:s26+$0x110];
	_ =	sdelay $0x4  }
0x135: {  	[tilespmem:$0x1FA10] =	vst v0;
	v0 =	vld [tilespmem:s25+$0x210];
	_ =	sdelay $0x1  }
0x136: {  	v5 =	vld [tilespmem:$0x1FE90];
	_ =	sdelay $0x2  }
0x137: {  	[tilespmem:$0x1FA20] =	vst v0;
	v0 =	vld [tilespmem:s26+$0x70];
	_ =	sdelay $0x1  }
0x138: {  	v8 =	vadd.f32 v9, v5;
	v5 =	vld [tilespmem:$0x1FC70];
	_ =	sdelay $0x1  }
0x139: {  	v14 =	vld [tilespmem:s26+$0x170]  }
0x13a: {  	[tilespmem:$0x1FA30] =	vst v0;
	v0 =	vld [tilespmem:s25+$0xB0];
	_ =	sdelay $0x1  }
0x13b: {  	v9 =	vmul.f32 v5, v5;
	_ =	sdelay $0x1  }
0x13c: {  	[tilespmem:$0x1F9C0] =	vst v14;
	v10 =	vbroadcast v2, $0xE;
	v14 =	vadd.f32 v9, v8  }
0x13d: {  	v2 =	vbroadcast v2, $0xF;
	[tilespmem:$0x1FA40] =	vst v0;
	v0 =	vld [tilespmem:s25+$0x120]  }
0x13e: {  	v3 =	vadd.f32 v3, v1;
	v4 =	vmul.f32 v4, v10;
	v14 =	vadd.f32 v15, v14;
	_ =	sdelay $0x1  }
0x13f: {  	v3 =	vadd.f32 v4, v3;
	v2 =	vmul.f32 v14, v2;
	_ =	sdelay $0x1  }
0x140: {  	[tilespmem:$0x1FA50] =	vst v0;
	v0 =	vadd.f32 v2, v3;
	_ =	sdelay $0x1  }
0x141: {  	[tilespmem:$0x1FC40] =	vst v0;
	v0 =	vld [tilespmem:s26+$0xC0];
	_ =	sdelay $0x4  }
0x142: {  	[tilespmem:$0x1FA60] =	vst v0;
	v0 =	vld [tilespmem:s25+$0x180];
	_ =	sdelay $0x4  }
0x143: {  	[tilespmem:$0x1FA70] =	vst v0;
	v0 =	vld [tilespmem:s26+$0xD0];
	_ =	sdelay $0x4  }
0x144: {  	[tilespmem:$0x1FA80] =	vst v0;
	v0 =	vld [tilespmem:s25+$0x190];
	_ =	sdelay $0x4  }
0x145: {  	[tilespmem:$0x1FA90] =	vst v0;
	v0 =	vld [tilespmem:s26+$0x30];
	_ =	sdelay $0x4  }
0x146: {  	[tilespmem:$0x1FAA0] =	vst v0;
	v0 =	vld [tilespmem:s25+$0x30];
	_ =	sdelay $0x4  }
0x147: {  	[tilespmem:$0x1FAB0] =	vst v0;
	v0 =	vld [tilespmem:s26+$0x60];
	_ =	sdelay $0x4  }
0x148: {  	[tilespmem:$0x1FAC0] =	vst v0;
	v0 =	vld [tilespmem:s25+$0xA0];
	_ =	sdelay $0x4  }
0x149: {  	[tilespmem:$0x1FAD0] =	vst v0;
	v0 =	vld [tilespmem:s26+$0x80];
	_ =	sdelay $0x4  }
0x14a: {  	[tilespmem:$0x1FAE0] =	vst v0;
	v0 =	vld [tilespmem:s25+$0x100];
	_ =	sdelay $0x4  }
0x14b: {  	[tilespmem:$0x1FAF0] =	vst v0;
	v0 =	vld [tilespmem:s26+$0x90];
	_ =	sdelay $0x4  }
0x14c: {  	[tilespmem:$0x1FB00] =	vst v0;
	v0 =	vld [tilespmem:s25+$0x110];
	_ =	sdelay $0x4  }
0x14d: {  	[tilespmem:$0x1FB10] =	vst v0;
	v0 =	vld [tilespmem:s26+$0xFFFFFFF0];
	_ =	sdelay $0x4  }
0x14e: {  	[tilespmem:$0x1FB20] =	vst v0;
	v0 =	vld [tilespmem:s25+$0xFFFFFFB0];
	_ =	sdelay $0x4  }
0x14f: {  	[tilespmem:$0x1FB30] =	vst v0;
	v0 =	vld [tilespmem:s26+$0x20];
	_ =	sdelay $0x4  }
0x150: {  	[tilespmem:$0x1FB40] =	vst v0;
	v0 =	vld [tilespmem:s26+$0x40];
	_ =	sdelay $0x4  }
0x151: {  	[tilespmem:$0x1FB50] =	vst v0;
	v0 =	vld [tilespmem:s25+$0x80];
	_ =	sdelay $0x4  }
0x152: {  	[tilespmem:$0x1FB60] =	vst v0;
	v0 =	vld [tilespmem:s26+$0x50];
	_ =	sdelay $0x4  }
0x153: {  	[tilespmem:$0x1FB70] =	vst v0;
	v0 =	vld [tilespmem:s25+$0x90];
	_ =	sdelay $0x4  }
0x154: {  	[tilespmem:$0x1FB80] =	vst v0;
	v0 =	vld [tilespmem:s26+$0xFFFFFFB0];
	_ =	sdelay $0x4  }
0x155: {  	[tilespmem:$0x1FB90] =	vst v0;
	v0 =	vld [tilespmem:s25+$0xFFFFFF30];
	_ =	sdelay $0x4  }
0x156: {  	[tilespmem:$0x1FBA0] =	vst v0;
	v0 =	vld [tilespmem:s26+$0x0];
	_ =	sdelay $0x4  }
0x157: {  	[tilespmem:$0x1FBB0] =	vst v0;
	v0 =	vld [tilespmem:s25+$0x0];
	_ =	sdelay $0x4  }
0x158: {  	[tilespmem:$0x1FBC0] =	vst v0;
	v0 =	vld [tilespmem:s26+$0xFFFFFF70];
	_ =	sdelay $0x4  }
0x159: {  	[tilespmem:$0x1FBD0] =	vst v0;
	v0 =	vld [tilespmem:s26+$0xFFFFFFC0];
	_ =	sdelay $0x4  }
0x15a: {  	[tilespmem:$0x1FBE0] =	vst v0;
	v0 =	vld [tilespmem:s26+$0xFFFFFF90];
	_ =	sdelay $0x4  }
0x15b: {  	[tilespmem:$0x1FBF0] =	vst v0;
	v0 =	vld [tilespmem:s26+$0xFFFFFEF0];
	_ =	sdelay $0x4  }
0x15c: {  	[tilespmem:$0x1FC00] =	vst v0;
	v0 =	vld [tilespmem:s26+$0xFFFFFF20];
	_ =	sdelay $0x3  }
0x15d: {  	v52 =	vld [tilespmem:s26+$0x1F0]  }
0x15e: {  	[tilespmem:$0x1FC10] =	vst v0;
	v0 =	vld [tilespmem:s25+$0xFFFFFE20];
	_ =	sdelay $0x3  }
0x15f: {  	[tilespmem:$0x1F990] =	vst v52;
	v1 =	vld [tilespmem:$0x1F9A0]  }
0x160: {  	[tilespmem:$0x1FC20] =	vst v0;
	v0 =	vld [tilespmem:$0x1F990];
	_ =	sdelay $0x4  }
0x161: {  	v0 =	vsub.f32 v0, v1;
	_ =	sdelay $0x1  }
0x162: {  	[tilespmem:$0x1FC60] =	vst v0;
	v0 =	vld [tilespmem:s26+$0xFFFFFF40];
	_ =	sdelay $0x1  }
0x163: {  	v21 =	vld [tilespmem:s26+$0x1B0]  }
0x164: {  	v18 =	vld [tilespmem:s25+$0x3A0]  }
0x165: {  	v19 =	vld [tilespmem:s26+$0x1E0]  }
0x166: {  	[tilespmem:$0x1FC30] =	vst v0;
	v0 =	vld [tilespmem:$0x1F9B0];
	_ =	sdelay $0x3  }
0x167: {  	v17 =	vld [tilespmem:s25+$0x2B0]  }
0x168: {  	v12 =	vld [tilespmem:s26+$0x1D0];
	v7 =	vsub.f32 v21, v0;
	v0 =	vsub.f32 v19, v18  }
0x169: {  	v26 =	vld [tilespmem:s25+$0x390]  }
0x16a: {  	[tilespmem:$0x1FC70] =	vst v0;
	v0 =	vld [tilespmem:$0x1F9C0];
	_ =	sdelay $0x4  }
0x16b: {  	v32 =	vld [tilespmem:s26+$0x190];
	v8 =	vsub.f32 v0, v17;
	v0 =	vsub.f32 v12, v26  }
0x16c: {  	v46 =	vld [tilespmem:s26+$0x150]  }
0x16d: {  	[tilespmem:$0x1FC80] =	vst v0;
	v0 =	vld [tilespmem:$0x1F9D0]  }
0x16e: {  	v5 =	vld [tilespmem:s25+$0x1A0]  }
0x16f: {  	v50 =	vld [tilespmem:s25+$0x290];
	_ =	sdelay $0x1  }
0x170: {  	v13 =	vld [tilespmem:s25+$0x380]  }
0x171: {  	v11 =	vld [tilespmem:s26+$0x1C0];
	v0 =	vsub.f32 v32, v0  }
0x172: {  	v30 =	vld [tilespmem:s26+$0x120];
	[tilespmem:$0x1F9F0] =	vst v5  }
0x173: {  	v20 =	vld [tilespmem:s25+$0x220];
	[tilespmem:$0x1FD00] =	vst v0;
	v0 =	vsub.f32 v46, v50  }
0x174: {  	v4 =	vld [tilespmem:$0x1F9F0]  }
0x175: {  	[tilespmem:$0x1FD80] =	vst v0;
	v0 =	vld [tilespmem:$0x1F9E0];
	_ =	sdelay $0x1  }
0x176: {  	v24 =	vld [tilespmem:s26+$0x160]  }
0x177: {  	v22 =	vld [tilespmem:s25+$0x2A0]  }
0x178: {  	v35 =	vsub.f32 v11, v13;
	v9 =	vld [tilespmem:s25+$0x200]  }
0x179: {  	v13 =	vsub.f32 v30, v20;
	v30 =	vsub.f32 v0, v4;
	v0 =	vld [tilespmem:$0x1FA00];
	_ =	sdelay $0x3  }
0x17a: {  	v4 =	vld [tilespmem:$0x1FA20]  }
0x17b: {  	v33 =	vsub.f32 v24, v22;
	v24 =	vsub.f32 v0, v9;
	v0 =	vld [tilespmem:$0x1FA10];
	_ =	sdelay $0x3  }
0x17c: {  	v25 =	vld [tilespmem:s26+$0x130]  }
0x17d: {  	v23 =	vld [tilespmem:s25+$0x230];
	v0 =	vsub.f32 v0, v4  }
0x17e: {  	v4 =	vld [tilespmem:$0x1FA40]  }
0x17f: {  	[tilespmem:$0x1FDE0] =	vst v0;
	v0 =	vld [tilespmem:$0x1FA30];
	_ =	sdelay $0x2  }
0x180: {  	s29 =	sshra.s32 s28, $0x2;
	v14 =	vld [tilespmem:s26+$0xA0]  }
0x181: {  	v2 =	vld [tilespmem:s29+$0x18400]  }
0x182: {  	v1 =	vsub.f32 v25, v23;
	v25 =	vsub.f32 v0, v4;
	v0 =	vld [tilespmem:$0x1FA50];
	_ =	sdelay $0x3  }
0x183: {  	v28 =	vld [tilespmem:s26+$0xF0]  }
0x184: {  	v29 =	vld [tilespmem:s25+$0x1B0];
	v26 =	vsub.f32 v14, v0;
	v0 =	vbroadcast v2, $0xD  }
0x185: {  	v4 =	vld [tilespmem:$0x1FA70]  }
0x186: {  	[tilespmem:$0x1FFC0] =	vst v0;
	v0 =	vld [tilespmem:$0x1FA60];
	_ =	sdelay $0x3  }
0x187: {  	v42 =	vld [tilespmem:s25+$0xFFFFFF20]  }
0x188: {  	v15 =	vsub.f32 v28, v29;
	v28 =	vsub.f32 v0, v4;
	v0 =	vld [tilespmem:$0x1FA80]  }
0x189: {  	v4 =	vld [tilespmem:$0x1FA90]  }
0x18a: {  	v44 =	vld [tilespmem:s25+$0xFFFFFF90]  }
0x18b: {  	v48 =	vld [tilespmem:s25+$0xFFFFFF00]  }
0x18c: {  	v51 =	vld [tilespmem:s25+$0xFFFFFF10]  }
0x18d: {  	v49 =	vld [tilespmem:s25+$0xFFFFFDB0]  }
0x18e: {  	v52 =	vld [tilespmem:s25+$0xFFFFFEB0];
	v0 =	vsub.f32 v0, v4  }
0x18f: {  	v43 =	vld [tilespmem:s26+$0xFFFFFFA0]  }
0x190: {  	v47 =	vld [tilespmem:s25+$0xFFFFFE30];
	[tilespmem:$0x1FE00] =	vst v0;
	v0 =	vbroadcast v2, $0xC  }
0x191: {  	v4 =	vld [tilespmem:$0x1FAB0]  }
0x192: {  	[tilespmem:$0x1FC50] =	vst v0;
	v0 =	vld [tilespmem:$0x1FAA0]  }
0x193: {  	v16 =	vld [tilespmem:s26+$0x1A0]  }
0x194: {  	v55 =	vld [tilespmem:s25+$0x320]  }
0x195: {  	v57 =	vld [tilespmem:s26+$0xFFFFFF80]  }
0x196: {  	v38 =	vld [tilespmem:s25+$0xFFFFFE90]  }
0x197: {  	v17 =	vsub.f32 v0, v4;
	v0 =	vld [tilespmem:$0x1FAC0]  }
0x198: {  	v4 =	vld [tilespmem:$0x1FAD0]  }
0x199: {  	v41 =	vld [tilespmem:s26+$0xFFFFFF60]  }
0x19a: {  	v54 =	vld [tilespmem:s26+$0xFFFFFFD0]  }
0x19b: {  	v39 =	vld [tilespmem:s26+$0xFFFFFF30]  }
0x19c: {  	v9 =	vld [tilespmem:$0x1FAF0]  }
0x19d: {  	v23 =	vsub.f32 v0, v4;
	v4 =	vld [tilespmem:$0x1FAE0]  }
0x19e: {  	v63 =	vld [tilespmem:s26+$0xFFFFFFE0]  }
0x19f: {  	v59 =	vld [tilespmem:s25+$0xFFFFFFA0]  }
0x1a0: {  	v60 =	vld [tilespmem:s26+$0x10]  }
0x1a1: {  	v58 =	vld [tilespmem:s25+$0x10]  }
0x1a2: {  	v22 =	vsub.f32 v4, v9;
	v4 =	vld [tilespmem:$0x1FB00]  }
0x1a3: {  	v44 =	vsub.f32 v54, v44;
	v9 =	vld [tilespmem:$0x1FB10]  }
0x1a4: {  	v27 =	vld [tilespmem:s26+$0x180]  }
0x1a5: {  	[tilespmem:$0x1FE70] =	vst v44;
	v44 =	vsub.f32 v39, v47;
	v39 =	vld [tilespmem:s25+$0xFFFFFC30]  }
0x1a6: {  	v31 =	vld [tilespmem:s25+$0x300];
	v58 =	vsub.f32 v60, v58  }
0x1a7: {  	v63 =	vsub.f32 v63, v59;
	v59 =	vld [tilespmem:s25+$0xFFFFFD20]  }
0x1a8: {  	[tilespmem:$0x1FE30] =	vst v58;
	v58 =	vld [tilespmem:s25+$0xFFFFFD80];
	v4 =	vsub.f32 v4, v9  }
0x1a9: {  	v9 =	vld [tilespmem:$0x1FB30]  }
0x1aa: {  	[tilespmem:$0x1FE10] =	vst v4;
	v4 =	vld [tilespmem:$0x1FB20]  }
0x1ab: {  	v40 =	vld [tilespmem:s25+$0x280]  }
0x1ac: {  	v37 =	vld [tilespmem:s26+$0x140]  }
0x1ad: {  	v62 =	vld [tilespmem:s25+$0x130]  }
0x1ae: {  	v10 =	vsub.f32 v16, v55;
	v16 =	vld [tilespmem:$0x1FB60]  }
0x1af: {  	v19 =	vsub.f32 v4, v9;
	v9 =	vld [tilespmem:$0x1FB50]  }
0x1b0: {  	v36 =	vld [tilespmem:s26+$0xFFFFFEB0]  }
0x1b1: {  	v6 =	vld [tilespmem:s25+$0xFFFFFEA0]  }
0x1b2: {  	v34 =	vld [tilespmem:s26+$0xB0]  }
0x1b3: {  	v11 =	vld [tilespmem:s26+$0xFFFFFE70]  }
0x1b4: {  	v21 =	vsub.f32 v9, v16;
	v9 =	vld [tilespmem:$0x1FB70]  }
0x1b5: {  	v16 =	vld [tilespmem:$0x1FB80]  }
0x1b6: {  	v47 =	vsub.f32 v41, v6;
	v6 =	vld [tilespmem:s26+$0xFFFFFE60]  }
0x1b7: {  	v61 =	vld [tilespmem:s25+$0x20]  }
0x1b8: {  	v45 =	vld [tilespmem:s25+$0xFFFFFE80]  }
0x1b9: {  	v56 =	vld [tilespmem:s25+$0xFFFFFF80]  }
0x1ba: {  	v55 =	vld [tilespmem:s26+$0xFFFFFF50];
	v9 =	vsub.f32 v9, v16  }
0x1bb: {  	v20 =	vld [tilespmem:$0x1FBA0]  }
0x1bc: {  	[tilespmem:$0x1FE20] =	vst v9;
	v9 =	vld [tilespmem:$0x1FB90]  }
0x1bd: {  	v29 =	vld [tilespmem:s25+$0xFFFFFD30];
	v53 =	vbroadcast v2, $0x6  }
0x1be: {  	v3 =	vsub.f32 v27, v31;
	v27 =	vld [tilespmem:s26+$0xFFFFFF00]  }
0x1bf: {  	[tilespmem:$0x1FFD0] =	vst v53;
	v53 =	vld [tilespmem:$0x1FBC0];
	v1 =	vmul.f32 v1, v1  }
0x1c0: {  	v60 =	vld [tilespmem:$0x1FBD0]  }
0x1c1: {  	[tilespmem:$0x1FE80] =	vst v1;
	v1 =	vmul.f32 v35, v35;
	v20 =	vsub.f32 v9, v20;
	v9 =	vld [tilespmem:$0x1FBB0]  }
0x1c2: {  	v35 =	vmul.f32 v13, v13;
	v13 =	vld [tilespmem:s26+$0xFFFFFE20]  }
0x1c3: {  	[tilespmem:$0x1FE90] =	vst v1;
	v1 =	vld [tilespmem:$0x1FC30];
	v7 =	vmul.f32 v7, v7  }
0x1c4: {  	v18 =	vld [tilespmem:s26+$0xFFFFFF10]  }
0x1c5: {  	[tilespmem:$0x1FE40] =	vst v7;
	v7 =	vld [tilespmem:s25+$0xFFFFFCA0];
	v8 =	vmul.f32 v8, v8  }
0x1c6: {  	v5 =	vsub.f32 v34, v62;
	v12 =	vld [tilespmem:s25+$0xFFFFFDA0];
	v62 =	vsub.f32 v9, v53;
	v53 =	vbroadcast v2, $0x4  }
0x1c7: {  	[tilespmem:$0x1FE50] =	vst v8;
	v14 =	vld [tilespmem:s25+$0xFFFFFE00]  }
0x1c8: {  	v8 =	vmul.f32 v10, v10;
	[tilespmem:$0x1FFE0] =	vst v53;
	v53 =	vld [tilespmem:$0x1FBE0]  }
0x1c9: {  	v10 =	vld [tilespmem:$0x1FC10]  }
0x1ca: {  	[tilespmem:$0x1FE60] =	vst v8;
	v8 =	vld [tilespmem:s26+$0xFFFFFE80]  }
0x1cb: {  	v4 =	vld [tilespmem:$0x1FB40]  }
0x1cc: {  	v38 =	vsub.f32 v55, v38;
	v32 =	vld [tilespmem:s26+$0xFFFFFEE0];
	v55 =	vsub.f32 v27, v14;
	v14 =	vmul.f32 v26, v26  }
0x1cd: {  	v43 =	vsub.f32 v43, v42;
	v42 =	vsub.f32 v53, v56;
	v53 =	vld [tilespmem:$0x1FBF0]  }
0x1ce: {  	[tilespmem:$0x1FF60] =	vst v14;
	v14 =	vld [tilespmem:s25+$0xFFFFFC80]  }
0x1cf: {  	v0 =	vld [tilespmem:s25+$0xFFFFFE10]  }
0x1d0: {  	v48 =	vsub.f32 v57, v48;
	v61 =	vsub.f32 v4, v61;
	v4 =	vld [tilespmem:s25+$0xFFFFFCB0]  }
0x1d1: {  	v31 =	vsub.f32 v37, v40;
	v40 =	vbroadcast v2, $0xB;
	v54 =	vbroadcast v2, $0x3;
	v16 =	vld [tilespmem:s26+$0xFFFFFEA0]  }
0x1d2: {  	v34 =	vbroadcast v2, $0xA;
	v37 =	vbroadcast v2, $0x9;
	v9 =	vld [tilespmem:s26+$0xFFFFFEC0];
	v51 =	vsub.f32 v53, v51  }
0x1d3: {  	v41 =	vbroadcast v2, $0x2;
	[tilespmem:$0x1FFF0] =	vst v54;
	v56 =	vld [tilespmem:s26+$0xFFFFFE30];
	v53 =	vsub.f32 v1, v45;
	v1 =	vmul.f32 v33, v33  }
0x1d4: {  	v57 =	vbroadcast v2, $0x0;
	v54 =	vbroadcast v2, $0x1;
	v0 =	vsub.f32 v18, v0;
	v18 =	vld [tilespmem:s25+$0xFFFFFC00];
	[tilespmem:$0x1FF10] =	vst v51  }
0x1d5: {  	v52 =	vsub.f32 v60, v52;
	v60 =	vbroadcast v2, $0x5;
	v51 =	vld [tilespmem:$0x1FC00];
	[tilespmem:$0x1FEA0] =	vst v1;
	v1 =	vmul.f32 v3, v3  }
0x1d6: {  	v27 =	vmul.f32 v28, v28;
	v28 =	vmul.f32 v19, v19;
	v19 =	vld [tilespmem:s26+$0xFFFFFE10];
	v11 =	vsub.f32 v11, v4  }
0x1d7: {  	v9 =	vsub.f32 v9, v58;
	v58 =	vmul.f32 v20, v20;
	v20 =	vld [tilespmem:s25+$0xFFFFFC10];
	[tilespmem:$0x1FEB0] =	vst v1;
	v1 =	vmul.f32 v15, v15  }
0x1d8: {  	v50 =	vbroadcast v2, $0x8;
	v4 =	vsub.f32 v16, v59;
	v16 =	vsub.f32 v56, v39;
	v56 =	vld [tilespmem:$0x1FC50]  }
0x1d9: {  	v46 =	vbroadcast v2, $0x7;
	v3 =	vld [tilespmem:s26+$0xFFFFFE90];
	[tilespmem:$0x1FEC0] =	vst v1;
	v1 =	vsub.f32 v36, v29;
	v36 =	vmul.f32 v5, v5  }
0x1da: {  	p0 =	sne.s32 s28, $0x7C0;
	v5 =	vsub.f32 v32, v12;
	v12 =	vmul.f32 v30, v30;
	v49 =	vsub.f32 v51, v49;
	v51 =	vld [tilespmem:$0x1FC20]  }
.Ltmp0:
0x1db: {  	v25 =	vmul.f32 v25, v25;
	v59 =	vmul.f32 v61, v61;
	v15 =	vld [tilespmem:s25+$0xFFFFFC20];
	(pc) =	sbr.rel @p0 .LBB2_2-.Ltmp0, $4  }
0x1dc: {  	v45 =	vmul.f32 v31, v31;
	v32 =	vld [tilespmem:$0x1FC40];
	[tilespmem:$0x1FF20] =	vst v12;
	v12 =	vmul.f32 v24, v24  }
0x1dd: {  	v33 =	vmul.f32 v21, v21;
	v24 =	vmul.f32 v17, v17;
	v17 =	vld [tilespmem:s26+$0xFFFFFE00]  }
0x1de: {  	v61 =	vmovc v40;
	v31 =	vmul.f32 v63, v63;
	v63 =	vmul.f32 v62, v62;
	v62 =	vmov v37;
	[tilespmem:$0x1FF30] =	vst v12;
	v12 =	vld [tilespmem:s26+$0xFFFFFE40]  }
0x1df: {  	s28 =	sadd.s32 $0x40, s28;
	v29 =	vmul.f32 v23, v23;
	v30 =	vmul.f32 v22, v22;
	v40 =	vmovc v24;
	v51 =	vsub.f32 v10, v51;
	v10 =	vld [tilespmem:s25+$0xFFFFFD00]  }
0x1e0: {  	v21 =	vld [tilespmem:s26+$0xFFFFFE50]  }
0x1e1: {  	v22 =	vld [tilespmem:s25+$0xFFFFFC90]  }
0x1e2: {  	v24 =	vld [tilespmem:s26+$0xFFFFFED0];
	v26 =	vsub.f32 v19, v20;
	v6 =	vsub.f32 v6, v7;
	v16 =	vmul.f32 v16, v16  }
0x1e3: {  	v37 =	vld [tilespmem:s25+$0xFFFFFD90];
	v39 =	vsub.f32 v13, v15;
	v19 =	vmul.f32 v11, v11;
	v5 =	vmul.f32 v5, v5  }
0x1e4: {  	v23 =	vld [tilespmem:s25+$0xFFFFFD10];
	v4 =	vmul.f32 v4, v4;
	v0 =	vmul.f32 v0, v0;
	v17 =	vsub.f32 v17, v18  }
0x1e5: {  	v1 =	vmul.f32 v1, v1;
	v20 =	vmul.f32 v26, v26;
	v12 =	vsub.f32 v12, v14  }
0x1e6: {  	v6 =	vmul.f32 v6, v6;
	v7 =	vsub.f32 v8, v10;
	v17 =	vmul.f32 v17, v17  }
0x1e7: {  	v8 =	vmul.f32 v39, v39;
	v26 =	vsub.f32 v21, v22;
	v12 =	vmul.f32 v12, v12  }
0x1e8: {  	v37 =	vsub.f32 v24, v37;
	v22 =	vmul.f32 v51, v51;
	v24 =	vmul.f32 v53, v53  }
0x1e9: {  	v3 =	vsub.f32 v3, v23;
	v51 =	vmul.f32 v44, v44;
	v53 =	vmul.f32 v42, v42  }
0x1ea: {  	v10 =	vadd.f32 v20, v17;
	v7 =	vmul.f32 v7, v7;
	v17 =	vmul.f32 v9, v9  }
0x1eb: {  	v20 =	vmul.f32 v55, v55;
	v14 =	vmul.f32 v26, v26  }
0x1ec: {  	v3 =	vmul.f32 v3, v3;
	v18 =	vmul.f32 v37, v37;
	v8 =	vadd.f32 v8, v10  }
0x1ed: {  	v37 =	vmul.f32 v47, v47;
	v47 =	vld [tilespmem:$0x1FF10];
	v0 =	vadd.f32 v0, v20;
	v39 =	vadd.f32 v14, v12  }
0x1ee: {  	v26 =	vmul.f32 v38, v38;
	v10 =	vld [tilespmem:$0x1FE30];
	v3 =	vadd.f32 v3, v7;
	v7 =	vadd.f32 v18, v17  }
0x1ef: {  	v38 =	vmul.f32 v49, v49;
	v8 =	vadd.f32 v16, v8;
	v0 =	vadd.f32 v22, v0  }
0x1f0: {  	v49 =	vmul.f32 v43, v43;
	v14 =	vld [tilespmem:$0x1FE20];
	v6 =	vadd.f32 v6, v39;
	v3 =	vadd.f32 v4, v3  }
0x1f1: {  	v11 =	vld [tilespmem:$0x1FFE0];
	v21 =	vadd.f32 v5, v7;
	v39 =	vmul.f32 v48, v48;
	v8 =	vmul.f32 v8, v57  }
0x1f2: {  	v55 =	vld [tilespmem:$0x1FFF0];
	v9 =	vmul.f32 v47, v47;
	v0 =	vadd.f32 v51, v0;
	v6 =	vadd.f32 v19, v6  }
0x1f3: {  	v1 =	vadd.f32 v1, v3;
	v4 =	vadd.f32 v38, v21;
	v7 =	vmul.f32 v10, v10;
	v19 =	vld [tilespmem:$0x1FE10]  }
0x1f4: {  	v23 =	vadd.f32 v8, v32;
	v32 =	vadd.f32 v26, v24;
	v6 =	vmul.f32 v6, v54;
	v54 =	vld [tilespmem:$0x1FE70]  }
0x1f5: {  	v44 =	vld [tilespmem:$0x1FEC0];
	v48 =	vadd.f32 v9, v39;
	v13 =	vadd.f32 v7, v63;
	v7 =	vmul.f32 v14, v14  }
0x1f6: {  	v24 =	vld [tilespmem:$0x1FE00];
	v1 =	vmul.f32 v1, v41;
	v3 =	vadd.f32 v37, v32;
	v6 =	vadd.f32 v6, v23  }
0x1f7: {  	v20 =	vld [tilespmem:$0x1FFD0];
	v57 =	vmul.f32 v52, v52;
	v5 =	vadd.f32 v49, v48;
	v18 =	vadd.f32 v7, v33  }
0x1f8: {  	v4 =	vmul.f32 v4, v55;
	v37 =	vld [tilespmem:$0x1FDE0];
	v17 =	vadd.f32 v59, v13;
	v1 =	vadd.f32 v1, v6  }
0x1f9: {  	v7 =	vmul.f32 v19, v19;
	v22 =	vadd.f32 v29, v18;
	v29 =	vld [tilespmem:$0x1FF60];
	v9 =	vmul.f32 v54, v54  }
0x1fa: {  	v38 =	vld [tilespmem:$0x1FD80];
	v0 =	vmul.f32 v0, v11;
	v3 =	vadd.f32 v57, v3;
	v1 =	vadd.f32 v4, v1  }
0x1fb: {  	v41 =	vld [tilespmem:$0x1FF30];
	v23 =	vadd.f32 v7, v30;
	v7 =	vmul.f32 v24, v24;
	v6 =	vadd.f32 v9, v53  }
0x1fc: {  	v33 =	vld [tilespmem:$0x1FF20];
	v16 =	vadd.f32 v58, v5;
	v15 =	vmul.f32 v3, v60;
	v0 =	vadd.f32 v0, v1  }
0x1fd: {  	v47 =	vld [tilespmem:$0x1FD00];
	v30 =	vadd.f32 v7, v27;
	v12 =	vadd.f32 v31, v6  }
0x1fe: {  	v51 =	vld [tilespmem:$0x1FE80];
	v5 =	vadd.f32 v29, v23;
	v6 =	vmul.f32 v37, v37;
	v0 =	vadd.f32 v15, v0  }
0x1ff: {  	v52 =	vld [tilespmem:$0x1FE90];
	v1 =	vmul.f32 v16, v20;
	v21 =	vadd.f32 v28, v12;
	v28 =	vadd.f32 v40, v17  }
0x200: {  	v55 =	vld [tilespmem:$0x1FC70];
	v7 =	vmul.f32 v38, v38;
	v40 =	vadd.f32 v36, v5;
	v5 =	vadd.f32 v6, v41  }
0x201: {  	v49 =	vld [tilespmem:$0x1FC80];
	v4 =	vadd.f32 v33, v30;
	v0 =	vadd.f32 v1, v0;
	v26 =	vmul.f32 v21, v46  }
0x202: {  	v57 =	vld [tilespmem:$0x1FFC0];
	v42 =	vadd.f32 v7, v45;
	v45 =	vadd.f32 v35, v5  }
0x203: {  	v32 =	vadd.f32 v25, v22;
	v31 =	vmul.f32 v28, v50;
	v46 =	vld [tilespmem:$0x1FEA0];
	v0 =	vadd.f32 v26, v0  }
0x204: {  	v3 =	vadd.f32 v44, v4;
	v50 =	vld [tilespmem:$0x1FEB0];
	v4 =	vadd.f32 v51, v45  }
0x205: {  	v54 =	vld [tilespmem:$0x1FE50];
	v39 =	vmul.f32 v32, v62;
	v0 =	vadd.f32 v31, v0  }
0x206: {  	v53 =	vmul.f32 v4, v56;
	v56 =	vld [tilespmem:$0x1FE60]  }
0x207: {  	v58 =	vld [tilespmem:$0x1FE40];
	v6 =	vmul.f32 v47, v47;
	v43 =	vmul.f32 v40, v34;
	v0 =	vadd.f32 v39, v0  }
0x208: {  	v60 =	vld [tilespmem:$0x1FC60];
	v48 =	vmul.f32 v3, v61;
	v3 =	vmul.f32 v49, v49;
	v5 =	vadd.f32 v46, v42  }
0x209: {  	v6 =	vadd.f32 v6, v50;
	v0 =	vadd.f32 v43, v0  }
0x20a: {  	v3 =	vadd.f32 v3, v52;
	v4 =	vadd.f32 v54, v5;
	v5 =	vmul.f32 v55, v55  }
0x20b: {  	v6 =	vadd.f32 v56, v6;
	v0 =	vadd.f32 v48, v0  }
0x20c: {  	v59 =	vbroadcast v2, $0xE;
	v3 =	vadd.f32 v5, v3;
	v1 =	vmul.f32 v4, v57  }
0x20d: {  	v4 =	vadd.f32 v58, v6;
	v6 =	vmul.f32 v60, v60;
	v0 =	vadd.f32 v53, v0  }
0x20e: {  	v62 =	vbroadcast v2, $0xF  }
0x20f: {  	v61 =	vmul.f32 v4, v59;
	v3 =	vadd.f32 v6, v3;
	v0 =	vadd.f32 v1, v0;
	_ =	sdelay $0x1  }
0x210: {  	v63 =	vmul.f32 v3, v62;
	v0 =	vadd.f32 v61, v0;
	_ =	sdelay $0x1  }
0x211: {  	s24 =	sadd.s32 $0x1, s24;
	v0 =	vadd.f32 v63, v0  }
0x212: {  	p0 =	sne.s32 s24, s8  }
.Ltmp1:
0x213: {  	[tilespmem:$0x18600] =	vst v0;
	(pc) =	sbr.rel @p0 .LBB2_1-.Ltmp1, $4  }
0x214: {  	[hbm4b:s7+s2] =	stream.linear.scatter [tilespmem:s23], [sflag:$0x3], $0x80, $0x38;
	[tilespmem:$0x18680] =	vst v63  }
0x215: {  	_ =	swait.ge [sflag:s9], $0x80  }
0x216: {  	[sflag:s9] =	ssyncset.done $0x0  }
0x217: {  	[sflag:s9] =	ssyncadd.s32 $0xFFFFFF80  }
0x218: {  	_ =	sfence.sel $0x180000  }
0x219: {  	[bflag:$0x0] =	sbarrier.arrive $0xFFFF  }
0x21a: {  	p0 =	sne.s32 s0, $0x0;
	_ =	strace $0x9000004A  }
0x21b: {  	s0 =	sadd.s32 @!p0 $0x100000, s1;
	[bflag:$0x2] =	sbarrier.arrive $0xFFFF  }
0x21c: {  	[sflag:s0] =	ssyncadd.tile.s32 @!p0 $0x1;
	_ =	shalt  }
.Lfunc_end2:
_tile_overlayer_lowered:
.L_overlay_start_2:
0x21d: {  	(tag) =	ssettag $0x2  }
0x21e: {  	s0 =	rddreg [dreg:$0x0];
	s2 =	stileid.u32  }
0x21f: {  	s1 =	rddreg [dreg:$0x1];
	p0 =	sne.s32 s2, $0x0  }
0x220: {  	s3 =	rddreg [dreg:$0x2];
	[bflag:$0x3] =	sbarrier.arrive $0xFFFF;
	s2 =	simm.s32 @!p0 $0x1C03  }
0x221: {  	[timem:s3], [sflag:s2] =	dma.local @!p0 [hbm:s0], s1  }
0x222: {  	s0 =	simm.s32 @!p0 $0x3  }
0x223: {  	_ =	swait.ge @!p0 [sflag:s0], s1  }
0x224: {  	s1 =	ssub.s32 @!p0 $0x0, s1;
	[sflag:s0] =	ssyncset.done @!p0 $0x0  }
0x225: {  	[sflag:s0] =	ssyncadd.s32 @!p0 s1  }
0x226: {  	[bflag:$0x3] =	sbarrier.arrive $0xFFFF  }
0x227: {  	_ =	shalt  }

</sc_bundles>
